<compile_context>
chip_gen: v7x
topology: tpu7x:2x2x1
jax: 0.10.2.dev20260603
libtpu: 0.0.44.dev20260713+nightly
codegen_flags: <defaults>
</compile_context>

<pallas_src>
import jax
import jax.numpy as jnp
from jax import lax
from jax.experimental import pallas as pl
from jax.experimental.pallas import tpu as pltpu
from jax.experimental.pallas import tpu_sc as plsc

_B = 4096
_T = 512
_F = 256
_C = 8
_D = 8

_NC = 2
_NS = 16
_NW = _NC * _NS
_TPW = _T // _NW
_SB = 64
_NCHUNK = _B // _SB
_LPW = _TPW * (2 ** _D)
_UNROLL = 16


def _traverse_group(x_v, rn, rb, tl, c128s, n_vs, b_vs, leaf_v,
                    out_v, s_scalars):
    i32 = jnp.int32
    xbases = [jnp.full((16,), ((s >> 3) << 11) + ((s & 7) << 7), i32)
              for s in s_scalars]
    vs = [plsc.load_gather(x_v, [xb + rn]) for xb in xbases]
    idxs = [2 * tl + (v >= rb).astype(i32) for v in vs]
    for l in range(1, _D):
        nds = [plsc.load_gather(n_vs[l - 1], [idx]) for idx in idxs]
        bss = [plsc.load_gather(b_vs[l - 1], [idx]) for idx in idxs]
        vs = [plsc.load_gather(x_v, [xb + nd]) for xb, nd in zip(xbases, nds)]
        idxs = [2 * idx + (v >= bs).astype(i32)
                for idx, v, bs in zip(idxs, vs, bss)]
    lbases = [((idx >> 7) << 10) | (idx & 127) for idx in idxs]
    for c in range(_C):
        for lb, s in zip(lbases, s_scalars):
            vals = plsc.load_gather(leaf_v, [lb + c128s[c]])
            out_v[s, c, :] = vals


def _sc_kernel(x_hbm, root_n_hbm, root_b_hbm, leaf_hbm, *rest):
    n_hbms = rest[0:_D - 1]
    b_hbms = rest[_D - 1:2 * (_D - 1)]
    out_hbm = rest[2 * (_D - 1)]

    (x_v, root_n_v, root_b_v, leaf_v, n_vs, b_vs, out_v,
     in_sem, out_sem) = rest[2 * (_D - 1) + 1:2 * (_D - 1) + 10]

    wid = lax.axis_index("s") * _NC + lax.axis_index("c")
    t0 = wid * _TPW

    pltpu.sync_copy(root_n_hbm.at[pl.ds(t0, _TPW)], root_n_v)
    pltpu.sync_copy(root_b_hbm.at[pl.ds(t0, _TPW)], root_b_v)
    for l in range(1, _D):
        n = _TPW * (2 ** l)
        pltpu.sync_copy(n_hbms[l - 1].at[pl.ds(wid * n, n)], n_vs[l - 1])
        pltpu.sync_copy(b_hbms[l - 1].at[pl.ds(wid * n, n)], b_vs[l - 1])
    pltpu.sync_copy(leaf_hbm.at[pl.ds(wid * _LPW * _C, _LPW * _C)], leaf_v)

    def x_in(chunk, sbuf):
        return pltpu.make_async_copy(
            x_hbm.at[pl.ds(chunk * _SB * _F, _SB * _F)],
            x_v.at[pl.ds(sbuf * _SB * _F, _SB * _F)], in_sem)

    jtile = wid // 8
    toff = (wid % 8) * _TPW

    def y_out(chunk, sbuf):
        return pltpu.make_async_copy(
            out_v.at[pl.ds(sbuf * _SB, _SB)],
            out_hbm.at[pl.ds(chunk * _SB, _SB), jtile, slice(None),
                       pl.ds(toff, _TPW)],
            out_sem)

    x_in(0, 0).start()

    i32 = jnp.int32
    tl = lax.iota(i32, 16)
    c128s = [jnp.full((16,), c * 128, i32) for c in range(_C)]
    rn = root_n_v[...]
    rb = root_b_v[...]

    def chunk_body(chunk, carry):
        sbuf = lax.rem(chunk, 2)
        @pl.when(chunk + 1 < _NCHUNK)
        def _():
            x_in(chunk + 1, 1 - sbuf).start()
        x_in(chunk, sbuf).wait()
        @pl.when(chunk >= 2)
        def _():
            y_out(chunk - 2, sbuf).wait()

        base = sbuf * _SB

        def sample_body(g, c2):
            s0 = base + g * _UNROLL
            _traverse_group(x_v, rn, rb, tl, c128s, n_vs, b_vs,
                            leaf_v, out_v, [s0 + k for k in range(_UNROLL)])
            return c2
        lax.fori_loop(0, _SB // _UNROLL, sample_body, 0)
        y_out(chunk, sbuf).start()
        return carry

    lax.fori_loop(0, _NCHUNK, chunk_body, 0)
    y_out(_NCHUNK - 2, 0).wait()
    y_out(_NCHUNK - 1, 1).wait()


def kernel(x, root_nodes, root_biases, tree_indices, leaf_nodes, nodes, biases):
    del tree_indices
    scratch = [
        pltpu.VMEM((2 * _SB * _F,), jnp.float32),
        pltpu.VMEM((_TPW,), jnp.int32),
        pltpu.VMEM((_TPW,), jnp.float32),
        pltpu.VMEM((_LPW * _C,), jnp.float32),
        [pltpu.VMEM((_TPW * (2 ** l),), jnp.int32) for l in range(1, _D)],
        [pltpu.VMEM((_TPW * (2 ** l),), jnp.float32) for l in range(1, _D)],
        pltpu.VMEM((2 * _SB, _C, _TPW), jnp.float32),
        pltpu.SemaphoreType.DMA,
        pltpu.SemaphoreType.DMA,
    ]
    mesh = plsc.VectorSubcoreMesh(core_axis_name="c", subcore_axis_name="s")
    run = pl.kernel(
        _sc_kernel,
        out_type=jax.ShapeDtypeStruct((_B, _T // 128, _C, 128), jnp.float32),
        mesh=mesh,
        scratch_types=scratch,
        compiler_params=pltpu.CompilerParams(
            use_tc_tiling_on_sc=False, needs_layout_passes=False),
    )
    def _fsw(f):
        return ((f & 128) << 3) | (f & 127)

    x_sw = x.reshape(_B // 8, 8, _F // 128, 128).transpose(0, 2, 1, 3)
    x_sw = x_sw.reshape(-1)
    leaf_sw = leaf_nodes.reshape(_T * (2 ** _D) // 128, 128, _C)
    leaf_sw = leaf_sw.transpose(0, 2, 1).reshape(-1)
    out4 = run(x_sw, _fsw(root_nodes), root_biases, leaf_sw,
               *[_fsw(n) for n in nodes], *biases)
    return out4.transpose(0, 1, 3, 2).reshape(_B, _T, _C)

# --- scband reference (transcript-rebuilt; emitter-appended) ---
"""Pipeline reference for scband-beam-pptree-ensemble-28200755265905 (READ-ONLY COPY).

The authoritative reference and input builder live on the scoring server;
editing this copy changes nothing except your own understanding.
"""

import jax, jax.numpy as jnp
import numpy as np

B = 4096   # batch
T = 512    # num_trees
F = 256    # n_features
C = 8      # n_classes
D = 8      # max_tree_depth


def setup_inputs(seed: int = 0) -> dict:
    key = jax.random.key(seed)
    ks = jax.random.split(key, 32)
    x = jax.random.normal(ks[0], (B, F), dtype=jnp.float32)
    # root level (level 0): one node per tree
    root_nodes = jax.random.randint(ks[1], (T,), 0, F, dtype=jnp.int32)
    root_biases = jax.random.normal(ks[2], (T,), dtype=jnp.float32)
    tree_indices = jnp.arange(0, 2 * T, 2, dtype=jnp.int32)
    # internal levels 1..D-1: level i has 2**i nodes per tree, flattened tree-major
    nodes = []
    biases = []
    for i in range(1, D):
        nodes.append(jax.random.randint(ks[2 + 2 * i], (T * (2 ** i),), 0, F, dtype=jnp.int32))
        biases.append(jax.random.normal(ks[3 + 2 * i], (T * (2 ** i),), dtype=jnp.float32))
    # leaf table: 2**D leaves per tree, flattened to [T * 2**D, C]
    leaf_nodes = jax.random.normal(ks[31], (T * (2 ** D), C), dtype=jnp.float32)
    return {
        "x": x,
        "root_nodes": root_nodes,
        "root_biases": root_biases,
        "tree_indices": tree_indices,
        "leaf_nodes": leaf_nodes,
        "nodes": tuple(nodes),
        "biases": tuple(biases),
    }


def reference(x, root_nodes, root_biases, tree_indices, leaf_nodes, nodes, biases):
    num_trees = root_nodes.shape[0]
    n_classes = leaf_nodes.shape[1]
    # root comparison: gather root feature per tree, compare to root bias
    prev_indices = (jnp.take(x, root_nodes, axis=1) >= root_biases[None, :]).astype(jnp.int32)
    prev_indices = prev_indices + tree_indices[None, :]
    prev_indices = prev_indices.reshape(-1)
    # descend the remaining levels
    for nd, bs in zip(nodes, biases):
        gather_indices = jnp.take(nd, prev_indices, axis=0).reshape(-1, num_trees)
        features = jnp.take_along_axis(x, gather_indices, axis=1).reshape(-1)
        prev_indices = 2 * prev_indices + (features >= jnp.take(bs, prev_indices, axis=0)).astype(jnp.int32)
    output = jnp.take(leaf_nodes, prev_indices, axis=0).reshape(-1, num_trees, n_classes)
    return output

if __name__ == "__main__":
    import jax
    _d = setup_inputs()
    print(jax.jit(kernel)(*tuple(_d.values())))

</pallas_src>

<mosaic_0001>
#map = affine_map<(d0, d1) -> (0)>
#map1 = affine_map<(d0, d1) -> (0, 0, 0, 0)>
module attributes {stable_mosaic.version = 14 : i64} {
  func.func @_sc_kernel(%arg0: i32, %arg1: i32, %arg2: memref<1048576xf32, #tpu.memory_space<hbm>>, %arg3: memref<512xi32, #tpu.memory_space<hbm>>, %arg4: memref<512xf32, #tpu.memory_space<hbm>>, %arg5: memref<1048576xf32, #tpu.memory_space<hbm>>, %arg6: memref<1024xi32, #tpu.memory_space<hbm>>, %arg7: memref<2048xi32, #tpu.memory_space<hbm>>, %arg8: memref<4096xi32, #tpu.memory_space<hbm>>, %arg9: memref<8192xi32, #tpu.memory_space<hbm>>, %arg10: memref<16384xi32, #tpu.memory_space<hbm>>, %arg11: memref<32768xi32, #tpu.memory_space<hbm>>, %arg12: memref<65536xi32, #tpu.memory_space<hbm>>, %arg13: memref<1024xf32, #tpu.memory_space<hbm>>, %arg14: memref<2048xf32, #tpu.memory_space<hbm>>, %arg15: memref<4096xf32, #tpu.memory_space<hbm>>, %arg16: memref<8192xf32, #tpu.memory_space<hbm>>, %arg17: memref<16384xf32, #tpu.memory_space<hbm>>, %arg18: memref<32768xf32, #tpu.memory_space<hbm>>, %arg19: memref<65536xf32, #tpu.memory_space<hbm>>, %arg20: memref<4096x4x8x128xf32, #tpu.memory_space<hbm>>, %arg21: memref<32768xf32, #tpu.memory_space<vmem>>, %arg22: memref<16xi32, #tpu.memory_space<vmem>>, %arg23: memref<16xf32, #tpu.memory_space<vmem>>, %arg24: memref<32768xf32, #tpu.memory_space<vmem>>, %arg25: memref<32xi32, #tpu.memory_space<vmem>>, %arg26: memref<64xi32, #tpu.memory_space<vmem>>, %arg27: memref<128xi32, #tpu.memory_space<vmem>>, %arg28: memref<256xi32, #tpu.memory_space<vmem>>, %arg29: memref<512xi32, #tpu.memory_space<vmem>>, %arg30: memref<1024xi32, #tpu.memory_space<vmem>>, %arg31: memref<2048xi32, #tpu.memory_space<vmem>>, %arg32: memref<32xf32, #tpu.memory_space<vmem>>, %arg33: memref<64xf32, #tpu.memory_space<vmem>>, %arg34: memref<128xf32, #tpu.memory_space<vmem>>, %arg35: memref<256xf32, #tpu.memory_space<vmem>>, %arg36: memref<512xf32, #tpu.memory_space<vmem>>, %arg37: memref<1024xf32, #tpu.memory_space<vmem>>, %arg38: memref<2048xf32, #tpu.memory_space<vmem>>, %arg39: memref<128x8x16xf32, #tpu.memory_space<vmem>>, %arg40: memref<!tpu.dma_semaphore, #tpu.memory_space<semaphore_mem>>, %arg41: memref<!tpu.dma_semaphore, #tpu.memory_space<semaphore_mem>>) attributes {dimension_semantics = [#tpu.dimension_semantics<core_parallel>, #tpu.dimension_semantics<subcore_parallel>], iteration_bounds = array<i64: 2, 16>, scalar_prefetch = 0 : i64, scratch_operands = 21 : i64, tpu.core_type = #tpu.core_type<sc_vector_subcore>, window_params = [{transform_indices = #map}, {transform_indices = #map}, {transform_indices = #map}, {transform_indices = #map}, {transform_indices = #map}, {transform_indices = #map}, {transform_indices = #map}, {transform_indices = #map}, {transform_indices = #map}, {transform_indices = #map}, {transform_indices = #map}, {transform_indices = #map}, {transform_indices = #map}, {transform_indices = #map}, {transform_indices = #map}, {transform_indices = #map}, {transform_indices = #map}, {transform_indices = #map}, {transform_indices = #map1}]} {
    %mul3A = arith.constant 2 : i32
    %mul3A_0 = arith.muli %arg1, %mul3A : i32
    %add3A = arith.addi %mul3A_0, %arg0 : i32
    %mul3A_1 = arith.constant 16 : i32
    %mul3A_2 = arith.muli %add3A, %mul3A_1 : i32
    "tpu.region"() ({
      %run_scoped3A = tpu.sem_alloc : memref<!tpu.dma_semaphore, #tpu.memory_space<semaphore_mem>>
      %dma_start3A_128 = tpu.memref_slice %arg3[%mul3A_2] : memref<512xi32, #tpu.memory_space<hbm>> -> memref<16xi32, #tpu.memory_space<hbm>>
      %dma_start3A_129 = tpu.memref_slice %arg3[%mul3A_2] : memref<512xi32, #tpu.memory_space<hbm>> -> memref<16xi32, #tpu.memory_space<hbm>>
      tpu.enqueue_dma source(%dma_start3A_129 : memref<16xi32, #tpu.memory_space<hbm>>) target(%arg22 : memref<16xi32, #tpu.memory_space<vmem>>) target_semaphore(%run_scoped3A : memref<!tpu.dma_semaphore, #tpu.memory_space<semaphore_mem>>)
      %dma_wait3A_130 = tpu.memref_slice %arg3[%mul3A_2] : memref<512xi32, #tpu.memory_space<hbm>> -> memref<16xi32, #tpu.memory_space<hbm>>
      %dma_wait3A_131 = tpu.memref_slice %arg3[%mul3A_2] : memref<512xi32, #tpu.memory_space<hbm>> -> memref<16xi32, #tpu.memory_space<hbm>>
      tpu.wait_dma2 semaphore(%run_scoped3A : memref<!tpu.dma_semaphore, #tpu.memory_space<semaphore_mem>>) src(%dma_wait3A_131 : memref<16xi32, #tpu.memory_space<hbm>>) dst(%arg22 : memref<16xi32, #tpu.memory_space<vmem>>)
      tpu.yield
    }) : () -> ()
    "tpu.region"() ({
      %run_scoped3A = tpu.sem_alloc : memref<!tpu.dma_semaphore, #tpu.memory_space<semaphore_mem>>
      %dma_start3A_128 = tpu.memref_slice %arg4[%mul3A_2] : memref<512xf32, #tpu.memory_space<hbm>> -> memref<16xf32, #tpu.memory_space<hbm>>
      %dma_start3A_129 = tpu.memref_slice %arg4[%mul3A_2] : memref<512xf32, #tpu.memory_space<hbm>> -> memref<16xf32, #tpu.memory_space<hbm>>
      tpu.enqueue_dma source(%dma_start3A_129 : memref<16xf32, #tpu.memory_space<hbm>>) target(%arg23 : memref<16xf32, #tpu.memory_space<vmem>>) target_semaphore(%run_scoped3A : memref<!tpu.dma_semaphore, #tpu.memory_space<semaphore_mem>>)
      %dma_wait3A_130 = tpu.memref_slice %arg4[%mul3A_2] : memref<512xf32, #tpu.memory_space<hbm>> -> memref<16xf32, #tpu.memory_space<hbm>>
      %dma_wait3A_131 = tpu.memref_slice %arg4[%mul3A_2] : memref<512xf32, #tpu.memory_space<hbm>> -> memref<16xf32, #tpu.memory_space<hbm>>
      tpu.wait_dma2 semaphore(%run_scoped3A : memref<!tpu.dma_semaphore, #tpu.memory_space<semaphore_mem>>) src(%dma_wait3A_131 : memref<16xf32, #tpu.memory_space<hbm>>) dst(%arg23 : memref<16xf32, #tpu.memory_space<vmem>>)
      tpu.yield
    }) : () -> ()
    %mul3A_3 = arith.constant 32 : i32
    %mul3A_4 = arith.muli %add3A, %mul3A_3 : i32
    "tpu.region"() ({
      %run_scoped3A = tpu.sem_alloc : memref<!tpu.dma_semaphore, #tpu.memory_space<semaphore_mem>>
      %dma_start3A_128 = tpu.memref_slice %arg6[%mul3A_4] : memref<1024xi32, #tpu.memory_space<hbm>> -> memref<32xi32, #tpu.memory_space<hbm>>
      %dma_start3A_129 = tpu.memref_slice %arg6[%mul3A_4] : memref<1024xi32, #tpu.memory_space<hbm>> -> memref<32xi32, #tpu.memory_space<hbm>>
      tpu.enqueue_dma source(%dma_start3A_129 : memref<32xi32, #tpu.memory_space<hbm>>) target(%arg25 : memref<32xi32, #tpu.memory_space<vmem>>) target_semaphore(%run_scoped3A : memref<!tpu.dma_semaphore, #tpu.memory_space<semaphore_mem>>)
      %dma_wait3A_130 = tpu.memref_slice %arg6[%mul3A_4] : memref<1024xi32, #tpu.memory_space<hbm>> -> memref<32xi32, #tpu.memory_space<hbm>>
      %dma_wait3A_131 = tpu.memref_slice %arg6[%mul3A_4] : memref<1024xi32, #tpu.memory_space<hbm>> -> memref<32xi32, #tpu.memory_space<hbm>>
      tpu.wait_dma2 semaphore(%run_scoped3A : memref<!tpu.dma_semaphore, #tpu.memory_space<semaphore_mem>>) src(%dma_wait3A_131 : memref<32xi32, #tpu.memory_space<hbm>>) dst(%arg25 : memref<32xi32, #tpu.memory_space<vmem>>)
      tpu.yield
    }) : () -> ()
    %mul3A_5 = arith.constant 32 : i32
    %mul3A_6 = arith.muli %add3A, %mul3A_5 : i32
    "tpu.region"() ({
      %run_scoped3A = tpu.sem_alloc : memref<!tpu.dma_semaphore, #tpu.memory_space<semaphore_mem>>
      %dma_start3A_128 = tpu.memref_slice %arg13[%mul3A_6] : memref<1024xf32, #tpu.memory_space<hbm>> -> memref<32xf32, #tpu.memory_space<hbm>>
      %dma_start3A_129 = tpu.memref_slice %arg13[%mul3A_6] : memref<1024xf32, #tpu.memory_space<hbm>> -> memref<32xf32, #tpu.memory_space<hbm>>
      tpu.enqueue_dma source(%dma_start3A_129 : memref<32xf32, #tpu.memory_space<hbm>>) target(%arg32 : memref<32xf32, #tpu.memory_space<vmem>>) target_semaphore(%run_scoped3A : memref<!tpu.dma_semaphore, #tpu.memory_space<semaphore_mem>>)
      %dma_wait3A_130 = tpu.memref_slice %arg13[%mul3A_6] : memref<1024xf32, #tpu.memory_space<hbm>> -> memref<32xf32, #tpu.memory_space<hbm>>
      %dma_wait3A_131 = tpu.memref_slice %arg13[%mul3A_6] : memref<1024xf32, #tpu.memory_space<hbm>> -> memref<32xf32, #tpu.memory_space<hbm>>
      tpu.wait_dma2 semaphore(%run_scoped3A : memref<!tpu.dma_semaphore, #tpu.memory_space<semaphore_mem>>) src(%dma_wait3A_131 : memref<32xf32, #tpu.memory_space<hbm>>) dst(%arg32 : memref<32xf32, #tpu.memory_space<vmem>>)
      tpu.yield
    }) : () -> ()
    %mul3A_7 = arith.constant 64 : i32
    %mul3A_8 = arith.muli %add3A, %mul3A_7 : i32
    "tpu.region"() ({
      %run_scoped3A = tpu.sem_alloc : memref<!tpu.dma_semaphore, #tpu.memory_space<semaphore_mem>>
      %dma_start3A_128 = tpu.memref_slice %arg7[%mul3A_8] : memref<2048xi32, #tpu.memory_space<hbm>> -> memref<64xi32, #tpu.memory_space<hbm>>
      %dma_start3A_129 = tpu.memref_slice %arg7[%mul3A_8] : memref<2048xi32, #tpu.memory_space<hbm>> -> memref<64xi32, #tpu.memory_space<hbm>>
      tpu.enqueue_dma source(%dma_start3A_129 : memref<64xi32, #tpu.memory_space<hbm>>) target(%arg26 : memref<64xi32, #tpu.memory_space<vmem>>) target_semaphore(%run_scoped3A : memref<!tpu.dma_semaphore, #tpu.memory_space<semaphore_mem>>)
      %dma_wait3A_130 = tpu.memref_slice %arg7[%mul3A_8] : memref<2048xi32, #tpu.memory_space<hbm>> -> memref<64xi32, #tpu.memory_space<hbm>>
      %dma_wait3A_131 = tpu.memref_slice %arg7[%mul3A_8] : memref<2048xi32, #tpu.memory_space<hbm>> -> memref<64xi32, #tpu.memory_space<hbm>>
      tpu.wait_dma2 semaphore(%run_scoped3A : memref<!tpu.dma_semaphore, #tpu.memory_space<semaphore_mem>>) src(%dma_wait3A_131 : memref<64xi32, #tpu.memory_space<hbm>>) dst(%arg26 : memref<64xi32, #tpu.memory_space<vmem>>)
      tpu.yield
    }) : () -> ()
    %mul3A_9 = arith.constant 64 : i32
    %mul3A_10 = arith.muli %add3A, %mul3A_9 : i32
    "tpu.region"() ({
      %run_scoped3A = tpu.sem_alloc : memref<!tpu.dma_semaphore, #tpu.memory_space<semaphore_mem>>
      %dma_start3A_128 = tpu.memref_slice %arg14[%mul3A_10] : memref<2048xf32, #tpu.memory_space<hbm>> -> memref<64xf32, #tpu.memory_space<hbm>>
      %dma_start3A_129 = tpu.memref_slice %arg14[%mul3A_10] : memref<2048xf32, #tpu.memory_space<hbm>> -> memref<64xf32, #tpu.memory_space<hbm>>
      tpu.enqueue_dma source(%dma_start3A_129 : memref<64xf32, #tpu.memory_space<hbm>>) target(%arg33 : memref<64xf32, #tpu.memory_space<vmem>>) target_semaphore(%run_scoped3A : memref<!tpu.dma_semaphore, #tpu.memory_space<semaphore_mem>>)
      %dma_wait3A_130 = tpu.memref_slice %arg14[%mul3A_10] : memref<2048xf32, #tpu.memory_space<hbm>> -> memref<64xf32, #tpu.memory_space<hbm>>
      %dma_wait3A_131 = tpu.memref_slice %arg14[%mul3A_10] : memref<2048xf32, #tpu.memory_space<hbm>> -> memref<64xf32, #tpu.memory_space<hbm>>
      tpu.wait_dma2 semaphore(%run_scoped3A : memref<!tpu.dma_semaphore, #tpu.memory_space<semaphore_mem>>) src(%dma_wait3A_131 : memref<64xf32, #tpu.memory_space<hbm>>) dst(%arg33 : memref<64xf32, #tpu.memory_space<vmem>>)
      tpu.yield
    }) : () -> ()
    %mul3A_11 = arith.constant 128 : i32
    %mul3A_12 = arith.muli %add3A, %mul3A_11 : i32
    "tpu.region"() ({
      %run_scoped3A = tpu.sem_alloc : memref<!tpu.dma_semaphore, #tpu.memory_space<semaphore_mem>>
      %dma_start3A_128 = tpu.memref_slice %arg8[%mul3A_12] : memref<4096xi32, #tpu.memory_space<hbm>> -> memref<128xi32, #tpu.memory_space<hbm>>
      %dma_start3A_129 = tpu.memref_slice %arg8[%mul3A_12] : memref<4096xi32, #tpu.memory_space<hbm>> -> memref<128xi32, #tpu.memory_space<hbm>>
      tpu.enqueue_dma source(%dma_start3A_129 : memref<128xi32, #tpu.memory_space<hbm>>) target(%arg27 : memref<128xi32, #tpu.memory_space<vmem>>) target_semaphore(%run_scoped3A : memref<!tpu.dma_semaphore, #tpu.memory_space<semaphore_mem>>)
      %dma_wait3A_130 = tpu.memref_slice %arg8[%mul3A_12] : memref<4096xi32, #tpu.memory_space<hbm>> -> memref<128xi32, #tpu.memory_space<hbm>>
      %dma_wait3A_131 = tpu.memref_slice %arg8[%mul3A_12] : memref<4096xi32, #tpu.memory_space<hbm>> -> memref<128xi32, #tpu.memory_space<hbm>>
      tpu.wait_dma2 semaphore(%run_scoped3A : memref<!tpu.dma_semaphore, #tpu.memory_space<semaphore_mem>>) src(%dma_wait3A_131 : memref<128xi32, #tpu.memory_space<hbm>>) dst(%arg27 : memref<128xi32, #tpu.memory_space<vmem>>)
      tpu.yield
    }) : () -> ()
    %mul3A_13 = arith.constant 128 : i32
    %mul3A_14 = arith.muli %add3A, %mul3A_13 : i32
    "tpu.region"() ({
      %run_scoped3A = tpu.sem_alloc : memref<!tpu.dma_semaphore, #tpu.memory_space<semaphore_mem>>
      %dma_start3A_128 = tpu.memref_slice %arg15[%mul3A_14] : memref<4096xf32, #tpu.memory_space<hbm>> -> memref<128xf32, #tpu.memory_space<hbm>>
      %dma_start3A_129 = tpu.memref_slice %arg15[%mul3A_14] : memref<4096xf32, #tpu.memory_space<hbm>> -> memref<128xf32, #tpu.memory_space<hbm>>
      tpu.enqueue_dma source(%dma_start3A_129 : memref<128xf32, #tpu.memory_space<hbm>>) target(%arg34 : memref<128xf32, #tpu.memory_space<vmem>>) target_semaphore(%run_scoped3A : memref<!tpu.dma_semaphore, #tpu.memory_space<semaphore_mem>>)
      %dma_wait3A_130 = tpu.memref_slice %arg15[%mul3A_14] : memref<4096xf32, #tpu.memory_space<hbm>> -> memref<128xf32, #tpu.memory_space<hbm>>
      %dma_wait3A_131 = tpu.memref_slice %arg15[%mul3A_14] : memref<4096xf32, #tpu.memory_space<hbm>> -> memref<128xf32, #tpu.memory_space<hbm>>
      tpu.wait_dma2 semaphore(%run_scoped3A : memref<!tpu.dma_semaphore, #tpu.memory_space<semaphore_mem>>) src(%dma_wait3A_131 : memref<128xf32, #tpu.memory_space<hbm>>) dst(%arg34 : memref<128xf32, #tpu.memory_space<vmem>>)
      tpu.yield
    }) : () -> ()
    %mul3A_15 = arith.constant 256 : i32
    %mul3A_16 = arith.muli %add3A, %mul3A_15 : i32
    "tpu.region"() ({
      %run_scoped3A = tpu.sem_alloc : memref<!tpu.dma_semaphore, #tpu.memory_space<semaphore_mem>>
      %dma_start3A_128 = tpu.memref_slice %arg9[%mul3A_16] : memref<8192xi32, #tpu.memory_space<hbm>> -> memref<256xi32, #tpu.memory_space<hbm>>
      %dma_start3A_129 = tpu.memref_slice %arg9[%mul3A_16] : memref<8192xi32, #tpu.memory_space<hbm>> -> memref<256xi32, #tpu.memory_space<hbm>>
      tpu.enqueue_dma source(%dma_start3A_129 : memref<256xi32, #tpu.memory_space<hbm>>) target(%arg28 : memref<256xi32, #tpu.memory_space<vmem>>) target_semaphore(%run_scoped3A : memref<!tpu.dma_semaphore, #tpu.memory_space<semaphore_mem>>)
      %dma_wait3A_130 = tpu.memref_slice %arg9[%mul3A_16] : memref<8192xi32, #tpu.memory_space<hbm>> -> memref<256xi32, #tpu.memory_space<hbm>>
      %dma_wait3A_131 = tpu.memref_slice %arg9[%mul3A_16] : memref<8192xi32, #tpu.memory_space<hbm>> -> memref<256xi32, #tpu.memory_space<hbm>>
      tpu.wait_dma2 semaphore(%run_scoped3A : memref<!tpu.dma_semaphore, #tpu.memory_space<semaphore_mem>>) src(%dma_wait3A_131 : memref<256xi32, #tpu.memory_space<hbm>>) dst(%arg28 : memref<256xi32, #tpu.memory_space<vmem>>)
      tpu.yield
    }) : () -> ()
    %mul3A_17 = arith.constant 256 : i32
    %mul3A_18 = arith.muli %add3A, %mul3A_17 : i32
    "tpu.region"() ({
      %run_scoped3A = tpu.sem_alloc : memref<!tpu.dma_semaphore, #tpu.memory_space<semaphore_mem>>
      %dma_start3A_128 = tpu.memref_slice %arg16[%mul3A_18] : memref<8192xf32, #tpu.memory_space<hbm>> -> memref<256xf32, #tpu.memory_space<hbm>>
      %dma_start3A_129 = tpu.memref_slice %arg16[%mul3A_18] : memref<8192xf32, #tpu.memory_space<hbm>> -> memref<256xf32, #tpu.memory_space<hbm>>
      tpu.enqueue_dma source(%dma_start3A_129 : memref<256xf32, #tpu.memory_space<hbm>>) target(%arg35 : memref<256xf32, #tpu.memory_space<vmem>>) target_semaphore(%run_scoped3A : memref<!tpu.dma_semaphore, #tpu.memory_space<semaphore_mem>>)
      %dma_wait3A_130 = tpu.memref_slice %arg16[%mul3A_18] : memref<8192xf32, #tpu.memory_space<hbm>> -> memref<256xf32, #tpu.memory_space<hbm>>
      %dma_wait3A_131 = tpu.memref_slice %arg16[%mul3A_18] : memref<8192xf32, #tpu.memory_space<hbm>> -> memref<256xf32, #tpu.memory_space<hbm>>
      tpu.wait_dma2 semaphore(%run_scoped3A : memref<!tpu.dma_semaphore, #tpu.memory_space<semaphore_mem>>) src(%dma_wait3A_131 : memref<256xf32, #tpu.memory_space<hbm>>) dst(%arg35 : memref<256xf32, #tpu.memory_space<vmem>>)
      tpu.yield
    }) : () -> ()
    %mul3A_19 = arith.constant 512 : i32
    %mul3A_20 = arith.muli %add3A, %mul3A_19 : i32
    "tpu.region"() ({
      %run_scoped3A = tpu.sem_alloc : memref<!tpu.dma_semaphore, #tpu.memory_space<semaphore_mem>>
      %dma_start3A_128 = tpu.memref_slice %arg10[%mul3A_20] : memref<16384xi32, #tpu.memory_space<hbm>> -> memref<512xi32, #tpu.memory_space<hbm>>
      %dma_start3A_129 = tpu.memref_slice %arg10[%mul3A_20] : memref<16384xi32, #tpu.memory_space<hbm>> -> memref<512xi32, #tpu.memory_space<hbm>>
      tpu.enqueue_dma source(%dma_start3A_129 : memref<512xi32, #tpu.memory_space<hbm>>) target(%arg29 : memref<512xi32, #tpu.memory_space<vmem>>) target_semaphore(%run_scoped3A : memref<!tpu.dma_semaphore, #tpu.memory_space<semaphore_mem>>)
      %dma_wait3A_130 = tpu.memref_slice %arg10[%mul3A_20] : memref<16384xi32, #tpu.memory_space<hbm>> -> memref<512xi32, #tpu.memory_space<hbm>>
      %dma_wait3A_131 = tpu.memref_slice %arg10[%mul3A_20] : memref<16384xi32, #tpu.memory_space<hbm>> -> memref<512xi32, #tpu.memory_space<hbm>>
      tpu.wait_dma2 semaphore(%run_scoped3A : memref<!tpu.dma_semaphore, #tpu.memory_space<semaphore_mem>>) src(%dma_wait3A_131 : memref<512xi32, #tpu.memory_space<hbm>>) dst(%arg29 : memref<512xi32, #tpu.memory_space<vmem>>)
      tpu.yield
    }) : () -> ()
    %mul3A_21 = arith.constant 512 : i32
    %mul3A_22 = arith.muli %add3A, %mul3A_21 : i32
    "tpu.region"() ({
      %run_scoped3A = tpu.sem_alloc : memref<!tpu.dma_semaphore, #tpu.memory_space<semaphore_mem>>
      %dma_start3A_128 = tpu.memref_slice %arg17[%mul3A_22] : memref<16384xf32, #tpu.memory_space<hbm>> -> memref<512xf32, #tpu.memory_space<hbm>>
      %dma_start3A_129 = tpu.memref_slice %arg17[%mul3A_22] : memref<16384xf32, #tpu.memory_space<hbm>> -> memref<512xf32, #tpu.memory_space<hbm>>
      tpu.enqueue_dma source(%dma_start3A_129 : memref<512xf32, #tpu.memory_space<hbm>>) target(%arg36 : memref<512xf32, #tpu.memory_space<vmem>>) target_semaphore(%run_scoped3A : memref<!tpu.dma_semaphore, #tpu.memory_space<semaphore_mem>>)
      %dma_wait3A_130 = tpu.memref_slice %arg17[%mul3A_22] : memref<16384xf32, #tpu.memory_space<hbm>> -> memref<512xf32, #tpu.memory_space<hbm>>
      %dma_wait3A_131 = tpu.memref_slice %arg17[%mul3A_22] : memref<16384xf32, #tpu.memory_space<hbm>> -> memref<512xf32, #tpu.memory_space<hbm>>
      tpu.wait_dma2 semaphore(%run_scoped3A : memref<!tpu.dma_semaphore, #tpu.memory_space<semaphore_mem>>) src(%dma_wait3A_131 : memref<512xf32, #tpu.memory_space<hbm>>) dst(%arg36 : memref<512xf32, #tpu.memory_space<vmem>>)
      tpu.yield
    }) : () -> ()
    %mul3A_23 = arith.constant 1024 : i32
    %mul3A_24 = arith.muli %add3A, %mul3A_23 : i32
    "tpu.region"() ({
      %run_scoped3A = tpu.sem_alloc : memref<!tpu.dma_semaphore, #tpu.memory_space<semaphore_mem>>
      %dma_start3A_128 = tpu.memref_slice %arg11[%mul3A_24] : memref<32768xi32, #tpu.memory_space<hbm>> -> memref<1024xi32, #tpu.memory_space<hbm>>
      %dma_start3A_129 = tpu.memref_slice %arg11[%mul3A_24] : memref<32768xi32, #tpu.memory_space<hbm>> -> memref<1024xi32, #tpu.memory_space<hbm>>
      tpu.enqueue_dma source(%dma_start3A_129 : memref<1024xi32, #tpu.memory_space<hbm>>) target(%arg30 : memref<1024xi32, #tpu.memory_space<vmem>>) target_semaphore(%run_scoped3A : memref<!tpu.dma_semaphore, #tpu.memory_space<semaphore_mem>>)
      %dma_wait3A_130 = tpu.memref_slice %arg11[%mul3A_24] : memref<32768xi32, #tpu.memory_space<hbm>> -> memref<1024xi32, #tpu.memory_space<hbm>>
      %dma_wait3A_131 = tpu.memref_slice %arg11[%mul3A_24] : memref<32768xi32, #tpu.memory_space<hbm>> -> memref<1024xi32, #tpu.memory_space<hbm>>
      tpu.wait_dma2 semaphore(%run_scoped3A : memref<!tpu.dma_semaphore, #tpu.memory_space<semaphore_mem>>) src(%dma_wait3A_131 : memref<1024xi32, #tpu.memory_space<hbm>>) dst(%arg30 : memref<1024xi32, #tpu.memory_space<vmem>>)
      tpu.yield
    }) : () -> ()
    %mul3A_25 = arith.constant 1024 : i32
    %mul3A_26 = arith.muli %add3A, %mul3A_25 : i32
    "tpu.region"() ({
      %run_scoped3A = tpu.sem_alloc : memref<!tpu.dma_semaphore, #tpu.memory_space<semaphore_mem>>
      %dma_start3A_128 = tpu.memref_slice %arg18[%mul3A_26] : memref<32768xf32, #tpu.memory_space<hbm>> -> memref<1024xf32, #tpu.memory_space<hbm>>
      %dma_start3A_129 = tpu.memref_slice %arg18[%mul3A_26] : memref<32768xf32, #tpu.memory_space<hbm>> -> memref<1024xf32, #tpu.memory_space<hbm>>
      tpu.enqueue_dma source(%dma_start3A_129 : memref<1024xf32, #tpu.memory_space<hbm>>) target(%arg37 : memref<1024xf32, #tpu.memory_space<vmem>>) target_semaphore(%run_scoped3A : memref<!tpu.dma_semaphore, #tpu.memory_space<semaphore_mem>>)
      %dma_wait3A_130 = tpu.memref_slice %arg18[%mul3A_26] : memref<32768xf32, #tpu.memory_space<hbm>> -> memref<1024xf32, #tpu.memory_space<hbm>>
      %dma_wait3A_131 = tpu.memref_slice %arg18[%mul3A_26] : memref<32768xf32, #tpu.memory_space<hbm>> -> memref<1024xf32, #tpu.memory_space<hbm>>
      tpu.wait_dma2 semaphore(%run_scoped3A : memref<!tpu.dma_semaphore, #tpu.memory_space<semaphore_mem>>) src(%dma_wait3A_131 : memref<1024xf32, #tpu.memory_space<hbm>>) dst(%arg37 : memref<1024xf32, #tpu.memory_space<vmem>>)
      tpu.yield
    }) : () -> ()
    %mul3A_27 = arith.constant 2048 : i32
    %mul3A_28 = arith.muli %add3A, %mul3A_27 : i32
    "tpu.region"() ({
      %run_scoped3A = tpu.sem_alloc : memref<!tpu.dma_semaphore, #tpu.memory_space<semaphore_mem>>
      %dma_start3A_128 = tpu.memref_slice %arg12[%mul3A_28] : memref<65536xi32, #tpu.memory_space<hbm>> -> memref<2048xi32, #tpu.memory_space<hbm>>
      %dma_start3A_129 = tpu.memref_slice %arg12[%mul3A_28] : memref<65536xi32, #tpu.memory_space<hbm>> -> memref<2048xi32, #tpu.memory_space<hbm>>
      tpu.enqueue_dma source(%dma_start3A_129 : memref<2048xi32, #tpu.memory_space<hbm>>) target(%arg31 : memref<2048xi32, #tpu.memory_space<vmem>>) target_semaphore(%run_scoped3A : memref<!tpu.dma_semaphore, #tpu.memory_space<semaphore_mem>>)
      %dma_wait3A_130 = tpu.memref_slice %arg12[%mul3A_28] : memref<65536xi32, #tpu.memory_space<hbm>> -> memref<2048xi32, #tpu.memory_space<hbm>>
      %dma_wait3A_131 = tpu.memref_slice %arg12[%mul3A_28] : memref<65536xi32, #tpu.memory_space<hbm>> -> memref<2048xi32, #tpu.memory_space<hbm>>
      tpu.wait_dma2 semaphore(%run_scoped3A : memref<!tpu.dma_semaphore, #tpu.memory_space<semaphore_mem>>) src(%dma_wait3A_131 : memref<2048xi32, #tpu.memory_space<hbm>>) dst(%arg31 : memref<2048xi32, #tpu.memory_space<vmem>>)
      tpu.yield
    }) : () -> ()
    %mul3A_29 = arith.constant 2048 : i32
    %mul3A_30 = arith.muli %add3A, %mul3A_29 : i32
    "tpu.region"() ({
      %run_scoped3A = tpu.sem_alloc : memref<!tpu.dma_semaphore, #tpu.memory_space<semaphore_mem>>
      %dma_start3A_128 = tpu.memref_slice %arg19[%mul3A_30] : memref<65536xf32, #tpu.memory_space<hbm>> -> memref<2048xf32, #tpu.memory_space<hbm>>
      %dma_start3A_129 = tpu.memref_slice %arg19[%mul3A_30] : memref<65536xf32, #tpu.memory_space<hbm>> -> memref<2048xf32, #tpu.memory_space<hbm>>
      tpu.enqueue_dma source(%dma_start3A_129 : memref<2048xf32, #tpu.memory_space<hbm>>) target(%arg38 : memref<2048xf32, #tpu.memory_space<vmem>>) target_semaphore(%run_scoped3A : memref<!tpu.dma_semaphore, #tpu.memory_space<semaphore_mem>>)
      %dma_wait3A_130 = tpu.memref_slice %arg19[%mul3A_30] : memref<65536xf32, #tpu.memory_space<hbm>> -> memref<2048xf32, #tpu.memory_space<hbm>>
      %dma_wait3A_131 = tpu.memref_slice %arg19[%mul3A_30] : memref<65536xf32, #tpu.memory_space<hbm>> -> memref<2048xf32, #tpu.memory_space<hbm>>
      tpu.wait_dma2 semaphore(%run_scoped3A : memref<!tpu.dma_semaphore, #tpu.memory_space<semaphore_mem>>) src(%dma_wait3A_131 : memref<2048xf32, #tpu.memory_space<hbm>>) dst(%arg38 : memref<2048xf32, #tpu.memory_space<vmem>>)
      tpu.yield
    }) : () -> ()
    %mul3A_31 = arith.constant 4096 : i32
    %mul3A_32 = arith.muli %add3A, %mul3A_31 : i32
    %mul3A_33 = arith.constant 8 : i32
    %mul3A_34 = arith.muli %mul3A_32, %mul3A_33 : i32
    "tpu.region"() ({
      %run_scoped3A = tpu.sem_alloc : memref<!tpu.dma_semaphore, #tpu.memory_space<semaphore_mem>>
      %dma_start3A_128 = tpu.memref_slice %arg5[%mul3A_34] : memref<1048576xf32, #tpu.memory_space<hbm>> -> memref<32768xf32, #tpu.memory_space<hbm>>
      %dma_start3A_129 = tpu.memref_slice %arg5[%mul3A_34] : memref<1048576xf32, #tpu.memory_space<hbm>> -> memref<32768xf32, #tpu.memory_space<hbm>>
      tpu.enqueue_dma source(%dma_start3A_129 : memref<32768xf32, #tpu.memory_space<hbm>>) target(%arg24 : memref<32768xf32, #tpu.memory_space<vmem>>) target_semaphore(%run_scoped3A : memref<!tpu.dma_semaphore, #tpu.memory_space<semaphore_mem>>)
      %dma_wait3A_130 = tpu.memref_slice %arg5[%mul3A_34] : memref<1048576xf32, #tpu.memory_space<hbm>> -> memref<32768xf32, #tpu.memory_space<hbm>>
      %dma_wait3A_131 = tpu.memref_slice %arg5[%mul3A_34] : memref<1048576xf32, #tpu.memory_space<hbm>> -> memref<32768xf32, #tpu.memory_space<hbm>>
      tpu.wait_dma2 semaphore(%run_scoped3A : memref<!tpu.dma_semaphore, #tpu.memory_space<semaphore_mem>>) src(%dma_wait3A_131 : memref<32768xf32, #tpu.memory_space<hbm>>) dst(%arg24 : memref<32768xf32, #tpu.memory_space<vmem>>)
      tpu.yield
    }) : () -> ()
    %jit3A = arith.constant 8 : i32
    %div3A = arith.divsi %add3A, %jit3A : i32
    %sign3A = arith.constant 0 : i32
    %sign3A_35 = arith.cmpi sgt, %add3A, %sign3A : i32
    %sign3A_36 = arith.extui %sign3A_35 : i1 to i32
    %sign3A_37 = arith.constant 0 : i32
    %sign3A_38 = arith.cmpi slt, %add3A, %sign3A_37 : i32
    %sign3A_39 = arith.extui %sign3A_38 : i1 to i32
    %sign3A_40 = arith.subi %sign3A_36, %sign3A_39 : i32
    %sign3A_41 = arith.constant 0 : i32
    %sign3A_42 = arith.cmpi sgt, %jit3A, %sign3A_41 : i32
    %sign3A_43 = arith.extui %sign3A_42 : i1 to i32
    %sign3A_44 = arith.constant 0 : i32
    %sign3A_45 = arith.cmpi slt, %jit3A, %sign3A_44 : i32
    %sign3A_46 = arith.extui %sign3A_45 : i1 to i32
    %sign3A_47 = arith.subi %sign3A_43, %sign3A_46 : i32
    %ne3A = arith.cmpi ne, %sign3A_40, %sign3A_47 : i32
    %rem3A = arith.remsi %add3A, %jit3A : i32
    %ne3A_48 = arith.constant 0 : i32
    %ne3A_49 = arith.cmpi ne, %rem3A, %ne3A_48 : i32
    %and3A = arith.andi %ne3A, %ne3A_49 : i1
    %sub3A = arith.constant 1 : i32
    %sub3A_50 = arith.subi %div3A, %sub3A : i32
    %select_n3A = arith.select %and3A, %sub3A_50, %div3A : i32
    %jit3A_51 = arith.constant 8 : i32
    %eq3A = arith.constant 0 : i32
    %eq3A_52 = arith.cmpi eq, %jit3A_51, %eq3A : i32
    %jit3A_53 = arith.constant 1 : i32
    %select_n3A_54 = arith.select %eq3A_52, %jit3A_53, %jit3A_51 : i32
    %rem3A_55 = arith.remsi %add3A, %select_n3A_54 : i32
    %ne3A_56 = arith.constant 0 : i32
    %ne3A_57 = arith.cmpi ne, %rem3A_55, %ne3A_56 : i32
    %lt3A = arith.constant 0 : i32
    %lt3A_58 = arith.cmpi slt, %rem3A_55, %lt3A : i32
    %lt3A_59 = arith.constant 0 : i32
    %lt3A_60 = arith.cmpi slt, %select_n3A_54, %lt3A_59 : i32
    %ne3A_61 = arith.xori %lt3A_58, %lt3A_60 : i1
    %and3A_62 = arith.andi %ne3A_61, %ne3A_57 : i1
    %add3A_63 = arith.addi %rem3A_55, %select_n3A_54 : i32
    %select_n3A_64 = arith.select %and3A_62, %add3A_63, %rem3A_55 : i32
    %mul3A_65 = arith.constant 16 : i32
    %mul3A_66 = arith.muli %select_n3A_64, %mul3A_65 : i32
    %dma_start3A = arith.constant 0 : i32
    %dma_start3A_67 = tpu.memref_slice %arg21[%dma_start3A] : memref<32768xf32, #tpu.memory_space<vmem>> -> memref<16384xf32, #tpu.memory_space<vmem>>
    %dma_start3A_68 = arith.constant 0 : i32
    %dma_start3A_69 = tpu.memref_slice %arg2[%dma_start3A_68] : memref<1048576xf32, #tpu.memory_space<hbm>> -> memref<16384xf32, #tpu.memory_space<hbm>>
    %dma_start3A_70 = arith.constant 0 : i32
    %dma_start3A_71 = tpu.memref_slice %arg21[%dma_start3A_70] : memref<32768xf32, #tpu.memory_space<vmem>> -> memref<16384xf32, #tpu.memory_space<vmem>>
    %dma_start3A_72 = arith.constant 0 : i32
    %dma_start3A_73 = tpu.memref_slice %arg2[%dma_start3A_72] : memref<1048576xf32, #tpu.memory_space<hbm>> -> memref<16384xf32, #tpu.memory_space<hbm>>
    tpu.enqueue_dma source(%dma_start3A_73 : memref<16384xf32, #tpu.memory_space<hbm>>) target(%dma_start3A_71 : memref<16384xf32, #tpu.memory_space<vmem>>) target_semaphore(%arg40 : memref<!tpu.dma_semaphore, #tpu.memory_space<semaphore_mem>>)
    %iota3A = tpu.iota {dimensions = array<i32: 0>} : vector<16xi32>
    %broadcast_in_dim3A = arith.constant 0 : i32
    %broadcast_in_dim3A_74 = vector.broadcast %broadcast_in_dim3A : i32 to vector<16xi32>
    %broadcast_in_dim3A_75 = arith.constant 128 : i32
    %broadcast_in_dim3A_76 = vector.broadcast %broadcast_in_dim3A_75 : i32 to vector<16xi32>
    %broadcast_in_dim3A_77 = arith.constant 256 : i32
    %broadcast_in_dim3A_78 = vector.broadcast %broadcast_in_dim3A_77 : i32 to vector<16xi32>
    %broadcast_in_dim3A_79 = arith.constant 384 : i32
    %broadcast_in_dim3A_80 = vector.broadcast %broadcast_in_dim3A_79 : i32 to vector<16xi32>
    %broadcast_in_dim3A_81 = arith.constant 512 : i32
    %broadcast_in_dim3A_82 = vector.broadcast %broadcast_in_dim3A_81 : i32 to vector<16xi32>
    %broadcast_in_dim3A_83 = arith.constant 640 : i32
    %broadcast_in_dim3A_84 = vector.broadcast %broadcast_in_dim3A_83 : i32 to vector<16xi32>
    %broadcast_in_dim3A_85 = arith.constant 768 : i32
    %broadcast_in_dim3A_86 = vector.broadcast %broadcast_in_dim3A_85 : i32 to vector<16xi32>
    %broadcast_in_dim3A_87 = arith.constant 896 : i32
    %broadcast_in_dim3A_88 = vector.broadcast %broadcast_in_dim3A_87 : i32 to vector<16xi32>
    %get3A = arith.constant 0 : index
    %get3A_89 = tpu.vector_load %arg22[%get3A] {strides = array<i32>} : memref<16xi32, #tpu.memory_space<vmem>>, vector<16xi32>,
    %get3A_90 = arith.constant 0 : index
    %get3A_91 = tpu.vector_load %arg23[%get3A_90] {strides = array<i32>} : memref<16xf32, #tpu.memory_space<vmem>>, vector<16xf32>,
    %scan3A = arith.constant 0 : i32
    %scan3A_92 = arith.constant 0 : i32
    %scan3A_93 = arith.constant 64 : i32
    %scan3A_94 = arith.addi %scan3A_92, %scan3A_93 : i32
    %scan3A_95 = arith.constant 1 : i32
    scf.for %scan3A_128 = %scan3A_92 to %scan3A_94 step %scan3A_95  : i32 {
      %rem3A_129 = arith.constant 2 : i32
      %rem3A_130 = arith.remsi %scan3A_128, %rem3A_129 : i32
      %add3A_131 = arith.constant 1 : i32
      %add3A_132 = arith.addi %scan3A_128, %add3A_131 : i32
      %lt3A_133 = arith.constant 64 : i32
      %lt3A_134 = arith.cmpi slt, %add3A_132, %lt3A_133 : i32
      %convert_element_type3A = arith.extui %lt3A_134 : i1 to i32
      %cond3A = arith.constant 0 : i32
      %cond3A_135 = arith.cmpi ne, %convert_element_type3A, %cond3A : i32
      scf.if %cond3A_135 {
        %add3A_176 = arith.constant 1 : i32
        %add3A_177 = arith.addi %scan3A_128, %add3A_176 : i32
        %sub3A_178 = arith.constant 1 : i32
        %sub3A_179 = arith.subi %sub3A_178, %rem3A_130 : i32
        %mul3A_180 = arith.constant 64 : i32
        %mul3A_181 = arith.muli %add3A_177, %mul3A_180 : i32
        %mul3A_182 = arith.constant 256 : i32
        %mul3A_183 = arith.muli %mul3A_181, %mul3A_182 : i32
        %mul3A_184 = arith.constant 64 : i32
        %mul3A_185 = arith.muli %sub3A_179, %mul3A_184 : i32
        %mul3A_186 = arith.constant 256 : i32
        %mul3A_187 = arith.muli %mul3A_185, %mul3A_186 : i32
        %dma_start3A_188 = tpu.memref_slice %arg21[%mul3A_187] : memref<32768xf32, #tpu.memory_space<vmem>> -> memref<16384xf32, #tpu.memory_space<vmem>>
        %dma_start3A_189 = tpu.memref_slice %arg2[%mul3A_183] : memref<1048576xf32, #tpu.memory_space<hbm>> -> memref<16384xf32, #tpu.memory_space<hbm>>
        %dma_start3A_190 = tpu.memref_slice %arg21[%mul3A_187] : memref<32768xf32, #tpu.memory_space<vmem>> -> memref<16384xf32, #tpu.memory_space<vmem>>
        %dma_start3A_191 = tpu.memref_slice %arg2[%mul3A_183] : memref<1048576xf32, #tpu.memory_space<hbm>> -> memref<16384xf32, #tpu.memory_space<hbm>>
        tpu.enqueue_dma source(%dma_start3A_191 : memref<16384xf32, #tpu.memory_space<hbm>>) target(%dma_start3A_190 : memref<16384xf32, #tpu.memory_space<vmem>>) target_semaphore(%arg40 : memref<!tpu.dma_semaphore, #tpu.memory_space<semaphore_mem>>)
      } else {
      }
      %mul3A_136 = arith.constant 64 : i32
      %mul3A_137 = arith.muli %scan3A_128, %mul3A_136 : i32
      %mul3A_138 = arith.constant 256 : i32
      %mul3A_139 = arith.muli %mul3A_137, %mul3A_138 : i32
      %mul3A_140 = arith.constant 64 : i32
      %mul3A_141 = arith.muli %rem3A_130, %mul3A_140 : i32
      %mul3A_142 = arith.constant 256 : i32
      %mul3A_143 = arith.muli %mul3A_141, %mul3A_142 : i32
      %dma_wait3A_144 = tpu.memref_slice %arg21[%mul3A_143] : memref<32768xf32, #tpu.memory_space<vmem>> -> memref<16384xf32, #tpu.memory_space<vmem>>
      %dma_wait3A_145 = tpu.memref_slice %arg2[%mul3A_139] : memref<1048576xf32, #tpu.memory_space<hbm>> -> memref<16384xf32, #tpu.memory_space<hbm>>
      %dma_wait3A_146 = tpu.memref_slice %arg21[%mul3A_143] : memref<32768xf32, #tpu.memory_space<vmem>> -> memref<16384xf32, #tpu.memory_space<vmem>>
      %dma_wait3A_147 = tpu.memref_slice %arg2[%mul3A_139] : memref<1048576xf32, #tpu.memory_space<hbm>> -> memref<16384xf32, #tpu.memory_space<hbm>>
      tpu.wait_dma2 semaphore(%arg40 : memref<!tpu.dma_semaphore, #tpu.memory_space<semaphore_mem>>) src(%dma_wait3A_147 : memref<16384xf32, #tpu.memory_space<hbm>>) dst(%dma_wait3A_146 : memref<16384xf32, #tpu.memory_space<vmem>>)
      %ge3A = arith.constant 2 : i32
      %ge3A_148 = arith.cmpi sge, %scan3A_128, %ge3A : i32
      %convert_element_type3A_149 = arith.extui %ge3A_148 : i1 to i32
      %cond3A_150 = arith.constant 0 : i32
      %cond3A_151 = arith.cmpi ne, %convert_element_type3A_149, %cond3A_150 : i32
      scf.if %cond3A_151 {
        %sub3A_176 = arith.constant 2 : i32
        %sub3A_177 = arith.subi %scan3A_128, %sub3A_176 : i32
        %mul3A_178 = arith.constant 64 : i32
        %mul3A_179 = arith.muli %rem3A_130, %mul3A_178 : i32
        %mul3A_180 = arith.constant 64 : i32
        %mul3A_181 = arith.muli %sub3A_177, %mul3A_180 : i32
        %dma_wait3A_182 = arith.constant 0 : i32
        %dma_wait3A_183 = arith.constant 0 : i32
        %dma_wait3A_184 = tpu.memref_slice %arg39[%mul3A_179, %dma_wait3A_182, %dma_wait3A_183] : memref<128x8x16xf32, #tpu.memory_space<vmem>> -> memref<64x8x16xf32, #tpu.memory_space<vmem>>
        %dma_wait3A_185 = arith.constant 0 : i32
        %dma_wait3A_186 = tpu.memref_slice %arg20[%mul3A_181, %select_n3A, %dma_wait3A_185, %mul3A_66] : memref<4096x4x8x128xf32, #tpu.memory_space<hbm>> -> memref<64x1x8x16xf32, #tpu.memory_space<hbm>>
        %dma_wait3A_187 = tpu.memref_squeeze %dma_wait3A_186 : memref<64x1x8x16xf32, #tpu.memory_space<hbm>> -> memref<64x8x16xf32, #tpu.memory_space<hbm>>
        %dma_wait3A_188 = arith.constant 0 : i32
        %dma_wait3A_189 = tpu.memref_slice %arg20[%mul3A_181, %select_n3A, %dma_wait3A_188, %mul3A_66] : memref<4096x4x8x128xf32, #tpu.memory_space<hbm>> -> memref<64x1x8x16xf32, #tpu.memory_space<hbm>>
        %dma_wait3A_190 = tpu.memref_squeeze %dma_wait3A_189 : memref<64x1x8x16xf32, #tpu.memory_space<hbm>> -> memref<64x8x16xf32, #tpu.memory_space<hbm>>
        %dma_wait3A_191 = arith.constant 0 : i32
        %dma_wait3A_192 = arith.constant 0 : i32
        %dma_wait3A_193 = tpu.memref_slice %arg39[%mul3A_179, %dma_wait3A_191, %dma_wait3A_192] : memref<128x8x16xf32, #tpu.memory_space<vmem>> -> memref<64x8x16xf32, #tpu.memory_space<vmem>>
        tpu.wait_dma2 semaphore(%arg41 : memref<!tpu.dma_semaphore, #tpu.memory_space<semaphore_mem>>) src(%dma_wait3A_193 : memref<64x8x16xf32, #tpu.memory_space<vmem>>) dst(%dma_wait3A_190 : memref<64x8x16xf32, #tpu.memory_space<hbm>>)
      } else {
      }
      %mul3A_152 = arith.constant 64 : i32
      %mul3A_153 = arith.muli %rem3A_130, %mul3A_152 : i32
      %scan3A_154 = arith.constant 0 : i32
      %scan3A_155 = arith.constant 0 : i32
      %scan3A_156 = arith.constant 4 : i32
      %scan3A_157 = arith.addi %scan3A_155, %scan3A_156 : i32
      %scan3A_158 = arith.constant 1 : i32
      scf.for %scan3A_176 = %scan3A_155 to %scan3A_157 step %scan3A_158  : i32 {
        %mul3A_177 = arith.constant 16 : i32
        %mul3A_178 = arith.muli %scan3A_176, %mul3A_177 : i32
        %add3A_179 = arith.addi %mul3A_153, %mul3A_178 : i32
        %add3A_180 = arith.constant 0 : i32
        %add3A_181 = arith.addi %add3A_179, %add3A_180 : i32
        %add3A_182 = arith.constant 1 : i32
        %add3A_183 = arith.addi %add3A_179, %add3A_182 : i32
        %add3A_184 = arith.constant 2 : i32
        %add3A_185 = arith.addi %add3A_179, %add3A_184 : i32
        %add3A_186 = arith.constant 3 : i32
        %add3A_187 = arith.addi %add3A_179, %add3A_186 : i32
        %add3A_188 = arith.constant 4 : i32
        %add3A_189 = arith.addi %add3A_179, %add3A_188 : i32
        %add3A_190 = arith.constant 5 : i32
        %add3A_191 = arith.addi %add3A_179, %add3A_190 : i32
        %add3A_192 = arith.constant 6 : i32
        %add3A_193 = arith.addi %add3A_179, %add3A_192 : i32
        %add3A_194 = arith.constant 7 : i32
        %add3A_195 = arith.addi %add3A_179, %add3A_194 : i32
        %add3A_196 = arith.constant 8 : i32
        %add3A_197 = arith.addi %add3A_179, %add3A_196 : i32
        %add3A_198 = arith.constant 9 : i32
        %add3A_199 = arith.addi %add3A_179, %add3A_198 : i32
        %add3A_200 = arith.constant 10 : i32
        %add3A_201 = arith.addi %add3A_179, %add3A_200 : i32
        %add3A_202 = arith.constant 11 : i32
        %add3A_203 = arith.addi %add3A_179, %add3A_202 : i32
        %add3A_204 = arith.constant 12 : i32
        %add3A_205 = arith.addi %add3A_179, %add3A_204 : i32
        %add3A_206 = arith.constant 13 : i32
        %add3A_207 = arith.addi %add3A_179, %add3A_206 : i32
        %add3A_208 = arith.constant 14 : i32
        %add3A_209 = arith.addi %add3A_179, %add3A_208 : i32
        %add3A_210 = arith.constant 15 : i32
        %add3A_211 = arith.addi %add3A_179, %add3A_210 : i32
        %shift_right_arithmetic3A = arith.constant 3 : i32
        %shift_right_arithmetic3A_212 = arith.shrsi %add3A_181, %shift_right_arithmetic3A : i32
        %shift_left3A = arith.constant 11 : i32
        %shift_left3A_213 = arith.shli %shift_right_arithmetic3A_212, %shift_left3A : i32
        %and3A_214 = arith.constant 7 : i32
        %and3A_215 = arith.andi %add3A_181, %and3A_214 : i32
        %shift_left3A_216 = arith.constant 7 : i32
        %shift_left3A_217 = arith.shli %and3A_215, %shift_left3A_216 : i32
        %add3A_218 = arith.addi %shift_left3A_213, %shift_left3A_217 : i32
        %broadcast_in_dim3A_219 = vector.broadcast %add3A_218 : i32 to vector<16xi32>
        %shift_right_arithmetic3A_220 = arith.constant 3 : i32
        %shift_right_arithmetic3A_221 = arith.shrsi %add3A_183, %shift_right_arithmetic3A_220 : i32
        %shift_left3A_222 = arith.constant 11 : i32
        %shift_left3A_223 = arith.shli %shift_right_arithmetic3A_221, %shift_left3A_222 : i32
        %and3A_224 = arith.constant 7 : i32
        %and3A_225 = arith.andi %add3A_183, %and3A_224 : i32
        %shift_left3A_226 = arith.constant 7 : i32
        %shift_left3A_227 = arith.shli %and3A_225, %shift_left3A_226 : i32
        %add3A_228 = arith.addi %shift_left3A_223, %shift_left3A_227 : i32
        %broadcast_in_dim3A_229 = vector.broadcast %add3A_228 : i32 to vector<16xi32>
        %shift_right_arithmetic3A_230 = arith.constant 3 : i32
        %shift_right_arithmetic3A_231 = arith.shrsi %add3A_185, %shift_right_arithmetic3A_230 : i32
        %shift_left3A_232 = arith.constant 11 : i32
        %shift_left3A_233 = arith.shli %shift_right_arithmetic3A_231, %shift_left3A_232 : i32
        %and3A_234 = arith.constant 7 : i32
        %and3A_235 = arith.andi %add3A_185, %and3A_234 : i32
        %shift_left3A_236 = arith.constant 7 : i32
        %shift_left3A_237 = arith.shli %and3A_235, %shift_left3A_236 : i32
        %add3A_238 = arith.addi %shift_left3A_233, %shift_left3A_237 : i32
        %broadcast_in_dim3A_239 = vector.broadcast %add3A_238 : i32 to vector<16xi32>
        %shift_right_arithmetic3A_240 = arith.constant 3 : i32
        %shift_right_arithmetic3A_241 = arith.shrsi %add3A_187, %shift_right_arithmetic3A_240 : i32
        %shift_left3A_242 = arith.constant 11 : i32
        %shift_left3A_243 = arith.shli %shift_right_arithmetic3A_241, %shift_left3A_242 : i32
        %and3A_244 = arith.constant 7 : i32
        %and3A_245 = arith.andi %add3A_187, %and3A_244 : i32
        %shift_left3A_246 = arith.constant 7 : i32
        %shift_left3A_247 = arith.shli %and3A_245, %shift_left3A_246 : i32
        %add3A_248 = arith.addi %shift_left3A_243, %shift_left3A_247 : i32
        %broadcast_in_dim3A_249 = vector.broadcast %add3A_248 : i32 to vector<16xi32>
        %shift_right_arithmetic3A_250 = arith.constant 3 : i32
        %shift_right_arithmetic3A_251 = arith.shrsi %add3A_189, %shift_right_arithmetic3A_250 : i32
        %shift_left3A_252 = arith.constant 11 : i32
        %shift_left3A_253 = arith.shli %shift_right_arithmetic3A_251, %shift_left3A_252 : i32
        %and3A_254 = arith.constant 7 : i32
        %and3A_255 = arith.andi %add3A_189, %and3A_254 : i32
        %shift_left3A_256 = arith.constant 7 : i32
        %shift_left3A_257 = arith.shli %and3A_255, %shift_left3A_256 : i32
        %add3A_258 = arith.addi %shift_left3A_253, %shift_left3A_257 : i32
        %broadcast_in_dim3A_259 = vector.broadcast %add3A_258 : i32 to vector<16xi32>
        %shift_right_arithmetic3A_260 = arith.constant 3 : i32
        %shift_right_arithmetic3A_261 = arith.shrsi %add3A_191, %shift_right_arithmetic3A_260 : i32
        %shift_left3A_262 = arith.constant 11 : i32
        %shift_left3A_263 = arith.shli %shift_right_arithmetic3A_261, %shift_left3A_262 : i32
        %and3A_264 = arith.constant 7 : i32
        %and3A_265 = arith.andi %add3A_191, %and3A_264 : i32
        %shift_left3A_266 = arith.constant 7 : i32
        %shift_left3A_267 = arith.shli %and3A_265, %shift_left3A_266 : i32
        %add3A_268 = arith.addi %shift_left3A_263, %shift_left3A_267 : i32
        %broadcast_in_dim3A_269 = vector.broadcast %add3A_268 : i32 to vector<16xi32>
        %shift_right_arithmetic3A_270 = arith.constant 3 : i32
        %shift_right_arithmetic3A_271 = arith.shrsi %add3A_193, %shift_right_arithmetic3A_270 : i32
        %shift_left3A_272 = arith.constant 11 : i32
        %shift_left3A_273 = arith.shli %shift_right_arithmetic3A_271, %shift_left3A_272 : i32
        %and3A_274 = arith.constant 7 : i32
        %and3A_275 = arith.andi %add3A_193, %and3A_274 : i32
        %shift_left3A_276 = arith.constant 7 : i32
        %shift_left3A_277 = arith.shli %and3A_275, %shift_left3A_276 : i32
        %add3A_278 = arith.addi %shift_left3A_273, %shift_left3A_277 : i32
        %broadcast_in_dim3A_279 = vector.broadcast %add3A_278 : i32 to vector<16xi32>
        %shift_right_arithmetic3A_280 = arith.constant 3 : i32
        %shift_right_arithmetic3A_281 = arith.shrsi %add3A_195, %shift_right_arithmetic3A_280 : i32
        %shift_left3A_282 = arith.constant 11 : i32
        %shift_left3A_283 = arith.shli %shift_right_arithmetic3A_281, %shift_left3A_282 : i32
        %and3A_284 = arith.constant 7 : i32
        %and3A_285 = arith.andi %add3A_195, %and3A_284 : i32
        %shift_left3A_286 = arith.constant 7 : i32
        %shift_left3A_287 = arith.shli %and3A_285, %shift_left3A_286 : i32
        %add3A_288 = arith.addi %shift_left3A_283, %shift_left3A_287 : i32
        %broadcast_in_dim3A_289 = vector.broadcast %add3A_288 : i32 to vector<16xi32>
        %shift_right_arithmetic3A_290 = arith.constant 3 : i32
        %shift_right_arithmetic3A_291 = arith.shrsi %add3A_197, %shift_right_arithmetic3A_290 : i32
        %shift_left3A_292 = arith.constant 11 : i32
        %shift_left3A_293 = arith.shli %shift_right_arithmetic3A_291, %shift_left3A_292 : i32
        %and3A_294 = arith.constant 7 : i32
        %and3A_295 = arith.andi %add3A_197, %and3A_294 : i32
        %shift_left3A_296 = arith.constant 7 : i32
        %shift_left3A_297 = arith.shli %and3A_295, %shift_left3A_296 : i32
        %add3A_298 = arith.addi %shift_left3A_293, %shift_left3A_297 : i32
        %broadcast_in_dim3A_299 = vector.broadcast %add3A_298 : i32 to vector<16xi32>
        %shift_right_arithmetic3A_300 = arith.constant 3 : i32
        %shift_right_arithmetic3A_301 = arith.shrsi %add3A_199, %shift_right_arithmetic3A_300 : i32
        %shift_left3A_302 = arith.constant 11 : i32
        %shift_left3A_303 = arith.shli %shift_right_arithmetic3A_301, %shift_left3A_302 : i32
        %and3A_304 = arith.constant 7 : i32
        %and3A_305 = arith.andi %add3A_199, %and3A_304 : i32
        %shift_left3A_306 = arith.constant 7 : i32
        %shift_left3A_307 = arith.shli %and3A_305, %shift_left3A_306 : i32
        %add3A_308 = arith.addi %shift_left3A_303, %shift_left3A_307 : i32
        %broadcast_in_dim3A_309 = vector.broadcast %add3A_308 : i32 to vector<16xi32>
        %shift_right_arithmetic3A_310 = arith.constant 3 : i32
        %shift_right_arithmetic3A_311 = arith.shrsi %add3A_201, %shift_right_arithmetic3A_310 : i32
        %shift_left3A_312 = arith.constant 11 : i32
        %shift_left3A_313 = arith.shli %shift_right_arithmetic3A_311, %shift_left3A_312 : i32
        %and3A_314 = arith.constant 7 : i32
        %and3A_315 = arith.andi %add3A_201, %and3A_314 : i32
        %shift_left3A_316 = arith.constant 7 : i32
        %shift_left3A_317 = arith.shli %and3A_315, %shift_left3A_316 : i32
        %add3A_318 = arith.addi %shift_left3A_313, %shift_left3A_317 : i32
        %broadcast_in_dim3A_319 = vector.broadcast %add3A_318 : i32 to vector<16xi32>
        %shift_right_arithmetic3A_320 = arith.constant 3 : i32
        %shift_right_arithmetic3A_321 = arith.shrsi %add3A_203, %shift_right_arithmetic3A_320 : i32
        %shift_left3A_322 = arith.constant 11 : i32
        %shift_left3A_323 = arith.shli %shift_right_arithmetic3A_321, %shift_left3A_322 : i32
        %and3A_324 = arith.constant 7 : i32
        %and3A_325 = arith.andi %add3A_203, %and3A_324 : i32
        %shift_left3A_326 = arith.constant 7 : i32
        %shift_left3A_327 = arith.shli %and3A_325, %shift_left3A_326 : i32
        %add3A_328 = arith.addi %shift_left3A_323, %shift_left3A_327 : i32
        %broadcast_in_dim3A_329 = vector.broadcast %add3A_328 : i32 to vector<16xi32>
        %shift_right_arithmetic3A_330 = arith.constant 3 : i32
        %shift_right_arithmetic3A_331 = arith.shrsi %add3A_205, %shift_right_arithmetic3A_330 : i32
        %shift_left3A_332 = arith.constant 11 : i32
        %shift_left3A_333 = arith.shli %shift_right_arithmetic3A_331, %shift_left3A_332 : i32
        %and3A_334 = arith.constant 7 : i32
        %and3A_335 = arith.andi %add3A_205, %and3A_334 : i32
        %shift_left3A_336 = arith.constant 7 : i32
        %shift_left3A_337 = arith.shli %and3A_335, %shift_left3A_336 : i32
        %add3A_338 = arith.addi %shift_left3A_333, %shift_left3A_337 : i32
        %broadcast_in_dim3A_339 = vector.broadcast %add3A_338 : i32 to vector<16xi32>
        %shift_right_arithmetic3A_340 = arith.constant 3 : i32
        %shift_right_arithmetic3A_341 = arith.shrsi %add3A_207, %shift_right_arithmetic3A_340 : i32
        %shift_left3A_342 = arith.constant 11 : i32
        %shift_left3A_343 = arith.shli %shift_right_arithmetic3A_341, %shift_left3A_342 : i32
        %and3A_344 = arith.constant 7 : i32
        %and3A_345 = arith.andi %add3A_207, %and3A_344 : i32
        %shift_left3A_346 = arith.constant 7 : i32
        %shift_left3A_347 = arith.shli %and3A_345, %shift_left3A_346 : i32
        %add3A_348 = arith.addi %shift_left3A_343, %shift_left3A_347 : i32
        %broadcast_in_dim3A_349 = vector.broadcast %add3A_348 : i32 to vector<16xi32>
        %shift_right_arithmetic3A_350 = arith.constant 3 : i32
        %shift_right_arithmetic3A_351 = arith.shrsi %add3A_209, %shift_right_arithmetic3A_350 : i32
        %shift_left3A_352 = arith.constant 11 : i32
        %shift_left3A_353 = arith.shli %shift_right_arithmetic3A_351, %shift_left3A_352 : i32
        %and3A_354 = arith.constant 7 : i32
        %and3A_355 = arith.andi %add3A_209, %and3A_354 : i32
        %shift_left3A_356 = arith.constant 7 : i32
        %shift_left3A_357 = arith.shli %and3A_355, %shift_left3A_356 : i32
        %add3A_358 = arith.addi %shift_left3A_353, %shift_left3A_357 : i32
        %broadcast_in_dim3A_359 = vector.broadcast %add3A_358 : i32 to vector<16xi32>
        %shift_right_arithmetic3A_360 = arith.constant 3 : i32
        %shift_right_arithmetic3A_361 = arith.shrsi %add3A_211, %shift_right_arithmetic3A_360 : i32
        %shift_left3A_362 = arith.constant 11 : i32
        %shift_left3A_363 = arith.shli %shift_right_arithmetic3A_361, %shift_left3A_362 : i32
        %and3A_364 = arith.constant 7 : i32
        %and3A_365 = arith.andi %add3A_211, %and3A_364 : i32
        %shift_left3A_366 = arith.constant 7 : i32
        %shift_left3A_367 = arith.shli %and3A_365, %shift_left3A_366 : i32
        %add3A_368 = arith.addi %shift_left3A_363, %shift_left3A_367 : i32
        %broadcast_in_dim3A_369 = vector.broadcast %add3A_368 : i32 to vector<16xi32>
        %add3A_370 = arith.addi %broadcast_in_dim3A_219, %get3A_89 : vector<16xi32>
        %gather3A = tpu.vector_load_idx %arg21[%add3A_370] : memref<32768xf32, #tpu.memory_space<vmem>>[vector<16xi32>], vector<16xf32>,
        %add3A_371 = arith.addi %broadcast_in_dim3A_229, %get3A_89 : vector<16xi32>
        %gather3A_372 = tpu.vector_load_idx %arg21[%add3A_371] : memref<32768xf32, #tpu.memory_space<vmem>>[vector<16xi32>], vector<16xf32>,
        %add3A_373 = arith.addi %broadcast_in_dim3A_239, %get3A_89 : vector<16xi32>
        %gather3A_374 = tpu.vector_load_idx %arg21[%add3A_373] : memref<32768xf32, #tpu.memory_space<vmem>>[vector<16xi32>], vector<16xf32>,
        %add3A_375 = arith.addi %broadcast_in_dim3A_249, %get3A_89 : vector<16xi32>
        %gather3A_376 = tpu.vector_load_idx %arg21[%add3A_375] : memref<32768xf32, #tpu.memory_space<vmem>>[vector<16xi32>], vector<16xf32>,
        %add3A_377 = arith.addi %broadcast_in_dim3A_259, %get3A_89 : vector<16xi32>
        %gather3A_378 = tpu.vector_load_idx %arg21[%add3A_377] : memref<32768xf32, #tpu.memory_space<vmem>>[vector<16xi32>], vector<16xf32>,
        %add3A_379 = arith.addi %broadcast_in_dim3A_269, %get3A_89 : vector<16xi32>
        %gather3A_380 = tpu.vector_load_idx %arg21[%add3A_379] : memref<32768xf32, #tpu.memory_space<vmem>>[vector<16xi32>], vector<16xf32>,
        %add3A_381 = arith.addi %broadcast_in_dim3A_279, %get3A_89 : vector<16xi32>
        %gather3A_382 = tpu.vector_load_idx %arg21[%add3A_381] : memref<32768xf32, #tpu.memory_space<vmem>>[vector<16xi32>], vector<16xf32>,
        %add3A_383 = arith.addi %broadcast_in_dim3A_289, %get3A_89 : vector<16xi32>
        %gather3A_384 = tpu.vector_load_idx %arg21[%add3A_383] : memref<32768xf32, #tpu.memory_space<vmem>>[vector<16xi32>], vector<16xf32>,
        %add3A_385 = arith.addi %broadcast_in_dim3A_299, %get3A_89 : vector<16xi32>
        %gather3A_386 = tpu.vector_load_idx %arg21[%add3A_385] : memref<32768xf32, #tpu.memory_space<vmem>>[vector<16xi32>], vector<16xf32>,
        %add3A_387 = arith.addi %broadcast_in_dim3A_309, %get3A_89 : vector<16xi32>
        %gather3A_388 = tpu.vector_load_idx %arg21[%add3A_387] : memref<32768xf32, #tpu.memory_space<vmem>>[vector<16xi32>], vector<16xf32>,
        %add3A_389 = arith.addi %broadcast_in_dim3A_319, %get3A_89 : vector<16xi32>
        %gather3A_390 = tpu.vector_load_idx %arg21[%add3A_389] : memref<32768xf32, #tpu.memory_space<vmem>>[vector<16xi32>], vector<16xf32>,
        %add3A_391 = arith.addi %broadcast_in_dim3A_329, %get3A_89 : vector<16xi32>
        %gather3A_392 = tpu.vector_load_idx %arg21[%add3A_391] : memref<32768xf32, #tpu.memory_space<vmem>>[vector<16xi32>], vector<16xf32>,
        %add3A_393 = arith.addi %broadcast_in_dim3A_339, %get3A_89 : vector<16xi32>
        %gather3A_394 = tpu.vector_load_idx %arg21[%add3A_393] : memref<32768xf32, #tpu.memory_space<vmem>>[vector<16xi32>], vector<16xf32>,
        %add3A_395 = arith.addi %broadcast_in_dim3A_349, %get3A_89 : vector<16xi32>
        %gather3A_396 = tpu.vector_load_idx %arg21[%add3A_395] : memref<32768xf32, #tpu.memory_space<vmem>>[vector<16xi32>], vector<16xf32>,
        %add3A_397 = arith.addi %broadcast_in_dim3A_359, %get3A_89 : vector<16xi32>
        %gather3A_398 = tpu.vector_load_idx %arg21[%add3A_397] : memref<32768xf32, #tpu.memory_space<vmem>>[vector<16xi32>], vector<16xf32>,
        %add3A_399 = arith.addi %broadcast_in_dim3A_369, %get3A_89 : vector<16xi32>
        %gather3A_400 = tpu.vector_load_idx %arg21[%add3A_399] : memref<32768xf32, #tpu.memory_space<vmem>>[vector<16xi32>], vector<16xf32>,
        %mul3A_401 = arith.constant 2 : i32
        %mul3A_402 = vector.broadcast %mul3A_401 : i32 to vector<16xi32>
        %mul3A_403 = arith.muli %mul3A_402, %iota3A : vector<16xi32>
        %ge3A_404 = arith.cmpf oge, %gather3A, %get3A_91 : vector<16xf32>
        %convert_element_type3A_405 = arith.extui %ge3A_404 : vector<16xi1> to vector<16xi32>
        %add3A_406 = arith.addi %mul3A_403, %convert_element_type3A_405 : vector<16xi32>
        %mul3A_407 = arith.constant 2 : i32
        %mul3A_408 = vector.broadcast %mul3A_407 : i32 to vector<16xi32>
        %mul3A_409 = arith.muli %mul3A_408, %iota3A : vector<16xi32>
        %ge3A_410 = arith.cmpf oge, %gather3A_372, %get3A_91 : vector<16xf32>
        %convert_element_type3A_411 = arith.extui %ge3A_410 : vector<16xi1> to vector<16xi32>
        %add3A_412 = arith.addi %mul3A_409, %convert_element_type3A_411 : vector<16xi32>
        %mul3A_413 = arith.constant 2 : i32
        %mul3A_414 = vector.broadcast %mul3A_413 : i32 to vector<16xi32>
        %mul3A_415 = arith.muli %mul3A_414, %iota3A : vector<16xi32>
        %ge3A_416 = arith.cmpf oge, %gather3A_374, %get3A_91 : vector<16xf32>
        %convert_element_type3A_417 = arith.extui %ge3A_416 : vector<16xi1> to vector<16xi32>
        %add3A_418 = arith.addi %mul3A_415, %convert_element_type3A_417 : vector<16xi32>
        %mul3A_419 = arith.constant 2 : i32
        %mul3A_420 = vector.broadcast %mul3A_419 : i32 to vector<16xi32>
        %mul3A_421 = arith.muli %mul3A_420, %iota3A : vector<16xi32>
        %ge3A_422 = arith.cmpf oge, %gather3A_376, %get3A_91 : vector<16xf32>
        %convert_element_type3A_423 = arith.extui %ge3A_422 : vector<16xi1> to vector<16xi32>
        %add3A_424 = arith.addi %mul3A_421, %convert_element_type3A_423 : vector<16xi32>
        %mul3A_425 = arith.constant 2 : i32
        %mul3A_426 = vector.broadcast %mul3A_425 : i32 to vector<16xi32>
        %mul3A_427 = arith.muli %mul3A_426, %iota3A : vector<16xi32>
        %ge3A_428 = arith.cmpf oge, %gather3A_378, %get3A_91 : vector<16xf32>
        %convert_element_type3A_429 = arith.extui %ge3A_428 : vector<16xi1> to vector<16xi32>
        %add3A_430 = arith.addi %mul3A_427, %convert_element_type3A_429 : vector<16xi32>
        %mul3A_431 = arith.constant 2 : i32
        %mul3A_432 = vector.broadcast %mul3A_431 : i32 to vector<16xi32>
        %mul3A_433 = arith.muli %mul3A_432, %iota3A : vector<16xi32>
        %ge3A_434 = arith.cmpf oge, %gather3A_380, %get3A_91 : vector<16xf32>
        %convert_element_type3A_435 = arith.extui %ge3A_434 : vector<16xi1> to vector<16xi32>
        %add3A_436 = arith.addi %mul3A_433, %convert_element_type3A_435 : vector<16xi32>
        %mul3A_437 = arith.constant 2 : i32
        %mul3A_438 = vector.broadcast %mul3A_437 : i32 to vector<16xi32>
        %mul3A_439 = arith.muli %mul3A_438, %iota3A : vector<16xi32>
        %ge3A_440 = arith.cmpf oge, %gather3A_382, %get3A_91 : vector<16xf32>
        %convert_element_type3A_441 = arith.extui %ge3A_440 : vector<16xi1> to vector<16xi32>
        %add3A_442 = arith.addi %mul3A_439, %convert_element_type3A_441 : vector<16xi32>
        %mul3A_443 = arith.constant 2 : i32
        %mul3A_444 = vector.broadcast %mul3A_443 : i32 to vector<16xi32>
        %mul3A_445 = arith.muli %mul3A_444, %iota3A : vector<16xi32>
        %ge3A_446 = arith.cmpf oge, %gather3A_384, %get3A_91 : vector<16xf32>
        %convert_element_type3A_447 = arith.extui %ge3A_446 : vector<16xi1> to vector<16xi32>
        %add3A_448 = arith.addi %mul3A_445, %convert_element_type3A_447 : vector<16xi32>
        %mul3A_449 = arith.constant 2 : i32
        %mul3A_450 = vector.broadcast %mul3A_449 : i32 to vector<16xi32>
        %mul3A_451 = arith.muli %mul3A_450, %iota3A : vector<16xi32>
        %ge3A_452 = arith.cmpf oge, %gather3A_386, %get3A_91 : vector<16xf32>
        %convert_element_type3A_453 = arith.extui %ge3A_452 : vector<16xi1> to vector<16xi32>
        %add3A_454 = arith.addi %mul3A_451, %convert_element_type3A_453 : vector<16xi32>
        %mul3A_455 = arith.constant 2 : i32
        %mul3A_456 = vector.broadcast %mul3A_455 : i32 to vector<16xi32>
        %mul3A_457 = arith.muli %mul3A_456, %iota3A : vector<16xi32>
        %ge3A_458 = arith.cmpf oge, %gather3A_388, %get3A_91 : vector<16xf32>
        %convert_element_type3A_459 = arith.extui %ge3A_458 : vector<16xi1> to vector<16xi32>
        %add3A_460 = arith.addi %mul3A_457, %convert_element_type3A_459 : vector<16xi32>
        %mul3A_461 = arith.constant 2 : i32
        %mul3A_462 = vector.broadcast %mul3A_461 : i32 to vector<16xi32>
        %mul3A_463 = arith.muli %mul3A_462, %iota3A : vector<16xi32>
        %ge3A_464 = arith.cmpf oge, %gather3A_390, %get3A_91 : vector<16xf32>
        %convert_element_type3A_465 = arith.extui %ge3A_464 : vector<16xi1> to vector<16xi32>
        %add3A_466 = arith.addi %mul3A_463, %convert_element_type3A_465 : vector<16xi32>
        %mul3A_467 = arith.constant 2 : i32
        %mul3A_468 = vector.broadcast %mul3A_467 : i32 to vector<16xi32>
        %mul3A_469 = arith.muli %mul3A_468, %iota3A : vector<16xi32>
        %ge3A_470 = arith.cmpf oge, %gather3A_392, %get3A_91 : vector<16xf32>
        %convert_element_type3A_471 = arith.extui %ge3A_470 : vector<16xi1> to vector<16xi32>
        %add3A_472 = arith.addi %mul3A_469, %convert_element_type3A_471 : vector<16xi32>
        %mul3A_473 = arith.constant 2 : i32
        %mul3A_474 = vector.broadcast %mul3A_473 : i32 to vector<16xi32>
        %mul3A_475 = arith.muli %mul3A_474, %iota3A : vector<16xi32>
        %ge3A_476 = arith.cmpf oge, %gather3A_394, %get3A_91 : vector<16xf32>
        %convert_element_type3A_477 = arith.extui %ge3A_476 : vector<16xi1> to vector<16xi32>
        %add3A_478 = arith.addi %mul3A_475, %convert_element_type3A_477 : vector<16xi32>
        %mul3A_479 = arith.constant 2 : i32
        %mul3A_480 = vector.broadcast %mul3A_479 : i32 to vector<16xi32>
        %mul3A_481 = arith.muli %mul3A_480, %iota3A : vector<16xi32>
        %ge3A_482 = arith.cmpf oge, %gather3A_396, %get3A_91 : vector<16xf32>
        %convert_element_type3A_483 = arith.extui %ge3A_482 : vector<16xi1> to vector<16xi32>
        %add3A_484 = arith.addi %mul3A_481, %convert_element_type3A_483 : vector<16xi32>
        %mul3A_485 = arith.constant 2 : i32
        %mul3A_486 = vector.broadcast %mul3A_485 : i32 to vector<16xi32>
        %mul3A_487 = arith.muli %mul3A_486, %iota3A : vector<16xi32>
        %ge3A_488 = arith.cmpf oge, %gather3A_398, %get3A_91 : vector<16xf32>
        %convert_element_type3A_489 = arith.extui %ge3A_488 : vector<16xi1> to vector<16xi32>
        %add3A_490 = arith.addi %mul3A_487, %convert_element_type3A_489 : vector<16xi32>
        %mul3A_491 = arith.constant 2 : i32
        %mul3A_492 = vector.broadcast %mul3A_491 : i32 to vector<16xi32>
        %mul3A_493 = arith.muli %mul3A_492, %iota3A : vector<16xi32>
        %ge3A_494 = arith.cmpf oge, %gather3A_400, %get3A_91 : vector<16xf32>
        %convert_element_type3A_495 = arith.extui %ge3A_494 : vector<16xi1> to vector<16xi32>
        %add3A_496 = arith.addi %mul3A_493, %convert_element_type3A_495 : vector<16xi32>
        %gather3A_497 = tpu.vector_load_idx %arg25[%add3A_406] : memref<32xi32, #tpu.memory_space<vmem>>[vector<16xi32>], vector<16xi32>,
        %gather3A_498 = tpu.vector_load_idx %arg25[%add3A_412] : memref<32xi32, #tpu.memory_space<vmem>>[vector<16xi32>], vector<16xi32>,
        %gather3A_499 = tpu.vector_load_idx %arg25[%add3A_418] : memref<32xi32, #tpu.memory_space<vmem>>[vector<16xi32>], vector<16xi32>,
        %gather3A_500 = tpu.vector_load_idx %arg25[%add3A_424] : memref<32xi32, #tpu.memory_space<vmem>>[vector<16xi32>], vector<16xi32>,
        %gather3A_501 = tpu.vector_load_idx %arg25[%add3A_430] : memref<32xi32, #tpu.memory_space<vmem>>[vector<16xi32>], vector<16xi32>,
        %gather3A_502 = tpu.vector_load_idx %arg25[%add3A_436] : memref<32xi32, #tpu.memory_space<vmem>>[vector<16xi32>], vector<16xi32>,
        %gather3A_503 = tpu.vector_load_idx %arg25[%add3A_442] : memref<32xi32, #tpu.memory_space<vmem>>[vector<16xi32>], vector<16xi32>,
        %gather3A_504 = tpu.vector_load_idx %arg25[%add3A_448] : memref<32xi32, #tpu.memory_space<vmem>>[vector<16xi32>], vector<16xi32>,
        %gather3A_505 = tpu.vector_load_idx %arg25[%add3A_454] : memref<32xi32, #tpu.memory_space<vmem>>[vector<16xi32>], vector<16xi32>,
        %gather3A_506 = tpu.vector_load_idx %arg25[%add3A_460] : memref<32xi32, #tpu.memory_space<vmem>>[vector<16xi32>], vector<16xi32>,
        %gather3A_507 = tpu.vector_load_idx %arg25[%add3A_466] : memref<32xi32, #tpu.memory_space<vmem>>[vector<16xi32>], vector<16xi32>,
        %gather3A_508 = tpu.vector_load_idx %arg25[%add3A_472] : memref<32xi32, #tpu.memory_space<vmem>>[vector<16xi32>], vector<16xi32>,
        %gather3A_509 = tpu.vector_load_idx %arg25[%add3A_478] : memref<32xi32, #tpu.memory_space<vmem>>[vector<16xi32>], vector<16xi32>,
        %gather3A_510 = tpu.vector_load_idx %arg25[%add3A_484] : memref<32xi32, #tpu.memory_space<vmem>>[vector<16xi32>], vector<16xi32>,
        %gather3A_511 = tpu.vector_load_idx %arg25[%add3A_490] : memref<32xi32, #tpu.memory_space<vmem>>[vector<16xi32>], vector<16xi32>,
        %gather3A_512 = tpu.vector_load_idx %arg25[%add3A_496] : memref<32xi32, #tpu.memory_space<vmem>>[vector<16xi32>], vector<16xi32>,
        %gather3A_513 = tpu.vector_load_idx %arg32[%add3A_406] : memref<32xf32, #tpu.memory_space<vmem>>[vector<16xi32>], vector<16xf32>,
        %gather3A_514 = tpu.vector_load_idx %arg32[%add3A_412] : memref<32xf32, #tpu.memory_space<vmem>>[vector<16xi32>], vector<16xf32>,
        %gather3A_515 = tpu.vector_load_idx %arg32[%add3A_418] : memref<32xf32, #tpu.memory_space<vmem>>[vector<16xi32>], vector<16xf32>,
        %gather3A_516 = tpu.vector_load_idx %arg32[%add3A_424] : memref<32xf32, #tpu.memory_space<vmem>>[vector<16xi32>], vector<16xf32>,
        %gather3A_517 = tpu.vector_load_idx %arg32[%add3A_430] : memref<32xf32, #tpu.memory_space<vmem>>[vector<16xi32>], vector<16xf32>,
        %gather3A_518 = tpu.vector_load_idx %arg32[%add3A_436] : memref<32xf32, #tpu.memory_space<vmem>>[vector<16xi32>], vector<16xf32>,
        %gather3A_519 = tpu.vector_load_idx %arg32[%add3A_442] : memref<32xf32, #tpu.memory_space<vmem>>[vector<16xi32>], vector<16xf32>,
        %gather3A_520 = tpu.vector_load_idx %arg32[%add3A_448] : memref<32xf32, #tpu.memory_space<vmem>>[vector<16xi32>], vector<16xf32>,
        %gather3A_521 = tpu.vector_load_idx %arg32[%add3A_454] : memref<32xf32, #tpu.memory_space<vmem>>[vector<16xi32>], vector<16xf32>,
        %gather3A_522 = tpu.vector_load_idx %arg32[%add3A_460] : memref<32xf32, #tpu.memory_space<vmem>>[vector<16xi32>], vector<16xf32>,
        %gather3A_523 = tpu.vector_load_idx %arg32[%add3A_466] : memref<32xf32, #tpu.memory_space<vmem>>[vector<16xi32>], vector<16xf32>,
        %gather3A_524 = tpu.vector_load_idx %arg32[%add3A_472] : memref<32xf32, #tpu.memory_space<vmem>>[vector<16xi32>], vector<16xf32>,
        %gather3A_525 = tpu.vector_load_idx %arg32[%add3A_478] : memref<32xf32, #tpu.memory_space<vmem>>[vector<16xi32>], vector<16xf32>,
        %gather3A_526 = tpu.vector_load_idx %arg32[%add3A_484] : memref<32xf32, #tpu.memory_space<vmem>>[vector<16xi32>], vector<16xf32>,
        %gather3A_527 = tpu.vector_load_idx %arg32[%add3A_490] : memref<32xf32, #tpu.memory_space<vmem>>[vector<16xi32>], vector<16xf32>,
        %gather3A_528 = tpu.vector_load_idx %arg32[%add3A_496] : memref<32xf32, #tpu.memory_space<vmem>>[vector<16xi32>], vector<16xf32>,
        %add3A_529 = arith.addi %broadcast_in_dim3A_219, %gather3A_497 : vector<16xi32>
        %gather3A_530 = tpu.vector_load_idx %arg21[%add3A_529] : memref<32768xf32, #tpu.memory_space<vmem>>[vector<16xi32>], vector<16xf32>,
        %add3A_531 = arith.addi %broadcast_in_dim3A_229, %gather3A_498 : vector<16xi32>
        %gather3A_532 = tpu.vector_load_idx %arg21[%add3A_531] : memref<32768xf32, #tpu.memory_space<vmem>>[vector<16xi32>], vector<16xf32>,
        %add3A_533 = arith.addi %broadcast_in_dim3A_239, %gather3A_499 : vector<16xi32>
        %gather3A_534 = tpu.vector_load_idx %arg21[%add3A_533] : memref<32768xf32, #tpu.memory_space<vmem>>[vector<16xi32>], vector<16xf32>,
        %add3A_535 = arith.addi %broadcast_in_dim3A_249, %gather3A_500 : vector<16xi32>
        %gather3A_536 = tpu.vector_load_idx %arg21[%add3A_535] : memref<32768xf32, #tpu.memory_space<vmem>>[vector<16xi32>], vector<16xf32>,
        %add3A_537 = arith.addi %broadcast_in_dim3A_259, %gather3A_501 : vector<16xi32>
        %gather3A_538 = tpu.vector_load_idx %arg21[%add3A_537] : memref<32768xf32, #tpu.memory_space<vmem>>[vector<16xi32>], vector<16xf32>,
        %add3A_539 = arith.addi %broadcast_in_dim3A_269, %gather3A_502 : vector<16xi32>
        %gather3A_540 = tpu.vector_load_idx %arg21[%add3A_539] : memref<32768xf32, #tpu.memory_space<vmem>>[vector<16xi32>], vector<16xf32>,
        %add3A_541 = arith.addi %broadcast_in_dim3A_279, %gather3A_503 : vector<16xi32>
        %gather3A_542 = tpu.vector_load_idx %arg21[%add3A_541] : memref<32768xf32, #tpu.memory_space<vmem>>[vector<16xi32>], vector<16xf32>,
        %add3A_543 = arith.addi %broadcast_in_dim3A_289, %gather3A_504 : vector<16xi32>
        %gather3A_544 = tpu.vector_load_idx %arg21[%add3A_543] : memref<32768xf32, #tpu.memory_space<vmem>>[vector<16xi32>], vector<16xf32>,
        %add3A_545 = arith.addi %broadcast_in_dim3A_299, %gather3A_505 : vector<16xi32>
        %gather3A_546 = tpu.vector_load_idx %arg21[%add3A_545] : memref<32768xf32, #tpu.memory_space<vmem>>[vector<16xi32>], vector<16xf32>,
        %add3A_547 = arith.addi %broadcast_in_dim3A_309, %gather3A_506 : vector<16xi32>
        %gather3A_548 = tpu.vector_load_idx %arg21[%add3A_547] : memref<32768xf32, #tpu.memory_space<vmem>>[vector<16xi32>], vector<16xf32>,
        %add3A_549 = arith.addi %broadcast_in_dim3A_319, %gather3A_507 : vector<16xi32>
        %gather3A_550 = tpu.vector_load_idx %arg21[%add3A_549] : memref<32768xf32, #tpu.memory_space<vmem>>[vector<16xi32>], vector<16xf32>,
        %add3A_551 = arith.addi %broadcast_in_dim3A_329, %gather3A_508 : vector<16xi32>
        %gather3A_552 = tpu.vector_load_idx %arg21[%add3A_551] : memref<32768xf32, #tpu.memory_space<vmem>>[vector<16xi32>], vector<16xf32>,
        %add3A_553 = arith.addi %broadcast_in_dim3A_339, %gather3A_509 : vector<16xi32>
        %gather3A_554 = tpu.vector_load_idx %arg21[%add3A_553] : memref<32768xf32, #tpu.memory_space<vmem>>[vector<16xi32>], vector<16xf32>,
        %add3A_555 = arith.addi %broadcast_in_dim3A_349, %gather3A_510 : vector<16xi32>
        %gather3A_556 = tpu.vector_load_idx %arg21[%add3A_555] : memref<32768xf32, #tpu.memory_space<vmem>>[vector<16xi32>], vector<16xf32>,
        %add3A_557 = arith.addi %broadcast_in_dim3A_359, %gather3A_511 : vector<16xi32>
        %gather3A_558 = tpu.vector_load_idx %arg21[%add3A_557] : memref<32768xf32, #tpu.memory_space<vmem>>[vector<16xi32>], vector<16xf32>,
        %add3A_559 = arith.addi %broadcast_in_dim3A_369, %gather3A_512 : vector<16xi32>
        %gather3A_560 = tpu.vector_load_idx %arg21[%add3A_559] : memref<32768xf32, #tpu.memory_space<vmem>>[vector<16xi32>], vector<16xf32>,
        %mul3A_561 = arith.constant 2 : i32
        %mul3A_562 = vector.broadcast %mul3A_561 : i32 to vector<16xi32>
        %mul3A_563 = arith.muli %mul3A_562, %add3A_406 : vector<16xi32>
        %ge3A_564 = arith.cmpf oge, %gather3A_530, %gather3A_513 : vector<16xf32>
        %convert_element_type3A_565 = arith.extui %ge3A_564 : vector<16xi1> to vector<16xi32>
        %add3A_566 = arith.addi %mul3A_563, %convert_element_type3A_565 : vector<16xi32>
        %mul3A_567 = arith.constant 2 : i32
        %mul3A_568 = vector.broadcast %mul3A_567 : i32 to vector<16xi32>
        %mul3A_569 = arith.muli %mul3A_568, %add3A_412 : vector<16xi32>
        %ge3A_570 = arith.cmpf oge, %gather3A_532, %gather3A_514 : vector<16xf32>
        %convert_element_type3A_571 = arith.extui %ge3A_570 : vector<16xi1> to vector<16xi32>
        %add3A_572 = arith.addi %mul3A_569, %convert_element_type3A_571 : vector<16xi32>
        %mul3A_573 = arith.constant 2 : i32
        %mul3A_574 = vector.broadcast %mul3A_573 : i32 to vector<16xi32>
        %mul3A_575 = arith.muli %mul3A_574, %add3A_418 : vector<16xi32>
        %ge3A_576 = arith.cmpf oge, %gather3A_534, %gather3A_515 : vector<16xf32>
        %convert_element_type3A_577 = arith.extui %ge3A_576 : vector<16xi1> to vector<16xi32>
        %add3A_578 = arith.addi %mul3A_575, %convert_element_type3A_577 : vector<16xi32>
        %mul3A_579 = arith.constant 2 : i32
        %mul3A_580 = vector.broadcast %mul3A_579 : i32 to vector<16xi32>
        %mul3A_581 = arith.muli %mul3A_580, %add3A_424 : vector<16xi32>
        %ge3A_582 = arith.cmpf oge, %gather3A_536, %gather3A_516 : vector<16xf32>
        %convert_element_type3A_583 = arith.extui %ge3A_582 : vector<16xi1> to vector<16xi32>
        %add3A_584 = arith.addi %mul3A_581, %convert_element_type3A_583 : vector<16xi32>
        %mul3A_585 = arith.constant 2 : i32
        %mul3A_586 = vector.broadcast %mul3A_585 : i32 to vector<16xi32>
        %mul3A_587 = arith.muli %mul3A_586, %add3A_430 : vector<16xi32>
        %ge3A_588 = arith.cmpf oge, %gather3A_538, %gather3A_517 : vector<16xf32>
        %convert_element_type3A_589 = arith.extui %ge3A_588 : vector<16xi1> to vector<16xi32>
        %add3A_590 = arith.addi %mul3A_587, %convert_element_type3A_589 : vector<16xi32>
        %mul3A_591 = arith.constant 2 : i32
        %mul3A_592 = vector.broadcast %mul3A_591 : i32 to vector<16xi32>
        %mul3A_593 = arith.muli %mul3A_592, %add3A_436 : vector<16xi32>
        %ge3A_594 = arith.cmpf oge, %gather3A_540, %gather3A_518 : vector<16xf32>
        %convert_element_type3A_595 = arith.extui %ge3A_594 : vector<16xi1> to vector<16xi32>
        %add3A_596 = arith.addi %mul3A_593, %convert_element_type3A_595 : vector<16xi32>
        %mul3A_597 = arith.constant 2 : i32
        %mul3A_598 = vector.broadcast %mul3A_597 : i32 to vector<16xi32>
        %mul3A_599 = arith.muli %mul3A_598, %add3A_442 : vector<16xi32>
        %ge3A_600 = arith.cmpf oge, %gather3A_542, %gather3A_519 : vector<16xf32>
        %convert_element_type3A_601 = arith.extui %ge3A_600 : vector<16xi1> to vector<16xi32>
        %add3A_602 = arith.addi %mul3A_599, %convert_element_type3A_601 : vector<16xi32>
        %mul3A_603 = arith.constant 2 : i32
        %mul3A_604 = vector.broadcast %mul3A_603 : i32 to vector<16xi32>
        %mul3A_605 = arith.muli %mul3A_604, %add3A_448 : vector<16xi32>
        %ge3A_606 = arith.cmpf oge, %gather3A_544, %gather3A_520 : vector<16xf32>
        %convert_element_type3A_607 = arith.extui %ge3A_606 : vector<16xi1> to vector<16xi32>
        %add3A_608 = arith.addi %mul3A_605, %convert_element_type3A_607 : vector<16xi32>
        %mul3A_609 = arith.constant 2 : i32
        %mul3A_610 = vector.broadcast %mul3A_609 : i32 to vector<16xi32>
        %mul3A_611 = arith.muli %mul3A_610, %add3A_454 : vector<16xi32>
        %ge3A_612 = arith.cmpf oge, %gather3A_546, %gather3A_521 : vector<16xf32>
        %convert_element_type3A_613 = arith.extui %ge3A_612 : vector<16xi1> to vector<16xi32>
        %add3A_614 = arith.addi %mul3A_611, %convert_element_type3A_613 : vector<16xi32>
        %mul3A_615 = arith.constant 2 : i32
        %mul3A_616 = vector.broadcast %mul3A_615 : i32 to vector<16xi32>
        %mul3A_617 = arith.muli %mul3A_616, %add3A_460 : vector<16xi32>
        %ge3A_618 = arith.cmpf oge, %gather3A_548, %gather3A_522 : vector<16xf32>
        %convert_element_type3A_619 = arith.extui %ge3A_618 : vector<16xi1> to vector<16xi32>
        %add3A_620 = arith.addi %mul3A_617, %convert_element_type3A_619 : vector<16xi32>
        %mul3A_621 = arith.constant 2 : i32
        %mul3A_622 = vector.broadcast %mul3A_621 : i32 to vector<16xi32>
        %mul3A_623 = arith.muli %mul3A_622, %add3A_466 : vector<16xi32>
        %ge3A_624 = arith.cmpf oge, %gather3A_550, %gather3A_523 : vector<16xf32>
        %convert_element_type3A_625 = arith.extui %ge3A_624 : vector<16xi1> to vector<16xi32>
        %add3A_626 = arith.addi %mul3A_623, %convert_element_type3A_625 : vector<16xi32>
        %mul3A_627 = arith.constant 2 : i32
        %mul3A_628 = vector.broadcast %mul3A_627 : i32 to vector<16xi32>
        %mul3A_629 = arith.muli %mul3A_628, %add3A_472 : vector<16xi32>
        %ge3A_630 = arith.cmpf oge, %gather3A_552, %gather3A_524 : vector<16xf32>
        %convert_element_type3A_631 = arith.extui %ge3A_630 : vector<16xi1> to vector<16xi32>
        %add3A_632 = arith.addi %mul3A_629, %convert_element_type3A_631 : vector<16xi32>
        %mul3A_633 = arith.constant 2 : i32
        %mul3A_634 = vector.broadcast %mul3A_633 : i32 to vector<16xi32>
        %mul3A_635 = arith.muli %mul3A_634, %add3A_478 : vector<16xi32>
        %ge3A_636 = arith.cmpf oge, %gather3A_554, %gather3A_525 : vector<16xf32>
        %convert_element_type3A_637 = arith.extui %ge3A_636 : vector<16xi1> to vector<16xi32>
        %add3A_638 = arith.addi %mul3A_635, %convert_element_type3A_637 : vector<16xi32>
        %mul3A_639 = arith.constant 2 : i32
        %mul3A_640 = vector.broadcast %mul3A_639 : i32 to vector<16xi32>
        %mul3A_641 = arith.muli %mul3A_640, %add3A_484 : vector<16xi32>
        %ge3A_642 = arith.cmpf oge, %gather3A_556, %gather3A_526 : vector<16xf32>
        %convert_element_type3A_643 = arith.extui %ge3A_642 : vector<16xi1> to vector<16xi32>
        %add3A_644 = arith.addi %mul3A_641, %convert_element_type3A_643 : vector<16xi32>
        %mul3A_645 = arith.constant 2 : i32
        %mul3A_646 = vector.broadcast %mul3A_645 : i32 to vector<16xi32>
        %mul3A_647 = arith.muli %mul3A_646, %add3A_490 : vector<16xi32>
        %ge3A_648 = arith.cmpf oge, %gather3A_558, %gather3A_527 : vector<16xf32>
        %convert_element_type3A_649 = arith.extui %ge3A_648 : vector<16xi1> to vector<16xi32>
        %add3A_650 = arith.addi %mul3A_647, %convert_element_type3A_649 : vector<16xi32>
        %mul3A_651 = arith.constant 2 : i32
        %mul3A_652 = vector.broadcast %mul3A_651 : i32 to vector<16xi32>
        %mul3A_653 = arith.muli %mul3A_652, %add3A_496 : vector<16xi32>
        %ge3A_654 = arith.cmpf oge, %gather3A_560, %gather3A_528 : vector<16xf32>
        %convert_element_type3A_655 = arith.extui %ge3A_654 : vector<16xi1> to vector<16xi32>
        %add3A_656 = arith.addi %mul3A_653, %convert_element_type3A_655 : vector<16xi32>
        %gather3A_657 = tpu.vector_load_idx %arg26[%add3A_566] : memref<64xi32, #tpu.memory_space<vmem>>[vector<16xi32>], vector<16xi32>,
        %gather3A_658 = tpu.vector_load_idx %arg26[%add3A_572] : memref<64xi32, #tpu.memory_space<vmem>>[vector<16xi32>], vector<16xi32>,
        %gather3A_659 = tpu.vector_load_idx %arg26[%add3A_578] : memref<64xi32, #tpu.memory_space<vmem>>[vector<16xi32>], vector<16xi32>,
        %gather3A_660 = tpu.vector_load_idx %arg26[%add3A_584] : memref<64xi32, #tpu.memory_space<vmem>>[vector<16xi32>], vector<16xi32>,
        %gather3A_661 = tpu.vector_load_idx %arg26[%add3A_590] : memref<64xi32, #tpu.memory_space<vmem>>[vector<16xi32>], vector<16xi32>,
        %gather3A_662 = tpu.vector_load_idx %arg26[%add3A_596] : memref<64xi32, #tpu.memory_space<vmem>>[vector<16xi32>], vector<16xi32>,
        %gather3A_663 = tpu.vector_load_idx %arg26[%add3A_602] : memref<64xi32, #tpu.memory_space<vmem>>[vector<16xi32>], vector<16xi32>,
        %gather3A_664 = tpu.vector_load_idx %arg26[%add3A_608] : memref<64xi32, #tpu.memory_space<vmem>>[vector<16xi32>], vector<16xi32>,
        %gather3A_665 = tpu.vector_load_idx %arg26[%add3A_614] : memref<64xi32, #tpu.memory_space<vmem>>[vector<16xi32>], vector<16xi32>,
        %gather3A_666 = tpu.vector_load_idx %arg26[%add3A_620] : memref<64xi32, #tpu.memory_space<vmem>>[vector<16xi32>], vector<16xi32>,
        %gather3A_667 = tpu.vector_load_idx %arg26[%add3A_626] : memref<64xi32, #tpu.memory_space<vmem>>[vector<16xi32>], vector<16xi32>,
        %gather3A_668 = tpu.vector_load_idx %arg26[%add3A_632] : memref<64xi32, #tpu.memory_space<vmem>>[vector<16xi32>], vector<16xi32>,
        %gather3A_669 = tpu.vector_load_idx %arg26[%add3A_638] : memref<64xi32, #tpu.memory_space<vmem>>[vector<16xi32>], vector<16xi32>,
        %gather3A_670 = tpu.vector_load_idx %arg26[%add3A_644] : memref<64xi32, #tpu.memory_space<vmem>>[vector<16xi32>], vector<16xi32>,
        %gather3A_671 = tpu.vector_load_idx %arg26[%add3A_650] : memref<64xi32, #tpu.memory_space<vmem>>[vector<16xi32>], vector<16xi32>,
        %gather3A_672 = tpu.vector_load_idx %arg26[%add3A_656] : memref<64xi32, #tpu.memory_space<vmem>>[vector<16xi32>], vector<16xi32>,
        %gather3A_673 = tpu.vector_load_idx %arg33[%add3A_566] : memref<64xf32, #tpu.memory_space<vmem>>[vector<16xi32>], vector<16xf32>,
        %gather3A_674 = tpu.vector_load_idx %arg33[%add3A_572] : memref<64xf32, #tpu.memory_space<vmem>>[vector<16xi32>], vector<16xf32>,
        %gather3A_675 = tpu.vector_load_idx %arg33[%add3A_578] : memref<64xf32, #tpu.memory_space<vmem>>[vector<16xi32>], vector<16xf32>,
        %gather3A_676 = tpu.vector_load_idx %arg33[%add3A_584] : memref<64xf32, #tpu.memory_space<vmem>>[vector<16xi32>], vector<16xf32>,
        %gather3A_677 = tpu.vector_load_idx %arg33[%add3A_590] : memref<64xf32, #tpu.memory_space<vmem>>[vector<16xi32>], vector<16xf32>,
        %gather3A_678 = tpu.vector_load_idx %arg33[%add3A_596] : memref<64xf32, #tpu.memory_space<vmem>>[vector<16xi32>], vector<16xf32>,
        %gather3A_679 = tpu.vector_load_idx %arg33[%add3A_602] : memref<64xf32, #tpu.memory_space<vmem>>[vector<16xi32>], vector<16xf32>,
        %gather3A_680 = tpu.vector_load_idx %arg33[%add3A_608] : memref<64xf32, #tpu.memory_space<vmem>>[vector<16xi32>], vector<16xf32>,
        %gather3A_681 = tpu.vector_load_idx %arg33[%add3A_614] : memref<64xf32, #tpu.memory_space<vmem>>[vector<16xi32>], vector<16xf32>,
        %gather3A_682 = tpu.vector_load_idx %arg33[%add3A_620] : memref<64xf32, #tpu.memory_space<vmem>>[vector<16xi32>], vector<16xf32>,
        %gather3A_683 = tpu.vector_load_idx %arg33[%add3A_626] : memref<64xf32, #tpu.memory_space<vmem>>[vector<16xi32>], vector<16xf32>,
        %gather3A_684 = tpu.vector_load_idx %arg33[%add3A_632] : memref<64xf32, #tpu.memory_space<vmem>>[vector<16xi32>], vector<16xf32>,
        %gather3A_685 = tpu.vector_load_idx %arg33[%add3A_638] : memref<64xf32, #tpu.memory_space<vmem>>[vector<16xi32>], vector<16xf32>,
        %gather3A_686 = tpu.vector_load_idx %arg33[%add3A_644] : memref<64xf32, #tpu.memory_space<vmem>>[vector<16xi32>], vector<16xf32>,
        %gather3A_687 = tpu.vector_load_idx %arg33[%add3A_650] : memref<64xf32, #tpu.memory_space<vmem>>[vector<16xi32>], vector<16xf32>,
        %gather3A_688 = tpu.vector_load_idx %arg33[%add3A_656] : memref<64xf32, #tpu.memory_space<vmem>>[vector<16xi32>], vector<16xf32>,
        %add3A_689 = arith.addi %broadcast_in_dim3A_219, %gather3A_657 : vector<16xi32>
        %gather3A_690 = tpu.vector_load_idx %arg21[%add3A_689] : memref<32768xf32, #tpu.memory_space<vmem>>[vector<16xi32>], vector<16xf32>,
        %add3A_691 = arith.addi %broadcast_in_dim3A_229, %gather3A_658 : vector<16xi32>
        %gather3A_692 = tpu.vector_load_idx %arg21[%add3A_691] : memref<32768xf32, #tpu.memory_space<vmem>>[vector<16xi32>], vector<16xf32>,
        %add3A_693 = arith.addi %broadcast_in_dim3A_239, %gather3A_659 : vector<16xi32>
        %gather3A_694 = tpu.vector_load_idx %arg21[%add3A_693] : memref<32768xf32, #tpu.memory_space<vmem>>[vector<16xi32>], vector<16xf32>,
        %add3A_695 = arith.addi %broadcast_in_dim3A_249, %gather3A_660 : vector<16xi32>
        %gather3A_696 = tpu.vector_load_idx %arg21[%add3A_695] : memref<32768xf32, #tpu.memory_space<vmem>>[vector<16xi32>], vector<16xf32>,
        %add3A_697 = arith.addi %broadcast_in_dim3A_259, %gather3A_661 : vector<16xi32>
        %gather3A_698 = tpu.vector_load_idx %arg21[%add3A_697] : memref<32768xf32, #tpu.memory_space<vmem>>[vector<16xi32>], vector<16xf32>,
        %add3A_699 = arith.addi %broadcast_in_dim3A_269, %gather3A_662 : vector<16xi32>
        %gather3A_700 = tpu.vector_load_idx %arg21[%add3A_699] : memref<32768xf32, #tpu.memory_space<vmem>>[vector<16xi32>], vector<16xf32>,
        %add3A_701 = arith.addi %broadcast_in_dim3A_279, %gather3A_663 : vector<16xi32>
        %gather3A_702 = tpu.vector_load_idx %arg21[%add3A_701] : memref<32768xf32, #tpu.memory_space<vmem>>[vector<16xi32>], vector<16xf32>,
        %add3A_703 = arith.addi %broadcast_in_dim3A_289, %gather3A_664 : vector<16xi32>
        %gather3A_704 = tpu.vector_load_idx %arg21[%add3A_703] : memref<32768xf32, #tpu.memory_space<vmem>>[vector<16xi32>], vector<16xf32>,
        %add3A_705 = arith.addi %broadcast_in_dim3A_299, %gather3A_665 : vector<16xi32>
        %gather3A_706 = tpu.vector_load_idx %arg21[%add3A_705] : memref<32768xf32, #tpu.memory_space<vmem>>[vector<16xi32>], vector<16xf32>,
        %add3A_707 = arith.addi %broadcast_in_dim3A_309, %gather3A_666 : vector<16xi32>
        %gather3A_708 = tpu.vector_load_idx %arg21[%add3A_707] : memref<32768xf32, #tpu.memory_space<vmem>>[vector<16xi32>], vector<16xf32>,
        %add3A_709 = arith.addi %broadcast_in_dim3A_319, %gather3A_667 : vector<16xi32>
        %gather3A_710 = tpu.vector_load_idx %arg21[%add3A_709] : memref<32768xf32, #tpu.memory_space<vmem>>[vector<16xi32>], vector<16xf32>,
        %add3A_711 = arith.addi %broadcast_in_dim3A_329, %gather3A_668 : vector<16xi32>
        %gather3A_712 = tpu.vector_load_idx %arg21[%add3A_711] : memref<32768xf32, #tpu.memory_space<vmem>>[vector<16xi32>], vector<16xf32>,
        %add3A_713 = arith.addi %broadcast_in_dim3A_339, %gather3A_669 : vector<16xi32>
        %gather3A_714 = tpu.vector_load_idx %arg21[%add3A_713] : memref<32768xf32, #tpu.memory_space<vmem>>[vector<16xi32>], vector<16xf32>,
        %add3A_715 = arith.addi %broadcast_in_dim3A_349, %gather3A_670 : vector<16xi32>
        %gather3A_716 = tpu.vector_load_idx %arg21[%add3A_715] : memref<32768xf32, #tpu.memory_space<vmem>>[vector<16xi32>], vector<16xf32>,
        %add3A_717 = arith.addi %broadcast_in_dim3A_359, %gather3A_671 : vector<16xi32>
        %gather3A_718 = tpu.vector_load_idx %arg21[%add3A_717] : memref<32768xf32, #tpu.memory_space<vmem>>[vector<16xi32>], vector<16xf32>,
        %add3A_719 = arith.addi %broadcast_in_dim3A_369, %gather3A_672 : vector<16xi32>
        %gather3A_720 = tpu.vector_load_idx %arg21[%add3A_719] : memref<32768xf32, #tpu.memory_space<vmem>>[vector<16xi32>], vector<16xf32>,
        %mul3A_721 = arith.constant 2 : i32
        %mul3A_722 = vector.broadcast %mul3A_721 : i32 to vector<16xi32>
        %mul3A_723 = arith.muli %mul3A_722, %add3A_566 : vector<16xi32>
        %ge3A_724 = arith.cmpf oge, %gather3A_690, %gather3A_673 : vector<16xf32>
        %convert_element_type3A_725 = arith.extui %ge3A_724 : vector<16xi1> to vector<16xi32>
        %add3A_726 = arith.addi %mul3A_723, %convert_element_type3A_725 : vector<16xi32>
        %mul3A_727 = arith.constant 2 : i32
        %mul3A_728 = vector.broadcast %mul3A_727 : i32 to vector<16xi32>
        %mul3A_729 = arith.muli %mul3A_728, %add3A_572 : vector<16xi32>
        %ge3A_730 = arith.cmpf oge, %gather3A_692, %gather3A_674 : vector<16xf32>
        %convert_element_type3A_731 = arith.extui %ge3A_730 : vector<16xi1> to vector<16xi32>
        %add3A_732 = arith.addi %mul3A_729, %convert_element_type3A_731 : vector<16xi32>
        %mul3A_733 = arith.constant 2 : i32
        %mul3A_734 = vector.broadcast %mul3A_733 : i32 to vector<16xi32>
        %mul3A_735 = arith.muli %mul3A_734, %add3A_578 : vector<16xi32>
        %ge3A_736 = arith.cmpf oge, %gather3A_694, %gather3A_675 : vector<16xf32>
        %convert_element_type3A_737 = arith.extui %ge3A_736 : vector<16xi1> to vector<16xi32>
        %add3A_738 = arith.addi %mul3A_735, %convert_element_type3A_737 : vector<16xi32>
        %mul3A_739 = arith.constant 2 : i32
        %mul3A_740 = vector.broadcast %mul3A_739 : i32 to vector<16xi32>
        %mul3A_741 = arith.muli %mul3A_740, %add3A_584 : vector<16xi32>
        %ge3A_742 = arith.cmpf oge, %gather3A_696, %gather3A_676 : vector<16xf32>
        %convert_element_type3A_743 = arith.extui %ge3A_742 : vector<16xi1> to vector<16xi32>
        %add3A_744 = arith.addi %mul3A_741, %convert_element_type3A_743 : vector<16xi32>
        %mul3A_745 = arith.constant 2 : i32
        %mul3A_746 = vector.broadcast %mul3A_745 : i32 to vector<16xi32>
        %mul3A_747 = arith.muli %mul3A_746, %add3A_590 : vector<16xi32>
        %ge3A_748 = arith.cmpf oge, %gather3A_698, %gather3A_677 : vector<16xf32>
        %convert_element_type3A_749 = arith.extui %ge3A_748 : vector<16xi1> to vector<16xi32>
        %add3A_750 = arith.addi %mul3A_747, %convert_element_type3A_749 : vector<16xi32>
        %mul3A_751 = arith.constant 2 : i32
        %mul3A_752 = vector.broadcast %mul3A_751 : i32 to vector<16xi32>
        %mul3A_753 = arith.muli %mul3A_752, %add3A_596 : vector<16xi32>
        %ge3A_754 = arith.cmpf oge, %gather3A_700, %gather3A_678 : vector<16xf32>
        %convert_element_type3A_755 = arith.extui %ge3A_754 : vector<16xi1> to vector<16xi32>
        %add3A_756 = arith.addi %mul3A_753, %convert_element_type3A_755 : vector<16xi32>
        %mul3A_757 = arith.constant 2 : i32
        %mul3A_758 = vector.broadcast %mul3A_757 : i32 to vector<16xi32>
        %mul3A_759 = arith.muli %mul3A_758, %add3A_602 : vector<16xi32>
        %ge3A_760 = arith.cmpf oge, %gather3A_702, %gather3A_679 : vector<16xf32>
        %convert_element_type3A_761 = arith.extui %ge3A_760 : vector<16xi1> to vector<16xi32>
        %add3A_762 = arith.addi %mul3A_759, %convert_element_type3A_761 : vector<16xi32>
        %mul3A_763 = arith.constant 2 : i32
        %mul3A_764 = vector.broadcast %mul3A_763 : i32 to vector<16xi32>
        %mul3A_765 = arith.muli %mul3A_764, %add3A_608 : vector<16xi32>
        %ge3A_766 = arith.cmpf oge, %gather3A_704, %gather3A_680 : vector<16xf32>
        %convert_element_type3A_767 = arith.extui %ge3A_766 : vector<16xi1> to vector<16xi32>
        %add3A_768 = arith.addi %mul3A_765, %convert_element_type3A_767 : vector<16xi32>
        %mul3A_769 = arith.constant 2 : i32
        %mul3A_770 = vector.broadcast %mul3A_769 : i32 to vector<16xi32>
        %mul3A_771 = arith.muli %mul3A_770, %add3A_614 : vector<16xi32>
        %ge3A_772 = arith.cmpf oge, %gather3A_706, %gather3A_681 : vector<16xf32>
        %convert_element_type3A_773 = arith.extui %ge3A_772 : vector<16xi1> to vector<16xi32>
        %add3A_774 = arith.addi %mul3A_771, %convert_element_type3A_773 : vector<16xi32>
        %mul3A_775 = arith.constant 2 : i32
        %mul3A_776 = vector.broadcast %mul3A_775 : i32 to vector<16xi32>
        %mul3A_777 = arith.muli %mul3A_776, %add3A_620 : vector<16xi32>
        %ge3A_778 = arith.cmpf oge, %gather3A_708, %gather3A_682 : vector<16xf32>
        %convert_element_type3A_779 = arith.extui %ge3A_778 : vector<16xi1> to vector<16xi32>
        %add3A_780 = arith.addi %mul3A_777, %convert_element_type3A_779 : vector<16xi32>
        %mul3A_781 = arith.constant 2 : i32
        %mul3A_782 = vector.broadcast %mul3A_781 : i32 to vector<16xi32>
        %mul3A_783 = arith.muli %mul3A_782, %add3A_626 : vector<16xi32>
        %ge3A_784 = arith.cmpf oge, %gather3A_710, %gather3A_683 : vector<16xf32>
        %convert_element_type3A_785 = arith.extui %ge3A_784 : vector<16xi1> to vector<16xi32>
        %add3A_786 = arith.addi %mul3A_783, %convert_element_type3A_785 : vector<16xi32>
        %mul3A_787 = arith.constant 2 : i32
        %mul3A_788 = vector.broadcast %mul3A_787 : i32 to vector<16xi32>
        %mul3A_789 = arith.muli %mul3A_788, %add3A_632 : vector<16xi32>
        %ge3A_790 = arith.cmpf oge, %gather3A_712, %gather3A_684 : vector<16xf32>
        %convert_element_type3A_791 = arith.extui %ge3A_790 : vector<16xi1> to vector<16xi32>
        %add3A_792 = arith.addi %mul3A_789, %convert_element_type3A_791 : vector<16xi32>
        %mul3A_793 = arith.constant 2 : i32
        %mul3A_794 = vector.broadcast %mul3A_793 : i32 to vector<16xi32>
        %mul3A_795 = arith.muli %mul3A_794, %add3A_638 : vector<16xi32>
        %ge3A_796 = arith.cmpf oge, %gather3A_714, %gather3A_685 : vector<16xf32>
        %convert_element_type3A_797 = arith.extui %ge3A_796 : vector<16xi1> to vector<16xi32>
        %add3A_798 = arith.addi %mul3A_795, %convert_element_type3A_797 : vector<16xi32>
        %mul3A_799 = arith.constant 2 : i32
        %mul3A_800 = vector.broadcast %mul3A_799 : i32 to vector<16xi32>
        %mul3A_801 = arith.muli %mul3A_800, %add3A_644 : vector<16xi32>
        %ge3A_802 = arith.cmpf oge, %gather3A_716, %gather3A_686 : vector<16xf32>
        %convert_element_type3A_803 = arith.extui %ge3A_802 : vector<16xi1> to vector<16xi32>
        %add3A_804 = arith.addi %mul3A_801, %convert_element_type3A_803 : vector<16xi32>
        %mul3A_805 = arith.constant 2 : i32
        %mul3A_806 = vector.broadcast %mul3A_805 : i32 to vector<16xi32>
        %mul3A_807 = arith.muli %mul3A_806, %add3A_650 : vector<16xi32>
        %ge3A_808 = arith.cmpf oge, %gather3A_718, %gather3A_687 : vector<16xf32>
        %convert_element_type3A_809 = arith.extui %ge3A_808 : vector<16xi1> to vector<16xi32>
        %add3A_810 = arith.addi %mul3A_807, %convert_element_type3A_809 : vector<16xi32>
        %mul3A_811 = arith.constant 2 : i32
        %mul3A_812 = vector.broadcast %mul3A_811 : i32 to vector<16xi32>
        %mul3A_813 = arith.muli %mul3A_812, %add3A_656 : vector<16xi32>
        %ge3A_814 = arith.cmpf oge, %gather3A_720, %gather3A_688 : vector<16xf32>
        %convert_element_type3A_815 = arith.extui %ge3A_814 : vector<16xi1> to vector<16xi32>
        %add3A_816 = arith.addi %mul3A_813, %convert_element_type3A_815 : vector<16xi32>
        %gather3A_817 = tpu.vector_load_idx %arg27[%add3A_726] : memref<128xi32, #tpu.memory_space<vmem>>[vector<16xi32>], vector<16xi32>,
        %gather3A_818 = tpu.vector_load_idx %arg27[%add3A_732] : memref<128xi32, #tpu.memory_space<vmem>>[vector<16xi32>], vector<16xi32>,
        %gather3A_819 = tpu.vector_load_idx %arg27[%add3A_738] : memref<128xi32, #tpu.memory_space<vmem>>[vector<16xi32>], vector<16xi32>,
        %gather3A_820 = tpu.vector_load_idx %arg27[%add3A_744] : memref<128xi32, #tpu.memory_space<vmem>>[vector<16xi32>], vector<16xi32>,
        %gather3A_821 = tpu.vector_load_idx %arg27[%add3A_750] : memref<128xi32, #tpu.memory_space<vmem>>[vector<16xi32>], vector<16xi32>,
        %gather3A_822 = tpu.vector_load_idx %arg27[%add3A_756] : memref<128xi32, #tpu.memory_space<vmem>>[vector<16xi32>], vector<16xi32>,
        %gather3A_823 = tpu.vector_load_idx %arg27[%add3A_762] : memref<128xi32, #tpu.memory_space<vmem>>[vector<16xi32>], vector<16xi32>,
        %gather3A_824 = tpu.vector_load_idx %arg27[%add3A_768] : memref<128xi32, #tpu.memory_space<vmem>>[vector<16xi32>], vector<16xi32>,
        %gather3A_825 = tpu.vector_load_idx %arg27[%add3A_774] : memref<128xi32, #tpu.memory_space<vmem>>[vector<16xi32>], vector<16xi32>,
        %gather3A_826 = tpu.vector_load_idx %arg27[%add3A_780] : memref<128xi32, #tpu.memory_space<vmem>>[vector<16xi32>], vector<16xi32>,
        %gather3A_827 = tpu.vector_load_idx %arg27[%add3A_786] : memref<128xi32, #tpu.memory_space<vmem>>[vector<16xi32>], vector<16xi32>,
        %gather3A_828 = tpu.vector_load_idx %arg27[%add3A_792] : memref<128xi32, #tpu.memory_space<vmem>>[vector<16xi32>], vector<16xi32>,
        %gather3A_829 = tpu.vector_load_idx %arg27[%add3A_798] : memref<128xi32, #tpu.memory_space<vmem>>[vector<16xi32>], vector<16xi32>,
        %gather3A_830 = tpu.vector_load_idx %arg27[%add3A_804] : memref<128xi32, #tpu.memory_space<vmem>>[vector<16xi32>], vector<16xi32>,
        %gather3A_831 = tpu.vector_load_idx %arg27[%add3A_810] : memref<128xi32, #tpu.memory_space<vmem>>[vector<16xi32>], vector<16xi32>,
        %gather3A_832 = tpu.vector_load_idx %arg27[%add3A_816] : memref<128xi32, #tpu.memory_space<vmem>>[vector<16xi32>], vector<16xi32>,
        %gather3A_833 = tpu.vector_load_idx %arg34[%add3A_726] : memref<128xf32, #tpu.memory_space<vmem>>[vector<16xi32>], vector<16xf32>,
        %gather3A_834 = tpu.vector_load_idx %arg34[%add3A_732] : memref<128xf32, #tpu.memory_space<vmem>>[vector<16xi32>], vector<16xf32>,
        %gather3A_835 = tpu.vector_load_idx %arg34[%add3A_738] : memref<128xf32, #tpu.memory_space<vmem>>[vector<16xi32>], vector<16xf32>,
        %gather3A_836 = tpu.vector_load_idx %arg34[%add3A_744] : memref<128xf32, #tpu.memory_space<vmem>>[vector<16xi32>], vector<16xf32>,
        %gather3A_837 = tpu.vector_load_idx %arg34[%add3A_750] : memref<128xf32, #tpu.memory_space<vmem>>[vector<16xi32>], vector<16xf32>,
        %gather3A_838 = tpu.vector_load_idx %arg34[%add3A_756] : memref<128xf32, #tpu.memory_space<vmem>>[vector<16xi32>], vector<16xf32>,
        %gather3A_839 = tpu.vector_load_idx %arg34[%add3A_762] : memref<128xf32, #tpu.memory_space<vmem>>[vector<16xi32>], vector<16xf32>,
        %gather3A_840 = tpu.vector_load_idx %arg34[%add3A_768] : memref<128xf32, #tpu.memory_space<vmem>>[vector<16xi32>], vector<16xf32>,
        %gather3A_841 = tpu.vector_load_idx %arg34[%add3A_774] : memref<128xf32, #tpu.memory_space<vmem>>[vector<16xi32>], vector<16xf32>,
        %gather3A_842 = tpu.vector_load_idx %arg34[%add3A_780] : memref<128xf32, #tpu.memory_space<vmem>>[vector<16xi32>], vector<16xf32>,
        %gather3A_843 = tpu.vector_load_idx %arg34[%add3A_786] : memref<128xf32, #tpu.memory_space<vmem>>[vector<16xi32>], vector<16xf32>,
        %gather3A_844 = tpu.vector_load_idx %arg34[%add3A_792] : memref<128xf32, #tpu.memory_space<vmem>>[vector<16xi32>], vector<16xf32>,
        %gather3A_845 = tpu.vector_load_idx %arg34[%add3A_798] : memref<128xf32, #tpu.memory_space<vmem>>[vector<16xi32>], vector<16xf32>,
        %gather3A_846 = tpu.vector_load_idx %arg34[%add3A_804] : memref<128xf32, #tpu.memory_space<vmem>>[vector<16xi32>], vector<16xf32>,
        %gather3A_847 = tpu.vector_load_idx %arg34[%add3A_810] : memref<128xf32, #tpu.memory_space<vmem>>[vector<16xi32>], vector<16xf32>,
        %gather3A_848 = tpu.vector_load_idx %arg34[%add3A_816] : memref<128xf32, #tpu.memory_space<vmem>>[vector<16xi32>], vector<16xf32>,
        %add3A_849 = arith.addi %broadcast_in_dim3A_219, %gather3A_817 : vector<16xi32>
        %gather3A_850 = tpu.vector_load_idx %arg21[%add3A_849] : memref<32768xf32, #tpu.memory_space<vmem>>[vector<16xi32>], vector<16xf32>,
        %add3A_851 = arith.addi %broadcast_in_dim3A_229, %gather3A_818 : vector<16xi32>
        %gather3A_852 = tpu.vector_load_idx %arg21[%add3A_851] : memref<32768xf32, #tpu.memory_space<vmem>>[vector<16xi32>], vector<16xf32>,
        %add3A_853 = arith.addi %broadcast_in_dim3A_239, %gather3A_819 : vector<16xi32>
        %gather3A_854 = tpu.vector_load_idx %arg21[%add3A_853] : memref<32768xf32, #tpu.memory_space<vmem>>[vector<16xi32>], vector<16xf32>,
        %add3A_855 = arith.addi %broadcast_in_dim3A_249, %gather3A_820 : vector<16xi32>
        %gather3A_856 = tpu.vector_load_idx %arg21[%add3A_855] : memref<32768xf32, #tpu.memory_space<vmem>>[vector<16xi32>], vector<16xf32>,
        %add3A_857 = arith.addi %broadcast_in_dim3A_259, %gather3A_821 : vector<16xi32>
        %gather3A_858 = tpu.vector_load_idx %arg21[%add3A_857] : memref<32768xf32, #tpu.memory_space<vmem>>[vector<16xi32>], vector<16xf32>,
        %add3A_859 = arith.addi %broadcast_in_dim3A_269, %gather3A_822 : vector<16xi32>
        %gather3A_860 = tpu.vector_load_idx %arg21[%add3A_859] : memref<32768xf32, #tpu.memory_space<vmem>>[vector<16xi32>], vector<16xf32>,
        %add3A_861 = arith.addi %broadcast_in_dim3A_279, %gather3A_823 : vector<16xi32>
        %gather3A_862 = tpu.vector_load_idx %arg21[%add3A_861] : memref<32768xf32, #tpu.memory_space<vmem>>[vector<16xi32>], vector<16xf32>,
        %add3A_863 = arith.addi %broadcast_in_dim3A_289, %gather3A_824 : vector<16xi32>
        %gather3A_864 = tpu.vector_load_idx %arg21[%add3A_863] : memref<32768xf32, #tpu.memory_space<vmem>>[vector<16xi32>], vector<16xf32>,
        %add3A_865 = arith.addi %broadcast_in_dim3A_299, %gather3A_825 : vector<16xi32>
        %gather3A_866 = tpu.vector_load_idx %arg21[%add3A_865] : memref<32768xf32, #tpu.memory_space<vmem>>[vector<16xi32>], vector<16xf32>,
        %add3A_867 = arith.addi %broadcast_in_dim3A_309, %gather3A_826 : vector<16xi32>
        %gather3A_868 = tpu.vector_load_idx %arg21[%add3A_867] : memref<32768xf32, #tpu.memory_space<vmem>>[vector<16xi32>], vector<16xf32>,
        %add3A_869 = arith.addi %broadcast_in_dim3A_319, %gather3A_827 : vector<16xi32>
        %gather3A_870 = tpu.vector_load_idx %arg21[%add3A_869] : memref<32768xf32, #tpu.memory_space<vmem>>[vector<16xi32>], vector<16xf32>,
        %add3A_871 = arith.addi %broadcast_in_dim3A_329, %gather3A_828 : vector<16xi32>
        %gather3A_872 = tpu.vector_load_idx %arg21[%add3A_871] : memref<32768xf32, #tpu.memory_space<vmem>>[vector<16xi32>], vector<16xf32>,
        %add3A_873 = arith.addi %broadcast_in_dim3A_339, %gather3A_829 : vector<16xi32>
        %gather3A_874 = tpu.vector_load_idx %arg21[%add3A_873] : memref<32768xf32, #tpu.memory_space<vmem>>[vector<16xi32>], vector<16xf32>,
        %add3A_875 = arith.addi %broadcast_in_dim3A_349, %gather3A_830 : vector<16xi32>
        %gather3A_876 = tpu.vector_load_idx %arg21[%add3A_875] : memref<32768xf32, #tpu.memory_space<vmem>>[vector<16xi32>], vector<16xf32>,
        %add3A_877 = arith.addi %broadcast_in_dim3A_359, %gather3A_831 : vector<16xi32>
        %gather3A_878 = tpu.vector_load_idx %arg21[%add3A_877] : memref<32768xf32, #tpu.memory_space<vmem>>[vector<16xi32>], vector<16xf32>,
        %add3A_879 = arith.addi %broadcast_in_dim3A_369, %gather3A_832 : vector<16xi32>
        %gather3A_880 = tpu.vector_load_idx %arg21[%add3A_879] : memref<32768xf32, #tpu.memory_space<vmem>>[vector<16xi32>], vector<16xf32>,
        %mul3A_881 = arith.constant 2 : i32
        %mul3A_882 = vector.broadcast %mul3A_881 : i32 to vector<16xi32>
        %mul3A_883 = arith.muli %mul3A_882, %add3A_726 : vector<16xi32>
        %ge3A_884 = arith.cmpf oge, %gather3A_850, %gather3A_833 : vector<16xf32>
        %convert_element_type3A_885 = arith.extui %ge3A_884 : vector<16xi1> to vector<16xi32>
        %add3A_886 = arith.addi %mul3A_883, %convert_element_type3A_885 : vector<16xi32>
        %mul3A_887 = arith.constant 2 : i32
        %mul3A_888 = vector.broadcast %mul3A_887 : i32 to vector<16xi32>
        %mul3A_889 = arith.muli %mul3A_888, %add3A_732 : vector<16xi32>
        %ge3A_890 = arith.cmpf oge, %gather3A_852, %gather3A_834 : vector<16xf32>
        %convert_element_type3A_891 = arith.extui %ge3A_890 : vector<16xi1> to vector<16xi32>
        %add3A_892 = arith.addi %mul3A_889, %convert_element_type3A_891 : vector<16xi32>
        %mul3A_893 = arith.constant 2 : i32
        %mul3A_894 = vector.broadcast %mul3A_893 : i32 to vector<16xi32>
        %mul3A_895 = arith.muli %mul3A_894, %add3A_738 : vector<16xi32>
        %ge3A_896 = arith.cmpf oge, %gather3A_854, %gather3A_835 : vector<16xf32>
        %convert_element_type3A_897 = arith.extui %ge3A_896 : vector<16xi1> to vector<16xi32>
        %add3A_898 = arith.addi %mul3A_895, %convert_element_type3A_897 : vector<16xi32>
        %mul3A_899 = arith.constant 2 : i32
        %mul3A_900 = vector.broadcast %mul3A_899 : i32 to vector<16xi32>
        %mul3A_901 = arith.muli %mul3A_900, %add3A_744 : vector<16xi32>
        %ge3A_902 = arith.cmpf oge, %gather3A_856, %gather3A_836 : vector<16xf32>
        %convert_element_type3A_903 = arith.extui %ge3A_902 : vector<16xi1> to vector<16xi32>
        %add3A_904 = arith.addi %mul3A_901, %convert_element_type3A_903 : vector<16xi32>
        %mul3A_905 = arith.constant 2 : i32
        %mul3A_906 = vector.broadcast %mul3A_905 : i32 to vector<16xi32>
        %mul3A_907 = arith.muli %mul3A_906, %add3A_750 : vector<16xi32>
        %ge3A_908 = arith.cmpf oge, %gather3A_858, %gather3A_837 : vector<16xf32>
        %convert_element_type3A_909 = arith.extui %ge3A_908 : vector<16xi1> to vector<16xi32>
        %add3A_910 = arith.addi %mul3A_907, %convert_element_type3A_909 : vector<16xi32>
        %mul3A_911 = arith.constant 2 : i32
        %mul3A_912 = vector.broadcast %mul3A_911 : i32 to vector<16xi32>
        %mul3A_913 = arith.muli %mul3A_912, %add3A_756 : vector<16xi32>
        %ge3A_914 = arith.cmpf oge, %gather3A_860, %gather3A_838 : vector<16xf32>
        %convert_element_type3A_915 = arith.extui %ge3A_914 : vector<16xi1> to vector<16xi32>
        %add3A_916 = arith.addi %mul3A_913, %convert_element_type3A_915 : vector<16xi32>
        %mul3A_917 = arith.constant 2 : i32
        %mul3A_918 = vector.broadcast %mul3A_917 : i32 to vector<16xi32>
        %mul3A_919 = arith.muli %mul3A_918, %add3A_762 : vector<16xi32>
        %ge3A_920 = arith.cmpf oge, %gather3A_862, %gather3A_839 : vector<16xf32>
        %convert_element_type3A_921 = arith.extui %ge3A_920 : vector<16xi1> to vector<16xi32>
        %add3A_922 = arith.addi %mul3A_919, %convert_element_type3A_921 : vector<16xi32>
        %mul3A_923 = arith.constant 2 : i32
        %mul3A_924 = vector.broadcast %mul3A_923 : i32 to vector<16xi32>
        %mul3A_925 = arith.muli %mul3A_924, %add3A_768 : vector<16xi32>
        %ge3A_926 = arith.cmpf oge, %gather3A_864, %gather3A_840 : vector<16xf32>
        %convert_element_type3A_927 = arith.extui %ge3A_926 : vector<16xi1> to vector<16xi32>
        %add3A_928 = arith.addi %mul3A_925, %convert_element_type3A_927 : vector<16xi32>
        %mul3A_929 = arith.constant 2 : i32
        %mul3A_930 = vector.broadcast %mul3A_929 : i32 to vector<16xi32>
        %mul3A_931 = arith.muli %mul3A_930, %add3A_774 : vector<16xi32>
        %ge3A_932 = arith.cmpf oge, %gather3A_866, %gather3A_841 : vector<16xf32>
        %convert_element_type3A_933 = arith.extui %ge3A_932 : vector<16xi1> to vector<16xi32>
        %add3A_934 = arith.addi %mul3A_931, %convert_element_type3A_933 : vector<16xi32>
        %mul3A_935 = arith.constant 2 : i32
        %mul3A_936 = vector.broadcast %mul3A_935 : i32 to vector<16xi32>
        %mul3A_937 = arith.muli %mul3A_936, %add3A_780 : vector<16xi32>
        %ge3A_938 = arith.cmpf oge, %gather3A_868, %gather3A_842 : vector<16xf32>
        %convert_element_type3A_939 = arith.extui %ge3A_938 : vector<16xi1> to vector<16xi32>
        %add3A_940 = arith.addi %mul3A_937, %convert_element_type3A_939 : vector<16xi32>
        %mul3A_941 = arith.constant 2 : i32
        %mul3A_942 = vector.broadcast %mul3A_941 : i32 to vector<16xi32>
        %mul3A_943 = arith.muli %mul3A_942, %add3A_786 : vector<16xi32>
        %ge3A_944 = arith.cmpf oge, %gather3A_870, %gather3A_843 : vector<16xf32>
        %convert_element_type3A_945 = arith.extui %ge3A_944 : vector<16xi1> to vector<16xi32>
        %add3A_946 = arith.addi %mul3A_943, %convert_element_type3A_945 : vector<16xi32>
        %mul3A_947 = arith.constant 2 : i32
        %mul3A_948 = vector.broadcast %mul3A_947 : i32 to vector<16xi32>
        %mul3A_949 = arith.muli %mul3A_948, %add3A_792 : vector<16xi32>
        %ge3A_950 = arith.cmpf oge, %gather3A_872, %gather3A_844 : vector<16xf32>
        %convert_element_type3A_951 = arith.extui %ge3A_950 : vector<16xi1> to vector<16xi32>
        %add3A_952 = arith.addi %mul3A_949, %convert_element_type3A_951 : vector<16xi32>
        %mul3A_953 = arith.constant 2 : i32
        %mul3A_954 = vector.broadcast %mul3A_953 : i32 to vector<16xi32>
        %mul3A_955 = arith.muli %mul3A_954, %add3A_798 : vector<16xi32>
        %ge3A_956 = arith.cmpf oge, %gather3A_874, %gather3A_845 : vector<16xf32>
        %convert_element_type3A_957 = arith.extui %ge3A_956 : vector<16xi1> to vector<16xi32>
        %add3A_958 = arith.addi %mul3A_955, %convert_element_type3A_957 : vector<16xi32>
        %mul3A_959 = arith.constant 2 : i32
        %mul3A_960 = vector.broadcast %mul3A_959 : i32 to vector<16xi32>
        %mul3A_961 = arith.muli %mul3A_960, %add3A_804 : vector<16xi32>
        %ge3A_962 = arith.cmpf oge, %gather3A_876, %gather3A_846 : vector<16xf32>
        %convert_element_type3A_963 = arith.extui %ge3A_962 : vector<16xi1> to vector<16xi32>
        %add3A_964 = arith.addi %mul3A_961, %convert_element_type3A_963 : vector<16xi32>
        %mul3A_965 = arith.constant 2 : i32
        %mul3A_966 = vector.broadcast %mul3A_965 : i32 to vector<16xi32>
        %mul3A_967 = arith.muli %mul3A_966, %add3A_810 : vector<16xi32>
        %ge3A_968 = arith.cmpf oge, %gather3A_878, %gather3A_847 : vector<16xf32>
        %convert_element_type3A_969 = arith.extui %ge3A_968 : vector<16xi1> to vector<16xi32>
        %add3A_970 = arith.addi %mul3A_967, %convert_element_type3A_969 : vector<16xi32>
        %mul3A_971 = arith.constant 2 : i32
        %mul3A_972 = vector.broadcast %mul3A_971 : i32 to vector<16xi32>
        %mul3A_973 = arith.muli %mul3A_972, %add3A_816 : vector<16xi32>
        %ge3A_974 = arith.cmpf oge, %gather3A_880, %gather3A_848 : vector<16xf32>
        %convert_element_type3A_975 = arith.extui %ge3A_974 : vector<16xi1> to vector<16xi32>
        %add3A_976 = arith.addi %mul3A_973, %convert_element_type3A_975 : vector<16xi32>
        %gather3A_977 = tpu.vector_load_idx %arg28[%add3A_886] : memref<256xi32, #tpu.memory_space<vmem>>[vector<16xi32>], vector<16xi32>,
        %gather3A_978 = tpu.vector_load_idx %arg28[%add3A_892] : memref<256xi32, #tpu.memory_space<vmem>>[vector<16xi32>], vector<16xi32>,
        %gather3A_979 = tpu.vector_load_idx %arg28[%add3A_898] : memref<256xi32, #tpu.memory_space<vmem>>[vector<16xi32>], vector<16xi32>,
        %gather3A_980 = tpu.vector_load_idx %arg28[%add3A_904] : memref<256xi32, #tpu.memory_space<vmem>>[vector<16xi32>], vector<16xi32>,
        %gather3A_981 = tpu.vector_load_idx %arg28[%add3A_910] : memref<256xi32, #tpu.memory_space<vmem>>[vector<16xi32>], vector<16xi32>,
        %gather3A_982 = tpu.vector_load_idx %arg28[%add3A_916] : memref<256xi32, #tpu.memory_space<vmem>>[vector<16xi32>], vector<16xi32>,
        %gather3A_983 = tpu.vector_load_idx %arg28[%add3A_922] : memref<256xi32, #tpu.memory_space<vmem>>[vector<16xi32>], vector<16xi32>,
        %gather3A_984 = tpu.vector_load_idx %arg28[%add3A_928] : memref<256xi32, #tpu.memory_space<vmem>>[vector<16xi32>], vector<16xi32>,
        %gather3A_985 = tpu.vector_load_idx %arg28[%add3A_934] : memref<256xi32, #tpu.memory_space<vmem>>[vector<16xi32>], vector<16xi32>,
        %gather3A_986 = tpu.vector_load_idx %arg28[%add3A_940] : memref<256xi32, #tpu.memory_space<vmem>>[vector<16xi32>], vector<16xi32>,
        %gather3A_987 = tpu.vector_load_idx %arg28[%add3A_946] : memref<256xi32, #tpu.memory_space<vmem>>[vector<16xi32>], vector<16xi32>,
        %gather3A_988 = tpu.vector_load_idx %arg28[%add3A_952] : memref<256xi32, #tpu.memory_space<vmem>>[vector<16xi32>], vector<16xi32>,
        %gather3A_989 = tpu.vector_load_idx %arg28[%add3A_958] : memref<256xi32, #tpu.memory_space<vmem>>[vector<16xi32>], vector<16xi32>,
        %gather3A_990 = tpu.vector_load_idx %arg28[%add3A_964] : memref<256xi32, #tpu.memory_space<vmem>>[vector<16xi32>], vector<16xi32>,
        %gather3A_991 = tpu.vector_load_idx %arg28[%add3A_970] : memref<256xi32, #tpu.memory_space<vmem>>[vector<16xi32>], vector<16xi32>,
        %gather3A_992 = tpu.vector_load_idx %arg28[%add3A_976] : memref<256xi32, #tpu.memory_space<vmem>>[vector<16xi32>], vector<16xi32>,
        %gather3A_993 = tpu.vector_load_idx %arg35[%add3A_886] : memref<256xf32, #tpu.memory_space<vmem>>[vector<16xi32>], vector<16xf32>,
        %gather3A_994 = tpu.vector_load_idx %arg35[%add3A_892] : memref<256xf32, #tpu.memory_space<vmem>>[vector<16xi32>], vector<16xf32>,
        %gather3A_995 = tpu.vector_load_idx %arg35[%add3A_898] : memref<256xf32, #tpu.memory_space<vmem>>[vector<16xi32>], vector<16xf32>,
        %gather3A_996 = tpu.vector_load_idx %arg35[%add3A_904] : memref<256xf32, #tpu.memory_space<vmem>>[vector<16xi32>], vector<16xf32>,
        %gather3A_997 = tpu.vector_load_idx %arg35[%add3A_910] : memref<256xf32, #tpu.memory_space<vmem>>[vector<16xi32>], vector<16xf32>,
        %gather3A_998 = tpu.vector_load_idx %arg35[%add3A_916] : memref<256xf32, #tpu.memory_space<vmem>>[vector<16xi32>], vector<16xf32>,
        %gather3A_999 = tpu.vector_load_idx %arg35[%add3A_922] : memref<256xf32, #tpu.memory_space<vmem>>[vector<16xi32>], vector<16xf32>,
        %gather3A_1000 = tpu.vector_load_idx %arg35[%add3A_928] : memref<256xf32, #tpu.memory_space<vmem>>[vector<16xi32>], vector<16xf32>,
        %gather3A_1001 = tpu.vector_load_idx %arg35[%add3A_934] : memref<256xf32, #tpu.memory_space<vmem>>[vector<16xi32>], vector<16xf32>,
        %gather3A_1002 = tpu.vector_load_idx %arg35[%add3A_940] : memref<256xf32, #tpu.memory_space<vmem>>[vector<16xi32>], vector<16xf32>,
        %gather3A_1003 = tpu.vector_load_idx %arg35[%add3A_946] : memref<256xf32, #tpu.memory_space<vmem>>[vector<16xi32>], vector<16xf32>,
        %gather3A_1004 = tpu.vector_load_idx %arg35[%add3A_952] : memref<256xf32, #tpu.memory_space<vmem>>[vector<16xi32>], vector<16xf32>,
        %gather3A_1005 = tpu.vector_load_idx %arg35[%add3A_958] : memref<256xf32, #tpu.memory_space<vmem>>[vector<16xi32>], vector<16xf32>,
        %gather3A_1006 = tpu.vector_load_idx %arg35[%add3A_964] : memref<256xf32, #tpu.memory_space<vmem>>[vector<16xi32>], vector<16xf32>,
        %gather3A_1007 = tpu.vector_load_idx %arg35[%add3A_970] : memref<256xf32, #tpu.memory_space<vmem>>[vector<16xi32>], vector<16xf32>,
        %gather3A_1008 = tpu.vector_load_idx %arg35[%add3A_976] : memref<256xf32, #tpu.memory_space<vmem>>[vector<16xi32>], vector<16xf32>,
        %add3A_1009 = arith.addi %broadcast_in_dim3A_219, %gather3A_977 : vector<16xi32>
        %gather3A_1010 = tpu.vector_load_idx %arg21[%add3A_1009] : memref<32768xf32, #tpu.memory_space<vmem>>[vector<16xi32>], vector<16xf32>,
        %add3A_1011 = arith.addi %broadcast_in_dim3A_229, %gather3A_978 : vector<16xi32>
        %gather3A_1012 = tpu.vector_load_idx %arg21[%add3A_1011] : memref<32768xf32, #tpu.memory_space<vmem>>[vector<16xi32>], vector<16xf32>,
        %add3A_1013 = arith.addi %broadcast_in_dim3A_239, %gather3A_979 : vector<16xi32>
        %gather3A_1014 = tpu.vector_load_idx %arg21[%add3A_1013] : memref<32768xf32, #tpu.memory_space<vmem>>[vector<16xi32>], vector<16xf32>,
        %add3A_1015 = arith.addi %broadcast_in_dim3A_249, %gather3A_980 : vector<16xi32>
        %gather3A_1016 = tpu.vector_load_idx %arg21[%add3A_1015] : memref<32768xf32, #tpu.memory_space<vmem>>[vector<16xi32>], vector<16xf32>,
        %add3A_1017 = arith.addi %broadcast_in_dim3A_259, %gather3A_981 : vector<16xi32>
        %gather3A_1018 = tpu.vector_load_idx %arg21[%add3A_1017] : memref<32768xf32, #tpu.memory_space<vmem>>[vector<16xi32>], vector<16xf32>,
        %add3A_1019 = arith.addi %broadcast_in_dim3A_269, %gather3A_982 : vector<16xi32>
        %gather3A_1020 = tpu.vector_load_idx %arg21[%add3A_1019] : memref<32768xf32, #tpu.memory_space<vmem>>[vector<16xi32>], vector<16xf32>,
        %add3A_1021 = arith.addi %broadcast_in_dim3A_279, %gather3A_983 : vector<16xi32>
        %gather3A_1022 = tpu.vector_load_idx %arg21[%add3A_1021] : memref<32768xf32, #tpu.memory_space<vmem>>[vector<16xi32>], vector<16xf32>,
        %add3A_1023 = arith.addi %broadcast_in_dim3A_289, %gather3A_984 : vector<16xi32>
        %gather3A_1024 = tpu.vector_load_idx %arg21[%add3A_1023] : memref<32768xf32, #tpu.memory_space<vmem>>[vector<16xi32>], vector<16xf32>,
        %add3A_1025 = arith.addi %broadcast_in_dim3A_299, %gather3A_985 : vector<16xi32>
        %gather3A_1026 = tpu.vector_load_idx %arg21[%add3A_1025] : memref<32768xf32, #tpu.memory_space<vmem>>[vector<16xi32>], vector<16xf32>,
        %add3A_1027 = arith.addi %broadcast_in_dim3A_309, %gather3A_986 : vector<16xi32>
        %gather3A_1028 = tpu.vector_load_idx %arg21[%add3A_1027] : memref<32768xf32, #tpu.memory_space<vmem>>[vector<16xi32>], vector<16xf32>,
        %add3A_1029 = arith.addi %broadcast_in_dim3A_319, %gather3A_987 : vector<16xi32>
        %gather3A_1030 = tpu.vector_load_idx %arg21[%add3A_1029] : memref<32768xf32, #tpu.memory_space<vmem>>[vector<16xi32>], vector<16xf32>,
        %add3A_1031 = arith.addi %broadcast_in_dim3A_329, %gather3A_988 : vector<16xi32>
        %gather3A_1032 = tpu.vector_load_idx %arg21[%add3A_1031] : memref<32768xf32, #tpu.memory_space<vmem>>[vector<16xi32>], vector<16xf32>,
        %add3A_1033 = arith.addi %broadcast_in_dim3A_339, %gather3A_989 : vector<16xi32>
        %gather3A_1034 = tpu.vector_load_idx %arg21[%add3A_1033] : memref<32768xf32, #tpu.memory_space<vmem>>[vector<16xi32>], vector<16xf32>,
        %add3A_1035 = arith.addi %broadcast_in_dim3A_349, %gather3A_990 : vector<16xi32>
        %gather3A_1036 = tpu.vector_load_idx %arg21[%add3A_1035] : memref<32768xf32, #tpu.memory_space<vmem>>[vector<16xi32>], vector<16xf32>,
        %add3A_1037 = arith.addi %broadcast_in_dim3A_359, %gather3A_991 : vector<16xi32>
        %gather3A_1038 = tpu.vector_load_idx %arg21[%add3A_1037] : memref<32768xf32, #tpu.memory_space<vmem>>[vector<16xi32>], vector<16xf32>,
        %add3A_1039 = arith.addi %broadcast_in_dim3A_369, %gather3A_992 : vector<16xi32>
        %gather3A_1040 = tpu.vector_load_idx %arg21[%add3A_1039] : memref<32768xf32, #tpu.memory_space<vmem>>[vector<16xi32>], vector<16xf32>,
        %mul3A_1041 = arith.constant 2 : i32
        %mul3A_1042 = vector.broadcast %mul3A_1041 : i32 to vector<16xi32>
        %mul3A_1043 = arith.muli %mul3A_1042, %add3A_886 : vector<16xi32>
        %ge3A_1044 = arith.cmpf oge, %gather3A_1010, %gather3A_993 : vector<16xf32>
        %convert_element_type3A_1045 = arith.extui %ge3A_1044 : vector<16xi1> to vector<16xi32>
        %add3A_1046 = arith.addi %mul3A_1043, %convert_element_type3A_1045 : vector<16xi32>
        %mul3A_1047 = arith.constant 2 : i32
        %mul3A_1048 = vector.broadcast %mul3A_1047 : i32 to vector<16xi32>
        %mul3A_1049 = arith.muli %mul3A_1048, %add3A_892 : vector<16xi32>
        %ge3A_1050 = arith.cmpf oge, %gather3A_1012, %gather3A_994 : vector<16xf32>
        %convert_element_type3A_1051 = arith.extui %ge3A_1050 : vector<16xi1> to vector<16xi32>
        %add3A_1052 = arith.addi %mul3A_1049, %convert_element_type3A_1051 : vector<16xi32>
        %mul3A_1053 = arith.constant 2 : i32
        %mul3A_1054 = vector.broadcast %mul3A_1053 : i32 to vector<16xi32>
        %mul3A_1055 = arith.muli %mul3A_1054, %add3A_898 : vector<16xi32>
        %ge3A_1056 = arith.cmpf oge, %gather3A_1014, %gather3A_995 : vector<16xf32>
        %convert_element_type3A_1057 = arith.extui %ge3A_1056 : vector<16xi1> to vector<16xi32>
        %add3A_1058 = arith.addi %mul3A_1055, %convert_element_type3A_1057 : vector<16xi32>
        %mul3A_1059 = arith.constant 2 : i32
        %mul3A_1060 = vector.broadcast %mul3A_1059 : i32 to vector<16xi32>
        %mul3A_1061 = arith.muli %mul3A_1060, %add3A_904 : vector<16xi32>
        %ge3A_1062 = arith.cmpf oge, %gather3A_1016, %gather3A_996 : vector<16xf32>
        %convert_element_type3A_1063 = arith.extui %ge3A_1062 : vector<16xi1> to vector<16xi32>
        %add3A_1064 = arith.addi %mul3A_1061, %convert_element_type3A_1063 : vector<16xi32>
        %mul3A_1065 = arith.constant 2 : i32
        %mul3A_1066 = vector.broadcast %mul3A_1065 : i32 to vector<16xi32>
        %mul3A_1067 = arith.muli %mul3A_1066, %add3A_910 : vector<16xi32>
        %ge3A_1068 = arith.cmpf oge, %gather3A_1018, %gather3A_997 : vector<16xf32>
        %convert_element_type3A_1069 = arith.extui %ge3A_1068 : vector<16xi1> to vector<16xi32>
        %add3A_1070 = arith.addi %mul3A_1067, %convert_element_type3A_1069 : vector<16xi32>
        %mul3A_1071 = arith.constant 2 : i32
        %mul3A_1072 = vector.broadcast %mul3A_1071 : i32 to vector<16xi32>
        %mul3A_1073 = arith.muli %mul3A_1072, %add3A_916 : vector<16xi32>
        %ge3A_1074 = arith.cmpf oge, %gather3A_1020, %gather3A_998 : vector<16xf32>
        %convert_element_type3A_1075 = arith.extui %ge3A_1074 : vector<16xi1> to vector<16xi32>
        %add3A_1076 = arith.addi %mul3A_1073, %convert_element_type3A_1075 : vector<16xi32>
        %mul3A_1077 = arith.constant 2 : i32
        %mul3A_1078 = vector.broadcast %mul3A_1077 : i32 to vector<16xi32>
        %mul3A_1079 = arith.muli %mul3A_1078, %add3A_922 : vector<16xi32>
        %ge3A_1080 = arith.cmpf oge, %gather3A_1022, %gather3A_999 : vector<16xf32>
        %convert_element_type3A_1081 = arith.extui %ge3A_1080 : vector<16xi1> to vector<16xi32>
        %add3A_1082 = arith.addi %mul3A_1079, %convert_element_type3A_1081 : vector<16xi32>
        %mul3A_1083 = arith.constant 2 : i32
        %mul3A_1084 = vector.broadcast %mul3A_1083 : i32 to vector<16xi32>
        %mul3A_1085 = arith.muli %mul3A_1084, %add3A_928 : vector<16xi32>
        %ge3A_1086 = arith.cmpf oge, %gather3A_1024, %gather3A_1000 : vector<16xf32>
        %convert_element_type3A_1087 = arith.extui %ge3A_1086 : vector<16xi1> to vector<16xi32>
        %add3A_1088 = arith.addi %mul3A_1085, %convert_element_type3A_1087 : vector<16xi32>
        %mul3A_1089 = arith.constant 2 : i32
        %mul3A_1090 = vector.broadcast %mul3A_1089 : i32 to vector<16xi32>
        %mul3A_1091 = arith.muli %mul3A_1090, %add3A_934 : vector<16xi32>
        %ge3A_1092 = arith.cmpf oge, %gather3A_1026, %gather3A_1001 : vector<16xf32>
        %convert_element_type3A_1093 = arith.extui %ge3A_1092 : vector<16xi1> to vector<16xi32>
        %add3A_1094 = arith.addi %mul3A_1091, %convert_element_type3A_1093 : vector<16xi32>
        %mul3A_1095 = arith.constant 2 : i32
        %mul3A_1096 = vector.broadcast %mul3A_1095 : i32 to vector<16xi32>
        %mul3A_1097 = arith.muli %mul3A_1096, %add3A_940 : vector<16xi32>
        %ge3A_1098 = arith.cmpf oge, %gather3A_1028, %gather3A_1002 : vector<16xf32>
        %convert_element_type3A_1099 = arith.extui %ge3A_1098 : vector<16xi1> to vector<16xi32>
        %add3A_1100 = arith.addi %mul3A_1097, %convert_element_type3A_1099 : vector<16xi32>
        %mul3A_1101 = arith.constant 2 : i32
        %mul3A_1102 = vector.broadcast %mul3A_1101 : i32 to vector<16xi32>
        %mul3A_1103 = arith.muli %mul3A_1102, %add3A_946 : vector<16xi32>
        %ge3A_1104 = arith.cmpf oge, %gather3A_1030, %gather3A_1003 : vector<16xf32>
        %convert_element_type3A_1105 = arith.extui %ge3A_1104 : vector<16xi1> to vector<16xi32>
        %add3A_1106 = arith.addi %mul3A_1103, %convert_element_type3A_1105 : vector<16xi32>
        %mul3A_1107 = arith.constant 2 : i32
        %mul3A_1108 = vector.broadcast %mul3A_1107 : i32 to vector<16xi32>
        %mul3A_1109 = arith.muli %mul3A_1108, %add3A_952 : vector<16xi32>
        %ge3A_1110 = arith.cmpf oge, %gather3A_1032, %gather3A_1004 : vector<16xf32>
        %convert_element_type3A_1111 = arith.extui %ge3A_1110 : vector<16xi1> to vector<16xi32>
        %add3A_1112 = arith.addi %mul3A_1109, %convert_element_type3A_1111 : vector<16xi32>
        %mul3A_1113 = arith.constant 2 : i32
        %mul3A_1114 = vector.broadcast %mul3A_1113 : i32 to vector<16xi32>
        %mul3A_1115 = arith.muli %mul3A_1114, %add3A_958 : vector<16xi32>
        %ge3A_1116 = arith.cmpf oge, %gather3A_1034, %gather3A_1005 : vector<16xf32>
        %convert_element_type3A_1117 = arith.extui %ge3A_1116 : vector<16xi1> to vector<16xi32>
        %add3A_1118 = arith.addi %mul3A_1115, %convert_element_type3A_1117 : vector<16xi32>
        %mul3A_1119 = arith.constant 2 : i32
        %mul3A_1120 = vector.broadcast %mul3A_1119 : i32 to vector<16xi32>
        %mul3A_1121 = arith.muli %mul3A_1120, %add3A_964 : vector<16xi32>
        %ge3A_1122 = arith.cmpf oge, %gather3A_1036, %gather3A_1006 : vector<16xf32>
        %convert_element_type3A_1123 = arith.extui %ge3A_1122 : vector<16xi1> to vector<16xi32>
        %add3A_1124 = arith.addi %mul3A_1121, %convert_element_type3A_1123 : vector<16xi32>
        %mul3A_1125 = arith.constant 2 : i32
        %mul3A_1126 = vector.broadcast %mul3A_1125 : i32 to vector<16xi32>
        %mul3A_1127 = arith.muli %mul3A_1126, %add3A_970 : vector<16xi32>
        %ge3A_1128 = arith.cmpf oge, %gather3A_1038, %gather3A_1007 : vector<16xf32>
        %convert_element_type3A_1129 = arith.extui %ge3A_1128 : vector<16xi1> to vector<16xi32>
        %add3A_1130 = arith.addi %mul3A_1127, %convert_element_type3A_1129 : vector<16xi32>
        %mul3A_1131 = arith.constant 2 : i32
        %mul3A_1132 = vector.broadcast %mul3A_1131 : i32 to vector<16xi32>
        %mul3A_1133 = arith.muli %mul3A_1132, %add3A_976 : vector<16xi32>
        %ge3A_1134 = arith.cmpf oge, %gather3A_1040, %gather3A_1008 : vector<16xf32>
        %convert_element_type3A_1135 = arith.extui %ge3A_1134 : vector<16xi1> to vector<16xi32>
        %add3A_1136 = arith.addi %mul3A_1133, %convert_element_type3A_1135 : vector<16xi32>
        %gather3A_1137 = tpu.vector_load_idx %arg29[%add3A_1046] : memref<512xi32, #tpu.memory_space<vmem>>[vector<16xi32>], vector<16xi32>,
        %gather3A_1138 = tpu.vector_load_idx %arg29[%add3A_1052] : memref<512xi32, #tpu.memory_space<vmem>>[vector<16xi32>], vector<16xi32>,
        %gather3A_1139 = tpu.vector_load_idx %arg29[%add3A_1058] : memref<512xi32, #tpu.memory_space<vmem>>[vector<16xi32>], vector<16xi32>,
        %gather3A_1140 = tpu.vector_load_idx %arg29[%add3A_1064] : memref<512xi32, #tpu.memory_space<vmem>>[vector<16xi32>], vector<16xi32>,
        %gather3A_1141 = tpu.vector_load_idx %arg29[%add3A_1070] : memref<512xi32, #tpu.memory_space<vmem>>[vector<16xi32>], vector<16xi32>,
        %gather3A_1142 = tpu.vector_load_idx %arg29[%add3A_1076] : memref<512xi32, #tpu.memory_space<vmem>>[vector<16xi32>], vector<16xi32>,
        %gather3A_1143 = tpu.vector_load_idx %arg29[%add3A_1082] : memref<512xi32, #tpu.memory_space<vmem>>[vector<16xi32>], vector<16xi32>,
        %gather3A_1144 = tpu.vector_load_idx %arg29[%add3A_1088] : memref<512xi32, #tpu.memory_space<vmem>>[vector<16xi32>], vector<16xi32>,
        %gather3A_1145 = tpu.vector_load_idx %arg29[%add3A_1094] : memref<512xi32, #tpu.memory_space<vmem>>[vector<16xi32>], vector<16xi32>,
        %gather3A_1146 = tpu.vector_load_idx %arg29[%add3A_1100] : memref<512xi32, #tpu.memory_space<vmem>>[vector<16xi32>], vector<16xi32>,
        %gather3A_1147 = tpu.vector_load_idx %arg29[%add3A_1106] : memref<512xi32, #tpu.memory_space<vmem>>[vector<16xi32>], vector<16xi32>,
        %gather3A_1148 = tpu.vector_load_idx %arg29[%add3A_1112] : memref<512xi32, #tpu.memory_space<vmem>>[vector<16xi32>], vector<16xi32>,
        %gather3A_1149 = tpu.vector_load_idx %arg29[%add3A_1118] : memref<512xi32, #tpu.memory_space<vmem>>[vector<16xi32>], vector<16xi32>,
        %gather3A_1150 = tpu.vector_load_idx %arg29[%add3A_1124] : memref<512xi32, #tpu.memory_space<vmem>>[vector<16xi32>], vector<16xi32>,
        %gather3A_1151 = tpu.vector_load_idx %arg29[%add3A_1130] : memref<512xi32, #tpu.memory_space<vmem>>[vector<16xi32>], vector<16xi32>,
        %gather3A_1152 = tpu.vector_load_idx %arg29[%add3A_1136] : memref<512xi32, #tpu.memory_space<vmem>>[vector<16xi32>], vector<16xi32>,
        %gather3A_1153 = tpu.vector_load_idx %arg36[%add3A_1046] : memref<512xf32, #tpu.memory_space<vmem>>[vector<16xi32>], vector<16xf32>,
        %gather3A_1154 = tpu.vector_load_idx %arg36[%add3A_1052] : memref<512xf32, #tpu.memory_space<vmem>>[vector<16xi32>], vector<16xf32>,
        %gather3A_1155 = tpu.vector_load_idx %arg36[%add3A_1058] : memref<512xf32, #tpu.memory_space<vmem>>[vector<16xi32>], vector<16xf32>,
        %gather3A_1156 = tpu.vector_load_idx %arg36[%add3A_1064] : memref<512xf32, #tpu.memory_space<vmem>>[vector<16xi32>], vector<16xf32>,
        %gather3A_1157 = tpu.vector_load_idx %arg36[%add3A_1070] : memref<512xf32, #tpu.memory_space<vmem>>[vector<16xi32>], vector<16xf32>,
        %gather3A_1158 = tpu.vector_load_idx %arg36[%add3A_1076] : memref<512xf32, #tpu.memory_space<vmem>>[vector<16xi32>], vector<16xf32>,
        %gather3A_1159 = tpu.vector_load_idx %arg36[%add3A_1082] : memref<512xf32, #tpu.memory_space<vmem>>[vector<16xi32>], vector<16xf32>,
        %gather3A_1160 = tpu.vector_load_idx %arg36[%add3A_1088] : memref<512xf32, #tpu.memory_space<vmem>>[vector<16xi32>], vector<16xf32>,
        %gather3A_1161 = tpu.vector_load_idx %arg36[%add3A_1094] : memref<512xf32, #tpu.memory_space<vmem>>[vector<16xi32>], vector<16xf32>,
        %gather3A_1162 = tpu.vector_load_idx %arg36[%add3A_1100] : memref<512xf32, #tpu.memory_space<vmem>>[vector<16xi32>], vector<16xf32>,
        %gather3A_1163 = tpu.vector_load_idx %arg36[%add3A_1106] : memref<512xf32, #tpu.memory_space<vmem>>[vector<16xi32>], vector<16xf32>,
        %gather3A_1164 = tpu.vector_load_idx %arg36[%add3A_1112] : memref<512xf32, #tpu.memory_space<vmem>>[vector<16xi32>], vector<16xf32>,
        %gather3A_1165 = tpu.vector_load_idx %arg36[%add3A_1118] : memref<512xf32, #tpu.memory_space<vmem>>[vector<16xi32>], vector<16xf32>,
        %gather3A_1166 = tpu.vector_load_idx %arg36[%add3A_1124] : memref<512xf32, #tpu.memory_space<vmem>>[vector<16xi32>], vector<16xf32>,
        %gather3A_1167 = tpu.vector_load_idx %arg36[%add3A_1130] : memref<512xf32, #tpu.memory_space<vmem>>[vector<16xi32>], vector<16xf32>,
        %gather3A_1168 = tpu.vector_load_idx %arg36[%add3A_1136] : memref<512xf32, #tpu.memory_space<vmem>>[vector<16xi32>], vector<16xf32>,
        %add3A_1169 = arith.addi %broadcast_in_dim3A_219, %gather3A_1137 : vector<16xi32>
        %gather3A_1170 = tpu.vector_load_idx %arg21[%add3A_1169] : memref<32768xf32, #tpu.memory_space<vmem>>[vector<16xi32>], vector<16xf32>,
        %add3A_1171 = arith.addi %broadcast_in_dim3A_229, %gather3A_1138 : vector<16xi32>
        %gather3A_1172 = tpu.vector_load_idx %arg21[%add3A_1171] : memref<32768xf32, #tpu.memory_space<vmem>>[vector<16xi32>], vector<16xf32>,
        %add3A_1173 = arith.addi %broadcast_in_dim3A_239, %gather3A_1139 : vector<16xi32>
        %gather3A_1174 = tpu.vector_load_idx %arg21[%add3A_1173] : memref<32768xf32, #tpu.memory_space<vmem>>[vector<16xi32>], vector<16xf32>,
        %add3A_1175 = arith.addi %broadcast_in_dim3A_249, %gather3A_1140 : vector<16xi32>
        %gather3A_1176 = tpu.vector_load_idx %arg21[%add3A_1175] : memref<32768xf32, #tpu.memory_space<vmem>>[vector<16xi32>], vector<16xf32>,
        %add3A_1177 = arith.addi %broadcast_in_dim3A_259, %gather3A_1141 : vector<16xi32>
        %gather3A_1178 = tpu.vector_load_idx %arg21[%add3A_1177] : memref<32768xf32, #tpu.memory_space<vmem>>[vector<16xi32>], vector<16xf32>,
        %add3A_1179 = arith.addi %broadcast_in_dim3A_269, %gather3A_1142 : vector<16xi32>
        %gather3A_1180 = tpu.vector_load_idx %arg21[%add3A_1179] : memref<32768xf32, #tpu.memory_space<vmem>>[vector<16xi32>], vector<16xf32>,
        %add3A_1181 = arith.addi %broadcast_in_dim3A_279, %gather3A_1143 : vector<16xi32>
        %gather3A_1182 = tpu.vector_load_idx %arg21[%add3A_1181] : memref<32768xf32, #tpu.memory_space<vmem>>[vector<16xi32>], vector<16xf32>,
        %add3A_1183 = arith.addi %broadcast_in_dim3A_289, %gather3A_1144 : vector<16xi32>
        %gather3A_1184 = tpu.vector_load_idx %arg21[%add3A_1183] : memref<32768xf32, #tpu.memory_space<vmem>>[vector<16xi32>], vector<16xf32>,
        %add3A_1185 = arith.addi %broadcast_in_dim3A_299, %gather3A_1145 : vector<16xi32>
        %gather3A_1186 = tpu.vector_load_idx %arg21[%add3A_1185] : memref<32768xf32, #tpu.memory_space<vmem>>[vector<16xi32>], vector<16xf32>,
        %add3A_1187 = arith.addi %broadcast_in_dim3A_309, %gather3A_1146 : vector<16xi32>
        %gather3A_1188 = tpu.vector_load_idx %arg21[%add3A_1187] : memref<32768xf32, #tpu.memory_space<vmem>>[vector<16xi32>], vector<16xf32>,
        %add3A_1189 = arith.addi %broadcast_in_dim3A_319, %gather3A_1147 : vector<16xi32>
        %gather3A_1190 = tpu.vector_load_idx %arg21[%add3A_1189] : memref<32768xf32, #tpu.memory_space<vmem>>[vector<16xi32>], vector<16xf32>,
        %add3A_1191 = arith.addi %broadcast_in_dim3A_329, %gather3A_1148 : vector<16xi32>
        %gather3A_1192 = tpu.vector_load_idx %arg21[%add3A_1191] : memref<32768xf32, #tpu.memory_space<vmem>>[vector<16xi32>], vector<16xf32>,
        %add3A_1193 = arith.addi %broadcast_in_dim3A_339, %gather3A_1149 : vector<16xi32>
        %gather3A_1194 = tpu.vector_load_idx %arg21[%add3A_1193] : memref<32768xf32, #tpu.memory_space<vmem>>[vector<16xi32>], vector<16xf32>,
        %add3A_1195 = arith.addi %broadcast_in_dim3A_349, %gather3A_1150 : vector<16xi32>
        %gather3A_1196 = tpu.vector_load_idx %arg21[%add3A_1195] : memref<32768xf32, #tpu.memory_space<vmem>>[vector<16xi32>], vector<16xf32>,
        %add3A_1197 = arith.addi %broadcast_in_dim3A_359, %gather3A_1151 : vector<16xi32>
        %gather3A_1198 = tpu.vector_load_idx %arg21[%add3A_1197] : memref<32768xf32, #tpu.memory_space<vmem>>[vector<16xi32>], vector<16xf32>,
        %add3A_1199 = arith.addi %broadcast_in_dim3A_369, %gather3A_1152 : vector<16xi32>
        %gather3A_1200 = tpu.vector_load_idx %arg21[%add3A_1199] : memref<32768xf32, #tpu.memory_space<vmem>>[vector<16xi32>], vector<16xf32>,
        %mul3A_1201 = arith.constant 2 : i32
        %mul3A_1202 = vector.broadcast %mul3A_1201 : i32 to vector<16xi32>
        %mul3A_1203 = arith.muli %mul3A_1202, %add3A_1046 : vector<16xi32>
        %ge3A_1204 = arith.cmpf oge, %gather3A_1170, %gather3A_1153 : vector<16xf32>
        %convert_element_type3A_1205 = arith.extui %ge3A_1204 : vector<16xi1> to vector<16xi32>
        %add3A_1206 = arith.addi %mul3A_1203, %convert_element_type3A_1205 : vector<16xi32>
        %mul3A_1207 = arith.constant 2 : i32
        %mul3A_1208 = vector.broadcast %mul3A_1207 : i32 to vector<16xi32>
        %mul3A_1209 = arith.muli %mul3A_1208, %add3A_1052 : vector<16xi32>
        %ge3A_1210 = arith.cmpf oge, %gather3A_1172, %gather3A_1154 : vector<16xf32>
        %convert_element_type3A_1211 = arith.extui %ge3A_1210 : vector<16xi1> to vector<16xi32>
        %add3A_1212 = arith.addi %mul3A_1209, %convert_element_type3A_1211 : vector<16xi32>
        %mul3A_1213 = arith.constant 2 : i32
        %mul3A_1214 = vector.broadcast %mul3A_1213 : i32 to vector<16xi32>
        %mul3A_1215 = arith.muli %mul3A_1214, %add3A_1058 : vector<16xi32>
        %ge3A_1216 = arith.cmpf oge, %gather3A_1174, %gather3A_1155 : vector<16xf32>
        %convert_element_type3A_1217 = arith.extui %ge3A_1216 : vector<16xi1> to vector<16xi32>
        %add3A_1218 = arith.addi %mul3A_1215, %convert_element_type3A_1217 : vector<16xi32>
        %mul3A_1219 = arith.constant 2 : i32
        %mul3A_1220 = vector.broadcast %mul3A_1219 : i32 to vector<16xi32>
        %mul3A_1221 = arith.muli %mul3A_1220, %add3A_1064 : vector<16xi32>
        %ge3A_1222 = arith.cmpf oge, %gather3A_1176, %gather3A_1156 : vector<16xf32>
        %convert_element_type3A_1223 = arith.extui %ge3A_1222 : vector<16xi1> to vector<16xi32>
        %add3A_1224 = arith.addi %mul3A_1221, %convert_element_type3A_1223 : vector<16xi32>
        %mul3A_1225 = arith.constant 2 : i32
        %mul3A_1226 = vector.broadcast %mul3A_1225 : i32 to vector<16xi32>
        %mul3A_1227 = arith.muli %mul3A_1226, %add3A_1070 : vector<16xi32>
        %ge3A_1228 = arith.cmpf oge, %gather3A_1178, %gather3A_1157 : vector<16xf32>
        %convert_element_type3A_1229 = arith.extui %ge3A_1228 : vector<16xi1> to vector<16xi32>
        %add3A_1230 = arith.addi %mul3A_1227, %convert_element_type3A_1229 : vector<16xi32>
        %mul3A_1231 = arith.constant 2 : i32
        %mul3A_1232 = vector.broadcast %mul3A_1231 : i32 to vector<16xi32>
        %mul3A_1233 = arith.muli %mul3A_1232, %add3A_1076 : vector<16xi32>
        %ge3A_1234 = arith.cmpf oge, %gather3A_1180, %gather3A_1158 : vector<16xf32>
        %convert_element_type3A_1235 = arith.extui %ge3A_1234 : vector<16xi1> to vector<16xi32>
        %add3A_1236 = arith.addi %mul3A_1233, %convert_element_type3A_1235 : vector<16xi32>
        %mul3A_1237 = arith.constant 2 : i32
        %mul3A_1238 = vector.broadcast %mul3A_1237 : i32 to vector<16xi32>
        %mul3A_1239 = arith.muli %mul3A_1238, %add3A_1082 : vector<16xi32>
        %ge3A_1240 = arith.cmpf oge, %gather3A_1182, %gather3A_1159 : vector<16xf32>
        %convert_element_type3A_1241 = arith.extui %ge3A_1240 : vector<16xi1> to vector<16xi32>
        %add3A_1242 = arith.addi %mul3A_1239, %convert_element_type3A_1241 : vector<16xi32>
        %mul3A_1243 = arith.constant 2 : i32
        %mul3A_1244 = vector.broadcast %mul3A_1243 : i32 to vector<16xi32>
        %mul3A_1245 = arith.muli %mul3A_1244, %add3A_1088 : vector<16xi32>
        %ge3A_1246 = arith.cmpf oge, %gather3A_1184, %gather3A_1160 : vector<16xf32>
        %convert_element_type3A_1247 = arith.extui %ge3A_1246 : vector<16xi1> to vector<16xi32>
        %add3A_1248 = arith.addi %mul3A_1245, %convert_element_type3A_1247 : vector<16xi32>
        %mul3A_1249 = arith.constant 2 : i32
        %mul3A_1250 = vector.broadcast %mul3A_1249 : i32 to vector<16xi32>
        %mul3A_1251 = arith.muli %mul3A_1250, %add3A_1094 : vector<16xi32>
        %ge3A_1252 = arith.cmpf oge, %gather3A_1186, %gather3A_1161 : vector<16xf32>
        %convert_element_type3A_1253 = arith.extui %ge3A_1252 : vector<16xi1> to vector<16xi32>
        %add3A_1254 = arith.addi %mul3A_1251, %convert_element_type3A_1253 : vector<16xi32>
        %mul3A_1255 = arith.constant 2 : i32
        %mul3A_1256 = vector.broadcast %mul3A_1255 : i32 to vector<16xi32>
        %mul3A_1257 = arith.muli %mul3A_1256, %add3A_1100 : vector<16xi32>
        %ge3A_1258 = arith.cmpf oge, %gather3A_1188, %gather3A_1162 : vector<16xf32>
        %convert_element_type3A_1259 = arith.extui %ge3A_1258 : vector<16xi1> to vector<16xi32>
        %add3A_1260 = arith.addi %mul3A_1257, %convert_element_type3A_1259 : vector<16xi32>
        %mul3A_1261 = arith.constant 2 : i32
        %mul3A_1262 = vector.broadcast %mul3A_1261 : i32 to vector<16xi32>
        %mul3A_1263 = arith.muli %mul3A_1262, %add3A_1106 : vector<16xi32>
        %ge3A_1264 = arith.cmpf oge, %gather3A_1190, %gather3A_1163 : vector<16xf32>
        %convert_element_type3A_1265 = arith.extui %ge3A_1264 : vector<16xi1> to vector<16xi32>
        %add3A_1266 = arith.addi %mul3A_1263, %convert_element_type3A_1265 : vector<16xi32>
        %mul3A_1267 = arith.constant 2 : i32
        %mul3A_1268 = vector.broadcast %mul3A_1267 : i32 to vector<16xi32>
        %mul3A_1269 = arith.muli %mul3A_1268, %add3A_1112 : vector<16xi32>
        %ge3A_1270 = arith.cmpf oge, %gather3A_1192, %gather3A_1164 : vector<16xf32>
        %convert_element_type3A_1271 = arith.extui %ge3A_1270 : vector<16xi1> to vector<16xi32>
        %add3A_1272 = arith.addi %mul3A_1269, %convert_element_type3A_1271 : vector<16xi32>
        %mul3A_1273 = arith.constant 2 : i32
        %mul3A_1274 = vector.broadcast %mul3A_1273 : i32 to vector<16xi32>
        %mul3A_1275 = arith.muli %mul3A_1274, %add3A_1118 : vector<16xi32>
        %ge3A_1276 = arith.cmpf oge, %gather3A_1194, %gather3A_1165 : vector<16xf32>
        %convert_element_type3A_1277 = arith.extui %ge3A_1276 : vector<16xi1> to vector<16xi32>
        %add3A_1278 = arith.addi %mul3A_1275, %convert_element_type3A_1277 : vector<16xi32>
        %mul3A_1279 = arith.constant 2 : i32
        %mul3A_1280 = vector.broadcast %mul3A_1279 : i32 to vector<16xi32>
        %mul3A_1281 = arith.muli %mul3A_1280, %add3A_1124 : vector<16xi32>
        %ge3A_1282 = arith.cmpf oge, %gather3A_1196, %gather3A_1166 : vector<16xf32>
        %convert_element_type3A_1283 = arith.extui %ge3A_1282 : vector<16xi1> to vector<16xi32>
        %add3A_1284 = arith.addi %mul3A_1281, %convert_element_type3A_1283 : vector<16xi32>
        %mul3A_1285 = arith.constant 2 : i32
        %mul3A_1286 = vector.broadcast %mul3A_1285 : i32 to vector<16xi32>
        %mul3A_1287 = arith.muli %mul3A_1286, %add3A_1130 : vector<16xi32>
        %ge3A_1288 = arith.cmpf oge, %gather3A_1198, %gather3A_1167 : vector<16xf32>
        %convert_element_type3A_1289 = arith.extui %ge3A_1288 : vector<16xi1> to vector<16xi32>
        %add3A_1290 = arith.addi %mul3A_1287, %convert_element_type3A_1289 : vector<16xi32>
        %mul3A_1291 = arith.constant 2 : i32
        %mul3A_1292 = vector.broadcast %mul3A_1291 : i32 to vector<16xi32>
        %mul3A_1293 = arith.muli %mul3A_1292, %add3A_1136 : vector<16xi32>
        %ge3A_1294 = arith.cmpf oge, %gather3A_1200, %gather3A_1168 : vector<16xf32>
        %convert_element_type3A_1295 = arith.extui %ge3A_1294 : vector<16xi1> to vector<16xi32>
        %add3A_1296 = arith.addi %mul3A_1293, %convert_element_type3A_1295 : vector<16xi32>
        %gather3A_1297 = tpu.vector_load_idx %arg30[%add3A_1206] : memref<1024xi32, #tpu.memory_space<vmem>>[vector<16xi32>], vector<16xi32>,
        %gather3A_1298 = tpu.vector_load_idx %arg30[%add3A_1212] : memref<1024xi32, #tpu.memory_space<vmem>>[vector<16xi32>], vector<16xi32>,
        %gather3A_1299 = tpu.vector_load_idx %arg30[%add3A_1218] : memref<1024xi32, #tpu.memory_space<vmem>>[vector<16xi32>], vector<16xi32>,
        %gather3A_1300 = tpu.vector_load_idx %arg30[%add3A_1224] : memref<1024xi32, #tpu.memory_space<vmem>>[vector<16xi32>], vector<16xi32>,
        %gather3A_1301 = tpu.vector_load_idx %arg30[%add3A_1230] : memref<1024xi32, #tpu.memory_space<vmem>>[vector<16xi32>], vector<16xi32>,
        %gather3A_1302 = tpu.vector_load_idx %arg30[%add3A_1236] : memref<1024xi32, #tpu.memory_space<vmem>>[vector<16xi32>], vector<16xi32>,
        %gather3A_1303 = tpu.vector_load_idx %arg30[%add3A_1242] : memref<1024xi32, #tpu.memory_space<vmem>>[vector<16xi32>], vector<16xi32>,
        %gather3A_1304 = tpu.vector_load_idx %arg30[%add3A_1248] : memref<1024xi32, #tpu.memory_space<vmem>>[vector<16xi32>], vector<16xi32>,
        %gather3A_1305 = tpu.vector_load_idx %arg30[%add3A_1254] : memref<1024xi32, #tpu.memory_space<vmem>>[vector<16xi32>], vector<16xi32>,
        %gather3A_1306 = tpu.vector_load_idx %arg30[%add3A_1260] : memref<1024xi32, #tpu.memory_space<vmem>>[vector<16xi32>], vector<16xi32>,
        %gather3A_1307 = tpu.vector_load_idx %arg30[%add3A_1266] : memref<1024xi32, #tpu.memory_space<vmem>>[vector<16xi32>], vector<16xi32>,
        %gather3A_1308 = tpu.vector_load_idx %arg30[%add3A_1272] : memref<1024xi32, #tpu.memory_space<vmem>>[vector<16xi32>], vector<16xi32>,
        %gather3A_1309 = tpu.vector_load_idx %arg30[%add3A_1278] : memref<1024xi32, #tpu.memory_space<vmem>>[vector<16xi32>], vector<16xi32>,
        %gather3A_1310 = tpu.vector_load_idx %arg30[%add3A_1284] : memref<1024xi32, #tpu.memory_space<vmem>>[vector<16xi32>], vector<16xi32>,
        %gather3A_1311 = tpu.vector_load_idx %arg30[%add3A_1290] : memref<1024xi32, #tpu.memory_space<vmem>>[vector<16xi32>], vector<16xi32>,
        %gather3A_1312 = tpu.vector_load_idx %arg30[%add3A_1296] : memref<1024xi32, #tpu.memory_space<vmem>>[vector<16xi32>], vector<16xi32>,
        %gather3A_1313 = tpu.vector_load_idx %arg37[%add3A_1206] : memref<1024xf32, #tpu.memory_space<vmem>>[vector<16xi32>], vector<16xf32>,
        %gather3A_1314 = tpu.vector_load_idx %arg37[%add3A_1212] : memref<1024xf32, #tpu.memory_space<vmem>>[vector<16xi32>], vector<16xf32>,
        %gather3A_1315 = tpu.vector_load_idx %arg37[%add3A_1218] : memref<1024xf32, #tpu.memory_space<vmem>>[vector<16xi32>], vector<16xf32>,
        %gather3A_1316 = tpu.vector_load_idx %arg37[%add3A_1224] : memref<1024xf32, #tpu.memory_space<vmem>>[vector<16xi32>], vector<16xf32>,
        %gather3A_1317 = tpu.vector_load_idx %arg37[%add3A_1230] : memref<1024xf32, #tpu.memory_space<vmem>>[vector<16xi32>], vector<16xf32>,
        %gather3A_1318 = tpu.vector_load_idx %arg37[%add3A_1236] : memref<1024xf32, #tpu.memory_space<vmem>>[vector<16xi32>], vector<16xf32>,
        %gather3A_1319 = tpu.vector_load_idx %arg37[%add3A_1242] : memref<1024xf32, #tpu.memory_space<vmem>>[vector<16xi32>], vector<16xf32>,
        %gather3A_1320 = tpu.vector_load_idx %arg37[%add3A_1248] : memref<1024xf32, #tpu.memory_space<vmem>>[vector<16xi32>], vector<16xf32>,
        %gather3A_1321 = tpu.vector_load_idx %arg37[%add3A_1254] : memref<1024xf32, #tpu.memory_space<vmem>>[vector<16xi32>], vector<16xf32>,
        %gather3A_1322 = tpu.vector_load_idx %arg37[%add3A_1260] : memref<1024xf32, #tpu.memory_space<vmem>>[vector<16xi32>], vector<16xf32>,
        %gather3A_1323 = tpu.vector_load_idx %arg37[%add3A_1266] : memref<1024xf32, #tpu.memory_space<vmem>>[vector<16xi32>], vector<16xf32>,
        %gather3A_1324 = tpu.vector_load_idx %arg37[%add3A_1272] : memref<1024xf32, #tpu.memory_space<vmem>>[vector<16xi32>], vector<16xf32>,
        %gather3A_1325 = tpu.vector_load_idx %arg37[%add3A_1278] : memref<1024xf32, #tpu.memory_space<vmem>>[vector<16xi32>], vector<16xf32>,
        %gather3A_1326 = tpu.vector_load_idx %arg37[%add3A_1284] : memref<1024xf32, #tpu.memory_space<vmem>>[vector<16xi32>], vector<16xf32>,
        %gather3A_1327 = tpu.vector_load_idx %arg37[%add3A_1290] : memref<1024xf32, #tpu.memory_space<vmem>>[vector<16xi32>], vector<16xf32>,
        %gather3A_1328 = tpu.vector_load_idx %arg37[%add3A_1296] : memref<1024xf32, #tpu.memory_space<vmem>>[vector<16xi32>], vector<16xf32>,
        %add3A_1329 = arith.addi %broadcast_in_dim3A_219, %gather3A_1297 : vector<16xi32>
        %gather3A_1330 = tpu.vector_load_idx %arg21[%add3A_1329] : memref<32768xf32, #tpu.memory_space<vmem>>[vector<16xi32>], vector<16xf32>,
        %add3A_1331 = arith.addi %broadcast_in_dim3A_229, %gather3A_1298 : vector<16xi32>
        %gather3A_1332 = tpu.vector_load_idx %arg21[%add3A_1331] : memref<32768xf32, #tpu.memory_space<vmem>>[vector<16xi32>], vector<16xf32>,
        %add3A_1333 = arith.addi %broadcast_in_dim3A_239, %gather3A_1299 : vector<16xi32>
        %gather3A_1334 = tpu.vector_load_idx %arg21[%add3A_1333] : memref<32768xf32, #tpu.memory_space<vmem>>[vector<16xi32>], vector<16xf32>,
        %add3A_1335 = arith.addi %broadcast_in_dim3A_249, %gather3A_1300 : vector<16xi32>
        %gather3A_1336 = tpu.vector_load_idx %arg21[%add3A_1335] : memref<32768xf32, #tpu.memory_space<vmem>>[vector<16xi32>], vector<16xf32>,
        %add3A_1337 = arith.addi %broadcast_in_dim3A_259, %gather3A_1301 : vector<16xi32>
        %gather3A_1338 = tpu.vector_load_idx %arg21[%add3A_1337] : memref<32768xf32, #tpu.memory_space<vmem>>[vector<16xi32>], vector<16xf32>,
        %add3A_1339 = arith.addi %broadcast_in_dim3A_269, %gather3A_1302 : vector<16xi32>
        %gather3A_1340 = tpu.vector_load_idx %arg21[%add3A_1339] : memref<32768xf32, #tpu.memory_space<vmem>>[vector<16xi32>], vector<16xf32>,
        %add3A_1341 = arith.addi %broadcast_in_dim3A_279, %gather3A_1303 : vector<16xi32>
        %gather3A_1342 = tpu.vector_load_idx %arg21[%add3A_1341] : memref<32768xf32, #tpu.memory_space<vmem>>[vector<16xi32>], vector<16xf32>,
        %add3A_1343 = arith.addi %broadcast_in_dim3A_289, %gather3A_1304 : vector<16xi32>
        %gather3A_1344 = tpu.vector_load_idx %arg21[%add3A_1343] : memref<32768xf32, #tpu.memory_space<vmem>>[vector<16xi32>], vector<16xf32>,
        %add3A_1345 = arith.addi %broadcast_in_dim3A_299, %gather3A_1305 : vector<16xi32>
        %gather3A_1346 = tpu.vector_load_idx %arg21[%add3A_1345] : memref<32768xf32, #tpu.memory_space<vmem>>[vector<16xi32>], vector<16xf32>,
        %add3A_1347 = arith.addi %broadcast_in_dim3A_309, %gather3A_1306 : vector<16xi32>
        %gather3A_1348 = tpu.vector_load_idx %arg21[%add3A_1347] : memref<32768xf32, #tpu.memory_space<vmem>>[vector<16xi32>], vector<16xf32>,
        %add3A_1349 = arith.addi %broadcast_in_dim3A_319, %gather3A_1307 : vector<16xi32>
        %gather3A_1350 = tpu.vector_load_idx %arg21[%add3A_1349] : memref<32768xf32, #tpu.memory_space<vmem>>[vector<16xi32>], vector<16xf32>,
        %add3A_1351 = arith.addi %broadcast_in_dim3A_329, %gather3A_1308 : vector<16xi32>
        %gather3A_1352 = tpu.vector_load_idx %arg21[%add3A_1351] : memref<32768xf32, #tpu.memory_space<vmem>>[vector<16xi32>], vector<16xf32>,
        %add3A_1353 = arith.addi %broadcast_in_dim3A_339, %gather3A_1309 : vector<16xi32>
        %gather3A_1354 = tpu.vector_load_idx %arg21[%add3A_1353] : memref<32768xf32, #tpu.memory_space<vmem>>[vector<16xi32>], vector<16xf32>,
        %add3A_1355 = arith.addi %broadcast_in_dim3A_349, %gather3A_1310 : vector<16xi32>
        %gather3A_1356 = tpu.vector_load_idx %arg21[%add3A_1355] : memref<32768xf32, #tpu.memory_space<vmem>>[vector<16xi32>], vector<16xf32>,
        %add3A_1357 = arith.addi %broadcast_in_dim3A_359, %gather3A_1311 : vector<16xi32>
        %gather3A_1358 = tpu.vector_load_idx %arg21[%add3A_1357] : memref<32768xf32, #tpu.memory_space<vmem>>[vector<16xi32>], vector<16xf32>,
        %add3A_1359 = arith.addi %broadcast_in_dim3A_369, %gather3A_1312 : vector<16xi32>
        %gather3A_1360 = tpu.vector_load_idx %arg21[%add3A_1359] : memref<32768xf32, #tpu.memory_space<vmem>>[vector<16xi32>], vector<16xf32>,
        %mul3A_1361 = arith.constant 2 : i32
        %mul3A_1362 = vector.broadcast %mul3A_1361 : i32 to vector<16xi32>
        %mul3A_1363 = arith.muli %mul3A_1362, %add3A_1206 : vector<16xi32>
        %ge3A_1364 = arith.cmpf oge, %gather3A_1330, %gather3A_1313 : vector<16xf32>
        %convert_element_type3A_1365 = arith.extui %ge3A_1364 : vector<16xi1> to vector<16xi32>
        %add3A_1366 = arith.addi %mul3A_1363, %convert_element_type3A_1365 : vector<16xi32>
        %mul3A_1367 = arith.constant 2 : i32
        %mul3A_1368 = vector.broadcast %mul3A_1367 : i32 to vector<16xi32>
        %mul3A_1369 = arith.muli %mul3A_1368, %add3A_1212 : vector<16xi32>
        %ge3A_1370 = arith.cmpf oge, %gather3A_1332, %gather3A_1314 : vector<16xf32>
        %convert_element_type3A_1371 = arith.extui %ge3A_1370 : vector<16xi1> to vector<16xi32>
        %add3A_1372 = arith.addi %mul3A_1369, %convert_element_type3A_1371 : vector<16xi32>
        %mul3A_1373 = arith.constant 2 : i32
        %mul3A_1374 = vector.broadcast %mul3A_1373 : i32 to vector<16xi32>
        %mul3A_1375 = arith.muli %mul3A_1374, %add3A_1218 : vector<16xi32>
        %ge3A_1376 = arith.cmpf oge, %gather3A_1334, %gather3A_1315 : vector<16xf32>
        %convert_element_type3A_1377 = arith.extui %ge3A_1376 : vector<16xi1> to vector<16xi32>
        %add3A_1378 = arith.addi %mul3A_1375, %convert_element_type3A_1377 : vector<16xi32>
        %mul3A_1379 = arith.constant 2 : i32
        %mul3A_1380 = vector.broadcast %mul3A_1379 : i32 to vector<16xi32>
        %mul3A_1381 = arith.muli %mul3A_1380, %add3A_1224 : vector<16xi32>
        %ge3A_1382 = arith.cmpf oge, %gather3A_1336, %gather3A_1316 : vector<16xf32>
        %convert_element_type3A_1383 = arith.extui %ge3A_1382 : vector<16xi1> to vector<16xi32>
        %add3A_1384 = arith.addi %mul3A_1381, %convert_element_type3A_1383 : vector<16xi32>
        %mul3A_1385 = arith.constant 2 : i32
        %mul3A_1386 = vector.broadcast %mul3A_1385 : i32 to vector<16xi32>
        %mul3A_1387 = arith.muli %mul3A_1386, %add3A_1230 : vector<16xi32>
        %ge3A_1388 = arith.cmpf oge, %gather3A_1338, %gather3A_1317 : vector<16xf32>
        %convert_element_type3A_1389 = arith.extui %ge3A_1388 : vector<16xi1> to vector<16xi32>
        %add3A_1390 = arith.addi %mul3A_1387, %convert_element_type3A_1389 : vector<16xi32>
        %mul3A_1391 = arith.constant 2 : i32
        %mul3A_1392 = vector.broadcast %mul3A_1391 : i32 to vector<16xi32>
        %mul3A_1393 = arith.muli %mul3A_1392, %add3A_1236 : vector<16xi32>
        %ge3A_1394 = arith.cmpf oge, %gather3A_1340, %gather3A_1318 : vector<16xf32>
        %convert_element_type3A_1395 = arith.extui %ge3A_1394 : vector<16xi1> to vector<16xi32>
        %add3A_1396 = arith.addi %mul3A_1393, %convert_element_type3A_1395 : vector<16xi32>
        %mul3A_1397 = arith.constant 2 : i32
        %mul3A_1398 = vector.broadcast %mul3A_1397 : i32 to vector<16xi32>
        %mul3A_1399 = arith.muli %mul3A_1398, %add3A_1242 : vector<16xi32>
        %ge3A_1400 = arith.cmpf oge, %gather3A_1342, %gather3A_1319 : vector<16xf32>
        %convert_element_type3A_1401 = arith.extui %ge3A_1400 : vector<16xi1> to vector<16xi32>
        %add3A_1402 = arith.addi %mul3A_1399, %convert_element_type3A_1401 : vector<16xi32>
        %mul3A_1403 = arith.constant 2 : i32
        %mul3A_1404 = vector.broadcast %mul3A_1403 : i32 to vector<16xi32>
        %mul3A_1405 = arith.muli %mul3A_1404, %add3A_1248 : vector<16xi32>
        %ge3A_1406 = arith.cmpf oge, %gather3A_1344, %gather3A_1320 : vector<16xf32>
        %convert_element_type3A_1407 = arith.extui %ge3A_1406 : vector<16xi1> to vector<16xi32>
        %add3A_1408 = arith.addi %mul3A_1405, %convert_element_type3A_1407 : vector<16xi32>
        %mul3A_1409 = arith.constant 2 : i32
        %mul3A_1410 = vector.broadcast %mul3A_1409 : i32 to vector<16xi32>
        %mul3A_1411 = arith.muli %mul3A_1410, %add3A_1254 : vector<16xi32>
        %ge3A_1412 = arith.cmpf oge, %gather3A_1346, %gather3A_1321 : vector<16xf32>
        %convert_element_type3A_1413 = arith.extui %ge3A_1412 : vector<16xi1> to vector<16xi32>
        %add3A_1414 = arith.addi %mul3A_1411, %convert_element_type3A_1413 : vector<16xi32>
        %mul3A_1415 = arith.constant 2 : i32
        %mul3A_1416 = vector.broadcast %mul3A_1415 : i32 to vector<16xi32>
        %mul3A_1417 = arith.muli %mul3A_1416, %add3A_1260 : vector<16xi32>
        %ge3A_1418 = arith.cmpf oge, %gather3A_1348, %gather3A_1322 : vector<16xf32>
        %convert_element_type3A_1419 = arith.extui %ge3A_1418 : vector<16xi1> to vector<16xi32>
        %add3A_1420 = arith.addi %mul3A_1417, %convert_element_type3A_1419 : vector<16xi32>
        %mul3A_1421 = arith.constant 2 : i32
        %mul3A_1422 = vector.broadcast %mul3A_1421 : i32 to vector<16xi32>
        %mul3A_1423 = arith.muli %mul3A_1422, %add3A_1266 : vector<16xi32>
        %ge3A_1424 = arith.cmpf oge, %gather3A_1350, %gather3A_1323 : vector<16xf32>
        %convert_element_type3A_1425 = arith.extui %ge3A_1424 : vector<16xi1> to vector<16xi32>
        %add3A_1426 = arith.addi %mul3A_1423, %convert_element_type3A_1425 : vector<16xi32>
        %mul3A_1427 = arith.constant 2 : i32
        %mul3A_1428 = vector.broadcast %mul3A_1427 : i32 to vector<16xi32>
        %mul3A_1429 = arith.muli %mul3A_1428, %add3A_1272 : vector<16xi32>
        %ge3A_1430 = arith.cmpf oge, %gather3A_1352, %gather3A_1324 : vector<16xf32>
        %convert_element_type3A_1431 = arith.extui %ge3A_1430 : vector<16xi1> to vector<16xi32>
        %add3A_1432 = arith.addi %mul3A_1429, %convert_element_type3A_1431 : vector<16xi32>
        %mul3A_1433 = arith.constant 2 : i32
        %mul3A_1434 = vector.broadcast %mul3A_1433 : i32 to vector<16xi32>
        %mul3A_1435 = arith.muli %mul3A_1434, %add3A_1278 : vector<16xi32>
        %ge3A_1436 = arith.cmpf oge, %gather3A_1354, %gather3A_1325 : vector<16xf32>
        %convert_element_type3A_1437 = arith.extui %ge3A_1436 : vector<16xi1> to vector<16xi32>
        %add3A_1438 = arith.addi %mul3A_1435, %convert_element_type3A_1437 : vector<16xi32>
        %mul3A_1439 = arith.constant 2 : i32
        %mul3A_1440 = vector.broadcast %mul3A_1439 : i32 to vector<16xi32>
        %mul3A_1441 = arith.muli %mul3A_1440, %add3A_1284 : vector<16xi32>
        %ge3A_1442 = arith.cmpf oge, %gather3A_1356, %gather3A_1326 : vector<16xf32>
        %convert_element_type3A_1443 = arith.extui %ge3A_1442 : vector<16xi1> to vector<16xi32>
        %add3A_1444 = arith.addi %mul3A_1441, %convert_element_type3A_1443 : vector<16xi32>
        %mul3A_1445 = arith.constant 2 : i32
        %mul3A_1446 = vector.broadcast %mul3A_1445 : i32 to vector<16xi32>
        %mul3A_1447 = arith.muli %mul3A_1446, %add3A_1290 : vector<16xi32>
        %ge3A_1448 = arith.cmpf oge, %gather3A_1358, %gather3A_1327 : vector<16xf32>
        %convert_element_type3A_1449 = arith.extui %ge3A_1448 : vector<16xi1> to vector<16xi32>
        %add3A_1450 = arith.addi %mul3A_1447, %convert_element_type3A_1449 : vector<16xi32>
        %mul3A_1451 = arith.constant 2 : i32
        %mul3A_1452 = vector.broadcast %mul3A_1451 : i32 to vector<16xi32>
        %mul3A_1453 = arith.muli %mul3A_1452, %add3A_1296 : vector<16xi32>
        %ge3A_1454 = arith.cmpf oge, %gather3A_1360, %gather3A_1328 : vector<16xf32>
        %convert_element_type3A_1455 = arith.extui %ge3A_1454 : vector<16xi1> to vector<16xi32>
        %add3A_1456 = arith.addi %mul3A_1453, %convert_element_type3A_1455 : vector<16xi32>
        %gather3A_1457 = tpu.vector_load_idx %arg31[%add3A_1366] : memref<2048xi32, #tpu.memory_space<vmem>>[vector<16xi32>], vector<16xi32>,
        %gather3A_1458 = tpu.vector_load_idx %arg31[%add3A_1372] : memref<2048xi32, #tpu.memory_space<vmem>>[vector<16xi32>], vector<16xi32>,
        %gather3A_1459 = tpu.vector_load_idx %arg31[%add3A_1378] : memref<2048xi32, #tpu.memory_space<vmem>>[vector<16xi32>], vector<16xi32>,
        %gather3A_1460 = tpu.vector_load_idx %arg31[%add3A_1384] : memref<2048xi32, #tpu.memory_space<vmem>>[vector<16xi32>], vector<16xi32>,
        %gather3A_1461 = tpu.vector_load_idx %arg31[%add3A_1390] : memref<2048xi32, #tpu.memory_space<vmem>>[vector<16xi32>], vector<16xi32>,
        %gather3A_1462 = tpu.vector_load_idx %arg31[%add3A_1396] : memref<2048xi32, #tpu.memory_space<vmem>>[vector<16xi32>], vector<16xi32>,
        %gather3A_1463 = tpu.vector_load_idx %arg31[%add3A_1402] : memref<2048xi32, #tpu.memory_space<vmem>>[vector<16xi32>], vector<16xi32>,
        %gather3A_1464 = tpu.vector_load_idx %arg31[%add3A_1408] : memref<2048xi32, #tpu.memory_space<vmem>>[vector<16xi32>], vector<16xi32>,
        %gather3A_1465 = tpu.vector_load_idx %arg31[%add3A_1414] : memref<2048xi32, #tpu.memory_space<vmem>>[vector<16xi32>], vector<16xi32>,
        %gather3A_1466 = tpu.vector_load_idx %arg31[%add3A_1420] : memref<2048xi32, #tpu.memory_space<vmem>>[vector<16xi32>], vector<16xi32>,
        %gather3A_1467 = tpu.vector_load_idx %arg31[%add3A_1426] : memref<2048xi32, #tpu.memory_space<vmem>>[vector<16xi32>], vector<16xi32>,
        %gather3A_1468 = tpu.vector_load_idx %arg31[%add3A_1432] : memref<2048xi32, #tpu.memory_space<vmem>>[vector<16xi32>], vector<16xi32>,
        %gather3A_1469 = tpu.vector_load_idx %arg31[%add3A_1438] : memref<2048xi32, #tpu.memory_space<vmem>>[vector<16xi32>], vector<16xi32>,
        %gather3A_1470 = tpu.vector_load_idx %arg31[%add3A_1444] : memref<2048xi32, #tpu.memory_space<vmem>>[vector<16xi32>], vector<16xi32>,
        %gather3A_1471 = tpu.vector_load_idx %arg31[%add3A_1450] : memref<2048xi32, #tpu.memory_space<vmem>>[vector<16xi32>], vector<16xi32>,
        %gather3A_1472 = tpu.vector_load_idx %arg31[%add3A_1456] : memref<2048xi32, #tpu.memory_space<vmem>>[vector<16xi32>], vector<16xi32>,
        %gather3A_1473 = tpu.vector_load_idx %arg38[%add3A_1366] : memref<2048xf32, #tpu.memory_space<vmem>>[vector<16xi32>], vector<16xf32>,
        %gather3A_1474 = tpu.vector_load_idx %arg38[%add3A_1372] : memref<2048xf32, #tpu.memory_space<vmem>>[vector<16xi32>], vector<16xf32>,
        %gather3A_1475 = tpu.vector_load_idx %arg38[%add3A_1378] : memref<2048xf32, #tpu.memory_space<vmem>>[vector<16xi32>], vector<16xf32>,
        %gather3A_1476 = tpu.vector_load_idx %arg38[%add3A_1384] : memref<2048xf32, #tpu.memory_space<vmem>>[vector<16xi32>], vector<16xf32>,
        %gather3A_1477 = tpu.vector_load_idx %arg38[%add3A_1390] : memref<2048xf32, #tpu.memory_space<vmem>>[vector<16xi32>], vector<16xf32>,
        %gather3A_1478 = tpu.vector_load_idx %arg38[%add3A_1396] : memref<2048xf32, #tpu.memory_space<vmem>>[vector<16xi32>], vector<16xf32>,
        %gather3A_1479 = tpu.vector_load_idx %arg38[%add3A_1402] : memref<2048xf32, #tpu.memory_space<vmem>>[vector<16xi32>], vector<16xf32>,
        %gather3A_1480 = tpu.vector_load_idx %arg38[%add3A_1408] : memref<2048xf32, #tpu.memory_space<vmem>>[vector<16xi32>], vector<16xf32>,
        %gather3A_1481 = tpu.vector_load_idx %arg38[%add3A_1414] : memref<2048xf32, #tpu.memory_space<vmem>>[vector<16xi32>], vector<16xf32>,
        %gather3A_1482 = tpu.vector_load_idx %arg38[%add3A_1420] : memref<2048xf32, #tpu.memory_space<vmem>>[vector<16xi32>], vector<16xf32>,
        %gather3A_1483 = tpu.vector_load_idx %arg38[%add3A_1426] : memref<2048xf32, #tpu.memory_space<vmem>>[vector<16xi32>], vector<16xf32>,
        %gather3A_1484 = tpu.vector_load_idx %arg38[%add3A_1432] : memref<2048xf32, #tpu.memory_space<vmem>>[vector<16xi32>], vector<16xf32>,
        %gather3A_1485 = tpu.vector_load_idx %arg38[%add3A_1438] : memref<2048xf32, #tpu.memory_space<vmem>>[vector<16xi32>], vector<16xf32>,
        %gather3A_1486 = tpu.vector_load_idx %arg38[%add3A_1444] : memref<2048xf32, #tpu.memory_space<vmem>>[vector<16xi32>], vector<16xf32>,
        %gather3A_1487 = tpu.vector_load_idx %arg38[%add3A_1450] : memref<2048xf32, #tpu.memory_space<vmem>>[vector<16xi32>], vector<16xf32>,
        %gather3A_1488 = tpu.vector_load_idx %arg38[%add3A_1456] : memref<2048xf32, #tpu.memory_space<vmem>>[vector<16xi32>], vector<16xf32>,
        %add3A_1489 = arith.addi %broadcast_in_dim3A_219, %gather3A_1457 : vector<16xi32>
        %gather3A_1490 = tpu.vector_load_idx %arg21[%add3A_1489] : memref<32768xf32, #tpu.memory_space<vmem>>[vector<16xi32>], vector<16xf32>,
        %add3A_1491 = arith.addi %broadcast_in_dim3A_229, %gather3A_1458 : vector<16xi32>
        %gather3A_1492 = tpu.vector_load_idx %arg21[%add3A_1491] : memref<32768xf32, #tpu.memory_space<vmem>>[vector<16xi32>], vector<16xf32>,
        %add3A_1493 = arith.addi %broadcast_in_dim3A_239, %gather3A_1459 : vector<16xi32>
        %gather3A_1494 = tpu.vector_load_idx %arg21[%add3A_1493] : memref<32768xf32, #tpu.memory_space<vmem>>[vector<16xi32>], vector<16xf32>,
        %add3A_1495 = arith.addi %broadcast_in_dim3A_249, %gather3A_1460 : vector<16xi32>
        %gather3A_1496 = tpu.vector_load_idx %arg21[%add3A_1495] : memref<32768xf32, #tpu.memory_space<vmem>>[vector<16xi32>], vector<16xf32>,
        %add3A_1497 = arith.addi %broadcast_in_dim3A_259, %gather3A_1461 : vector<16xi32>
        %gather3A_1498 = tpu.vector_load_idx %arg21[%add3A_1497] : memref<32768xf32, #tpu.memory_space<vmem>>[vector<16xi32>], vector<16xf32>,
        %add3A_1499 = arith.addi %broadcast_in_dim3A_269, %gather3A_1462 : vector<16xi32>
        %gather3A_1500 = tpu.vector_load_idx %arg21[%add3A_1499] : memref<32768xf32, #tpu.memory_space<vmem>>[vector<16xi32>], vector<16xf32>,
        %add3A_1501 = arith.addi %broadcast_in_dim3A_279, %gather3A_1463 : vector<16xi32>
        %gather3A_1502 = tpu.vector_load_idx %arg21[%add3A_1501] : memref<32768xf32, #tpu.memory_space<vmem>>[vector<16xi32>], vector<16xf32>,
        %add3A_1503 = arith.addi %broadcast_in_dim3A_289, %gather3A_1464 : vector<16xi32>
        %gather3A_1504 = tpu.vector_load_idx %arg21[%add3A_1503] : memref<32768xf32, #tpu.memory_space<vmem>>[vector<16xi32>], vector<16xf32>,
        %add3A_1505 = arith.addi %broadcast_in_dim3A_299, %gather3A_1465 : vector<16xi32>
        %gather3A_1506 = tpu.vector_load_idx %arg21[%add3A_1505] : memref<32768xf32, #tpu.memory_space<vmem>>[vector<16xi32>], vector<16xf32>,
        %add3A_1507 = arith.addi %broadcast_in_dim3A_309, %gather3A_1466 : vector<16xi32>
        %gather3A_1508 = tpu.vector_load_idx %arg21[%add3A_1507] : memref<32768xf32, #tpu.memory_space<vmem>>[vector<16xi32>], vector<16xf32>,
        %add3A_1509 = arith.addi %broadcast_in_dim3A_319, %gather3A_1467 : vector<16xi32>
        %gather3A_1510 = tpu.vector_load_idx %arg21[%add3A_1509] : memref<32768xf32, #tpu.memory_space<vmem>>[vector<16xi32>], vector<16xf32>,
        %add3A_1511 = arith.addi %broadcast_in_dim3A_329, %gather3A_1468 : vector<16xi32>
        %gather3A_1512 = tpu.vector_load_idx %arg21[%add3A_1511] : memref<32768xf32, #tpu.memory_space<vmem>>[vector<16xi32>], vector<16xf32>,
        %add3A_1513 = arith.addi %broadcast_in_dim3A_339, %gather3A_1469 : vector<16xi32>
        %gather3A_1514 = tpu.vector_load_idx %arg21[%add3A_1513] : memref<32768xf32, #tpu.memory_space<vmem>>[vector<16xi32>], vector<16xf32>,
        %add3A_1515 = arith.addi %broadcast_in_dim3A_349, %gather3A_1470 : vector<16xi32>
        %gather3A_1516 = tpu.vector_load_idx %arg21[%add3A_1515] : memref<32768xf32, #tpu.memory_space<vmem>>[vector<16xi32>], vector<16xf32>,
        %add3A_1517 = arith.addi %broadcast_in_dim3A_359, %gather3A_1471 : vector<16xi32>
        %gather3A_1518 = tpu.vector_load_idx %arg21[%add3A_1517] : memref<32768xf32, #tpu.memory_space<vmem>>[vector<16xi32>], vector<16xf32>,
        %add3A_1519 = arith.addi %broadcast_in_dim3A_369, %gather3A_1472 : vector<16xi32>
        %gather3A_1520 = tpu.vector_load_idx %arg21[%add3A_1519] : memref<32768xf32, #tpu.memory_space<vmem>>[vector<16xi32>], vector<16xf32>,
        %mul3A_1521 = arith.constant 2 : i32
        %mul3A_1522 = vector.broadcast %mul3A_1521 : i32 to vector<16xi32>
        %mul3A_1523 = arith.muli %mul3A_1522, %add3A_1366 : vector<16xi32>
        %ge3A_1524 = arith.cmpf oge, %gather3A_1490, %gather3A_1473 : vector<16xf32>
        %convert_element_type3A_1525 = arith.extui %ge3A_1524 : vector<16xi1> to vector<16xi32>
        %add3A_1526 = arith.addi %mul3A_1523, %convert_element_type3A_1525 : vector<16xi32>
        %mul3A_1527 = arith.constant 2 : i32
        %mul3A_1528 = vector.broadcast %mul3A_1527 : i32 to vector<16xi32>
        %mul3A_1529 = arith.muli %mul3A_1528, %add3A_1372 : vector<16xi32>
        %ge3A_1530 = arith.cmpf oge, %gather3A_1492, %gather3A_1474 : vector<16xf32>
        %convert_element_type3A_1531 = arith.extui %ge3A_1530 : vector<16xi1> to vector<16xi32>
        %add3A_1532 = arith.addi %mul3A_1529, %convert_element_type3A_1531 : vector<16xi32>
        %mul3A_1533 = arith.constant 2 : i32
        %mul3A_1534 = vector.broadcast %mul3A_1533 : i32 to vector<16xi32>
        %mul3A_1535 = arith.muli %mul3A_1534, %add3A_1378 : vector<16xi32>
        %ge3A_1536 = arith.cmpf oge, %gather3A_1494, %gather3A_1475 : vector<16xf32>
        %convert_element_type3A_1537 = arith.extui %ge3A_1536 : vector<16xi1> to vector<16xi32>
        %add3A_1538 = arith.addi %mul3A_1535, %convert_element_type3A_1537 : vector<16xi32>
        %mul3A_1539 = arith.constant 2 : i32
        %mul3A_1540 = vector.broadcast %mul3A_1539 : i32 to vector<16xi32>
        %mul3A_1541 = arith.muli %mul3A_1540, %add3A_1384 : vector<16xi32>
        %ge3A_1542 = arith.cmpf oge, %gather3A_1496, %gather3A_1476 : vector<16xf32>
        %convert_element_type3A_1543 = arith.extui %ge3A_1542 : vector<16xi1> to vector<16xi32>
        %add3A_1544 = arith.addi %mul3A_1541, %convert_element_type3A_1543 : vector<16xi32>
        %mul3A_1545 = arith.constant 2 : i32
        %mul3A_1546 = vector.broadcast %mul3A_1545 : i32 to vector<16xi32>
        %mul3A_1547 = arith.muli %mul3A_1546, %add3A_1390 : vector<16xi32>
        %ge3A_1548 = arith.cmpf oge, %gather3A_1498, %gather3A_1477 : vector<16xf32>
        %convert_element_type3A_1549 = arith.extui %ge3A_1548 : vector<16xi1> to vector<16xi32>
        %add3A_1550 = arith.addi %mul3A_1547, %convert_element_type3A_1549 : vector<16xi32>
        %mul3A_1551 = arith.constant 2 : i32
        %mul3A_1552 = vector.broadcast %mul3A_1551 : i32 to vector<16xi32>
        %mul3A_1553 = arith.muli %mul3A_1552, %add3A_1396 : vector<16xi32>
        %ge3A_1554 = arith.cmpf oge, %gather3A_1500, %gather3A_1478 : vector<16xf32>
        %convert_element_type3A_1555 = arith.extui %ge3A_1554 : vector<16xi1> to vector<16xi32>
        %add3A_1556 = arith.addi %mul3A_1553, %convert_element_type3A_1555 : vector<16xi32>
        %mul3A_1557 = arith.constant 2 : i32
        %mul3A_1558 = vector.broadcast %mul3A_1557 : i32 to vector<16xi32>
        %mul3A_1559 = arith.muli %mul3A_1558, %add3A_1402 : vector<16xi32>
        %ge3A_1560 = arith.cmpf oge, %gather3A_1502, %gather3A_1479 : vector<16xf32>
        %convert_element_type3A_1561 = arith.extui %ge3A_1560 : vector<16xi1> to vector<16xi32>
        %add3A_1562 = arith.addi %mul3A_1559, %convert_element_type3A_1561 : vector<16xi32>
        %mul3A_1563 = arith.constant 2 : i32
        %mul3A_1564 = vector.broadcast %mul3A_1563 : i32 to vector<16xi32>
        %mul3A_1565 = arith.muli %mul3A_1564, %add3A_1408 : vector<16xi32>
        %ge3A_1566 = arith.cmpf oge, %gather3A_1504, %gather3A_1480 : vector<16xf32>
        %convert_element_type3A_1567 = arith.extui %ge3A_1566 : vector<16xi1> to vector<16xi32>
        %add3A_1568 = arith.addi %mul3A_1565, %convert_element_type3A_1567 : vector<16xi32>
        %mul3A_1569 = arith.constant 2 : i32
        %mul3A_1570 = vector.broadcast %mul3A_1569 : i32 to vector<16xi32>
        %mul3A_1571 = arith.muli %mul3A_1570, %add3A_1414 : vector<16xi32>
        %ge3A_1572 = arith.cmpf oge, %gather3A_1506, %gather3A_1481 : vector<16xf32>
        %convert_element_type3A_1573 = arith.extui %ge3A_1572 : vector<16xi1> to vector<16xi32>
        %add3A_1574 = arith.addi %mul3A_1571, %convert_element_type3A_1573 : vector<16xi32>
        %mul3A_1575 = arith.constant 2 : i32
        %mul3A_1576 = vector.broadcast %mul3A_1575 : i32 to vector<16xi32>
        %mul3A_1577 = arith.muli %mul3A_1576, %add3A_1420 : vector<16xi32>
        %ge3A_1578 = arith.cmpf oge, %gather3A_1508, %gather3A_1482 : vector<16xf32>
        %convert_element_type3A_1579 = arith.extui %ge3A_1578 : vector<16xi1> to vector<16xi32>
        %add3A_1580 = arith.addi %mul3A_1577, %convert_element_type3A_1579 : vector<16xi32>
        %mul3A_1581 = arith.constant 2 : i32
        %mul3A_1582 = vector.broadcast %mul3A_1581 : i32 to vector<16xi32>
        %mul3A_1583 = arith.muli %mul3A_1582, %add3A_1426 : vector<16xi32>
        %ge3A_1584 = arith.cmpf oge, %gather3A_1510, %gather3A_1483 : vector<16xf32>
        %convert_element_type3A_1585 = arith.extui %ge3A_1584 : vector<16xi1> to vector<16xi32>
        %add3A_1586 = arith.addi %mul3A_1583, %convert_element_type3A_1585 : vector<16xi32>
        %mul3A_1587 = arith.constant 2 : i32
        %mul3A_1588 = vector.broadcast %mul3A_1587 : i32 to vector<16xi32>
        %mul3A_1589 = arith.muli %mul3A_1588, %add3A_1432 : vector<16xi32>
        %ge3A_1590 = arith.cmpf oge, %gather3A_1512, %gather3A_1484 : vector<16xf32>
        %convert_element_type3A_1591 = arith.extui %ge3A_1590 : vector<16xi1> to vector<16xi32>
        %add3A_1592 = arith.addi %mul3A_1589, %convert_element_type3A_1591 : vector<16xi32>
        %mul3A_1593 = arith.constant 2 : i32
        %mul3A_1594 = vector.broadcast %mul3A_1593 : i32 to vector<16xi32>
        %mul3A_1595 = arith.muli %mul3A_1594, %add3A_1438 : vector<16xi32>
        %ge3A_1596 = arith.cmpf oge, %gather3A_1514, %gather3A_1485 : vector<16xf32>
        %convert_element_type3A_1597 = arith.extui %ge3A_1596 : vector<16xi1> to vector<16xi32>
        %add3A_1598 = arith.addi %mul3A_1595, %convert_element_type3A_1597 : vector<16xi32>
        %mul3A_1599 = arith.constant 2 : i32
        %mul3A_1600 = vector.broadcast %mul3A_1599 : i32 to vector<16xi32>
        %mul3A_1601 = arith.muli %mul3A_1600, %add3A_1444 : vector<16xi32>
        %ge3A_1602 = arith.cmpf oge, %gather3A_1516, %gather3A_1486 : vector<16xf32>
        %convert_element_type3A_1603 = arith.extui %ge3A_1602 : vector<16xi1> to vector<16xi32>
        %add3A_1604 = arith.addi %mul3A_1601, %convert_element_type3A_1603 : vector<16xi32>
        %mul3A_1605 = arith.constant 2 : i32
        %mul3A_1606 = vector.broadcast %mul3A_1605 : i32 to vector<16xi32>
        %mul3A_1607 = arith.muli %mul3A_1606, %add3A_1450 : vector<16xi32>
        %ge3A_1608 = arith.cmpf oge, %gather3A_1518, %gather3A_1487 : vector<16xf32>
        %convert_element_type3A_1609 = arith.extui %ge3A_1608 : vector<16xi1> to vector<16xi32>
        %add3A_1610 = arith.addi %mul3A_1607, %convert_element_type3A_1609 : vector<16xi32>
        %mul3A_1611 = arith.constant 2 : i32
        %mul3A_1612 = vector.broadcast %mul3A_1611 : i32 to vector<16xi32>
        %mul3A_1613 = arith.muli %mul3A_1612, %add3A_1456 : vector<16xi32>
        %ge3A_1614 = arith.cmpf oge, %gather3A_1520, %gather3A_1488 : vector<16xf32>
        %convert_element_type3A_1615 = arith.extui %ge3A_1614 : vector<16xi1> to vector<16xi32>
        %add3A_1616 = arith.addi %mul3A_1613, %convert_element_type3A_1615 : vector<16xi32>
        %shift_right_arithmetic3A_1617 = arith.constant 7 : i32
        %shift_right_arithmetic3A_1618 = vector.broadcast %shift_right_arithmetic3A_1617 : i32 to vector<16xi32>
        %shift_right_arithmetic3A_1619 = arith.shrsi %add3A_1526, %shift_right_arithmetic3A_1618 : vector<16xi32>
        %shift_left3A_1620 = arith.constant 10 : i32
        %shift_left3A_1621 = vector.broadcast %shift_left3A_1620 : i32 to vector<16xi32>
        %shift_left3A_1622 = arith.shli %shift_right_arithmetic3A_1619, %shift_left3A_1621 : vector<16xi32>
        %and3A_1623 = arith.constant 127 : i32
        %and3A_1624 = vector.broadcast %and3A_1623 : i32 to vector<16xi32>
        %and3A_1625 = arith.andi %add3A_1526, %and3A_1624 : vector<16xi32>
        %or3A = arith.ori %shift_left3A_1622, %and3A_1625 : vector<16xi32>
        %shift_right_arithmetic3A_1626 = arith.constant 7 : i32
        %shift_right_arithmetic3A_1627 = vector.broadcast %shift_right_arithmetic3A_1626 : i32 to vector<16xi32>
        %shift_right_arithmetic3A_1628 = arith.shrsi %add3A_1532, %shift_right_arithmetic3A_1627 : vector<16xi32>
        %shift_left3A_1629 = arith.constant 10 : i32
        %shift_left3A_1630 = vector.broadcast %shift_left3A_1629 : i32 to vector<16xi32>
        %shift_left3A_1631 = arith.shli %shift_right_arithmetic3A_1628, %shift_left3A_1630 : vector<16xi32>
        %and3A_1632 = arith.constant 127 : i32
        %and3A_1633 = vector.broadcast %and3A_1632 : i32 to vector<16xi32>
        %and3A_1634 = arith.andi %add3A_1532, %and3A_1633 : vector<16xi32>
        %or3A_1635 = arith.ori %shift_left3A_1631, %and3A_1634 : vector<16xi32>
        %shift_right_arithmetic3A_1636 = arith.constant 7 : i32
        %shift_right_arithmetic3A_1637 = vector.broadcast %shift_right_arithmetic3A_1636 : i32 to vector<16xi32>
        %shift_right_arithmetic3A_1638 = arith.shrsi %add3A_1538, %shift_right_arithmetic3A_1637 : vector<16xi32>
        %shift_left3A_1639 = arith.constant 10 : i32
        %shift_left3A_1640 = vector.broadcast %shift_left3A_1639 : i32 to vector<16xi32>
        %shift_left3A_1641 = arith.shli %shift_right_arithmetic3A_1638, %shift_left3A_1640 : vector<16xi32>
        %and3A_1642 = arith.constant 127 : i32
        %and3A_1643 = vector.broadcast %and3A_1642 : i32 to vector<16xi32>
        %and3A_1644 = arith.andi %add3A_1538, %and3A_1643 : vector<16xi32>
        %or3A_1645 = arith.ori %shift_left3A_1641, %and3A_1644 : vector<16xi32>
        %shift_right_arithmetic3A_1646 = arith.constant 7 : i32
        %shift_right_arithmetic3A_1647 = vector.broadcast %shift_right_arithmetic3A_1646 : i32 to vector<16xi32>
        %shift_right_arithmetic3A_1648 = arith.shrsi %add3A_1544, %shift_right_arithmetic3A_1647 : vector<16xi32>
        %shift_left3A_1649 = arith.constant 10 : i32
        %shift_left3A_1650 = vector.broadcast %shift_left3A_1649 : i32 to vector<16xi32>
        %shift_left3A_1651 = arith.shli %shift_right_arithmetic3A_1648, %shift_left3A_1650 : vector<16xi32>
        %and3A_1652 = arith.constant 127 : i32
        %and3A_1653 = vector.broadcast %and3A_1652 : i32 to vector<16xi32>
        %and3A_1654 = arith.andi %add3A_1544, %and3A_1653 : vector<16xi32>
        %or3A_1655 = arith.ori %shift_left3A_1651, %and3A_1654 : vector<16xi32>
        %shift_right_arithmetic3A_1656 = arith.constant 7 : i32
        %shift_right_arithmetic3A_1657 = vector.broadcast %shift_right_arithmetic3A_1656 : i32 to vector<16xi32>
        %shift_right_arithmetic3A_1658 = arith.shrsi %add3A_1550, %shift_right_arithmetic3A_1657 : vector<16xi32>
        %shift_left3A_1659 = arith.constant 10 : i32
        %shift_left3A_1660 = vector.broadcast %shift_left3A_1659 : i32 to vector<16xi32>
        %shift_left3A_1661 = arith.shli %shift_right_arithmetic3A_1658, %shift_left3A_1660 : vector<16xi32>
        %and3A_1662 = arith.constant 127 : i32
        %and3A_1663 = vector.broadcast %and3A_1662 : i32 to vector<16xi32>
        %and3A_1664 = arith.andi %add3A_1550, %and3A_1663 : vector<16xi32>
        %or3A_1665 = arith.ori %shift_left3A_1661, %and3A_1664 : vector<16xi32>
        %shift_right_arithmetic3A_1666 = arith.constant 7 : i32
        %shift_right_arithmetic3A_1667 = vector.broadcast %shift_right_arithmetic3A_1666 : i32 to vector<16xi32>
        %shift_right_arithmetic3A_1668 = arith.shrsi %add3A_1556, %shift_right_arithmetic3A_1667 : vector<16xi32>
        %shift_left3A_1669 = arith.constant 10 : i32
        %shift_left3A_1670 = vector.broadcast %shift_left3A_1669 : i32 to vector<16xi32>
        %shift_left3A_1671 = arith.shli %shift_right_arithmetic3A_1668, %shift_left3A_1670 : vector<16xi32>
        %and3A_1672 = arith.constant 127 : i32
        %and3A_1673 = vector.broadcast %and3A_1672 : i32 to vector<16xi32>
        %and3A_1674 = arith.andi %add3A_1556, %and3A_1673 : vector<16xi32>
        %or3A_1675 = arith.ori %shift_left3A_1671, %and3A_1674 : vector<16xi32>
        %shift_right_arithmetic3A_1676 = arith.constant 7 : i32
        %shift_right_arithmetic3A_1677 = vector.broadcast %shift_right_arithmetic3A_1676 : i32 to vector<16xi32>
        %shift_right_arithmetic3A_1678 = arith.shrsi %add3A_1562, %shift_right_arithmetic3A_1677 : vector<16xi32>
        %shift_left3A_1679 = arith.constant 10 : i32
        %shift_left3A_1680 = vector.broadcast %shift_left3A_1679 : i32 to vector<16xi32>
        %shift_left3A_1681 = arith.shli %shift_right_arithmetic3A_1678, %shift_left3A_1680 : vector<16xi32>
        %and3A_1682 = arith.constant 127 : i32
        %and3A_1683 = vector.broadcast %and3A_1682 : i32 to vector<16xi32>
        %and3A_1684 = arith.andi %add3A_1562, %and3A_1683 : vector<16xi32>
        %or3A_1685 = arith.ori %shift_left3A_1681, %and3A_1684 : vector<16xi32>
        %shift_right_arithmetic3A_1686 = arith.constant 7 : i32
        %shift_right_arithmetic3A_1687 = vector.broadcast %shift_right_arithmetic3A_1686 : i32 to vector<16xi32>
        %shift_right_arithmetic3A_1688 = arith.shrsi %add3A_1568, %shift_right_arithmetic3A_1687 : vector<16xi32>
        %shift_left3A_1689 = arith.constant 10 : i32
        %shift_left3A_1690 = vector.broadcast %shift_left3A_1689 : i32 to vector<16xi32>
        %shift_left3A_1691 = arith.shli %shift_right_arithmetic3A_1688, %shift_left3A_1690 : vector<16xi32>
        %and3A_1692 = arith.constant 127 : i32
        %and3A_1693 = vector.broadcast %and3A_1692 : i32 to vector<16xi32>
        %and3A_1694 = arith.andi %add3A_1568, %and3A_1693 : vector<16xi32>
        %or3A_1695 = arith.ori %shift_left3A_1691, %and3A_1694 : vector<16xi32>
        %shift_right_arithmetic3A_1696 = arith.constant 7 : i32
        %shift_right_arithmetic3A_1697 = vector.broadcast %shift_right_arithmetic3A_1696 : i32 to vector<16xi32>
        %shift_right_arithmetic3A_1698 = arith.shrsi %add3A_1574, %shift_right_arithmetic3A_1697 : vector<16xi32>
        %shift_left3A_1699 = arith.constant 10 : i32
        %shift_left3A_1700 = vector.broadcast %shift_left3A_1699 : i32 to vector<16xi32>
        %shift_left3A_1701 = arith.shli %shift_right_arithmetic3A_1698, %shift_left3A_1700 : vector<16xi32>
        %and3A_1702 = arith.constant 127 : i32
        %and3A_1703 = vector.broadcast %and3A_1702 : i32 to vector<16xi32>
        %and3A_1704 = arith.andi %add3A_1574, %and3A_1703 : vector<16xi32>
        %or3A_1705 = arith.ori %shift_left3A_1701, %and3A_1704 : vector<16xi32>
        %shift_right_arithmetic3A_1706 = arith.constant 7 : i32
        %shift_right_arithmetic3A_1707 = vector.broadcast %shift_right_arithmetic3A_1706 : i32 to vector<16xi32>
        %shift_right_arithmetic3A_1708 = arith.shrsi %add3A_1580, %shift_right_arithmetic3A_1707 : vector<16xi32>
        %shift_left3A_1709 = arith.constant 10 : i32
        %shift_left3A_1710 = vector.broadcast %shift_left3A_1709 : i32 to vector<16xi32>
        %shift_left3A_1711 = arith.shli %shift_right_arithmetic3A_1708, %shift_left3A_1710 : vector<16xi32>
        %and3A_1712 = arith.constant 127 : i32
        %and3A_1713 = vector.broadcast %and3A_1712 : i32 to vector<16xi32>
        %and3A_1714 = arith.andi %add3A_1580, %and3A_1713 : vector<16xi32>
        %or3A_1715 = arith.ori %shift_left3A_1711, %and3A_1714 : vector<16xi32>
        %shift_right_arithmetic3A_1716 = arith.constant 7 : i32
        %shift_right_arithmetic3A_1717 = vector.broadcast %shift_right_arithmetic3A_1716 : i32 to vector<16xi32>
        %shift_right_arithmetic3A_1718 = arith.shrsi %add3A_1586, %shift_right_arithmetic3A_1717 : vector<16xi32>
        %shift_left3A_1719 = arith.constant 10 : i32
        %shift_left3A_1720 = vector.broadcast %shift_left3A_1719 : i32 to vector<16xi32>
        %shift_left3A_1721 = arith.shli %shift_right_arithmetic3A_1718, %shift_left3A_1720 : vector<16xi32>
        %and3A_1722 = arith.constant 127 : i32
        %and3A_1723 = vector.broadcast %and3A_1722 : i32 to vector<16xi32>
        %and3A_1724 = arith.andi %add3A_1586, %and3A_1723 : vector<16xi32>
        %or3A_1725 = arith.ori %shift_left3A_1721, %and3A_1724 : vector<16xi32>
        %shift_right_arithmetic3A_1726 = arith.constant 7 : i32
        %shift_right_arithmetic3A_1727 = vector.broadcast %shift_right_arithmetic3A_1726 : i32 to vector<16xi32>
        %shift_right_arithmetic3A_1728 = arith.shrsi %add3A_1592, %shift_right_arithmetic3A_1727 : vector<16xi32>
        %shift_left3A_1729 = arith.constant 10 : i32
        %shift_left3A_1730 = vector.broadcast %shift_left3A_1729 : i32 to vector<16xi32>
        %shift_left3A_1731 = arith.shli %shift_right_arithmetic3A_1728, %shift_left3A_1730 : vector<16xi32>
        %and3A_1732 = arith.constant 127 : i32
        %and3A_1733 = vector.broadcast %and3A_1732 : i32 to vector<16xi32>
        %and3A_1734 = arith.andi %add3A_1592, %and3A_1733 : vector<16xi32>
        %or3A_1735 = arith.ori %shift_left3A_1731, %and3A_1734 : vector<16xi32>
        %shift_right_arithmetic3A_1736 = arith.constant 7 : i32
        %shift_right_arithmetic3A_1737 = vector.broadcast %shift_right_arithmetic3A_1736 : i32 to vector<16xi32>
        %shift_right_arithmetic3A_1738 = arith.shrsi %add3A_1598, %shift_right_arithmetic3A_1737 : vector<16xi32>
        %shift_left3A_1739 = arith.constant 10 : i32
        %shift_left3A_1740 = vector.broadcast %shift_left3A_1739 : i32 to vector<16xi32>
        %shift_left3A_1741 = arith.shli %shift_right_arithmetic3A_1738, %shift_left3A_1740 : vector<16xi32>
        %and3A_1742 = arith.constant 127 : i32
        %and3A_1743 = vector.broadcast %and3A_1742 : i32 to vector<16xi32>
        %and3A_1744 = arith.andi %add3A_1598, %and3A_1743 : vector<16xi32>
        %or3A_1745 = arith.ori %shift_left3A_1741, %and3A_1744 : vector<16xi32>
        %shift_right_arithmetic3A_1746 = arith.constant 7 : i32
        %shift_right_arithmetic3A_1747 = vector.broadcast %shift_right_arithmetic3A_1746 : i32 to vector<16xi32>
        %shift_right_arithmetic3A_1748 = arith.shrsi %add3A_1604, %shift_right_arithmetic3A_1747 : vector<16xi32>
        %shift_left3A_1749 = arith.constant 10 : i32
        %shift_left3A_1750 = vector.broadcast %shift_left3A_1749 : i32 to vector<16xi32>
        %shift_left3A_1751 = arith.shli %shift_right_arithmetic3A_1748, %shift_left3A_1750 : vector<16xi32>
        %and3A_1752 = arith.constant 127 : i32
        %and3A_1753 = vector.broadcast %and3A_1752 : i32 to vector<16xi32>
        %and3A_1754 = arith.andi %add3A_1604, %and3A_1753 : vector<16xi32>
        %or3A_1755 = arith.ori %shift_left3A_1751, %and3A_1754 : vector<16xi32>
        %shift_right_arithmetic3A_1756 = arith.constant 7 : i32
        %shift_right_arithmetic3A_1757 = vector.broadcast %shift_right_arithmetic3A_1756 : i32 to vector<16xi32>
        %shift_right_arithmetic3A_1758 = arith.shrsi %add3A_1610, %shift_right_arithmetic3A_1757 : vector<16xi32>
        %shift_left3A_1759 = arith.constant 10 : i32
        %shift_left3A_1760 = vector.broadcast %shift_left3A_1759 : i32 to vector<16xi32>
        %shift_left3A_1761 = arith.shli %shift_right_arithmetic3A_1758, %shift_left3A_1760 : vector<16xi32>
        %and3A_1762 = arith.constant 127 : i32
        %and3A_1763 = vector.broadcast %and3A_1762 : i32 to vector<16xi32>
        %and3A_1764 = arith.andi %add3A_1610, %and3A_1763 : vector<16xi32>
        %or3A_1765 = arith.ori %shift_left3A_1761, %and3A_1764 : vector<16xi32>
        %shift_right_arithmetic3A_1766 = arith.constant 7 : i32
        %shift_right_arithmetic3A_1767 = vector.broadcast %shift_right_arithmetic3A_1766 : i32 to vector<16xi32>
        %shift_right_arithmetic3A_1768 = arith.shrsi %add3A_1616, %shift_right_arithmetic3A_1767 : vector<16xi32>
        %shift_left3A_1769 = arith.constant 10 : i32
        %shift_left3A_1770 = vector.broadcast %shift_left3A_1769 : i32 to vector<16xi32>
        %shift_left3A_1771 = arith.shli %shift_right_arithmetic3A_1768, %shift_left3A_1770 : vector<16xi32>
        %and3A_1772 = arith.constant 127 : i32
        %and3A_1773 = vector.broadcast %and3A_1772 : i32 to vector<16xi32>
        %and3A_1774 = arith.andi %add3A_1616, %and3A_1773 : vector<16xi32>
        %or3A_1775 = arith.ori %shift_left3A_1771, %and3A_1774 : vector<16xi32>
        %add3A_1776 = arith.addi %or3A, %broadcast_in_dim3A_74 : vector<16xi32>
        %gather3A_1777 = tpu.vector_load_idx %arg24[%add3A_1776] : memref<32768xf32, #tpu.memory_space<vmem>>[vector<16xi32>], vector<16xf32>,
        %swap3A = arith.constant 0 : i32
        %swap3A_1778 = arith.index_cast %add3A_181 : i32 to index
        %swap3A_1779 = arith.index_cast %swap3A : i32 to index
        %swap3A_1780 = arith.constant 0 : index
        %swap3A_1781 = tpu.vector_load %arg39[%swap3A_1778, %swap3A_1779, %swap3A_1780] {strides = array<i32>} : memref<128x8x16xf32, #tpu.memory_space<vmem>>, vector<16xf32>,
        tpu.vector_store %arg39[%swap3A_1778, %swap3A_1779, %swap3A_1780], %gather3A_1777 {strides = array<i32>} : memref<128x8x16xf32, #tpu.memory_space<vmem>>, vector<16xf32>,
        %add3A_1782 = arith.addi %or3A_1635, %broadcast_in_dim3A_74 : vector<16xi32>
        %gather3A_1783 = tpu.vector_load_idx %arg24[%add3A_1782] : memref<32768xf32, #tpu.memory_space<vmem>>[vector<16xi32>], vector<16xf32>,
        %swap3A_1784 = arith.constant 0 : i32
        %swap3A_1785 = arith.index_cast %add3A_183 : i32 to index
        %swap3A_1786 = arith.index_cast %swap3A_1784 : i32 to index
        %swap3A_1787 = arith.constant 0 : index
        %swap3A_1788 = tpu.vector_load %arg39[%swap3A_1785, %swap3A_1786, %swap3A_1787] {strides = array<i32>} : memref<128x8x16xf32, #tpu.memory_space<vmem>>, vector<16xf32>,
        tpu.vector_store %arg39[%swap3A_1785, %swap3A_1786, %swap3A_1787], %gather3A_1783 {strides = array<i32>} : memref<128x8x16xf32, #tpu.memory_space<vmem>>, vector<16xf32>,
        %add3A_1789 = arith.addi %or3A_1645, %broadcast_in_dim3A_74 : vector<16xi32>
        %gather3A_1790 = tpu.vector_load_idx %arg24[%add3A_1789] : memref<32768xf32, #tpu.memory_space<vmem>>[vector<16xi32>], vector<16xf32>,
        %swap3A_1791 = arith.constant 0 : i32
        %swap3A_1792 = arith.index_cast %add3A_185 : i32 to index
        %swap3A_1793 = arith.index_cast %swap3A_1791 : i32 to index
        %swap3A_1794 = arith.constant 0 : index
        %swap3A_1795 = tpu.vector_load %arg39[%swap3A_1792, %swap3A_1793, %swap3A_1794] {strides = array<i32>} : memref<128x8x16xf32, #tpu.memory_space<vmem>>, vector<16xf32>,
        tpu.vector_store %arg39[%swap3A_1792, %swap3A_1793, %swap3A_1794], %gather3A_1790 {strides = array<i32>} : memref<128x8x16xf32, #tpu.memory_space<vmem>>, vector<16xf32>,
        %add3A_1796 = arith.addi %or3A_1655, %broadcast_in_dim3A_74 : vector<16xi32>
        %gather3A_1797 = tpu.vector_load_idx %arg24[%add3A_1796] : memref<32768xf32, #tpu.memory_space<vmem>>[vector<16xi32>], vector<16xf32>,
        %swap3A_1798 = arith.constant 0 : i32
        %swap3A_1799 = arith.index_cast %add3A_187 : i32 to index
        %swap3A_1800 = arith.index_cast %swap3A_1798 : i32 to index
        %swap3A_1801 = arith.constant 0 : index
        %swap3A_1802 = tpu.vector_load %arg39[%swap3A_1799, %swap3A_1800, %swap3A_1801] {strides = array<i32>} : memref<128x8x16xf32, #tpu.memory_space<vmem>>, vector<16xf32>,
        tpu.vector_store %arg39[%swap3A_1799, %swap3A_1800, %swap3A_1801], %gather3A_1797 {strides = array<i32>} : memref<128x8x16xf32, #tpu.memory_space<vmem>>, vector<16xf32>,
        %add3A_1803 = arith.addi %or3A_1665, %broadcast_in_dim3A_74 : vector<16xi32>
        %gather3A_1804 = tpu.vector_load_idx %arg24[%add3A_1803] : memref<32768xf32, #tpu.memory_space<vmem>>[vector<16xi32>], vector<16xf32>,
        %swap3A_1805 = arith.constant 0 : i32
        %swap3A_1806 = arith.index_cast %add3A_189 : i32 to index
        %swap3A_1807 = arith.index_cast %swap3A_1805 : i32 to index
        %swap3A_1808 = arith.constant 0 : index
        %swap3A_1809 = tpu.vector_load %arg39[%swap3A_1806, %swap3A_1807, %swap3A_1808] {strides = array<i32>} : memref<128x8x16xf32, #tpu.memory_space<vmem>>, vector<16xf32>,
        tpu.vector_store %arg39[%swap3A_1806, %swap3A_1807, %swap3A_1808], %gather3A_1804 {strides = array<i32>} : memref<128x8x16xf32, #tpu.memory_space<vmem>>, vector<16xf32>,
        %add3A_1810 = arith.addi %or3A_1675, %broadcast_in_dim3A_74 : vector<16xi32>
        %gather3A_1811 = tpu.vector_load_idx %arg24[%add3A_1810] : memref<32768xf32, #tpu.memory_space<vmem>>[vector<16xi32>], vector<16xf32>,
        %swap3A_1812 = arith.constant 0 : i32
        %swap3A_1813 = arith.index_cast %add3A_191 : i32 to index
        %swap3A_1814 = arith.index_cast %swap3A_1812 : i32 to index
        %swap3A_1815 = arith.constant 0 : index
        %swap3A_1816 = tpu.vector_load %arg39[%swap3A_1813, %swap3A_1814, %swap3A_1815] {strides = array<i32>} : memref<128x8x16xf32, #tpu.memory_space<vmem>>, vector<16xf32>,
        tpu.vector_store %arg39[%swap3A_1813, %swap3A_1814, %swap3A_1815], %gather3A_1811 {strides = array<i32>} : memref<128x8x16xf32, #tpu.memory_space<vmem>>, vector<16xf32>,
        %add3A_1817 = arith.addi %or3A_1685, %broadcast_in_dim3A_74 : vector<16xi32>
        %gather3A_1818 = tpu.vector_load_idx %arg24[%add3A_1817] : memref<32768xf32, #tpu.memory_space<vmem>>[vector<16xi32>], vector<16xf32>,
        %swap3A_1819 = arith.constant 0 : i32
        %swap3A_1820 = arith.index_cast %add3A_193 : i32 to index
        %swap3A_1821 = arith.index_cast %swap3A_1819 : i32 to index
        %swap3A_1822 = arith.constant 0 : index
        %swap3A_1823 = tpu.vector_load %arg39[%swap3A_1820, %swap3A_1821, %swap3A_1822] {strides = array<i32>} : memref<128x8x16xf32, #tpu.memory_space<vmem>>, vector<16xf32>,
        tpu.vector_store %arg39[%swap3A_1820, %swap3A_1821, %swap3A_1822], %gather3A_1818 {strides = array<i32>} : memref<128x8x16xf32, #tpu.memory_space<vmem>>, vector<16xf32>,
        %add3A_1824 = arith.addi %or3A_1695, %broadcast_in_dim3A_74 : vector<16xi32>
        %gather3A_1825 = tpu.vector_load_idx %arg24[%add3A_1824] : memref<32768xf32, #tpu.memory_space<vmem>>[vector<16xi32>], vector<16xf32>,
        %swap3A_1826 = arith.constant 0 : i32
        %swap3A_1827 = arith.index_cast %add3A_195 : i32 to index
        %swap3A_1828 = arith.index_cast %swap3A_1826 : i32 to index
        %swap3A_1829 = arith.constant 0 : index
        %swap3A_1830 = tpu.vector_load %arg39[%swap3A_1827, %swap3A_1828, %swap3A_1829] {strides = array<i32>} : memref<128x8x16xf32, #tpu.memory_space<vmem>>, vector<16xf32>,
        tpu.vector_store %arg39[%swap3A_1827, %swap3A_1828, %swap3A_1829], %gather3A_1825 {strides = array<i32>} : memref<128x8x16xf32, #tpu.memory_space<vmem>>, vector<16xf32>,
        %add3A_1831 = arith.addi %or3A_1705, %broadcast_in_dim3A_74 : vector<16xi32>
        %gather3A_1832 = tpu.vector_load_idx %arg24[%add3A_1831] : memref<32768xf32, #tpu.memory_space<vmem>>[vector<16xi32>], vector<16xf32>,
        %swap3A_1833 = arith.constant 0 : i32
        %swap3A_1834 = arith.index_cast %add3A_197 : i32 to index
        %swap3A_1835 = arith.index_cast %swap3A_1833 : i32 to index
        %swap3A_1836 = arith.constant 0 : index
        %swap3A_1837 = tpu.vector_load %arg39[%swap3A_1834, %swap3A_1835, %swap3A_1836] {strides = array<i32>} : memref<128x8x16xf32, #tpu.memory_space<vmem>>, vector<16xf32>,
        tpu.vector_store %arg39[%swap3A_1834, %swap3A_1835, %swap3A_1836], %gather3A_1832 {strides = array<i32>} : memref<128x8x16xf32, #tpu.memory_space<vmem>>, vector<16xf32>,
        %add3A_1838 = arith.addi %or3A_1715, %broadcast_in_dim3A_74 : vector<16xi32>
        %gather3A_1839 = tpu.vector_load_idx %arg24[%add3A_1838] : memref<32768xf32, #tpu.memory_space<vmem>>[vector<16xi32>], vector<16xf32>,
        %swap3A_1840 = arith.constant 0 : i32
        %swap3A_1841 = arith.index_cast %add3A_199 : i32 to index
        %swap3A_1842 = arith.index_cast %swap3A_1840 : i32 to index
        %swap3A_1843 = arith.constant 0 : index
        %swap3A_1844 = tpu.vector_load %arg39[%swap3A_1841, %swap3A_1842, %swap3A_1843] {strides = array<i32>} : memref<128x8x16xf32, #tpu.memory_space<vmem>>, vector<16xf32>,
        tpu.vector_store %arg39[%swap3A_1841, %swap3A_1842, %swap3A_1843], %gather3A_1839 {strides = array<i32>} : memref<128x8x16xf32, #tpu.memory_space<vmem>>, vector<16xf32>,
        %add3A_1845 = arith.addi %or3A_1725, %broadcast_in_dim3A_74 : vector<16xi32>
        %gather3A_1846 = tpu.vector_load_idx %arg24[%add3A_1845] : memref<32768xf32, #tpu.memory_space<vmem>>[vector<16xi32>], vector<16xf32>,
        %swap3A_1847 = arith.constant 0 : i32
        %swap3A_1848 = arith.index_cast %add3A_201 : i32 to index
        %swap3A_1849 = arith.index_cast %swap3A_1847 : i32 to index
        %swap3A_1850 = arith.constant 0 : index
        %swap3A_1851 = tpu.vector_load %arg39[%swap3A_1848, %swap3A_1849, %swap3A_1850] {strides = array<i32>} : memref<128x8x16xf32, #tpu.memory_space<vmem>>, vector<16xf32>,
        tpu.vector_store %arg39[%swap3A_1848, %swap3A_1849, %swap3A_1850], %gather3A_1846 {strides = array<i32>} : memref<128x8x16xf32, #tpu.memory_space<vmem>>, vector<16xf32>,
        %add3A_1852 = arith.addi %or3A_1735, %broadcast_in_dim3A_74 : vector<16xi32>
        %gather3A_1853 = tpu.vector_load_idx %arg24[%add3A_1852] : memref<32768xf32, #tpu.memory_space<vmem>>[vector<16xi32>], vector<16xf32>,
        %swap3A_1854 = arith.constant 0 : i32
        %swap3A_1855 = arith.index_cast %add3A_203 : i32 to index
        %swap3A_1856 = arith.index_cast %swap3A_1854 : i32 to index
        %swap3A_1857 = arith.constant 0 : index
        %swap3A_1858 = tpu.vector_load %arg39[%swap3A_1855, %swap3A_1856, %swap3A_1857] {strides = array<i32>} : memref<128x8x16xf32, #tpu.memory_space<vmem>>, vector<16xf32>,
        tpu.vector_store %arg39[%swap3A_1855, %swap3A_1856, %swap3A_1857], %gather3A_1853 {strides = array<i32>} : memref<128x8x16xf32, #tpu.memory_space<vmem>>, vector<16xf32>,
        %add3A_1859 = arith.addi %or3A_1745, %broadcast_in_dim3A_74 : vector<16xi32>
        %gather3A_1860 = tpu.vector_load_idx %arg24[%add3A_1859] : memref<32768xf32, #tpu.memory_space<vmem>>[vector<16xi32>], vector<16xf32>,
        %swap3A_1861 = arith.constant 0 : i32
        %swap3A_1862 = arith.index_cast %add3A_205 : i32 to index
        %swap3A_1863 = arith.index_cast %swap3A_1861 : i32 to index
        %swap3A_1864 = arith.constant 0 : index
        %swap3A_1865 = tpu.vector_load %arg39[%swap3A_1862, %swap3A_1863, %swap3A_1864] {strides = array<i32>} : memref<128x8x16xf32, #tpu.memory_space<vmem>>, vector<16xf32>,
        tpu.vector_store %arg39[%swap3A_1862, %swap3A_1863, %swap3A_1864], %gather3A_1860 {strides = array<i32>} : memref<128x8x16xf32, #tpu.memory_space<vmem>>, vector<16xf32>,
        %add3A_1866 = arith.addi %or3A_1755, %broadcast_in_dim3A_74 : vector<16xi32>
        %gather3A_1867 = tpu.vector_load_idx %arg24[%add3A_1866] : memref<32768xf32, #tpu.memory_space<vmem>>[vector<16xi32>], vector<16xf32>,
        %swap3A_1868 = arith.constant 0 : i32
        %swap3A_1869 = arith.index_cast %add3A_207 : i32 to index
        %swap3A_1870 = arith.index_cast %swap3A_1868 : i32 to index
        %swap3A_1871 = arith.constant 0 : index
        %swap3A_1872 = tpu.vector_load %arg39[%swap3A_1869, %swap3A_1870, %swap3A_1871] {strides = array<i32>} : memref<128x8x16xf32, #tpu.memory_space<vmem>>, vector<16xf32>,
        tpu.vector_store %arg39[%swap3A_1869, %swap3A_1870, %swap3A_1871], %gather3A_1867 {strides = array<i32>} : memref<128x8x16xf32, #tpu.memory_space<vmem>>, vector<16xf32>,
        %add3A_1873 = arith.addi %or3A_1765, %broadcast_in_dim3A_74 : vector<16xi32>
        %gather3A_1874 = tpu.vector_load_idx %arg24[%add3A_1873] : memref<32768xf32, #tpu.memory_space<vmem>>[vector<16xi32>], vector<16xf32>,
        %swap3A_1875 = arith.constant 0 : i32
        %swap3A_1876 = arith.index_cast %add3A_209 : i32 to index
        %swap3A_1877 = arith.index_cast %swap3A_1875 : i32 to index
        %swap3A_1878 = arith.constant 0 : index
        %swap3A_1879 = tpu.vector_load %arg39[%swap3A_1876, %swap3A_1877, %swap3A_1878] {strides = array<i32>} : memref<128x8x16xf32, #tpu.memory_space<vmem>>, vector<16xf32>,
        tpu.vector_store %arg39[%swap3A_1876, %swap3A_1877, %swap3A_1878], %gather3A_1874 {strides = array<i32>} : memref<128x8x16xf32, #tpu.memory_space<vmem>>, vector<16xf32>,
        %add3A_1880 = arith.addi %or3A_1775, %broadcast_in_dim3A_74 : vector<16xi32>
        %gather3A_1881 = tpu.vector_load_idx %arg24[%add3A_1880] : memref<32768xf32, #tpu.memory_space<vmem>>[vector<16xi32>], vector<16xf32>,
        %swap3A_1882 = arith.constant 0 : i32
        %swap3A_1883 = arith.index_cast %add3A_211 : i32 to index
        %swap3A_1884 = arith.index_cast %swap3A_1882 : i32 to index
        %swap3A_1885 = arith.constant 0 : index
        %swap3A_1886 = tpu.vector_load %arg39[%swap3A_1883, %swap3A_1884, %swap3A_1885] {strides = array<i32>} : memref<128x8x16xf32, #tpu.memory_space<vmem>>, vector<16xf32>,
        tpu.vector_store %arg39[%swap3A_1883, %swap3A_1884, %swap3A_1885], %gather3A_1881 {strides = array<i32>} : memref<128x8x16xf32, #tpu.memory_space<vmem>>, vector<16xf32>,
        %add3A_1887 = arith.addi %or3A, %broadcast_in_dim3A_76 : vector<16xi32>
        %gather3A_1888 = tpu.vector_load_idx %arg24[%add3A_1887] : memref<32768xf32, #tpu.memory_space<vmem>>[vector<16xi32>], vector<16xf32>,
        %swap3A_1889 = arith.constant 1 : i32
        %swap3A_1890 = arith.index_cast %add3A_181 : i32 to index
        %swap3A_1891 = arith.index_cast %swap3A_1889 : i32 to index
        %swap3A_1892 = arith.constant 0 : index
        %swap3A_1893 = tpu.vector_load %arg39[%swap3A_1890, %swap3A_1891, %swap3A_1892] {strides = array<i32>} : memref<128x8x16xf32, #tpu.memory_space<vmem>>, vector<16xf32>,
        tpu.vector_store %arg39[%swap3A_1890, %swap3A_1891, %swap3A_1892], %gather3A_1888 {strides = array<i32>} : memref<128x8x16xf32, #tpu.memory_space<vmem>>, vector<16xf32>,
        %add3A_1894 = arith.addi %or3A_1635, %broadcast_in_dim3A_76 : vector<16xi32>
        %gather3A_1895 = tpu.vector_load_idx %arg24[%add3A_1894] : memref<32768xf32, #tpu.memory_space<vmem>>[vector<16xi32>], vector<16xf32>,
        %swap3A_1896 = arith.constant 1 : i32
        %swap3A_1897 = arith.index_cast %add3A_183 : i32 to index
        %swap3A_1898 = arith.index_cast %swap3A_1896 : i32 to index
        %swap3A_1899 = arith.constant 0 : index
        %swap3A_1900 = tpu.vector_load %arg39[%swap3A_1897, %swap3A_1898, %swap3A_1899] {strides = array<i32>} : memref<128x8x16xf32, #tpu.memory_space<vmem>>, vector<16xf32>,
        tpu.vector_store %arg39[%swap3A_1897, %swap3A_1898, %swap3A_1899], %gather3A_1895 {strides = array<i32>} : memref<128x8x16xf32, #tpu.memory_space<vmem>>, vector<16xf32>,
        %add3A_1901 = arith.addi %or3A_1645, %broadcast_in_dim3A_76 : vector<16xi32>
        %gather3A_1902 = tpu.vector_load_idx %arg24[%add3A_1901] : memref<32768xf32, #tpu.memory_space<vmem>>[vector<16xi32>], vector<16xf32>,
        %swap3A_1903 = arith.constant 1 : i32
        %swap3A_1904 = arith.index_cast %add3A_185 : i32 to index
        %swap3A_1905 = arith.index_cast %swap3A_1903 : i32 to index
        %swap3A_1906 = arith.constant 0 : index
        %swap3A_1907 = tpu.vector_load %arg39[%swap3A_1904, %swap3A_1905, %swap3A_1906] {strides = array<i32>} : memref<128x8x16xf32, #tpu.memory_space<vmem>>, vector<16xf32>,
        tpu.vector_store %arg39[%swap3A_1904, %swap3A_1905, %swap3A_1906], %gather3A_1902 {strides = array<i32>} : memref<128x8x16xf32, #tpu.memory_space<vmem>>, vector<16xf32>,
        %add3A_1908 = arith.addi %or3A_1655, %broadcast_in_dim3A_76 : vector<16xi32>
        %gather3A_1909 = tpu.vector_load_idx %arg24[%add3A_1908] : memref<32768xf32, #tpu.memory_space<vmem>>[vector<16xi32>], vector<16xf32>,
        %swap3A_1910 = arith.constant 1 : i32
        %swap3A_1911 = arith.index_cast %add3A_187 : i32 to index
        %swap3A_1912 = arith.index_cast %swap3A_1910 : i32 to index
        %swap3A_1913 = arith.constant 0 : index
        %swap3A_1914 = tpu.vector_load %arg39[%swap3A_1911, %swap3A_1912, %swap3A_1913] {strides = array<i32>} : memref<128x8x16xf32, #tpu.memory_space<vmem>>, vector<16xf32>,
        tpu.vector_store %arg39[%swap3A_1911, %swap3A_1912, %swap3A_1913], %gather3A_1909 {strides = array<i32>} : memref<128x8x16xf32, #tpu.memory_space<vmem>>, vector<16xf32>,
        %add3A_1915 = arith.addi %or3A_1665, %broadcast_in_dim3A_76 : vector<16xi32>
        %gather3A_1916 = tpu.vector_load_idx %arg24[%add3A_1915] : memref<32768xf32, #tpu.memory_space<vmem>>[vector<16xi32>], vector<16xf32>,
        %swap3A_1917 = arith.constant 1 : i32
        %swap3A_1918 = arith.index_cast %add3A_189 : i32 to index
        %swap3A_1919 = arith.index_cast %swap3A_1917 : i32 to index
        %swap3A_1920 = arith.constant 0 : index
        %swap3A_1921 = tpu.vector_load %arg39[%swap3A_1918, %swap3A_1919, %swap3A_1920] {strides = array<i32>} : memref<128x8x16xf32, #tpu.memory_space<vmem>>, vector<16xf32>,
        tpu.vector_store %arg39[%swap3A_1918, %swap3A_1919, %swap3A_1920], %gather3A_1916 {strides = array<i32>} : memref<128x8x16xf32, #tpu.memory_space<vmem>>, vector<16xf32>,
        %add3A_1922 = arith.addi %or3A_1675, %broadcast_in_dim3A_76 : vector<16xi32>
        %gather3A_1923 = tpu.vector_load_idx %arg24[%add3A_1922] : memref<32768xf32, #tpu.memory_space<vmem>>[vector<16xi32>], vector<16xf32>,
        %swap3A_1924 = arith.constant 1 : i32
        %swap3A_1925 = arith.index_cast %add3A_191 : i32 to index
        %swap3A_1926 = arith.index_cast %swap3A_1924 : i32 to index
        %swap3A_1927 = arith.constant 0 : index
        %swap3A_1928 = tpu.vector_load %arg39[%swap3A_1925, %swap3A_1926, %swap3A_1927] {strides = array<i32>} : memref<128x8x16xf32, #tpu.memory_space<vmem>>, vector<16xf32>,
        tpu.vector_store %arg39[%swap3A_1925, %swap3A_1926, %swap3A_1927], %gather3A_1923 {strides = array<i32>} : memref<128x8x16xf32, #tpu.memory_space<vmem>>, vector<16xf32>,
        %add3A_1929 = arith.addi %or3A_1685, %broadcast_in_dim3A_76 : vector<16xi32>
        %gather3A_1930 = tpu.vector_load_idx %arg24[%add3A_1929] : memref<32768xf32, #tpu.memory_space<vmem>>[vector<16xi32>], vector<16xf32>,
        %swap3A_1931 = arith.constant 1 : i32
        %swap3A_1932 = arith.index_cast %add3A_193 : i32 to index
        %swap3A_1933 = arith.index_cast %swap3A_1931 : i32 to index
        %swap3A_1934 = arith.constant 0 : index
        %swap3A_1935 = tpu.vector_load %arg39[%swap3A_1932, %swap3A_1933, %swap3A_1934] {strides = array<i32>} : memref<128x8x16xf32, #tpu.memory_space<vmem>>, vector<16xf32>,
        tpu.vector_store %arg39[%swap3A_1932, %swap3A_1933, %swap3A_1934], %gather3A_1930 {strides = array<i32>} : memref<128x8x16xf32, #tpu.memory_space<vmem>>, vector<16xf32>,
        %add3A_1936 = arith.addi %or3A_1695, %broadcast_in_dim3A_76 : vector<16xi32>
        %gather3A_1937 = tpu.vector_load_idx %arg24[%add3A_1936] : memref<32768xf32, #tpu.memory_space<vmem>>[vector<16xi32>], vector<16xf32>,
        %swap3A_1938 = arith.constant 1 : i32
        %swap3A_1939 = arith.index_cast %add3A_195 : i32 to index
        %swap3A_1940 = arith.index_cast %swap3A_1938 : i32 to index
        %swap3A_1941 = arith.constant 0 : index
        %swap3A_1942 = tpu.vector_load %arg39[%swap3A_1939, %swap3A_1940, %swap3A_1941] {strides = array<i32>} : memref<128x8x16xf32, #tpu.memory_space<vmem>>, vector<16xf32>,
        tpu.vector_store %arg39[%swap3A_1939, %swap3A_1940, %swap3A_1941], %gather3A_1937 {strides = array<i32>} : memref<128x8x16xf32, #tpu.memory_space<vmem>>, vector<16xf32>,
        %add3A_1943 = arith.addi %or3A_1705, %broadcast_in_dim3A_76 : vector<16xi32>
        %gather3A_1944 = tpu.vector_load_idx %arg24[%add3A_1943] : memref<32768xf32, #tpu.memory_space<vmem>>[vector<16xi32>], vector<16xf32>,
        %swap3A_1945 = arith.constant 1 : i32
        %swap3A_1946 = arith.index_cast %add3A_197 : i32 to index
        %swap3A_1947 = arith.index_cast %swap3A_1945 : i32 to index
        %swap3A_1948 = arith.constant 0 : index
        %swap3A_1949 = tpu.vector_load %arg39[%swap3A_1946, %swap3A_1947, %swap3A_1948] {strides = array<i32>} : memref<128x8x16xf32, #tpu.memory_space<vmem>>, vector<16xf32>,
        tpu.vector_store %arg39[%swap3A_1946, %swap3A_1947, %swap3A_1948], %gather3A_1944 {strides = array<i32>} : memref<128x8x16xf32, #tpu.memory_space<vmem>>, vector<16xf32>,
        %add3A_1950 = arith.addi %or3A_1715, %broadcast_in_dim3A_76 : vector<16xi32>
        %gather3A_1951 = tpu.vector_load_idx %arg24[%add3A_1950] : memref<32768xf32, #tpu.memory_space<vmem>>[vector<16xi32>], vector<16xf32>,
        %swap3A_1952 = arith.constant 1 : i32
        %swap3A_1953 = arith.index_cast %add3A_199 : i32 to index
        %swap3A_1954 = arith.index_cast %swap3A_1952 : i32 to index
        %swap3A_1955 = arith.constant 0 : index
        %swap3A_1956 = tpu.vector_load %arg39[%swap3A_1953, %swap3A_1954, %swap3A_1955] {strides = array<i32>} : memref<128x8x16xf32, #tpu.memory_space<vmem>>, vector<16xf32>,
        tpu.vector_store %arg39[%swap3A_1953, %swap3A_1954, %swap3A_1955], %gather3A_1951 {strides = array<i32>} : memref<128x8x16xf32, #tpu.memory_space<vmem>>, vector<16xf32>,
        %add3A_1957 = arith.addi %or3A_1725, %broadcast_in_dim3A_76 : vector<16xi32>
        %gather3A_1958 = tpu.vector_load_idx %arg24[%add3A_1957] : memref<32768xf32, #tpu.memory_space<vmem>>[vector<16xi32>], vector<16xf32>,
        %swap3A_1959 = arith.constant 1 : i32
        %swap3A_1960 = arith.index_cast %add3A_201 : i32 to index
        %swap3A_1961 = arith.index_cast %swap3A_1959 : i32 to index
        %swap3A_1962 = arith.constant 0 : index
        %swap3A_1963 = tpu.vector_load %arg39[%swap3A_1960, %swap3A_1961, %swap3A_1962] {strides = array<i32>} : memref<128x8x16xf32, #tpu.memory_space<vmem>>, vector<16xf32>,
        tpu.vector_store %arg39[%swap3A_1960, %swap3A_1961, %swap3A_1962], %gather3A_1958 {strides = array<i32>} : memref<128x8x16xf32, #tpu.memory_space<vmem>>, vector<16xf32>,
        %add3A_1964 = arith.addi %or3A_1735, %broadcast_in_dim3A_76 : vector<16xi32>
        %gather3A_1965 = tpu.vector_load_idx %arg24[%add3A_1964] : memref<32768xf32, #tpu.memory_space<vmem>>[vector<16xi32>], vector<16xf32>,
        %swap3A_1966 = arith.constant 1 : i32
        %swap3A_1967 = arith.index_cast %add3A_203 : i32 to index
        %swap3A_1968 = arith.index_cast %swap3A_1966 : i32 to index
        %swap3A_1969 = arith.constant 0 : index
        %swap3A_1970 = tpu.vector_load %arg39[%swap3A_1967, %swap3A_1968, %swap3A_1969] {strides = array<i32>} : memref<128x8x16xf32, #tpu.memory_space<vmem>>, vector<16xf32>,
        tpu.vector_store %arg39[%swap3A_1967, %swap3A_1968, %swap3A_1969], %gather3A_1965 {strides = array<i32>} : memref<128x8x16xf32, #tpu.memory_space<vmem>>, vector<16xf32>,
        %add3A_1971 = arith.addi %or3A_1745, %broadcast_in_dim3A_76 : vector<16xi32>
        %gather3A_1972 = tpu.vector_load_idx %arg24[%add3A_1971] : memref<32768xf32, #tpu.memory_space<vmem>>[vector<16xi32>], vector<16xf32>,
        %swap3A_1973 = arith.constant 1 : i32
        %swap3A_1974 = arith.index_cast %add3A_205 : i32 to index
        %swap3A_1975 = arith.index_cast %swap3A_1973 : i32 to index
        %swap3A_1976 = arith.constant 0 : index
        %swap3A_1977 = tpu.vector_load %arg39[%swap3A_1974, %swap3A_1975, %swap3A_1976] {strides = array<i32>} : memref<128x8x16xf32, #tpu.memory_space<vmem>>, vector<16xf32>,
        tpu.vector_store %arg39[%swap3A_1974, %swap3A_1975, %swap3A_1976], %gather3A_1972 {strides = array<i32>} : memref<128x8x16xf32, #tpu.memory_space<vmem>>, vector<16xf32>,
        %add3A_1978 = arith.addi %or3A_1755, %broadcast_in_dim3A_76 : vector<16xi32>
        %gather3A_1979 = tpu.vector_load_idx %arg24[%add3A_1978] : memref<32768xf32, #tpu.memory_space<vmem>>[vector<16xi32>], vector<16xf32>,
        %swap3A_1980 = arith.constant 1 : i32
        %swap3A_1981 = arith.index_cast %add3A_207 : i32 to index
        %swap3A_1982 = arith.index_cast %swap3A_1980 : i32 to index
        %swap3A_1983 = arith.constant 0 : index
        %swap3A_1984 = tpu.vector_load %arg39[%swap3A_1981, %swap3A_1982, %swap3A_1983] {strides = array<i32>} : memref<128x8x16xf32, #tpu.memory_space<vmem>>, vector<16xf32>,
        tpu.vector_store %arg39[%swap3A_1981, %swap3A_1982, %swap3A_1983], %gather3A_1979 {strides = array<i32>} : memref<128x8x16xf32, #tpu.memory_space<vmem>>, vector<16xf32>,
        %add3A_1985 = arith.addi %or3A_1765, %broadcast_in_dim3A_76 : vector<16xi32>
        %gather3A_1986 = tpu.vector_load_idx %arg24[%add3A_1985] : memref<32768xf32, #tpu.memory_space<vmem>>[vector<16xi32>], vector<16xf32>,
        %swap3A_1987 = arith.constant 1 : i32
        %swap3A_1988 = arith.index_cast %add3A_209 : i32 to index
        %swap3A_1989 = arith.index_cast %swap3A_1987 : i32 to index
        %swap3A_1990 = arith.constant 0 : index
        %swap3A_1991 = tpu.vector_load %arg39[%swap3A_1988, %swap3A_1989, %swap3A_1990] {strides = array<i32>} : memref<128x8x16xf32, #tpu.memory_space<vmem>>, vector<16xf32>,
        tpu.vector_store %arg39[%swap3A_1988, %swap3A_1989, %swap3A_1990], %gather3A_1986 {strides = array<i32>} : memref<128x8x16xf32, #tpu.memory_space<vmem>>, vector<16xf32>,
        %add3A_1992 = arith.addi %or3A_1775, %broadcast_in_dim3A_76 : vector<16xi32>
        %gather3A_1993 = tpu.vector_load_idx %arg24[%add3A_1992] : memref<32768xf32, #tpu.memory_space<vmem>>[vector<16xi32>], vector<16xf32>,
        %swap3A_1994 = arith.constant 1 : i32
        %swap3A_1995 = arith.index_cast %add3A_211 : i32 to index
        %swap3A_1996 = arith.index_cast %swap3A_1994 : i32 to index
        %swap3A_1997 = arith.constant 0 : index
        %swap3A_1998 = tpu.vector_load %arg39[%swap3A_1995, %swap3A_1996, %swap3A_1997] {strides = array<i32>} : memref<128x8x16xf32, #tpu.memory_space<vmem>>, vector<16xf32>,
        tpu.vector_store %arg39[%swap3A_1995, %swap3A_1996, %swap3A_1997], %gather3A_1993 {strides = array<i32>} : memref<128x8x16xf32, #tpu.memory_space<vmem>>, vector<16xf32>,
        %add3A_1999 = arith.addi %or3A, %broadcast_in_dim3A_78 : vector<16xi32>
        %gather3A_2000 = tpu.vector_load_idx %arg24[%add3A_1999] : memref<32768xf32, #tpu.memory_space<vmem>>[vector<16xi32>], vector<16xf32>,
        %swap3A_2001 = arith.constant 2 : i32
        %swap3A_2002 = arith.index_cast %add3A_181 : i32 to index
        %swap3A_2003 = arith.index_cast %swap3A_2001 : i32 to index
        %swap3A_2004 = arith.constant 0 : index
        %swap3A_2005 = tpu.vector_load %arg39[%swap3A_2002, %swap3A_2003, %swap3A_2004] {strides = array<i32>} : memref<128x8x16xf32, #tpu.memory_space<vmem>>, vector<16xf32>,
        tpu.vector_store %arg39[%swap3A_2002, %swap3A_2003, %swap3A_2004], %gather3A_2000 {strides = array<i32>} : memref<128x8x16xf32, #tpu.memory_space<vmem>>, vector<16xf32>,
        %add3A_2006 = arith.addi %or3A_1635, %broadcast_in_dim3A_78 : vector<16xi32>
        %gather3A_2007 = tpu.vector_load_idx %arg24[%add3A_2006] : memref<32768xf32, #tpu.memory_space<vmem>>[vector<16xi32>], vector<16xf32>,
        %swap3A_2008 = arith.constant 2 : i32
        %swap3A_2009 = arith.index_cast %add3A_183 : i32 to index
        %swap3A_2010 = arith.index_cast %swap3A_2008 : i32 to index
        %swap3A_2011 = arith.constant 0 : index
        %swap3A_2012 = tpu.vector_load %arg39[%swap3A_2009, %swap3A_2010, %swap3A_2011] {strides = array<i32>} : memref<128x8x16xf32, #tpu.memory_space<vmem>>, vector<16xf32>,
        tpu.vector_store %arg39[%swap3A_2009, %swap3A_2010, %swap3A_2011], %gather3A_2007 {strides = array<i32>} : memref<128x8x16xf32, #tpu.memory_space<vmem>>, vector<16xf32>,
        %add3A_2013 = arith.addi %or3A_1645, %broadcast_in_dim3A_78 : vector<16xi32>
        %gather3A_2014 = tpu.vector_load_idx %arg24[%add3A_2013] : memref<32768xf32, #tpu.memory_space<vmem>>[vector<16xi32>], vector<16xf32>,
        %swap3A_2015 = arith.constant 2 : i32
        %swap3A_2016 = arith.index_cast %add3A_185 : i32 to index
        %swap3A_2017 = arith.index_cast %swap3A_2015 : i32 to index
        %swap3A_2018 = arith.constant 0 : index
        %swap3A_2019 = tpu.vector_load %arg39[%swap3A_2016, %swap3A_2017, %swap3A_2018] {strides = array<i32>} : memref<128x8x16xf32, #tpu.memory_space<vmem>>, vector<16xf32>,
        tpu.vector_store %arg39[%swap3A_2016, %swap3A_2017, %swap3A_2018], %gather3A_2014 {strides = array<i32>} : memref<128x8x16xf32, #tpu.memory_space<vmem>>, vector<16xf32>,
        %add3A_2020 = arith.addi %or3A_1655, %broadcast_in_dim3A_78 : vector<16xi32>
        %gather3A_2021 = tpu.vector_load_idx %arg24[%add3A_2020] : memref<32768xf32, #tpu.memory_space<vmem>>[vector<16xi32>], vector<16xf32>,
        %swap3A_2022 = arith.constant 2 : i32
        %swap3A_2023 = arith.index_cast %add3A_187 : i32 to index
        %swap3A_2024 = arith.index_cast %swap3A_2022 : i32 to index
        %swap3A_2025 = arith.constant 0 : index
        %swap3A_2026 = tpu.vector_load %arg39[%swap3A_2023, %swap3A_2024, %swap3A_2025] {strides = array<i32>} : memref<128x8x16xf32, #tpu.memory_space<vmem>>, vector<16xf32>,
        tpu.vector_store %arg39[%swap3A_2023, %swap3A_2024, %swap3A_2025], %gather3A_2021 {strides = array<i32>} : memref<128x8x16xf32, #tpu.memory_space<vmem>>, vector<16xf32>,
        %add3A_2027 = arith.addi %or3A_1665, %broadcast_in_dim3A_78 : vector<16xi32>
        %gather3A_2028 = tpu.vector_load_idx %arg24[%add3A_2027] : memref<32768xf32, #tpu.memory_space<vmem>>[vector<16xi32>], vector<16xf32>,
        %swap3A_2029 = arith.constant 2 : i32
        %swap3A_2030 = arith.index_cast %add3A_189 : i32 to index
        %swap3A_2031 = arith.index_cast %swap3A_2029 : i32 to index
        %swap3A_2032 = arith.constant 0 : index
        %swap3A_2033 = tpu.vector_load %arg39[%swap3A_2030, %swap3A_2031, %swap3A_2032] {strides = array<i32>} : memref<128x8x16xf32, #tpu.memory_space<vmem>>, vector<16xf32>,
        tpu.vector_store %arg39[%swap3A_2030, %swap3A_2031, %swap3A_2032], %gather3A_2028 {strides = array<i32>} : memref<128x8x16xf32, #tpu.memory_space<vmem>>, vector<16xf32>,
        %add3A_2034 = arith.addi %or3A_1675, %broadcast_in_dim3A_78 : vector<16xi32>
        %gather3A_2035 = tpu.vector_load_idx %arg24[%add3A_2034] : memref<32768xf32, #tpu.memory_space<vmem>>[vector<16xi32>], vector<16xf32>,
        %swap3A_2036 = arith.constant 2 : i32
        %swap3A_2037 = arith.index_cast %add3A_191 : i32 to index
        %swap3A_2038 = arith.index_cast %swap3A_2036 : i32 to index
        %swap3A_2039 = arith.constant 0 : index
        %swap3A_2040 = tpu.vector_load %arg39[%swap3A_2037, %swap3A_2038, %swap3A_2039] {strides = array<i32>} : memref<128x8x16xf32, #tpu.memory_space<vmem>>, vector<16xf32>,
        tpu.vector_store %arg39[%swap3A_2037, %swap3A_2038, %swap3A_2039], %gather3A_2035 {strides = array<i32>} : memref<128x8x16xf32, #tpu.memory_space<vmem>>, vector<16xf32>,
        %add3A_2041 = arith.addi %or3A_1685, %broadcast_in_dim3A_78 : vector<16xi32>
        %gather3A_2042 = tpu.vector_load_idx %arg24[%add3A_2041] : memref<32768xf32, #tpu.memory_space<vmem>>[vector<16xi32>], vector<16xf32>,
        %swap3A_2043 = arith.constant 2 : i32
        %swap3A_2044 = arith.index_cast %add3A_193 : i32 to index
        %swap3A_2045 = arith.index_cast %swap3A_2043 : i32 to index
        %swap3A_2046 = arith.constant 0 : index
        %swap3A_2047 = tpu.vector_load %arg39[%swap3A_2044, %swap3A_2045, %swap3A_2046] {strides = array<i32>} : memref<128x8x16xf32, #tpu.memory_space<vmem>>, vector<16xf32>,
        tpu.vector_store %arg39[%swap3A_2044, %swap3A_2045, %swap3A_2046], %gather3A_2042 {strides = array<i32>} : memref<128x8x16xf32, #tpu.memory_space<vmem>>, vector<16xf32>,
        %add3A_2048 = arith.addi %or3A_1695, %broadcast_in_dim3A_78 : vector<16xi32>
        %gather3A_2049 = tpu.vector_load_idx %arg24[%add3A_2048] : memref<32768xf32, #tpu.memory_space<vmem>>[vector<16xi32>], vector<16xf32>,
        %swap3A_2050 = arith.constant 2 : i32
        %swap3A_2051 = arith.index_cast %add3A_195 : i32 to index
        %swap3A_2052 = arith.index_cast %swap3A_2050 : i32 to index
        %swap3A_2053 = arith.constant 0 : index
        %swap3A_2054 = tpu.vector_load %arg39[%swap3A_2051, %swap3A_2052, %swap3A_2053] {strides = array<i32>} : memref<128x8x16xf32, #tpu.memory_space<vmem>>, vector<16xf32>,
        tpu.vector_store %arg39[%swap3A_2051, %swap3A_2052, %swap3A_2053], %gather3A_2049 {strides = array<i32>} : memref<128x8x16xf32, #tpu.memory_space<vmem>>, vector<16xf32>,
        %add3A_2055 = arith.addi %or3A_1705, %broadcast_in_dim3A_78 : vector<16xi32>
        %gather3A_2056 = tpu.vector_load_idx %arg24[%add3A_2055] : memref<32768xf32, #tpu.memory_space<vmem>>[vector<16xi32>], vector<16xf32>,
        %swap3A_2057 = arith.constant 2 : i32
        %swap3A_2058 = arith.index_cast %add3A_197 : i32 to index
        %swap3A_2059 = arith.index_cast %swap3A_2057 : i32 to index
        %swap3A_2060 = arith.constant 0 : index
        %swap3A_2061 = tpu.vector_load %arg39[%swap3A_2058, %swap3A_2059, %swap3A_2060] {strides = array<i32>} : memref<128x8x16xf32, #tpu.memory_space<vmem>>, vector<16xf32>,
        tpu.vector_store %arg39[%swap3A_2058, %swap3A_2059, %swap3A_2060], %gather3A_2056 {strides = array<i32>} : memref<128x8x16xf32, #tpu.memory_space<vmem>>, vector<16xf32>,
        %add3A_2062 = arith.addi %or3A_1715, %broadcast_in_dim3A_78 : vector<16xi32>
        %gather3A_2063 = tpu.vector_load_idx %arg24[%add3A_2062] : memref<32768xf32, #tpu.memory_space<vmem>>[vector<16xi32>], vector<16xf32>,
        %swap3A_2064 = arith.constant 2 : i32
        %swap3A_2065 = arith.index_cast %add3A_199 : i32 to index
        %swap3A_2066 = arith.index_cast %swap3A_2064 : i32 to index
        %swap3A_2067 = arith.constant 0 : index
        %swap3A_2068 = tpu.vector_load %arg39[%swap3A_2065, %swap3A_2066, %swap3A_2067] {strides = array<i32>} : memref<128x8x16xf32, #tpu.memory_space<vmem>>, vector<16xf32>,
        tpu.vector_store %arg39[%swap3A_2065, %swap3A_2066, %swap3A_2067], %gather3A_2063 {strides = array<i32>} : memref<128x8x16xf32, #tpu.memory_space<vmem>>, vector<16xf32>,
        %add3A_2069 = arith.addi %or3A_1725, %broadcast_in_dim3A_78 : vector<16xi32>
        %gather3A_2070 = tpu.vector_load_idx %arg24[%add3A_2069] : memref<32768xf32, #tpu.memory_space<vmem>>[vector<16xi32>], vector<16xf32>,
        %swap3A_2071 = arith.constant 2 : i32
        %swap3A_2072 = arith.index_cast %add3A_201 : i32 to index
        %swap3A_2073 = arith.index_cast %swap3A_2071 : i32 to index
        %swap3A_2074 = arith.constant 0 : index
        %swap3A_2075 = tpu.vector_load %arg39[%swap3A_2072, %swap3A_2073, %swap3A_2074] {strides = array<i32>} : memref<128x8x16xf32, #tpu.memory_space<vmem>>, vector<16xf32>,
        tpu.vector_store %arg39[%swap3A_2072, %swap3A_2073, %swap3A_2074], %gather3A_2070 {strides = array<i32>} : memref<128x8x16xf32, #tpu.memory_space<vmem>>, vector<16xf32>,
        %add3A_2076 = arith.addi %or3A_1735, %broadcast_in_dim3A_78 : vector<16xi32>
        %gather3A_2077 = tpu.vector_load_idx %arg24[%add3A_2076] : memref<32768xf32, #tpu.memory_space<vmem>>[vector<16xi32>], vector<16xf32>,
        %swap3A_2078 = arith.constant 2 : i32
        %swap3A_2079 = arith.index_cast %add3A_203 : i32 to index
        %swap3A_2080 = arith.index_cast %swap3A_2078 : i32 to index
        %swap3A_2081 = arith.constant 0 : index
        %swap3A_2082 = tpu.vector_load %arg39[%swap3A_2079, %swap3A_2080, %swap3A_2081] {strides = array<i32>} : memref<128x8x16xf32, #tpu.memory_space<vmem>>, vector<16xf32>,
        tpu.vector_store %arg39[%swap3A_2079, %swap3A_2080, %swap3A_2081], %gather3A_2077 {strides = array<i32>} : memref<128x8x16xf32, #tpu.memory_space<vmem>>, vector<16xf32>,
        %add3A_2083 = arith.addi %or3A_1745, %broadcast_in_dim3A_78 : vector<16xi32>
        %gather3A_2084 = tpu.vector_load_idx %arg24[%add3A_2083] : memref<32768xf32, #tpu.memory_space<vmem>>[vector<16xi32>], vector<16xf32>,
        %swap3A_2085 = arith.constant 2 : i32
        %swap3A_2086 = arith.index_cast %add3A_205 : i32 to index
        %swap3A_2087 = arith.index_cast %swap3A_2085 : i32 to index
        %swap3A_2088 = arith.constant 0 : index
        %swap3A_2089 = tpu.vector_load %arg39[%swap3A_2086, %swap3A_2087, %swap3A_2088] {strides = array<i32>} : memref<128x8x16xf32, #tpu.memory_space<vmem>>, vector<16xf32>,
        tpu.vector_store %arg39[%swap3A_2086, %swap3A_2087, %swap3A_2088], %gather3A_2084 {strides = array<i32>} : memref<128x8x16xf32, #tpu.memory_space<vmem>>, vector<16xf32>,
        %add3A_2090 = arith.addi %or3A_1755, %broadcast_in_dim3A_78 : vector<16xi32>
        %gather3A_2091 = tpu.vector_load_idx %arg24[%add3A_2090] : memref<32768xf32, #tpu.memory_space<vmem>>[vector<16xi32>], vector<16xf32>,
        %swap3A_2092 = arith.constant 2 : i32
        %swap3A_2093 = arith.index_cast %add3A_207 : i32 to index
        %swap3A_2094 = arith.index_cast %swap3A_2092 : i32 to index
        %swap3A_2095 = arith.constant 0 : index
        %swap3A_2096 = tpu.vector_load %arg39[%swap3A_2093, %swap3A_2094, %swap3A_2095] {strides = array<i32>} : memref<128x8x16xf32, #tpu.memory_space<vmem>>, vector<16xf32>,
        tpu.vector_store %arg39[%swap3A_2093, %swap3A_2094, %swap3A_2095], %gather3A_2091 {strides = array<i32>} : memref<128x8x16xf32, #tpu.memory_space<vmem>>, vector<16xf32>,
        %add3A_2097 = arith.addi %or3A_1765, %broadcast_in_dim3A_78 : vector<16xi32>
        %gather3A_2098 = tpu.vector_load_idx %arg24[%add3A_2097] : memref<32768xf32, #tpu.memory_space<vmem>>[vector<16xi32>], vector<16xf32>,
        %swap3A_2099 = arith.constant 2 : i32
        %swap3A_2100 = arith.index_cast %add3A_209 : i32 to index
        %swap3A_2101 = arith.index_cast %swap3A_2099 : i32 to index
        %swap3A_2102 = arith.constant 0 : index
        %swap3A_2103 = tpu.vector_load %arg39[%swap3A_2100, %swap3A_2101, %swap3A_2102] {strides = array<i32>} : memref<128x8x16xf32, #tpu.memory_space<vmem>>, vector<16xf32>,
        tpu.vector_store %arg39[%swap3A_2100, %swap3A_2101, %swap3A_2102], %gather3A_2098 {strides = array<i32>} : memref<128x8x16xf32, #tpu.memory_space<vmem>>, vector<16xf32>,
        %add3A_2104 = arith.addi %or3A_1775, %broadcast_in_dim3A_78 : vector<16xi32>
        %gather3A_2105 = tpu.vector_load_idx %arg24[%add3A_2104] : memref<32768xf32, #tpu.memory_space<vmem>>[vector<16xi32>], vector<16xf32>,
        %swap3A_2106 = arith.constant 2 : i32
        %swap3A_2107 = arith.index_cast %add3A_211 : i32 to index
        %swap3A_2108 = arith.index_cast %swap3A_2106 : i32 to index
        %swap3A_2109 = arith.constant 0 : index
        %swap3A_2110 = tpu.vector_load %arg39[%swap3A_2107, %swap3A_2108, %swap3A_2109] {strides = array<i32>} : memref<128x8x16xf32, #tpu.memory_space<vmem>>, vector<16xf32>,
        tpu.vector_store %arg39[%swap3A_2107, %swap3A_2108, %swap3A_2109], %gather3A_2105 {strides = array<i32>} : memref<128x8x16xf32, #tpu.memory_space<vmem>>, vector<16xf32>,
        %add3A_2111 = arith.addi %or3A, %broadcast_in_dim3A_80 : vector<16xi32>
        %gather3A_2112 = tpu.vector_load_idx %arg24[%add3A_2111] : memref<32768xf32, #tpu.memory_space<vmem>>[vector<16xi32>], vector<16xf32>,
        %swap3A_2113 = arith.constant 3 : i32
        %swap3A_2114 = arith.index_cast %add3A_181 : i32 to index
        %swap3A_2115 = arith.index_cast %swap3A_2113 : i32 to index
        %swap3A_2116 = arith.constant 0 : index
        %swap3A_2117 = tpu.vector_load %arg39[%swap3A_2114, %swap3A_2115, %swap3A_2116] {strides = array<i32>} : memref<128x8x16xf32, #tpu.memory_space<vmem>>, vector<16xf32>,
        tpu.vector_store %arg39[%swap3A_2114, %swap3A_2115, %swap3A_2116], %gather3A_2112 {strides = array<i32>} : memref<128x8x16xf32, #tpu.memory_space<vmem>>, vector<16xf32>,
        %add3A_2118 = arith.addi %or3A_1635, %broadcast_in_dim3A_80 : vector<16xi32>
        %gather3A_2119 = tpu.vector_load_idx %arg24[%add3A_2118] : memref<32768xf32, #tpu.memory_space<vmem>>[vector<16xi32>], vector<16xf32>,
        %swap3A_2120 = arith.constant 3 : i32
        %swap3A_2121 = arith.index_cast %add3A_183 : i32 to index
        %swap3A_2122 = arith.index_cast %swap3A_2120 : i32 to index
        %swap3A_2123 = arith.constant 0 : index
        %swap3A_2124 = tpu.vector_load %arg39[%swap3A_2121, %swap3A_2122, %swap3A_2123] {strides = array<i32>} : memref<128x8x16xf32, #tpu.memory_space<vmem>>, vector<16xf32>,
        tpu.vector_store %arg39[%swap3A_2121, %swap3A_2122, %swap3A_2123], %gather3A_2119 {strides = array<i32>} : memref<128x8x16xf32, #tpu.memory_space<vmem>>, vector<16xf32>,
        %add3A_2125 = arith.addi %or3A_1645, %broadcast_in_dim3A_80 : vector<16xi32>
        %gather3A_2126 = tpu.vector_load_idx %arg24[%add3A_2125] : memref<32768xf32, #tpu.memory_space<vmem>>[vector<16xi32>], vector<16xf32>,
        %swap3A_2127 = arith.constant 3 : i32
        %swap3A_2128 = arith.index_cast %add3A_185 : i32 to index
        %swap3A_2129 = arith.index_cast %swap3A_2127 : i32 to index
        %swap3A_2130 = arith.constant 0 : index
        %swap3A_2131 = tpu.vector_load %arg39[%swap3A_2128, %swap3A_2129, %swap3A_2130] {strides = array<i32>} : memref<128x8x16xf32, #tpu.memory_space<vmem>>, vector<16xf32>,
        tpu.vector_store %arg39[%swap3A_2128, %swap3A_2129, %swap3A_2130], %gather3A_2126 {strides = array<i32>} : memref<128x8x16xf32, #tpu.memory_space<vmem>>, vector<16xf32>,
        %add3A_2132 = arith.addi %or3A_1655, %broadcast_in_dim3A_80 : vector<16xi32>
        %gather3A_2133 = tpu.vector_load_idx %arg24[%add3A_2132] : memref<32768xf32, #tpu.memory_space<vmem>>[vector<16xi32>], vector<16xf32>,
        %swap3A_2134 = arith.constant 3 : i32
        %swap3A_2135 = arith.index_cast %add3A_187 : i32 to index
        %swap3A_2136 = arith.index_cast %swap3A_2134 : i32 to index
        %swap3A_2137 = arith.constant 0 : index
        %swap3A_2138 = tpu.vector_load %arg39[%swap3A_2135, %swap3A_2136, %swap3A_2137] {strides = array<i32>} : memref<128x8x16xf32, #tpu.memory_space<vmem>>, vector<16xf32>,
        tpu.vector_store %arg39[%swap3A_2135, %swap3A_2136, %swap3A_2137], %gather3A_2133 {strides = array<i32>} : memref<128x8x16xf32, #tpu.memory_space<vmem>>, vector<16xf32>,
        %add3A_2139 = arith.addi %or3A_1665, %broadcast_in_dim3A_80 : vector<16xi32>
        %gather3A_2140 = tpu.vector_load_idx %arg24[%add3A_2139] : memref<32768xf32, #tpu.memory_space<vmem>>[vector<16xi32>], vector<16xf32>,
        %swap3A_2141 = arith.constant 3 : i32
        %swap3A_2142 = arith.index_cast %add3A_189 : i32 to index
        %swap3A_2143 = arith.index_cast %swap3A_2141 : i32 to index
        %swap3A_2144 = arith.constant 0 : index
        %swap3A_2145 = tpu.vector_load %arg39[%swap3A_2142, %swap3A_2143, %swap3A_2144] {strides = array<i32>} : memref<128x8x16xf32, #tpu.memory_space<vmem>>, vector<16xf32>,
        tpu.vector_store %arg39[%swap3A_2142, %swap3A_2143, %swap3A_2144], %gather3A_2140 {strides = array<i32>} : memref<128x8x16xf32, #tpu.memory_space<vmem>>, vector<16xf32>,
        %add3A_2146 = arith.addi %or3A_1675, %broadcast_in_dim3A_80 : vector<16xi32>
        %gather3A_2147 = tpu.vector_load_idx %arg24[%add3A_2146] : memref<32768xf32, #tpu.memory_space<vmem>>[vector<16xi32>], vector<16xf32>,
        %swap3A_2148 = arith.constant 3 : i32
        %swap3A_2149 = arith.index_cast %add3A_191 : i32 to index
        %swap3A_2150 = arith.index_cast %swap3A_2148 : i32 to index
        %swap3A_2151 = arith.constant 0 : index
        %swap3A_2152 = tpu.vector_load %arg39[%swap3A_2149, %swap3A_2150, %swap3A_2151] {strides = array<i32>} : memref<128x8x16xf32, #tpu.memory_space<vmem>>, vector<16xf32>,
        tpu.vector_store %arg39[%swap3A_2149, %swap3A_2150, %swap3A_2151], %gather3A_2147 {strides = array<i32>} : memref<128x8x16xf32, #tpu.memory_space<vmem>>, vector<16xf32>,
        %add3A_2153 = arith.addi %or3A_1685, %broadcast_in_dim3A_80 : vector<16xi32>
        %gather3A_2154 = tpu.vector_load_idx %arg24[%add3A_2153] : memref<32768xf32, #tpu.memory_space<vmem>>[vector<16xi32>], vector<16xf32>,
        %swap3A_2155 = arith.constant 3 : i32
        %swap3A_2156 = arith.index_cast %add3A_193 : i32 to index
        %swap3A_2157 = arith.index_cast %swap3A_2155 : i32 to index
        %swap3A_2158 = arith.constant 0 : index
        %swap3A_2159 = tpu.vector_load %arg39[%swap3A_2156, %swap3A_2157, %swap3A_2158] {strides = array<i32>} : memref<128x8x16xf32, #tpu.memory_space<vmem>>, vector<16xf32>,
        tpu.vector_store %arg39[%swap3A_2156, %swap3A_2157, %swap3A_2158], %gather3A_2154 {strides = array<i32>} : memref<128x8x16xf32, #tpu.memory_space<vmem>>, vector<16xf32>,
        %add3A_2160 = arith.addi %or3A_1695, %broadcast_in_dim3A_80 : vector<16xi32>
        %gather3A_2161 = tpu.vector_load_idx %arg24[%add3A_2160] : memref<32768xf32, #tpu.memory_space<vmem>>[vector<16xi32>], vector<16xf32>,
        %swap3A_2162 = arith.constant 3 : i32
        %swap3A_2163 = arith.index_cast %add3A_195 : i32 to index
        %swap3A_2164 = arith.index_cast %swap3A_2162 : i32 to index
        %swap3A_2165 = arith.constant 0 : index
        %swap3A_2166 = tpu.vector_load %arg39[%swap3A_2163, %swap3A_2164, %swap3A_2165] {strides = array<i32>} : memref<128x8x16xf32, #tpu.memory_space<vmem>>, vector<16xf32>,
        tpu.vector_store %arg39[%swap3A_2163, %swap3A_2164, %swap3A_2165], %gather3A_2161 {strides = array<i32>} : memref<128x8x16xf32, #tpu.memory_space<vmem>>, vector<16xf32>,
        %add3A_2167 = arith.addi %or3A_1705, %broadcast_in_dim3A_80 : vector<16xi32>
        %gather3A_2168 = tpu.vector_load_idx %arg24[%add3A_2167] : memref<32768xf32, #tpu.memory_space<vmem>>[vector<16xi32>], vector<16xf32>,
        %swap3A_2169 = arith.constant 3 : i32
        %swap3A_2170 = arith.index_cast %add3A_197 : i32 to index
        %swap3A_2171 = arith.index_cast %swap3A_2169 : i32 to index
        %swap3A_2172 = arith.constant 0 : index
        %swap3A_2173 = tpu.vector_load %arg39[%swap3A_2170, %swap3A_2171, %swap3A_2172] {strides = array<i32>} : memref<128x8x16xf32, #tpu.memory_space<vmem>>, vector<16xf32>,
        tpu.vector_store %arg39[%swap3A_2170, %swap3A_2171, %swap3A_2172], %gather3A_2168 {strides = array<i32>} : memref<128x8x16xf32, #tpu.memory_space<vmem>>, vector<16xf32>,
        %add3A_2174 = arith.addi %or3A_1715, %broadcast_in_dim3A_80 : vector<16xi32>
        %gather3A_2175 = tpu.vector_load_idx %arg24[%add3A_2174] : memref<32768xf32, #tpu.memory_space<vmem>>[vector<16xi32>], vector<16xf32>,
        %swap3A_2176 = arith.constant 3 : i32
        %swap3A_2177 = arith.index_cast %add3A_199 : i32 to index
        %swap3A_2178 = arith.index_cast %swap3A_2176 : i32 to index
        %swap3A_2179 = arith.constant 0 : index
        %swap3A_2180 = tpu.vector_load %arg39[%swap3A_2177, %swap3A_2178, %swap3A_2179] {strides = array<i32>} : memref<128x8x16xf32, #tpu.memory_space<vmem>>, vector<16xf32>,
        tpu.vector_store %arg39[%swap3A_2177, %swap3A_2178, %swap3A_2179], %gather3A_2175 {strides = array<i32>} : memref<128x8x16xf32, #tpu.memory_space<vmem>>, vector<16xf32>,
        %add3A_2181 = arith.addi %or3A_1725, %broadcast_in_dim3A_80 : vector<16xi32>
        %gather3A_2182 = tpu.vector_load_idx %arg24[%add3A_2181] : memref<32768xf32, #tpu.memory_space<vmem>>[vector<16xi32>], vector<16xf32>,
        %swap3A_2183 = arith.constant 3 : i32
        %swap3A_2184 = arith.index_cast %add3A_201 : i32 to index
        %swap3A_2185 = arith.index_cast %swap3A_2183 : i32 to index
        %swap3A_2186 = arith.constant 0 : index
        %swap3A_2187 = tpu.vector_load %arg39[%swap3A_2184, %swap3A_2185, %swap3A_2186] {strides = array<i32>} : memref<128x8x16xf32, #tpu.memory_space<vmem>>, vector<16xf32>,
        tpu.vector_store %arg39[%swap3A_2184, %swap3A_2185, %swap3A_2186], %gather3A_2182 {strides = array<i32>} : memref<128x8x16xf32, #tpu.memory_space<vmem>>, vector<16xf32>,
        %add3A_2188 = arith.addi %or3A_1735, %broadcast_in_dim3A_80 : vector<16xi32>
        %gather3A_2189 = tpu.vector_load_idx %arg24[%add3A_2188] : memref<32768xf32, #tpu.memory_space<vmem>>[vector<16xi32>], vector<16xf32>,
        %swap3A_2190 = arith.constant 3 : i32
        %swap3A_2191 = arith.index_cast %add3A_203 : i32 to index
        %swap3A_2192 = arith.index_cast %swap3A_2190 : i32 to index
        %swap3A_2193 = arith.constant 0 : index
        %swap3A_2194 = tpu.vector_load %arg39[%swap3A_2191, %swap3A_2192, %swap3A_2193] {strides = array<i32>} : memref<128x8x16xf32, #tpu.memory_space<vmem>>, vector<16xf32>,
        tpu.vector_store %arg39[%swap3A_2191, %swap3A_2192, %swap3A_2193], %gather3A_2189 {strides = array<i32>} : memref<128x8x16xf32, #tpu.memory_space<vmem>>, vector<16xf32>,
        %add3A_2195 = arith.addi %or3A_1745, %broadcast_in_dim3A_80 : vector<16xi32>
        %gather3A_2196 = tpu.vector_load_idx %arg24[%add3A_2195] : memref<32768xf32, #tpu.memory_space<vmem>>[vector<16xi32>], vector<16xf32>,
        %swap3A_2197 = arith.constant 3 : i32
        %swap3A_2198 = arith.index_cast %add3A_205 : i32 to index
        %swap3A_2199 = arith.index_cast %swap3A_2197 : i32 to index
        %swap3A_2200 = arith.constant 0 : index
        %swap3A_2201 = tpu.vector_load %arg39[%swap3A_2198, %swap3A_2199, %swap3A_2200] {strides = array<i32>} : memref<128x8x16xf32, #tpu.memory_space<vmem>>, vector<16xf32>,
        tpu.vector_store %arg39[%swap3A_2198, %swap3A_2199, %swap3A_2200], %gather3A_2196 {strides = array<i32>} : memref<128x8x16xf32, #tpu.memory_space<vmem>>, vector<16xf32>,
        %add3A_2202 = arith.addi %or3A_1755, %broadcast_in_dim3A_80 : vector<16xi32>
        %gather3A_2203 = tpu.vector_load_idx %arg24[%add3A_2202] : memref<32768xf32, #tpu.memory_space<vmem>>[vector<16xi32>], vector<16xf32>,
        %swap3A_2204 = arith.constant 3 : i32
        %swap3A_2205 = arith.index_cast %add3A_207 : i32 to index
        %swap3A_2206 = arith.index_cast %swap3A_2204 : i32 to index
        %swap3A_2207 = arith.constant 0 : index
        %swap3A_2208 = tpu.vector_load %arg39[%swap3A_2205, %swap3A_2206, %swap3A_2207] {strides = array<i32>} : memref<128x8x16xf32, #tpu.memory_space<vmem>>, vector<16xf32>,
        tpu.vector_store %arg39[%swap3A_2205, %swap3A_2206, %swap3A_2207], %gather3A_2203 {strides = array<i32>} : memref<128x8x16xf32, #tpu.memory_space<vmem>>, vector<16xf32>,
        %add3A_2209 = arith.addi %or3A_1765, %broadcast_in_dim3A_80 : vector<16xi32>
        %gather3A_2210 = tpu.vector_load_idx %arg24[%add3A_2209] : memref<32768xf32, #tpu.memory_space<vmem>>[vector<16xi32>], vector<16xf32>,
        %swap3A_2211 = arith.constant 3 : i32
        %swap3A_2212 = arith.index_cast %add3A_209 : i32 to index
        %swap3A_2213 = arith.index_cast %swap3A_2211 : i32 to index
        %swap3A_2214 = arith.constant 0 : index
        %swap3A_2215 = tpu.vector_load %arg39[%swap3A_2212, %swap3A_2213, %swap3A_2214] {strides = array<i32>} : memref<128x8x16xf32, #tpu.memory_space<vmem>>, vector<16xf32>,
        tpu.vector_store %arg39[%swap3A_2212, %swap3A_2213, %swap3A_2214], %gather3A_2210 {strides = array<i32>} : memref<128x8x16xf32, #tpu.memory_space<vmem>>, vector<16xf32>,
        %add3A_2216 = arith.addi %or3A_1775, %broadcast_in_dim3A_80 : vector<16xi32>
        %gather3A_2217 = tpu.vector_load_idx %arg24[%add3A_2216] : memref<32768xf32, #tpu.memory_space<vmem>>[vector<16xi32>], vector<16xf32>,
        %swap3A_2218 = arith.constant 3 : i32
        %swap3A_2219 = arith.index_cast %add3A_211 : i32 to index
        %swap3A_2220 = arith.index_cast %swap3A_2218 : i32 to index
        %swap3A_2221 = arith.constant 0 : index
        %swap3A_2222 = tpu.vector_load %arg39[%swap3A_2219, %swap3A_2220, %swap3A_2221] {strides = array<i32>} : memref<128x8x16xf32, #tpu.memory_space<vmem>>, vector<16xf32>,
        tpu.vector_store %arg39[%swap3A_2219, %swap3A_2220, %swap3A_2221], %gather3A_2217 {strides = array<i32>} : memref<128x8x16xf32, #tpu.memory_space<vmem>>, vector<16xf32>,
        %add3A_2223 = arith.addi %or3A, %broadcast_in_dim3A_82 : vector<16xi32>
        %gather3A_2224 = tpu.vector_load_idx %arg24[%add3A_2223] : memref<32768xf32, #tpu.memory_space<vmem>>[vector<16xi32>], vector<16xf32>,
        %swap3A_2225 = arith.constant 4 : i32
        %swap3A_2226 = arith.index_cast %add3A_181 : i32 to index
        %swap3A_2227 = arith.index_cast %swap3A_2225 : i32 to index
        %swap3A_2228 = arith.constant 0 : index
        %swap3A_2229 = tpu.vector_load %arg39[%swap3A_2226, %swap3A_2227, %swap3A_2228] {strides = array<i32>} : memref<128x8x16xf32, #tpu.memory_space<vmem>>, vector<16xf32>,
        tpu.vector_store %arg39[%swap3A_2226, %swap3A_2227, %swap3A_2228], %gather3A_2224 {strides = array<i32>} : memref<128x8x16xf32, #tpu.memory_space<vmem>>, vector<16xf32>,
        %add3A_2230 = arith.addi %or3A_1635, %broadcast_in_dim3A_82 : vector<16xi32>
        %gather3A_2231 = tpu.vector_load_idx %arg24[%add3A_2230] : memref<32768xf32, #tpu.memory_space<vmem>>[vector<16xi32>], vector<16xf32>,
        %swap3A_2232 = arith.constant 4 : i32
        %swap3A_2233 = arith.index_cast %add3A_183 : i32 to index
        %swap3A_2234 = arith.index_cast %swap3A_2232 : i32 to index
        %swap3A_2235 = arith.constant 0 : index
        %swap3A_2236 = tpu.vector_load %arg39[%swap3A_2233, %swap3A_2234, %swap3A_2235] {strides = array<i32>} : memref<128x8x16xf32, #tpu.memory_space<vmem>>, vector<16xf32>,
        tpu.vector_store %arg39[%swap3A_2233, %swap3A_2234, %swap3A_2235], %gather3A_2231 {strides = array<i32>} : memref<128x8x16xf32, #tpu.memory_space<vmem>>, vector<16xf32>,
        %add3A_2237 = arith.addi %or3A_1645, %broadcast_in_dim3A_82 : vector<16xi32>
        %gather3A_2238 = tpu.vector_load_idx %arg24[%add3A_2237] : memref<32768xf32, #tpu.memory_space<vmem>>[vector<16xi32>], vector<16xf32>,
        %swap3A_2239 = arith.constant 4 : i32
        %swap3A_2240 = arith.index_cast %add3A_185 : i32 to index
        %swap3A_2241 = arith.index_cast %swap3A_2239 : i32 to index
        %swap3A_2242 = arith.constant 0 : index
        %swap3A_2243 = tpu.vector_load %arg39[%swap3A_2240, %swap3A_2241, %swap3A_2242] {strides = array<i32>} : memref<128x8x16xf32, #tpu.memory_space<vmem>>, vector<16xf32>,
        tpu.vector_store %arg39[%swap3A_2240, %swap3A_2241, %swap3A_2242], %gather3A_2238 {strides = array<i32>} : memref<128x8x16xf32, #tpu.memory_space<vmem>>, vector<16xf32>,
        %add3A_2244 = arith.addi %or3A_1655, %broadcast_in_dim3A_82 : vector<16xi32>
        %gather3A_2245 = tpu.vector_load_idx %arg24[%add3A_2244] : memref<32768xf32, #tpu.memory_space<vmem>>[vector<16xi32>], vector<16xf32>,
        %swap3A_2246 = arith.constant 4 : i32
        %swap3A_2247 = arith.index_cast %add3A_187 : i32 to index
        %swap3A_2248 = arith.index_cast %swap3A_2246 : i32 to index
        %swap3A_2249 = arith.constant 0 : index
        %swap3A_2250 = tpu.vector_load %arg39[%swap3A_2247, %swap3A_2248, %swap3A_2249] {strides = array<i32>} : memref<128x8x16xf32, #tpu.memory_space<vmem>>, vector<16xf32>,
        tpu.vector_store %arg39[%swap3A_2247, %swap3A_2248, %swap3A_2249], %gather3A_2245 {strides = array<i32>} : memref<128x8x16xf32, #tpu.memory_space<vmem>>, vector<16xf32>,
        %add3A_2251 = arith.addi %or3A_1665, %broadcast_in_dim3A_82 : vector<16xi32>
        %gather3A_2252 = tpu.vector_load_idx %arg24[%add3A_2251] : memref<32768xf32, #tpu.memory_space<vmem>>[vector<16xi32>], vector<16xf32>,
        %swap3A_2253 = arith.constant 4 : i32
        %swap3A_2254 = arith.index_cast %add3A_189 : i32 to index
        %swap3A_2255 = arith.index_cast %swap3A_2253 : i32 to index
        %swap3A_2256 = arith.constant 0 : index
        %swap3A_2257 = tpu.vector_load %arg39[%swap3A_2254, %swap3A_2255, %swap3A_2256] {strides = array<i32>} : memref<128x8x16xf32, #tpu.memory_space<vmem>>, vector<16xf32>,
        tpu.vector_store %arg39[%swap3A_2254, %swap3A_2255, %swap3A_2256], %gather3A_2252 {strides = array<i32>} : memref<128x8x16xf32, #tpu.memory_space<vmem>>, vector<16xf32>,
        %add3A_2258 = arith.addi %or3A_1675, %broadcast_in_dim3A_82 : vector<16xi32>
        %gather3A_2259 = tpu.vector_load_idx %arg24[%add3A_2258] : memref<32768xf32, #tpu.memory_space<vmem>>[vector<16xi32>], vector<16xf32>,
        %swap3A_2260 = arith.constant 4 : i32
        %swap3A_2261 = arith.index_cast %add3A_191 : i32 to index
        %swap3A_2262 = arith.index_cast %swap3A_2260 : i32 to index
        %swap3A_2263 = arith.constant 0 : index
        %swap3A_2264 = tpu.vector_load %arg39[%swap3A_2261, %swap3A_2262, %swap3A_2263] {strides = array<i32>} : memref<128x8x16xf32, #tpu.memory_space<vmem>>, vector<16xf32>,
        tpu.vector_store %arg39[%swap3A_2261, %swap3A_2262, %swap3A_2263], %gather3A_2259 {strides = array<i32>} : memref<128x8x16xf32, #tpu.memory_space<vmem>>, vector<16xf32>,
        %add3A_2265 = arith.addi %or3A_1685, %broadcast_in_dim3A_82 : vector<16xi32>
        %gather3A_2266 = tpu.vector_load_idx %arg24[%add3A_2265] : memref<32768xf32, #tpu.memory_space<vmem>>[vector<16xi32>], vector<16xf32>,
        %swap3A_2267 = arith.constant 4 : i32
        %swap3A_2268 = arith.index_cast %add3A_193 : i32 to index
        %swap3A_2269 = arith.index_cast %swap3A_2267 : i32 to index
        %swap3A_2270 = arith.constant 0 : index
        %swap3A_2271 = tpu.vector_load %arg39[%swap3A_2268, %swap3A_2269, %swap3A_2270] {strides = array<i32>} : memref<128x8x16xf32, #tpu.memory_space<vmem>>, vector<16xf32>,
        tpu.vector_store %arg39[%swap3A_2268, %swap3A_2269, %swap3A_2270], %gather3A_2266 {strides = array<i32>} : memref<128x8x16xf32, #tpu.memory_space<vmem>>, vector<16xf32>,
        %add3A_2272 = arith.addi %or3A_1695, %broadcast_in_dim3A_82 : vector<16xi32>
        %gather3A_2273 = tpu.vector_load_idx %arg24[%add3A_2272] : memref<32768xf32, #tpu.memory_space<vmem>>[vector<16xi32>], vector<16xf32>,
        %swap3A_2274 = arith.constant 4 : i32
        %swap3A_2275 = arith.index_cast %add3A_195 : i32 to index
        %swap3A_2276 = arith.index_cast %swap3A_2274 : i32 to index
        %swap3A_2277 = arith.constant 0 : index
        %swap3A_2278 = tpu.vector_load %arg39[%swap3A_2275, %swap3A_2276, %swap3A_2277] {strides = array<i32>} : memref<128x8x16xf32, #tpu.memory_space<vmem>>, vector<16xf32>,
        tpu.vector_store %arg39[%swap3A_2275, %swap3A_2276, %swap3A_2277], %gather3A_2273 {strides = array<i32>} : memref<128x8x16xf32, #tpu.memory_space<vmem>>, vector<16xf32>,
        %add3A_2279 = arith.addi %or3A_1705, %broadcast_in_dim3A_82 : vector<16xi32>
        %gather3A_2280 = tpu.vector_load_idx %arg24[%add3A_2279] : memref<32768xf32, #tpu.memory_space<vmem>>[vector<16xi32>], vector<16xf32>,
        %swap3A_2281 = arith.constant 4 : i32
        %swap3A_2282 = arith.index_cast %add3A_197 : i32 to index
        %swap3A_2283 = arith.index_cast %swap3A_2281 : i32 to index
        %swap3A_2284 = arith.constant 0 : index
        %swap3A_2285 = tpu.vector_load %arg39[%swap3A_2282, %swap3A_2283, %swap3A_2284] {strides = array<i32>} : memref<128x8x16xf32, #tpu.memory_space<vmem>>, vector<16xf32>,
        tpu.vector_store %arg39[%swap3A_2282, %swap3A_2283, %swap3A_2284], %gather3A_2280 {strides = array<i32>} : memref<128x8x16xf32, #tpu.memory_space<vmem>>, vector<16xf32>,
        %add3A_2286 = arith.addi %or3A_1715, %broadcast_in_dim3A_82 : vector<16xi32>
        %gather3A_2287 = tpu.vector_load_idx %arg24[%add3A_2286] : memref<32768xf32, #tpu.memory_space<vmem>>[vector<16xi32>], vector<16xf32>,
        %swap3A_2288 = arith.constant 4 : i32
        %swap3A_2289 = arith.index_cast %add3A_199 : i32 to index
        %swap3A_2290 = arith.index_cast %swap3A_2288 : i32 to index
        %swap3A_2291 = arith.constant 0 : index
        %swap3A_2292 = tpu.vector_load %arg39[%swap3A_2289, %swap3A_2290, %swap3A_2291] {strides = array<i32>} : memref<128x8x16xf32, #tpu.memory_space<vmem>>, vector<16xf32>,
        tpu.vector_store %arg39[%swap3A_2289, %swap3A_2290, %swap3A_2291], %gather3A_2287 {strides = array<i32>} : memref<128x8x16xf32, #tpu.memory_space<vmem>>, vector<16xf32>,
        %add3A_2293 = arith.addi %or3A_1725, %broadcast_in_dim3A_82 : vector<16xi32>
        %gather3A_2294 = tpu.vector_load_idx %arg24[%add3A_2293] : memref<32768xf32, #tpu.memory_space<vmem>>[vector<16xi32>], vector<16xf32>,
        %swap3A_2295 = arith.constant 4 : i32
        %swap3A_2296 = arith.index_cast %add3A_201 : i32 to index
        %swap3A_2297 = arith.index_cast %swap3A_2295 : i32 to index
        %swap3A_2298 = arith.constant 0 : index
        %swap3A_2299 = tpu.vector_load %arg39[%swap3A_2296, %swap3A_2297, %swap3A_2298] {strides = array<i32>} : memref<128x8x16xf32, #tpu.memory_space<vmem>>, vector<16xf32>,
        tpu.vector_store %arg39[%swap3A_2296, %swap3A_2297, %swap3A_2298], %gather3A_2294 {strides = array<i32>} : memref<128x8x16xf32, #tpu.memory_space<vmem>>, vector<16xf32>,
        %add3A_2300 = arith.addi %or3A_1735, %broadcast_in_dim3A_82 : vector<16xi32>
        %gather3A_2301 = tpu.vector_load_idx %arg24[%add3A_2300] : memref<32768xf32, #tpu.memory_space<vmem>>[vector<16xi32>], vector<16xf32>,
        %swap3A_2302 = arith.constant 4 : i32
        %swap3A_2303 = arith.index_cast %add3A_203 : i32 to index
        %swap3A_2304 = arith.index_cast %swap3A_2302 : i32 to index
        %swap3A_2305 = arith.constant 0 : index
        %swap3A_2306 = tpu.vector_load %arg39[%swap3A_2303, %swap3A_2304, %swap3A_2305] {strides = array<i32>} : memref<128x8x16xf32, #tpu.memory_space<vmem>>, vector<16xf32>,
        tpu.vector_store %arg39[%swap3A_2303, %swap3A_2304, %swap3A_2305], %gather3A_2301 {strides = array<i32>} : memref<128x8x16xf32, #tpu.memory_space<vmem>>, vector<16xf32>,
        %add3A_2307 = arith.addi %or3A_1745, %broadcast_in_dim3A_82 : vector<16xi32>
        %gather3A_2308 = tpu.vector_load_idx %arg24[%add3A_2307] : memref<32768xf32, #tpu.memory_space<vmem>>[vector<16xi32>], vector<16xf32>,
        %swap3A_2309 = arith.constant 4 : i32
        %swap3A_2310 = arith.index_cast %add3A_205 : i32 to index
        %swap3A_2311 = arith.index_cast %swap3A_2309 : i32 to index
        %swap3A_2312 = arith.constant 0 : index
        %swap3A_2313 = tpu.vector_load %arg39[%swap3A_2310, %swap3A_2311, %swap3A_2312] {strides = array<i32>} : memref<128x8x16xf32, #tpu.memory_space<vmem>>, vector<16xf32>,
        tpu.vector_store %arg39[%swap3A_2310, %swap3A_2311, %swap3A_2312], %gather3A_2308 {strides = array<i32>} : memref<128x8x16xf32, #tpu.memory_space<vmem>>, vector<16xf32>,
        %add3A_2314 = arith.addi %or3A_1755, %broadcast_in_dim3A_82 : vector<16xi32>
        %gather3A_2315 = tpu.vector_load_idx %arg24[%add3A_2314] : memref<32768xf32, #tpu.memory_space<vmem>>[vector<16xi32>], vector<16xf32>,
        %swap3A_2316 = arith.constant 4 : i32
        %swap3A_2317 = arith.index_cast %add3A_207 : i32 to index
        %swap3A_2318 = arith.index_cast %swap3A_2316 : i32 to index
        %swap3A_2319 = arith.constant 0 : index
        %swap3A_2320 = tpu.vector_load %arg39[%swap3A_2317, %swap3A_2318, %swap3A_2319] {strides = array<i32>} : memref<128x8x16xf32, #tpu.memory_space<vmem>>, vector<16xf32>,
        tpu.vector_store %arg39[%swap3A_2317, %swap3A_2318, %swap3A_2319], %gather3A_2315 {strides = array<i32>} : memref<128x8x16xf32, #tpu.memory_space<vmem>>, vector<16xf32>,
        %add3A_2321 = arith.addi %or3A_1765, %broadcast_in_dim3A_82 : vector<16xi32>
        %gather3A_2322 = tpu.vector_load_idx %arg24[%add3A_2321] : memref<32768xf32, #tpu.memory_space<vmem>>[vector<16xi32>], vector<16xf32>,
        %swap3A_2323 = arith.constant 4 : i32
        %swap3A_2324 = arith.index_cast %add3A_209 : i32 to index
        %swap3A_2325 = arith.index_cast %swap3A_2323 : i32 to index
        %swap3A_2326 = arith.constant 0 : index
        %swap3A_2327 = tpu.vector_load %arg39[%swap3A_2324, %swap3A_2325, %swap3A_2326] {strides = array<i32>} : memref<128x8x16xf32, #tpu.memory_space<vmem>>, vector<16xf32>,
        tpu.vector_store %arg39[%swap3A_2324, %swap3A_2325, %swap3A_2326], %gather3A_2322 {strides = array<i32>} : memref<128x8x16xf32, #tpu.memory_space<vmem>>, vector<16xf32>,
        %add3A_2328 = arith.addi %or3A_1775, %broadcast_in_dim3A_82 : vector<16xi32>
        %gather3A_2329 = tpu.vector_load_idx %arg24[%add3A_2328] : memref<32768xf32, #tpu.memory_space<vmem>>[vector<16xi32>], vector<16xf32>,
        %swap3A_2330 = arith.constant 4 : i32
        %swap3A_2331 = arith.index_cast %add3A_211 : i32 to index
        %swap3A_2332 = arith.index_cast %swap3A_2330 : i32 to index
        %swap3A_2333 = arith.constant 0 : index
        %swap3A_2334 = tpu.vector_load %arg39[%swap3A_2331, %swap3A_2332, %swap3A_2333] {strides = array<i32>} : memref<128x8x16xf32, #tpu.memory_space<vmem>>, vector<16xf32>,
        tpu.vector_store %arg39[%swap3A_2331, %swap3A_2332, %swap3A_2333], %gather3A_2329 {strides = array<i32>} : memref<128x8x16xf32, #tpu.memory_space<vmem>>, vector<16xf32>,
        %add3A_2335 = arith.addi %or3A, %broadcast_in_dim3A_84 : vector<16xi32>
        %gather3A_2336 = tpu.vector_load_idx %arg24[%add3A_2335] : memref<32768xf32, #tpu.memory_space<vmem>>[vector<16xi32>], vector<16xf32>,
        %swap3A_2337 = arith.constant 5 : i32
        %swap3A_2338 = arith.index_cast %add3A_181 : i32 to index
        %swap3A_2339 = arith.index_cast %swap3A_2337 : i32 to index
        %swap3A_2340 = arith.constant 0 : index
        %swap3A_2341 = tpu.vector_load %arg39[%swap3A_2338, %swap3A_2339, %swap3A_2340] {strides = array<i32>} : memref<128x8x16xf32, #tpu.memory_space<vmem>>, vector<16xf32>,
        tpu.vector_store %arg39[%swap3A_2338, %swap3A_2339, %swap3A_2340], %gather3A_2336 {strides = array<i32>} : memref<128x8x16xf32, #tpu.memory_space<vmem>>, vector<16xf32>,
        %add3A_2342 = arith.addi %or3A_1635, %broadcast_in_dim3A_84 : vector<16xi32>
        %gather3A_2343 = tpu.vector_load_idx %arg24[%add3A_2342] : memref<32768xf32, #tpu.memory_space<vmem>>[vector<16xi32>], vector<16xf32>,
        %swap3A_2344 = arith.constant 5 : i32
        %swap3A_2345 = arith.index_cast %add3A_183 : i32 to index
        %swap3A_2346 = arith.index_cast %swap3A_2344 : i32 to index
        %swap3A_2347 = arith.constant 0 : index
        %swap3A_2348 = tpu.vector_load %arg39[%swap3A_2345, %swap3A_2346, %swap3A_2347] {strides = array<i32>} : memref<128x8x16xf32, #tpu.memory_space<vmem>>, vector<16xf32>,
        tpu.vector_store %arg39[%swap3A_2345, %swap3A_2346, %swap3A_2347], %gather3A_2343 {strides = array<i32>} : memref<128x8x16xf32, #tpu.memory_space<vmem>>, vector<16xf32>,
        %add3A_2349 = arith.addi %or3A_1645, %broadcast_in_dim3A_84 : vector<16xi32>
        %gather3A_2350 = tpu.vector_load_idx %arg24[%add3A_2349] : memref<32768xf32, #tpu.memory_space<vmem>>[vector<16xi32>], vector<16xf32>,
        %swap3A_2351 = arith.constant 5 : i32
        %swap3A_2352 = arith.index_cast %add3A_185 : i32 to index
        %swap3A_2353 = arith.index_cast %swap3A_2351 : i32 to index
        %swap3A_2354 = arith.constant 0 : index
        %swap3A_2355 = tpu.vector_load %arg39[%swap3A_2352, %swap3A_2353, %swap3A_2354] {strides = array<i32>} : memref<128x8x16xf32, #tpu.memory_space<vmem>>, vector<16xf32>,
        tpu.vector_store %arg39[%swap3A_2352, %swap3A_2353, %swap3A_2354], %gather3A_2350 {strides = array<i32>} : memref<128x8x16xf32, #tpu.memory_space<vmem>>, vector<16xf32>,
        %add3A_2356 = arith.addi %or3A_1655, %broadcast_in_dim3A_84 : vector<16xi32>
        %gather3A_2357 = tpu.vector_load_idx %arg24[%add3A_2356] : memref<32768xf32, #tpu.memory_space<vmem>>[vector<16xi32>], vector<16xf32>,
        %swap3A_2358 = arith.constant 5 : i32
        %swap3A_2359 = arith.index_cast %add3A_187 : i32 to index
        %swap3A_2360 = arith.index_cast %swap3A_2358 : i32 to index
        %swap3A_2361 = arith.constant 0 : index
        %swap3A_2362 = tpu.vector_load %arg39[%swap3A_2359, %swap3A_2360, %swap3A_2361] {strides = array<i32>} : memref<128x8x16xf32, #tpu.memory_space<vmem>>, vector<16xf32>,
        tpu.vector_store %arg39[%swap3A_2359, %swap3A_2360, %swap3A_2361], %gather3A_2357 {strides = array<i32>} : memref<128x8x16xf32, #tpu.memory_space<vmem>>, vector<16xf32>,
        %add3A_2363 = arith.addi %or3A_1665, %broadcast_in_dim3A_84 : vector<16xi32>
        %gather3A_2364 = tpu.vector_load_idx %arg24[%add3A_2363] : memref<32768xf32, #tpu.memory_space<vmem>>[vector<16xi32>], vector<16xf32>,
        %swap3A_2365 = arith.constant 5 : i32
        %swap3A_2366 = arith.index_cast %add3A_189 : i32 to index
        %swap3A_2367 = arith.index_cast %swap3A_2365 : i32 to index
        %swap3A_2368 = arith.constant 0 : index
        %swap3A_2369 = tpu.vector_load %arg39[%swap3A_2366, %swap3A_2367, %swap3A_2368] {strides = array<i32>} : memref<128x8x16xf32, #tpu.memory_space<vmem>>, vector<16xf32>,
        tpu.vector_store %arg39[%swap3A_2366, %swap3A_2367, %swap3A_2368], %gather3A_2364 {strides = array<i32>} : memref<128x8x16xf32, #tpu.memory_space<vmem>>, vector<16xf32>,
        %add3A_2370 = arith.addi %or3A_1675, %broadcast_in_dim3A_84 : vector<16xi32>
        %gather3A_2371 = tpu.vector_load_idx %arg24[%add3A_2370] : memref<32768xf32, #tpu.memory_space<vmem>>[vector<16xi32>], vector<16xf32>,
        %swap3A_2372 = arith.constant 5 : i32
        %swap3A_2373 = arith.index_cast %add3A_191 : i32 to index
        %swap3A_2374 = arith.index_cast %swap3A_2372 : i32 to index
        %swap3A_2375 = arith.constant 0 : index
        %swap3A_2376 = tpu.vector_load %arg39[%swap3A_2373, %swap3A_2374, %swap3A_2375] {strides = array<i32>} : memref<128x8x16xf32, #tpu.memory_space<vmem>>, vector<16xf32>,
        tpu.vector_store %arg39[%swap3A_2373, %swap3A_2374, %swap3A_2375], %gather3A_2371 {strides = array<i32>} : memref<128x8x16xf32, #tpu.memory_space<vmem>>, vector<16xf32>,
        %add3A_2377 = arith.addi %or3A_1685, %broadcast_in_dim3A_84 : vector<16xi32>
        %gather3A_2378 = tpu.vector_load_idx %arg24[%add3A_2377] : memref<32768xf32, #tpu.memory_space<vmem>>[vector<16xi32>], vector<16xf32>,
        %swap3A_2379 = arith.constant 5 : i32
        %swap3A_2380 = arith.index_cast %add3A_193 : i32 to index
        %swap3A_2381 = arith.index_cast %swap3A_2379 : i32 to index
        %swap3A_2382 = arith.constant 0 : index
        %swap3A_2383 = tpu.vector_load %arg39[%swap3A_2380, %swap3A_2381, %swap3A_2382] {strides = array<i32>} : memref<128x8x16xf32, #tpu.memory_space<vmem>>, vector<16xf32>,
        tpu.vector_store %arg39[%swap3A_2380, %swap3A_2381, %swap3A_2382], %gather3A_2378 {strides = array<i32>} : memref<128x8x16xf32, #tpu.memory_space<vmem>>, vector<16xf32>,
        %add3A_2384 = arith.addi %or3A_1695, %broadcast_in_dim3A_84 : vector<16xi32>
        %gather3A_2385 = tpu.vector_load_idx %arg24[%add3A_2384] : memref<32768xf32, #tpu.memory_space<vmem>>[vector<16xi32>], vector<16xf32>,
        %swap3A_2386 = arith.constant 5 : i32
        %swap3A_2387 = arith.index_cast %add3A_195 : i32 to index
        %swap3A_2388 = arith.index_cast %swap3A_2386 : i32 to index
        %swap3A_2389 = arith.constant 0 : index
        %swap3A_2390 = tpu.vector_load %arg39[%swap3A_2387, %swap3A_2388, %swap3A_2389] {strides = array<i32>} : memref<128x8x16xf32, #tpu.memory_space<vmem>>, vector<16xf32>,
        tpu.vector_store %arg39[%swap3A_2387, %swap3A_2388, %swap3A_2389], %gather3A_2385 {strides = array<i32>} : memref<128x8x16xf32, #tpu.memory_space<vmem>>, vector<16xf32>,
        %add3A_2391 = arith.addi %or3A_1705, %broadcast_in_dim3A_84 : vector<16xi32>
        %gather3A_2392 = tpu.vector_load_idx %arg24[%add3A_2391] : memref<32768xf32, #tpu.memory_space<vmem>>[vector<16xi32>], vector<16xf32>,
        %swap3A_2393 = arith.constant 5 : i32
        %swap3A_2394 = arith.index_cast %add3A_197 : i32 to index
        %swap3A_2395 = arith.index_cast %swap3A_2393 : i32 to index
        %swap3A_2396 = arith.constant 0 : index
        %swap3A_2397 = tpu.vector_load %arg39[%swap3A_2394, %swap3A_2395, %swap3A_2396] {strides = array<i32>} : memref<128x8x16xf32, #tpu.memory_space<vmem>>, vector<16xf32>,
        tpu.vector_store %arg39[%swap3A_2394, %swap3A_2395, %swap3A_2396], %gather3A_2392 {strides = array<i32>} : memref<128x8x16xf32, #tpu.memory_space<vmem>>, vector<16xf32>,
        %add3A_2398 = arith.addi %or3A_1715, %broadcast_in_dim3A_84 : vector<16xi32>
        %gather3A_2399 = tpu.vector_load_idx %arg24[%add3A_2398] : memref<32768xf32, #tpu.memory_space<vmem>>[vector<16xi32>], vector<16xf32>,
        %swap3A_2400 = arith.constant 5 : i32
        %swap3A_2401 = arith.index_cast %add3A_199 : i32 to index
        %swap3A_2402 = arith.index_cast %swap3A_2400 : i32 to index
        %swap3A_2403 = arith.constant 0 : index
        %swap3A_2404 = tpu.vector_load %arg39[%swap3A_2401, %swap3A_2402, %swap3A_2403] {strides = array<i32>} : memref<128x8x16xf32, #tpu.memory_space<vmem>>, vector<16xf32>,
        tpu.vector_store %arg39[%swap3A_2401, %swap3A_2402, %swap3A_2403], %gather3A_2399 {strides = array<i32>} : memref<128x8x16xf32, #tpu.memory_space<vmem>>, vector<16xf32>,
        %add3A_2405 = arith.addi %or3A_1725, %broadcast_in_dim3A_84 : vector<16xi32>
        %gather3A_2406 = tpu.vector_load_idx %arg24[%add3A_2405] : memref<32768xf32, #tpu.memory_space<vmem>>[vector<16xi32>], vector<16xf32>,
        %swap3A_2407 = arith.constant 5 : i32
        %swap3A_2408 = arith.index_cast %add3A_201 : i32 to index
        %swap3A_2409 = arith.index_cast %swap3A_2407 : i32 to index
        %swap3A_2410 = arith.constant 0 : index
        %swap3A_2411 = tpu.vector_load %arg39[%swap3A_2408, %swap3A_2409, %swap3A_2410] {strides = array<i32>} : memref<128x8x16xf32, #tpu.memory_space<vmem>>, vector<16xf32>,
        tpu.vector_store %arg39[%swap3A_2408, %swap3A_2409, %swap3A_2410], %gather3A_2406 {strides = array<i32>} : memref<128x8x16xf32, #tpu.memory_space<vmem>>, vector<16xf32>,
        %add3A_2412 = arith.addi %or3A_1735, %broadcast_in_dim3A_84 : vector<16xi32>
        %gather3A_2413 = tpu.vector_load_idx %arg24[%add3A_2412] : memref<32768xf32, #tpu.memory_space<vmem>>[vector<16xi32>], vector<16xf32>,
        %swap3A_2414 = arith.constant 5 : i32
        %swap3A_2415 = arith.index_cast %add3A_203 : i32 to index
        %swap3A_2416 = arith.index_cast %swap3A_2414 : i32 to index
        %swap3A_2417 = arith.constant 0 : index
        %swap3A_2418 = tpu.vector_load %arg39[%swap3A_2415, %swap3A_2416, %swap3A_2417] {strides = array<i32>} : memref<128x8x16xf32, #tpu.memory_space<vmem>>, vector<16xf32>,
        tpu.vector_store %arg39[%swap3A_2415, %swap3A_2416, %swap3A_2417], %gather3A_2413 {strides = array<i32>} : memref<128x8x16xf32, #tpu.memory_space<vmem>>, vector<16xf32>,
        %add3A_2419 = arith.addi %or3A_1745, %broadcast_in_dim3A_84 : vector<16xi32>
        %gather3A_2420 = tpu.vector_load_idx %arg24[%add3A_2419] : memref<32768xf32, #tpu.memory_space<vmem>>[vector<16xi32>], vector<16xf32>,
        %swap3A_2421 = arith.constant 5 : i32
        %swap3A_2422 = arith.index_cast %add3A_205 : i32 to index
        %swap3A_2423 = arith.index_cast %swap3A_2421 : i32 to index
        %swap3A_2424 = arith.constant 0 : index
        %swap3A_2425 = tpu.vector_load %arg39[%swap3A_2422, %swap3A_2423, %swap3A_2424] {strides = array<i32>} : memref<128x8x16xf32, #tpu.memory_space<vmem>>, vector<16xf32>,
        tpu.vector_store %arg39[%swap3A_2422, %swap3A_2423, %swap3A_2424], %gather3A_2420 {strides = array<i32>} : memref<128x8x16xf32, #tpu.memory_space<vmem>>, vector<16xf32>,
        %add3A_2426 = arith.addi %or3A_1755, %broadcast_in_dim3A_84 : vector<16xi32>
        %gather3A_2427 = tpu.vector_load_idx %arg24[%add3A_2426] : memref<32768xf32, #tpu.memory_space<vmem>>[vector<16xi32>], vector<16xf32>,
        %swap3A_2428 = arith.constant 5 : i32
        %swap3A_2429 = arith.index_cast %add3A_207 : i32 to index
        %swap3A_2430 = arith.index_cast %swap3A_2428 : i32 to index
        %swap3A_2431 = arith.constant 0 : index
        %swap3A_2432 = tpu.vector_load %arg39[%swap3A_2429, %swap3A_2430, %swap3A_2431] {strides = array<i32>} : memref<128x8x16xf32, #tpu.memory_space<vmem>>, vector<16xf32>,
        tpu.vector_store %arg39[%swap3A_2429, %swap3A_2430, %swap3A_2431], %gather3A_2427 {strides = array<i32>} : memref<128x8x16xf32, #tpu.memory_space<vmem>>, vector<16xf32>,
        %add3A_2433 = arith.addi %or3A_1765, %broadcast_in_dim3A_84 : vector<16xi32>
        %gather3A_2434 = tpu.vector_load_idx %arg24[%add3A_2433] : memref<32768xf32, #tpu.memory_space<vmem>>[vector<16xi32>], vector<16xf32>,
        %swap3A_2435 = arith.constant 5 : i32
        %swap3A_2436 = arith.index_cast %add3A_209 : i32 to index
        %swap3A_2437 = arith.index_cast %swap3A_2435 : i32 to index
        %swap3A_2438 = arith.constant 0 : index
        %swap3A_2439 = tpu.vector_load %arg39[%swap3A_2436, %swap3A_2437, %swap3A_2438] {strides = array<i32>} : memref<128x8x16xf32, #tpu.memory_space<vmem>>, vector<16xf32>,
        tpu.vector_store %arg39[%swap3A_2436, %swap3A_2437, %swap3A_2438], %gather3A_2434 {strides = array<i32>} : memref<128x8x16xf32, #tpu.memory_space<vmem>>, vector<16xf32>,
        %add3A_2440 = arith.addi %or3A_1775, %broadcast_in_dim3A_84 : vector<16xi32>
        %gather3A_2441 = tpu.vector_load_idx %arg24[%add3A_2440] : memref<32768xf32, #tpu.memory_space<vmem>>[vector<16xi32>], vector<16xf32>,
        %swap3A_2442 = arith.constant 5 : i32
        %swap3A_2443 = arith.index_cast %add3A_211 : i32 to index
        %swap3A_2444 = arith.index_cast %swap3A_2442 : i32 to index
        %swap3A_2445 = arith.constant 0 : index
        %swap3A_2446 = tpu.vector_load %arg39[%swap3A_2443, %swap3A_2444, %swap3A_2445] {strides = array<i32>} : memref<128x8x16xf32, #tpu.memory_space<vmem>>, vector<16xf32>,
        tpu.vector_store %arg39[%swap3A_2443, %swap3A_2444, %swap3A_2445], %gather3A_2441 {strides = array<i32>} : memref<128x8x16xf32, #tpu.memory_space<vmem>>, vector<16xf32>,
        %add3A_2447 = arith.addi %or3A, %broadcast_in_dim3A_86 : vector<16xi32>
        %gather3A_2448 = tpu.vector_load_idx %arg24[%add3A_2447] : memref<32768xf32, #tpu.memory_space<vmem>>[vector<16xi32>], vector<16xf32>,
        %swap3A_2449 = arith.constant 6 : i32
        %swap3A_2450 = arith.index_cast %add3A_181 : i32 to index
        %swap3A_2451 = arith.index_cast %swap3A_2449 : i32 to index
        %swap3A_2452 = arith.constant 0 : index
        %swap3A_2453 = tpu.vector_load %arg39[%swap3A_2450, %swap3A_2451, %swap3A_2452] {strides = array<i32>} : memref<128x8x16xf32, #tpu.memory_space<vmem>>, vector<16xf32>,
        tpu.vector_store %arg39[%swap3A_2450, %swap3A_2451, %swap3A_2452], %gather3A_2448 {strides = array<i32>} : memref<128x8x16xf32, #tpu.memory_space<vmem>>, vector<16xf32>,
        %add3A_2454 = arith.addi %or3A_1635, %broadcast_in_dim3A_86 : vector<16xi32>
        %gather3A_2455 = tpu.vector_load_idx %arg24[%add3A_2454] : memref<32768xf32, #tpu.memory_space<vmem>>[vector<16xi32>], vector<16xf32>,
        %swap3A_2456 = arith.constant 6 : i32
        %swap3A_2457 = arith.index_cast %add3A_183 : i32 to index
        %swap3A_2458 = arith.index_cast %swap3A_2456 : i32 to index
        %swap3A_2459 = arith.constant 0 : index
        %swap3A_2460 = tpu.vector_load %arg39[%swap3A_2457, %swap3A_2458, %swap3A_2459] {strides = array<i32>} : memref<128x8x16xf32, #tpu.memory_space<vmem>>, vector<16xf32>,
        tpu.vector_store %arg39[%swap3A_2457, %swap3A_2458, %swap3A_2459], %gather3A_2455 {strides = array<i32>} : memref<128x8x16xf32, #tpu.memory_space<vmem>>, vector<16xf32>,
        %add3A_2461 = arith.addi %or3A_1645, %broadcast_in_dim3A_86 : vector<16xi32>
        %gather3A_2462 = tpu.vector_load_idx %arg24[%add3A_2461] : memref<32768xf32, #tpu.memory_space<vmem>>[vector<16xi32>], vector<16xf32>,
        %swap3A_2463 = arith.constant 6 : i32
        %swap3A_2464 = arith.index_cast %add3A_185 : i32 to index
        %swap3A_2465 = arith.index_cast %swap3A_2463 : i32 to index
        %swap3A_2466 = arith.constant 0 : index
        %swap3A_2467 = tpu.vector_load %arg39[%swap3A_2464, %swap3A_2465, %swap3A_2466] {strides = array<i32>} : memref<128x8x16xf32, #tpu.memory_space<vmem>>, vector<16xf32>,
        tpu.vector_store %arg39[%swap3A_2464, %swap3A_2465, %swap3A_2466], %gather3A_2462 {strides = array<i32>} : memref<128x8x16xf32, #tpu.memory_space<vmem>>, vector<16xf32>,
        %add3A_2468 = arith.addi %or3A_1655, %broadcast_in_dim3A_86 : vector<16xi32>
        %gather3A_2469 = tpu.vector_load_idx %arg24[%add3A_2468] : memref<32768xf32, #tpu.memory_space<vmem>>[vector<16xi32>], vector<16xf32>,
        %swap3A_2470 = arith.constant 6 : i32
        %swap3A_2471 = arith.index_cast %add3A_187 : i32 to index
        %swap3A_2472 = arith.index_cast %swap3A_2470 : i32 to index
        %swap3A_2473 = arith.constant 0 : index
        %swap3A_2474 = tpu.vector_load %arg39[%swap3A_2471, %swap3A_2472, %swap3A_2473] {strides = array<i32>} : memref<128x8x16xf32, #tpu.memory_space<vmem>>, vector<16xf32>,
        tpu.vector_store %arg39[%swap3A_2471, %swap3A_2472, %swap3A_2473], %gather3A_2469 {strides = array<i32>} : memref<128x8x16xf32, #tpu.memory_space<vmem>>, vector<16xf32>,
        %add3A_2475 = arith.addi %or3A_1665, %broadcast_in_dim3A_86 : vector<16xi32>
        %gather3A_2476 = tpu.vector_load_idx %arg24[%add3A_2475] : memref<32768xf32, #tpu.memory_space<vmem>>[vector<16xi32>], vector<16xf32>,
        %swap3A_2477 = arith.constant 6 : i32
        %swap3A_2478 = arith.index_cast %add3A_189 : i32 to index
        %swap3A_2479 = arith.index_cast %swap3A_2477 : i32 to index
        %swap3A_2480 = arith.constant 0 : index
        %swap3A_2481 = tpu.vector_load %arg39[%swap3A_2478, %swap3A_2479, %swap3A_2480] {strides = array<i32>} : memref<128x8x16xf32, #tpu.memory_space<vmem>>, vector<16xf32>,
        tpu.vector_store %arg39[%swap3A_2478, %swap3A_2479, %swap3A_2480], %gather3A_2476 {strides = array<i32>} : memref<128x8x16xf32, #tpu.memory_space<vmem>>, vector<16xf32>,
        %add3A_2482 = arith.addi %or3A_1675, %broadcast_in_dim3A_86 : vector<16xi32>
        %gather3A_2483 = tpu.vector_load_idx %arg24[%add3A_2482] : memref<32768xf32, #tpu.memory_space<vmem>>[vector<16xi32>], vector<16xf32>,
        %swap3A_2484 = arith.constant 6 : i32
        %swap3A_2485 = arith.index_cast %add3A_191 : i32 to index
        %swap3A_2486 = arith.index_cast %swap3A_2484 : i32 to index
        %swap3A_2487 = arith.constant 0 : index
        %swap3A_2488 = tpu.vector_load %arg39[%swap3A_2485, %swap3A_2486, %swap3A_2487] {strides = array<i32>} : memref<128x8x16xf32, #tpu.memory_space<vmem>>, vector<16xf32>,
        tpu.vector_store %arg39[%swap3A_2485, %swap3A_2486, %swap3A_2487], %gather3A_2483 {strides = array<i32>} : memref<128x8x16xf32, #tpu.memory_space<vmem>>, vector<16xf32>,
        %add3A_2489 = arith.addi %or3A_1685, %broadcast_in_dim3A_86 : vector<16xi32>
        %gather3A_2490 = tpu.vector_load_idx %arg24[%add3A_2489] : memref<32768xf32, #tpu.memory_space<vmem>>[vector<16xi32>], vector<16xf32>,
        %swap3A_2491 = arith.constant 6 : i32
        %swap3A_2492 = arith.index_cast %add3A_193 : i32 to index
        %swap3A_2493 = arith.index_cast %swap3A_2491 : i32 to index
        %swap3A_2494 = arith.constant 0 : index
        %swap3A_2495 = tpu.vector_load %arg39[%swap3A_2492, %swap3A_2493, %swap3A_2494] {strides = array<i32>} : memref<128x8x16xf32, #tpu.memory_space<vmem>>, vector<16xf32>,
        tpu.vector_store %arg39[%swap3A_2492, %swap3A_2493, %swap3A_2494], %gather3A_2490 {strides = array<i32>} : memref<128x8x16xf32, #tpu.memory_space<vmem>>, vector<16xf32>,
        %add3A_2496 = arith.addi %or3A_1695, %broadcast_in_dim3A_86 : vector<16xi32>
        %gather3A_2497 = tpu.vector_load_idx %arg24[%add3A_2496] : memref<32768xf32, #tpu.memory_space<vmem>>[vector<16xi32>], vector<16xf32>,
        %swap3A_2498 = arith.constant 6 : i32
        %swap3A_2499 = arith.index_cast %add3A_195 : i32 to index
        %swap3A_2500 = arith.index_cast %swap3A_2498 : i32 to index
        %swap3A_2501 = arith.constant 0 : index
        %swap3A_2502 = tpu.vector_load %arg39[%swap3A_2499, %swap3A_2500, %swap3A_2501] {strides = array<i32>} : memref<128x8x16xf32, #tpu.memory_space<vmem>>, vector<16xf32>,
        tpu.vector_store %arg39[%swap3A_2499, %swap3A_2500, %swap3A_2501], %gather3A_2497 {strides = array<i32>} : memref<128x8x16xf32, #tpu.memory_space<vmem>>, vector<16xf32>,
        %add3A_2503 = arith.addi %or3A_1705, %broadcast_in_dim3A_86 : vector<16xi32>
        %gather3A_2504 = tpu.vector_load_idx %arg24[%add3A_2503] : memref<32768xf32, #tpu.memory_space<vmem>>[vector<16xi32>], vector<16xf32>,
        %swap3A_2505 = arith.constant 6 : i32
        %swap3A_2506 = arith.index_cast %add3A_197 : i32 to index
        %swap3A_2507 = arith.index_cast %swap3A_2505 : i32 to index
        %swap3A_2508 = arith.constant 0 : index
        %swap3A_2509 = tpu.vector_load %arg39[%swap3A_2506, %swap3A_2507, %swap3A_2508] {strides = array<i32>} : memref<128x8x16xf32, #tpu.memory_space<vmem>>, vector<16xf32>,
        tpu.vector_store %arg39[%swap3A_2506, %swap3A_2507, %swap3A_2508], %gather3A_2504 {strides = array<i32>} : memref<128x8x16xf32, #tpu.memory_space<vmem>>, vector<16xf32>,
        %add3A_2510 = arith.addi %or3A_1715, %broadcast_in_dim3A_86 : vector<16xi32>
        %gather3A_2511 = tpu.vector_load_idx %arg24[%add3A_2510] : memref<32768xf32, #tpu.memory_space<vmem>>[vector<16xi32>], vector<16xf32>,
        %swap3A_2512 = arith.constant 6 : i32
        %swap3A_2513 = arith.index_cast %add3A_199 : i32 to index
        %swap3A_2514 = arith.index_cast %swap3A_2512 : i32 to index
        %swap3A_2515 = arith.constant 0 : index
        %swap3A_2516 = tpu.vector_load %arg39[%swap3A_2513, %swap3A_2514, %swap3A_2515] {strides = array<i32>} : memref<128x8x16xf32, #tpu.memory_space<vmem>>, vector<16xf32>,
        tpu.vector_store %arg39[%swap3A_2513, %swap3A_2514, %swap3A_2515], %gather3A_2511 {strides = array<i32>} : memref<128x8x16xf32, #tpu.memory_space<vmem>>, vector<16xf32>,
        %add3A_2517 = arith.addi %or3A_1725, %broadcast_in_dim3A_86 : vector<16xi32>
        %gather3A_2518 = tpu.vector_load_idx %arg24[%add3A_2517] : memref<32768xf32, #tpu.memory_space<vmem>>[vector<16xi32>], vector<16xf32>,
        %swap3A_2519 = arith.constant 6 : i32
        %swap3A_2520 = arith.index_cast %add3A_201 : i32 to index
        %swap3A_2521 = arith.index_cast %swap3A_2519 : i32 to index
        %swap3A_2522 = arith.constant 0 : index
        %swap3A_2523 = tpu.vector_load %arg39[%swap3A_2520, %swap3A_2521, %swap3A_2522] {strides = array<i32>} : memref<128x8x16xf32, #tpu.memory_space<vmem>>, vector<16xf32>,
        tpu.vector_store %arg39[%swap3A_2520, %swap3A_2521, %swap3A_2522], %gather3A_2518 {strides = array<i32>} : memref<128x8x16xf32, #tpu.memory_space<vmem>>, vector<16xf32>,
        %add3A_2524 = arith.addi %or3A_1735, %broadcast_in_dim3A_86 : vector<16xi32>
        %gather3A_2525 = tpu.vector_load_idx %arg24[%add3A_2524] : memref<32768xf32, #tpu.memory_space<vmem>>[vector<16xi32>], vector<16xf32>,
        %swap3A_2526 = arith.constant 6 : i32
        %swap3A_2527 = arith.index_cast %add3A_203 : i32 to index
        %swap3A_2528 = arith.index_cast %swap3A_2526 : i32 to index
        %swap3A_2529 = arith.constant 0 : index
        %swap3A_2530 = tpu.vector_load %arg39[%swap3A_2527, %swap3A_2528, %swap3A_2529] {strides = array<i32>} : memref<128x8x16xf32, #tpu.memory_space<vmem>>, vector<16xf32>,
        tpu.vector_store %arg39[%swap3A_2527, %swap3A_2528, %swap3A_2529], %gather3A_2525 {strides = array<i32>} : memref<128x8x16xf32, #tpu.memory_space<vmem>>, vector<16xf32>,
        %add3A_2531 = arith.addi %or3A_1745, %broadcast_in_dim3A_86 : vector<16xi32>
        %gather3A_2532 = tpu.vector_load_idx %arg24[%add3A_2531] : memref<32768xf32, #tpu.memory_space<vmem>>[vector<16xi32>], vector<16xf32>,
        %swap3A_2533 = arith.constant 6 : i32
        %swap3A_2534 = arith.index_cast %add3A_205 : i32 to index
        %swap3A_2535 = arith.index_cast %swap3A_2533 : i32 to index
        %swap3A_2536 = arith.constant 0 : index
        %swap3A_2537 = tpu.vector_load %arg39[%swap3A_2534, %swap3A_2535, %swap3A_2536] {strides = array<i32>} : memref<128x8x16xf32, #tpu.memory_space<vmem>>, vector<16xf32>,
        tpu.vector_store %arg39[%swap3A_2534, %swap3A_2535, %swap3A_2536], %gather3A_2532 {strides = array<i32>} : memref<128x8x16xf32, #tpu.memory_space<vmem>>, vector<16xf32>,
        %add3A_2538 = arith.addi %or3A_1755, %broadcast_in_dim3A_86 : vector<16xi32>
        %gather3A_2539 = tpu.vector_load_idx %arg24[%add3A_2538] : memref<32768xf32, #tpu.memory_space<vmem>>[vector<16xi32>], vector<16xf32>,
        %swap3A_2540 = arith.constant 6 : i32
        %swap3A_2541 = arith.index_cast %add3A_207 : i32 to index
        %swap3A_2542 = arith.index_cast %swap3A_2540 : i32 to index
        %swap3A_2543 = arith.constant 0 : index
        %swap3A_2544 = tpu.vector_load %arg39[%swap3A_2541, %swap3A_2542, %swap3A_2543] {strides = array<i32>} : memref<128x8x16xf32, #tpu.memory_space<vmem>>, vector<16xf32>,
        tpu.vector_store %arg39[%swap3A_2541, %swap3A_2542, %swap3A_2543], %gather3A_2539 {strides = array<i32>} : memref<128x8x16xf32, #tpu.memory_space<vmem>>, vector<16xf32>,
        %add3A_2545 = arith.addi %or3A_1765, %broadcast_in_dim3A_86 : vector<16xi32>
        %gather3A_2546 = tpu.vector_load_idx %arg24[%add3A_2545] : memref<32768xf32, #tpu.memory_space<vmem>>[vector<16xi32>], vector<16xf32>,
        %swap3A_2547 = arith.constant 6 : i32
        %swap3A_2548 = arith.index_cast %add3A_209 : i32 to index
        %swap3A_2549 = arith.index_cast %swap3A_2547 : i32 to index
        %swap3A_2550 = arith.constant 0 : index
        %swap3A_2551 = tpu.vector_load %arg39[%swap3A_2548, %swap3A_2549, %swap3A_2550] {strides = array<i32>} : memref<128x8x16xf32, #tpu.memory_space<vmem>>, vector<16xf32>,
        tpu.vector_store %arg39[%swap3A_2548, %swap3A_2549, %swap3A_2550], %gather3A_2546 {strides = array<i32>} : memref<128x8x16xf32, #tpu.memory_space<vmem>>, vector<16xf32>,
        %add3A_2552 = arith.addi %or3A_1775, %broadcast_in_dim3A_86 : vector<16xi32>
        %gather3A_2553 = tpu.vector_load_idx %arg24[%add3A_2552] : memref<32768xf32, #tpu.memory_space<vmem>>[vector<16xi32>], vector<16xf32>,
        %swap3A_2554 = arith.constant 6 : i32
        %swap3A_2555 = arith.index_cast %add3A_211 : i32 to index
        %swap3A_2556 = arith.index_cast %swap3A_2554 : i32 to index
        %swap3A_2557 = arith.constant 0 : index
        %swap3A_2558 = tpu.vector_load %arg39[%swap3A_2555, %swap3A_2556, %swap3A_2557] {strides = array<i32>} : memref<128x8x16xf32, #tpu.memory_space<vmem>>, vector<16xf32>,
        tpu.vector_store %arg39[%swap3A_2555, %swap3A_2556, %swap3A_2557], %gather3A_2553 {strides = array<i32>} : memref<128x8x16xf32, #tpu.memory_space<vmem>>, vector<16xf32>,
        %add3A_2559 = arith.addi %or3A, %broadcast_in_dim3A_88 : vector<16xi32>
        %gather3A_2560 = tpu.vector_load_idx %arg24[%add3A_2559] : memref<32768xf32, #tpu.memory_space<vmem>>[vector<16xi32>], vector<16xf32>,
        %swap3A_2561 = arith.constant 7 : i32
        %swap3A_2562 = arith.index_cast %add3A_181 : i32 to index
        %swap3A_2563 = arith.index_cast %swap3A_2561 : i32 to index
        %swap3A_2564 = arith.constant 0 : index
        %swap3A_2565 = tpu.vector_load %arg39[%swap3A_2562, %swap3A_2563, %swap3A_2564] {strides = array<i32>} : memref<128x8x16xf32, #tpu.memory_space<vmem>>, vector<16xf32>,
        tpu.vector_store %arg39[%swap3A_2562, %swap3A_2563, %swap3A_2564], %gather3A_2560 {strides = array<i32>} : memref<128x8x16xf32, #tpu.memory_space<vmem>>, vector<16xf32>,
        %add3A_2566 = arith.addi %or3A_1635, %broadcast_in_dim3A_88 : vector<16xi32>
        %gather3A_2567 = tpu.vector_load_idx %arg24[%add3A_2566] : memref<32768xf32, #tpu.memory_space<vmem>>[vector<16xi32>], vector<16xf32>,
        %swap3A_2568 = arith.constant 7 : i32
        %swap3A_2569 = arith.index_cast %add3A_183 : i32 to index
        %swap3A_2570 = arith.index_cast %swap3A_2568 : i32 to index
        %swap3A_2571 = arith.constant 0 : index
        %swap3A_2572 = tpu.vector_load %arg39[%swap3A_2569, %swap3A_2570, %swap3A_2571] {strides = array<i32>} : memref<128x8x16xf32, #tpu.memory_space<vmem>>, vector<16xf32>,
        tpu.vector_store %arg39[%swap3A_2569, %swap3A_2570, %swap3A_2571], %gather3A_2567 {strides = array<i32>} : memref<128x8x16xf32, #tpu.memory_space<vmem>>, vector<16xf32>,
        %add3A_2573 = arith.addi %or3A_1645, %broadcast_in_dim3A_88 : vector<16xi32>
        %gather3A_2574 = tpu.vector_load_idx %arg24[%add3A_2573] : memref<32768xf32, #tpu.memory_space<vmem>>[vector<16xi32>], vector<16xf32>,
        %swap3A_2575 = arith.constant 7 : i32
        %swap3A_2576 = arith.index_cast %add3A_185 : i32 to index
        %swap3A_2577 = arith.index_cast %swap3A_2575 : i32 to index
        %swap3A_2578 = arith.constant 0 : index
        %swap3A_2579 = tpu.vector_load %arg39[%swap3A_2576, %swap3A_2577, %swap3A_2578] {strides = array<i32>} : memref<128x8x16xf32, #tpu.memory_space<vmem>>, vector<16xf32>,
        tpu.vector_store %arg39[%swap3A_2576, %swap3A_2577, %swap3A_2578], %gather3A_2574 {strides = array<i32>} : memref<128x8x16xf32, #tpu.memory_space<vmem>>, vector<16xf32>,
        %add3A_2580 = arith.addi %or3A_1655, %broadcast_in_dim3A_88 : vector<16xi32>
        %gather3A_2581 = tpu.vector_load_idx %arg24[%add3A_2580] : memref<32768xf32, #tpu.memory_space<vmem>>[vector<16xi32>], vector<16xf32>,
        %swap3A_2582 = arith.constant 7 : i32
        %swap3A_2583 = arith.index_cast %add3A_187 : i32 to index
        %swap3A_2584 = arith.index_cast %swap3A_2582 : i32 to index
        %swap3A_2585 = arith.constant 0 : index
        %swap3A_2586 = tpu.vector_load %arg39[%swap3A_2583, %swap3A_2584, %swap3A_2585] {strides = array<i32>} : memref<128x8x16xf32, #tpu.memory_space<vmem>>, vector<16xf32>,
        tpu.vector_store %arg39[%swap3A_2583, %swap3A_2584, %swap3A_2585], %gather3A_2581 {strides = array<i32>} : memref<128x8x16xf32, #tpu.memory_space<vmem>>, vector<16xf32>,
        %add3A_2587 = arith.addi %or3A_1665, %broadcast_in_dim3A_88 : vector<16xi32>
        %gather3A_2588 = tpu.vector_load_idx %arg24[%add3A_2587] : memref<32768xf32, #tpu.memory_space<vmem>>[vector<16xi32>], vector<16xf32>,
        %swap3A_2589 = arith.constant 7 : i32
        %swap3A_2590 = arith.index_cast %add3A_189 : i32 to index
        %swap3A_2591 = arith.index_cast %swap3A_2589 : i32 to index
        %swap3A_2592 = arith.constant 0 : index
        %swap3A_2593 = tpu.vector_load %arg39[%swap3A_2590, %swap3A_2591, %swap3A_2592] {strides = array<i32>} : memref<128x8x16xf32, #tpu.memory_space<vmem>>, vector<16xf32>,
        tpu.vector_store %arg39[%swap3A_2590, %swap3A_2591, %swap3A_2592], %gather3A_2588 {strides = array<i32>} : memref<128x8x16xf32, #tpu.memory_space<vmem>>, vector<16xf32>,
        %add3A_2594 = arith.addi %or3A_1675, %broadcast_in_dim3A_88 : vector<16xi32>
        %gather3A_2595 = tpu.vector_load_idx %arg24[%add3A_2594] : memref<32768xf32, #tpu.memory_space<vmem>>[vector<16xi32>], vector<16xf32>,
        %swap3A_2596 = arith.constant 7 : i32
        %swap3A_2597 = arith.index_cast %add3A_191 : i32 to index
        %swap3A_2598 = arith.index_cast %swap3A_2596 : i32 to index
        %swap3A_2599 = arith.constant 0 : index
        %swap3A_2600 = tpu.vector_load %arg39[%swap3A_2597, %swap3A_2598, %swap3A_2599] {strides = array<i32>} : memref<128x8x16xf32, #tpu.memory_space<vmem>>, vector<16xf32>,
        tpu.vector_store %arg39[%swap3A_2597, %swap3A_2598, %swap3A_2599], %gather3A_2595 {strides = array<i32>} : memref<128x8x16xf32, #tpu.memory_space<vmem>>, vector<16xf32>,
        %add3A_2601 = arith.addi %or3A_1685, %broadcast_in_dim3A_88 : vector<16xi32>
        %gather3A_2602 = tpu.vector_load_idx %arg24[%add3A_2601] : memref<32768xf32, #tpu.memory_space<vmem>>[vector<16xi32>], vector<16xf32>,
        %swap3A_2603 = arith.constant 7 : i32
        %swap3A_2604 = arith.index_cast %add3A_193 : i32 to index
        %swap3A_2605 = arith.index_cast %swap3A_2603 : i32 to index
        %swap3A_2606 = arith.constant 0 : index
        %swap3A_2607 = tpu.vector_load %arg39[%swap3A_2604, %swap3A_2605, %swap3A_2606] {strides = array<i32>} : memref<128x8x16xf32, #tpu.memory_space<vmem>>, vector<16xf32>,
        tpu.vector_store %arg39[%swap3A_2604, %swap3A_2605, %swap3A_2606], %gather3A_2602 {strides = array<i32>} : memref<128x8x16xf32, #tpu.memory_space<vmem>>, vector<16xf32>,
        %add3A_2608 = arith.addi %or3A_1695, %broadcast_in_dim3A_88 : vector<16xi32>
        %gather3A_2609 = tpu.vector_load_idx %arg24[%add3A_2608] : memref<32768xf32, #tpu.memory_space<vmem>>[vector<16xi32>], vector<16xf32>,
        %swap3A_2610 = arith.constant 7 : i32
        %swap3A_2611 = arith.index_cast %add3A_195 : i32 to index
        %swap3A_2612 = arith.index_cast %swap3A_2610 : i32 to index
        %swap3A_2613 = arith.constant 0 : index
        %swap3A_2614 = tpu.vector_load %arg39[%swap3A_2611, %swap3A_2612, %swap3A_2613] {strides = array<i32>} : memref<128x8x16xf32, #tpu.memory_space<vmem>>, vector<16xf32>,
        tpu.vector_store %arg39[%swap3A_2611, %swap3A_2612, %swap3A_2613], %gather3A_2609 {strides = array<i32>} : memref<128x8x16xf32, #tpu.memory_space<vmem>>, vector<16xf32>,
        %add3A_2615 = arith.addi %or3A_1705, %broadcast_in_dim3A_88 : vector<16xi32>
        %gather3A_2616 = tpu.vector_load_idx %arg24[%add3A_2615] : memref<32768xf32, #tpu.memory_space<vmem>>[vector<16xi32>], vector<16xf32>,
        %swap3A_2617 = arith.constant 7 : i32
        %swap3A_2618 = arith.index_cast %add3A_197 : i32 to index
        %swap3A_2619 = arith.index_cast %swap3A_2617 : i32 to index
        %swap3A_2620 = arith.constant 0 : index
        %swap3A_2621 = tpu.vector_load %arg39[%swap3A_2618, %swap3A_2619, %swap3A_2620] {strides = array<i32>} : memref<128x8x16xf32, #tpu.memory_space<vmem>>, vector<16xf32>,
        tpu.vector_store %arg39[%swap3A_2618, %swap3A_2619, %swap3A_2620], %gather3A_2616 {strides = array<i32>} : memref<128x8x16xf32, #tpu.memory_space<vmem>>, vector<16xf32>,
        %add3A_2622 = arith.addi %or3A_1715, %broadcast_in_dim3A_88 : vector<16xi32>
        %gather3A_2623 = tpu.vector_load_idx %arg24[%add3A_2622] : memref<32768xf32, #tpu.memory_space<vmem>>[vector<16xi32>], vector<16xf32>,
        %swap3A_2624 = arith.constant 7 : i32
        %swap3A_2625 = arith.index_cast %add3A_199 : i32 to index
        %swap3A_2626 = arith.index_cast %swap3A_2624 : i32 to index
        %swap3A_2627 = arith.constant 0 : index
        %swap3A_2628 = tpu.vector_load %arg39[%swap3A_2625, %swap3A_2626, %swap3A_2627] {strides = array<i32>} : memref<128x8x16xf32, #tpu.memory_space<vmem>>, vector<16xf32>,
        tpu.vector_store %arg39[%swap3A_2625, %swap3A_2626, %swap3A_2627], %gather3A_2623 {strides = array<i32>} : memref<128x8x16xf32, #tpu.memory_space<vmem>>, vector<16xf32>,
        %add3A_2629 = arith.addi %or3A_1725, %broadcast_in_dim3A_88 : vector<16xi32>
        %gather3A_2630 = tpu.vector_load_idx %arg24[%add3A_2629] : memref<32768xf32, #tpu.memory_space<vmem>>[vector<16xi32>], vector<16xf32>,
        %swap3A_2631 = arith.constant 7 : i32
        %swap3A_2632 = arith.index_cast %add3A_201 : i32 to index
        %swap3A_2633 = arith.index_cast %swap3A_2631 : i32 to index
        %swap3A_2634 = arith.constant 0 : index
        %swap3A_2635 = tpu.vector_load %arg39[%swap3A_2632, %swap3A_2633, %swap3A_2634] {strides = array<i32>} : memref<128x8x16xf32, #tpu.memory_space<vmem>>, vector<16xf32>,
        tpu.vector_store %arg39[%swap3A_2632, %swap3A_2633, %swap3A_2634], %gather3A_2630 {strides = array<i32>} : memref<128x8x16xf32, #tpu.memory_space<vmem>>, vector<16xf32>,
        %add3A_2636 = arith.addi %or3A_1735, %broadcast_in_dim3A_88 : vector<16xi32>
        %gather3A_2637 = tpu.vector_load_idx %arg24[%add3A_2636] : memref<32768xf32, #tpu.memory_space<vmem>>[vector<16xi32>], vector<16xf32>,
        %swap3A_2638 = arith.constant 7 : i32
        %swap3A_2639 = arith.index_cast %add3A_203 : i32 to index
        %swap3A_2640 = arith.index_cast %swap3A_2638 : i32 to index
        %swap3A_2641 = arith.constant 0 : index
        %swap3A_2642 = tpu.vector_load %arg39[%swap3A_2639, %swap3A_2640, %swap3A_2641] {strides = array<i32>} : memref<128x8x16xf32, #tpu.memory_space<vmem>>, vector<16xf32>,
        tpu.vector_store %arg39[%swap3A_2639, %swap3A_2640, %swap3A_2641], %gather3A_2637 {strides = array<i32>} : memref<128x8x16xf32, #tpu.memory_space<vmem>>, vector<16xf32>,
        %add3A_2643 = arith.addi %or3A_1745, %broadcast_in_dim3A_88 : vector<16xi32>
        %gather3A_2644 = tpu.vector_load_idx %arg24[%add3A_2643] : memref<32768xf32, #tpu.memory_space<vmem>>[vector<16xi32>], vector<16xf32>,
        %swap3A_2645 = arith.constant 7 : i32
        %swap3A_2646 = arith.index_cast %add3A_205 : i32 to index
        %swap3A_2647 = arith.index_cast %swap3A_2645 : i32 to index
        %swap3A_2648 = arith.constant 0 : index
        %swap3A_2649 = tpu.vector_load %arg39[%swap3A_2646, %swap3A_2647, %swap3A_2648] {strides = array<i32>} : memref<128x8x16xf32, #tpu.memory_space<vmem>>, vector<16xf32>,
        tpu.vector_store %arg39[%swap3A_2646, %swap3A_2647, %swap3A_2648], %gather3A_2644 {strides = array<i32>} : memref<128x8x16xf32, #tpu.memory_space<vmem>>, vector<16xf32>,
        %add3A_2650 = arith.addi %or3A_1755, %broadcast_in_dim3A_88 : vector<16xi32>
        %gather3A_2651 = tpu.vector_load_idx %arg24[%add3A_2650] : memref<32768xf32, #tpu.memory_space<vmem>>[vector<16xi32>], vector<16xf32>,
        %swap3A_2652 = arith.constant 7 : i32
        %swap3A_2653 = arith.index_cast %add3A_207 : i32 to index
        %swap3A_2654 = arith.index_cast %swap3A_2652 : i32 to index
        %swap3A_2655 = arith.constant 0 : index
        %swap3A_2656 = tpu.vector_load %arg39[%swap3A_2653, %swap3A_2654, %swap3A_2655] {strides = array<i32>} : memref<128x8x16xf32, #tpu.memory_space<vmem>>, vector<16xf32>,
        tpu.vector_store %arg39[%swap3A_2653, %swap3A_2654, %swap3A_2655], %gather3A_2651 {strides = array<i32>} : memref<128x8x16xf32, #tpu.memory_space<vmem>>, vector<16xf32>,
        %add3A_2657 = arith.addi %or3A_1765, %broadcast_in_dim3A_88 : vector<16xi32>
        %gather3A_2658 = tpu.vector_load_idx %arg24[%add3A_2657] : memref<32768xf32, #tpu.memory_space<vmem>>[vector<16xi32>], vector<16xf32>,
        %swap3A_2659 = arith.constant 7 : i32
        %swap3A_2660 = arith.index_cast %add3A_209 : i32 to index
        %swap3A_2661 = arith.index_cast %swap3A_2659 : i32 to index
        %swap3A_2662 = arith.constant 0 : index
        %swap3A_2663 = tpu.vector_load %arg39[%swap3A_2660, %swap3A_2661, %swap3A_2662] {strides = array<i32>} : memref<128x8x16xf32, #tpu.memory_space<vmem>>, vector<16xf32>,
        tpu.vector_store %arg39[%swap3A_2660, %swap3A_2661, %swap3A_2662], %gather3A_2658 {strides = array<i32>} : memref<128x8x16xf32, #tpu.memory_space<vmem>>, vector<16xf32>,
        %add3A_2664 = arith.addi %or3A_1775, %broadcast_in_dim3A_88 : vector<16xi32>
        %gather3A_2665 = tpu.vector_load_idx %arg24[%add3A_2664] : memref<32768xf32, #tpu.memory_space<vmem>>[vector<16xi32>], vector<16xf32>,
        %swap3A_2666 = arith.constant 7 : i32
        %swap3A_2667 = arith.index_cast %add3A_211 : i32 to index
        %swap3A_2668 = arith.index_cast %swap3A_2666 : i32 to index
        %swap3A_2669 = arith.constant 0 : index
        %swap3A_2670 = tpu.vector_load %arg39[%swap3A_2667, %swap3A_2668, %swap3A_2669] {strides = array<i32>} : memref<128x8x16xf32, #tpu.memory_space<vmem>>, vector<16xf32>,
        tpu.vector_store %arg39[%swap3A_2667, %swap3A_2668, %swap3A_2669], %gather3A_2665 {strides = array<i32>} : memref<128x8x16xf32, #tpu.memory_space<vmem>>, vector<16xf32>,
      }
      %scan3A_159 = arith.constant 4 : i32
      %mul3A_160 = arith.constant 64 : i32
      %mul3A_161 = arith.muli %rem3A_130, %mul3A_160 : i32
      %mul3A_162 = arith.constant 64 : i32
      %mul3A_163 = arith.muli %scan3A_128, %mul3A_162 : i32
      %dma_start3A_164 = arith.constant 0 : i32
      %dma_start3A_165 = arith.constant 0 : i32
      %dma_start3A_166 = tpu.memref_slice %arg39[%mul3A_161, %dma_start3A_164, %dma_start3A_165] : memref<128x8x16xf32, #tpu.memory_space<vmem>> -> memref<64x8x16xf32, #tpu.memory_space<vmem>>
      %dma_start3A_167 = arith.constant 0 : i32
      %dma_start3A_168 = tpu.memref_slice %arg20[%mul3A_163, %select_n3A, %dma_start3A_167, %mul3A_66] : memref<4096x4x8x128xf32, #tpu.memory_space<hbm>> -> memref<64x1x8x16xf32, #tpu.memory_space<hbm>>
      %dma_start3A_169 = tpu.memref_squeeze %dma_start3A_168 : memref<64x1x8x16xf32, #tpu.memory_space<hbm>> -> memref<64x8x16xf32, #tpu.memory_space<hbm>>
      %dma_start3A_170 = arith.constant 0 : i32
      %dma_start3A_171 = tpu.memref_slice %arg20[%mul3A_163, %select_n3A, %dma_start3A_170, %mul3A_66] : memref<4096x4x8x128xf32, #tpu.memory_space<hbm>> -> memref<64x1x8x16xf32, #tpu.memory_space<hbm>>
      %dma_start3A_172 = tpu.memref_squeeze %dma_start3A_171 : memref<64x1x8x16xf32, #tpu.memory_space<hbm>> -> memref<64x8x16xf32, #tpu.memory_space<hbm>>
      %dma_start3A_173 = arith.constant 0 : i32
      %dma_start3A_174 = arith.constant 0 : i32
      %dma_start3A_175 = tpu.memref_slice %arg39[%mul3A_161, %dma_start3A_173, %dma_start3A_174] : memref<128x8x16xf32, #tpu.memory_space<vmem>> -> memref<64x8x16xf32, #tpu.memory_space<vmem>>
      tpu.enqueue_dma source(%dma_start3A_175 : memref<64x8x16xf32, #tpu.memory_space<vmem>>) target(%dma_start3A_172 : memref<64x8x16xf32, #tpu.memory_space<hbm>>) target_semaphore(%arg41 : memref<!tpu.dma_semaphore, #tpu.memory_space<semaphore_mem>>)
    }
    %scan3A_96 = arith.constant 64 : i32
    %dma_wait3A = arith.constant 0 : i32
    %dma_wait3A_97 = arith.constant 0 : i32
    %dma_wait3A_98 = arith.constant 0 : i32
    %dma_wait3A_99 = tpu.memref_slice %arg39[%dma_wait3A, %dma_wait3A_97, %dma_wait3A_98] : memref<128x8x16xf32, #tpu.memory_space<vmem>> -> memref<64x8x16xf32, #tpu.memory_space<vmem>>
    %dma_wait3A_100 = arith.constant 3968 : i32
    %dma_wait3A_101 = arith.constant 0 : i32
    %dma_wait3A_102 = tpu.memref_slice %arg20[%dma_wait3A_100, %select_n3A, %dma_wait3A_101, %mul3A_66] : memref<4096x4x8x128xf32, #tpu.memory_space<hbm>> -> memref<64x1x8x16xf32, #tpu.memory_space<hbm>>
    %dma_wait3A_103 = tpu.memref_squeeze %dma_wait3A_102 : memref<64x1x8x16xf32, #tpu.memory_space<hbm>> -> memref<64x8x16xf32, #tpu.memory_space<hbm>>
    %dma_wait3A_104 = arith.constant 3968 : i32
    %dma_wait3A_105 = arith.constant 0 : i32
    %dma_wait3A_106 = tpu.memref_slice %arg20[%dma_wait3A_104, %select_n3A, %dma_wait3A_105, %mul3A_66] : memref<4096x4x8x128xf32, #tpu.memory_space<hbm>> -> memref<64x1x8x16xf32, #tpu.memory_space<hbm>>
    %dma_wait3A_107 = tpu.memref_squeeze %dma_wait3A_106 : memref<64x1x8x16xf32, #tpu.memory_space<hbm>> -> memref<64x8x16xf32, #tpu.memory_space<hbm>>
    %dma_wait3A_108 = arith.constant 0 : i32
    %dma_wait3A_109 = arith.constant 0 : i32
    %dma_wait3A_110 = arith.constant 0 : i32
    %dma_wait3A_111 = tpu.memref_slice %arg39[%dma_wait3A_108, %dma_wait3A_109, %dma_wait3A_110] : memref<128x8x16xf32, #tpu.memory_space<vmem>> -> memref<64x8x16xf32, #tpu.memory_space<vmem>>
    tpu.wait_dma2 semaphore(%arg41 : memref<!tpu.dma_semaphore, #tpu.memory_space<semaphore_mem>>) src(%dma_wait3A_111 : memref<64x8x16xf32, #tpu.memory_space<vmem>>) dst(%dma_wait3A_107 : memref<64x8x16xf32, #tpu.memory_space<hbm>>)
    %dma_wait3A_112 = arith.constant 64 : i32
    %dma_wait3A_113 = arith.constant 0 : i32
    %dma_wait3A_114 = arith.constant 0 : i32
    %dma_wait3A_115 = tpu.memref_slice %arg39[%dma_wait3A_112, %dma_wait3A_113, %dma_wait3A_114] : memref<128x8x16xf32, #tpu.memory_space<vmem>> -> memref<64x8x16xf32, #tpu.memory_space<vmem>>
    %dma_wait3A_116 = arith.constant 4032 : i32
    %dma_wait3A_117 = arith.constant 0 : i32
    %dma_wait3A_118 = tpu.memref_slice %arg20[%dma_wait3A_116, %select_n3A, %dma_wait3A_117, %mul3A_66] : memref<4096x4x8x128xf32, #tpu.memory_space<hbm>> -> memref<64x1x8x16xf32, #tpu.memory_space<hbm>>
    %dma_wait3A_119 = tpu.memref_squeeze %dma_wait3A_118 : memref<64x1x8x16xf32, #tpu.memory_space<hbm>> -> memref<64x8x16xf32, #tpu.memory_space<hbm>>
    %dma_wait3A_120 = arith.constant 4032 : i32
    %dma_wait3A_121 = arith.constant 0 : i32
    %dma_wait3A_122 = tpu.memref_slice %arg20[%dma_wait3A_120, %select_n3A, %dma_wait3A_121, %mul3A_66] : memref<4096x4x8x128xf32, #tpu.memory_space<hbm>> -> memref<64x1x8x16xf32, #tpu.memory_space<hbm>>
    %dma_wait3A_123 = tpu.memref_squeeze %dma_wait3A_122 : memref<64x1x8x16xf32, #tpu.memory_space<hbm>> -> memref<64x8x16xf32, #tpu.memory_space<hbm>>
    %dma_wait3A_124 = arith.constant 64 : i32
    %dma_wait3A_125 = arith.constant 0 : i32
    %dma_wait3A_126 = arith.constant 0 : i32
    %dma_wait3A_127 = tpu.memref_slice %arg39[%dma_wait3A_124, %dma_wait3A_125, %dma_wait3A_126] : memref<128x8x16xf32, #tpu.memory_space<vmem>> -> memref<64x8x16xf32, #tpu.memory_space<vmem>>
    tpu.wait_dma2 semaphore(%arg41 : memref<!tpu.dma_semaphore, #tpu.memory_space<semaphore_mem>>) src(%dma_wait3A_127 : memref<64x8x16xf32, #tpu.memory_space<vmem>>) dst(%dma_wait3A_123 : memref<64x8x16xf32, #tpu.memory_space<hbm>>)
    return
  }
}

</mosaic_0001>

<sc_bundles>
// kernel: kernel.3.cloned.1.call-start
scs
__scs_entry_jumppad:
0x0: {  	(pc) =	sbr.rel $0x88, $3  }
0x1: {  	(tag) =	ssettag $0x0;
	lr =	simm.s32 $0x1  }
0x2: {  	[smem:$0x3F8F] =	sst lr;
	_ =	strace $0xD0000000  }
0x3: {  	_ = 	snop  }
0x4: {  	_ = 	snop  }
0x5: {  	_ = 	snop  }
0x6: {  	_ = 	snop  }
0x7: {  	_ = 	snop  }
__scs_overlays_trampoline_lowered:
0x8: {  	[smem:$0x3F9E] =	sst s0  }
0x9: {  	[smem:$0x3F9F] =	sst s1  }
0xa: {  	[smem:$0x3FA0] =	sst s2  }
0xb: {  	[smem:$0x3FA1] =	sst s3  }
0xc: {  	[smem:$0x3FA2] =	sst s4  }
0xd: {  	[smem:$0x3FA3] =	sst s5  }
0xe: {  	[smem:$0x3FA4] =	sst s6  }
0xf: {  	[smem:$0x3FA5] =	sst s7  }
0x10: {  	[smem:$0x3FA6] =	sst s8  }
0x11: {  	[smem:$0x3FA7] =	sst s9;
	s0 =	simm.s32 @!p0 $0x0  }
0x12: {  	s1 =	sld [smem:$0x3F8D];
	s0 =	simm.s32 @p0 $0x1  }
0x13: {  	[smem:$0x3FA8] =	sst s0;
	s0 =	simm.s32 @!p1 $0x0  }
0x14: {  	s2 =	sld [smem:$0x3F8C];
	s0 =	simm.s32 @p1 $0x1  }
0x15: {  	[smem:$0x3FA9] =	sst s0;
	s0 =	simm.s32 @!p2 $0x0  }
0x16: {  	s3 =	sld [smem:$0x3FDB];
	s0 =	simm.s32 @p2 $0x1  }
0x17: {  	s4 =	simm.s32 $0x1BF5;
	[smem:$0x3FAB] =	sst s0  }
0x18: {  	s0 =	sld [smem:$0x3F8E];
	_ =	swait.ge [sflag:s4], $0x0  }
0x19: {  	s7 =	sld [smem:$0x3F8F]  }
0x1a: {  	s8 =	sadd.s32 $0xFFFFE003, lr  }
0x1b: {  	s9 =	sadd.s32 $0xFFFFFEF7, lr;
	s5 =	simm.s32 $0xFFFFFFFF;
	p2 =	slt.u32 s8, $0xFFFFF086  }
0x1c: {  	p1 =	slt.u32 s9, $0xF7A;
	s5 =	simm.s32 @!p2 $0x0  }
0x1d: {  	s5 =	simm.s32 @p1 $0x1;
	p0 =	seq.s32 s7, s2  }
0x1e: {  	s7 =	smul.u32 @!p0 $0xF7A, s2;
	p2 =	seq.s32 @!p0 s5, $0x0  }
0x1f: {  	s9 =	smul.u32 $0xF7A, s1;
	s8 =	simm.s32 @!p0 $0x1BF5;
	p2 =	por !p2, p0  }
0x20: {  	[sflag:s8] =	ssyncset.s32 @!p0 $0xFFFFF086;
	s6 =	sadd.s32 @!p0 s3, s7;
	s7 =	simm.s32 @!p0 $0x108  }
0x21: {  	s3 =	sadd.s32 s3, s9;
	s6 =	sadd.s32 @!p0 $0x88, s6;
	s7 =	simm.s32 @p2 $0x1082  }
0x22: {  	[simem:s7], [sflag:s8] =	dma.local @!p0 [hbm:s6], $0xF7A  }
0x23: {  	s9 =	sor.u32 $0xD0000000, s2;
	s6 =	simm.s32 $0x108;
	_ =	swait.ge @!p0 [sflag:s8], $0x0  }
0x24: {  	s3 =	sadd.s32 $0x88, s3;
	s6 =	simm.s32 @!p1 $0x1082;
	[sflag:s4] =	ssyncset.s32 $0xFFFFF086  }
0x25: {  	[simem:s6], [sflag:s4] =	dma.local [hbm:s3], $0xF7A  }
0x26: {  	[smem:$0x3F8F] =	sst s1;
	(tag) =	ssettag s2;
	_ =	strace s9  }
0x27: {  	s1 =	sld [smem:$0x3F9F]  }
0x28: {  	s2 =	sld [smem:$0x3FA0]  }
0x29: {  	s4 =	sld [smem:$0x3FA2]  }
0x2a: {  	p0 =	seq.s32 s5, $0x0;
	s5 =	sld [smem:$0x3FA3]  }
0x2b: {  	s6 =	sld [smem:$0x3FA4]  }
0x2c: {  	s7 =	sld [smem:$0x3FA5]  }
0x2d: {  	s3 =	simm.s32 $0x108;
	s8 =	sld [smem:$0x3FA6]  }
0x2e: {  	s3 =	simm.s32 @!p0 $0x1082;
	s9 =	sld [smem:$0x3FA7]  }
0x2f: {  	lr =	sadd.s32 s0, s3;
	s0 =	sld [smem:$0x3F9E]  }
0x30: {  	s3 =	sld [smem:$0x3FA1]  }
0x31: {  	[smem:$0x3FAA] =	sst s10  }
0x32: {  	s10 =	sld [smem:$0x3FA8];
	_ =	sdelay $0x3  }
0x33: {  	p0 =	seq.s32 s10, $0x1;
	s10 =	sld [smem:$0x3FAA];
	_ =	sdelay $0x3  }
0x34: {  	[smem:$0x3FAA] =	sst s10  }
0x35: {  	s10 =	sld [smem:$0x3FA9];
	_ =	sdelay $0x3  }
0x36: {  	p1 =	seq.s32 s10, $0x1;
	s10 =	sld [smem:$0x3FAA];
	_ =	sdelay $0x3  }
0x37: {  	[smem:$0x3FAA] =	sst s10  }
0x38: {  	s10 =	sld [smem:$0x3FAB]  }
0x39: {  	_ = 	snop;
	(pc) =	sbr.ind lr, $3  }
0x3a: {  	_ = 	snop  }
0x3b: {  	_ = 	snop  }
0x3c: {  	p2 =	seq.s32 s10, $0x1;
	s10 =	sld [smem:$0x3FAA]  }
0x3d: {  	_ =	shalt  }
0x3e: {  	_ =	shalt  }
0x3f: {  	_ =	shalt  }
0x40: {  	_ =	shalt  }
0x41: {  	_ =	shalt  }
0x42: {  	_ =	shalt  }
0x43: {  	_ =	shalt  }
0x44: {  	_ =	shalt  }
0x45: {  	_ =	shalt  }
0x46: {  	_ =	shalt  }
0x47: {  	_ =	shalt  }
0x48: {  	_ =	shalt  }
0x49: {  	_ =	shalt  }
0x4a: {  	_ =	shalt  }
0x4b: {  	_ =	shalt  }
0x4c: {  	_ =	shalt  }
0x4d: {  	_ =	shalt  }
0x4e: {  	_ =	shalt  }
0x4f: {  	_ =	shalt  }
0x50: {  	_ =	shalt  }
0x51: {  	_ =	shalt  }
0x52: {  	_ =	shalt  }
0x53: {  	_ =	shalt  }
0x54: {  	_ =	shalt  }
0x55: {  	_ =	shalt  }
0x56: {  	_ =	shalt  }
0x57: {  	_ =	shalt  }
0x58: {  	_ =	shalt  }
0x59: {  	_ =	shalt  }
0x5a: {  	_ =	shalt  }
0x5b: {  	_ =	shalt  }
0x5c: {  	_ =	shalt  }
0x5d: {  	_ =	shalt  }
0x5e: {  	_ =	shalt  }
0x5f: {  	_ =	shalt  }
0x60: {  	_ =	shalt  }
0x61: {  	_ =	shalt  }
0x62: {  	_ =	shalt  }
0x63: {  	_ =	shalt  }
0x64: {  	_ =	shalt  }
0x65: {  	_ =	shalt  }
0x66: {  	_ =	shalt  }
0x67: {  	_ =	shalt  }
0x68: {  	_ =	shalt  }
0x69: {  	_ =	shalt  }
0x6a: {  	_ =	shalt  }
0x6b: {  	_ =	shalt  }
0x6c: {  	_ =	shalt  }
0x6d: {  	_ =	shalt  }
0x6e: {  	_ =	shalt  }
0x6f: {  	_ =	shalt  }
0x70: {  	_ =	shalt  }
0x71: {  	_ =	shalt  }
0x72: {  	_ =	shalt  }
0x73: {  	_ =	shalt  }
0x74: {  	_ =	shalt  }
0x75: {  	_ =	shalt  }
0x76: {  	_ =	shalt  }
0x77: {  	_ =	shalt  }
0x78: {  	_ =	shalt  }
0x79: {  	_ =	shalt  }
0x7a: {  	_ =	shalt  }
0x7b: {  	_ =	shalt  }
0x7c: {  	_ =	shalt  }
0x7d: {  	_ =	shalt  }
0x7e: {  	_ =	shalt  }
0x7f: {  	_ =	shalt  }
0x80: {  	_ =	shalt  }
0x81: {  	_ =	shalt  }
0x82: {  	_ =	shalt  }
0x83: {  	_ =	shalt  }
0x84: {  	_ =	shalt  }
0x85: {  	_ =	shalt  }
0x86: {  	_ =	shalt  }
0x87: {  	_ =	shalt  }
.Lfunc_end0:
.L_simem_size_0:
called_computation_lowered:
.L_overlay_start_0:
0x88: {  	s2 =	sld [smem:$0x3FD9]  }
0x89: {  	s3 =	sld [smem:$0x3FFE];
	_ =	sdelay $0x1  }
0x8a: {  	s1 =	srdreg.scid  }
0x8b: {  	s0 =	sand.u32 $0x1, s1  }
0x8c: {  	s17 =	sshll.u32 s0, $0xA;
	s2 =	sadd.s32 s3, s2  }
0x8d: {  	s2 =	sadd.s32 s2, s17  }
0x8e: {  	[smem:$0x3FB6] =	sst s2  }
0x8f: {  	_ = 	snop  }
0x90: {  	s2 =	sld [smem:$0x3FC9]  }
0x91: {  	s18 =	sld [smem:$0x3FC7]  }
0x92: {  	s4 =	sld [smem:$0x3FC6]  }
0x93: {  	s5 =	sld [smem:$0x3FBE]  }
0x94: {  	s6 =	sld [smem:$0x3FBD]  }
0x95: {  	s7 =	sld [smem:$0x3FBC]  }
0x96: {  	s8 =	sld [smem:$0x3FBB]  }
0x97: {  	s9 =	sld [smem:$0x3FBA]  }
0x98: {  	s10 =	sld [smem:$0x3FB9]  }
0x99: {  	s11 =	sld [smem:$0x3FB8]  }
0x9a: {  	s12 =	sld [smem:$0x3FD0];
	(tm) =	ssettm $0x1  }
0x9b: {  	s13 =	sld [smem:$0x3FFB];
	_ =	sdelay $0x3  }
0x9c: {  	_ =	strace s13  }
0x9d: {  	s13 =	sld [smem:$0x3FFC];
	_ =	sdelay $0x3  }
0x9e: {  	_ =	strace s13  }
0x9f: {  	s13 =	sld [smem:$0x3FFD];
	_ =	sdelay $0x3  }
0xa0: {  	_ =	strace s13  }
0xa1: {  	_ =	strace $0x8FFFFFFF  }
0xa2: {  	s19 =	sld [smem:$0x3FDB];
	_ =	sdelay $0x1  }
0xa3: {  	s14 =	simm.s32 $_scs_section_size  }
0xa4: {  	s15 =	simm.s32 $_size__tile_overlayer_lowered;
	s16 =	simm.s32 $_tile_overlayer_lowered  }
0xa5: {  	s22 =	simm.s32 $0x1BFF;
	s21 =	sshll.u32 s16, $0x1;
	s13 =	sadd.s32 s14, s19  }
0xa6: {  	s20 =	sshll.u32 s15, $0x1;
	s17 =	simm.s32 $0x0;
	s15 =	sadd.s32 s21, s13  }
0xa7: {  	[timem:s17], [sflag:s22] =	dma.local [hbm:s15], s20  }
0xa8: {  	_ =	swait.ge [sflag:s22], s20  }
0xa9: {  	s14 =	ssub.s32 $0x0, s20;
	[sflag:s22] =	ssyncset.done $0x0  }
0xaa: {  	[sflag:s22] =	ssyncadd.s32 s14;
	_ =	sdelay $0x1  }
0xab: {  	s23 =	simm.s32 $0x1B8B  }
0xac: {  	_ =	swait.ge [sflag:s23], $0x1  }
0xad: {  	[sflag:s23] =	ssyncset.done $0x0  }
0xae: {  	s25 =	simm.s32 $0x1B8E;
	s24 =	sld [smem:$0x3FFE];
	[sflag:s23] =	ssyncadd.s32 $0xFFFFFFFF  }
0xaf: {  	s26 =	simm.s32 $execute0_lowered;
	[smem:$0x3FD2] =	sst s25  }
0xb0: {  	s15 =	sshll.u32 s26, $0x1;
	_ =	strace $0x80000046;
	[dreg:$0x1] =	wrdreg $0xFFFFFFFF  }
0xb1: {  	s28 =	simm.s32 $_size_execute0_lowered;
	s13 =	sadd.s32 s13, s15;
	[dreg:$0x0] =	wrdreg $0x0  }
0xb2: {  	s15 =	sshll.u32 s28, $0x1;
	[dreg:$0x2] =	wrdreg s13  }
0xb3: {  	[dreg:$0x3] =	wrdreg s15  }
0xb4: {  	[dreg:$0x4] =	wrdreg $0xC0  }
0xb5: {  	_ =	task [dreg:s17], $0x5FFFF  }
0xb6: {  	[dreg:$0x1] =	wrdreg $0xFFFFFFFF  }
0xb7: {  	[dreg:$0x0] =	wrdreg $0x60  }
0xb8: {  	[dreg:$0x2] =	wrdreg s2  }
0xb9: {  	[dreg:$0x3] =	wrdreg s24  }
0xba: {  	[dreg:$0x4] =	wrdreg s18  }
0xbb: {  	[dreg:$0x5] =	wrdreg s4  }
0xbc: {  	[dreg:$0x6] =	wrdreg s5  }
0xbd: {  	[dreg:$0x7] =	wrdreg s6  }
0xbe: {  	[dreg:$0x8] =	wrdreg s7  }
0xbf: {  	[dreg:$0x9] =	wrdreg s8  }
0xc0: {  	[dreg:$0xa] =	wrdreg s9  }
0xc1: {  	[dreg:$0xb] =	wrdreg s10  }
0xc2: {  	[dreg:$0xc] =	wrdreg s11  }
0xc3: {  	[dreg:$0xd] =	wrdreg s12  }
0xc4: {  	[dreg:$0xe] =	wrdreg $0x9  }
0xc5: {  	_ =	task.clear_ibuf [dreg:s17], $0xFFFFF;
	_ =	strace $0x90000046  }
0xc6: {  	s29 =	simm.s32 $0x9;
	_ =	strace $0x80000048  }
0xc7: {  	_ =	swait.ge [sflag:s29], $0x1  }
0xc8: {  	[sflag:s29] =	ssyncadd.s32 $0xFFFFFFFF  }
0xc9: {  	_ =	strace $0x90000048  }
0xca: {  	_ =	sfence  }
0xcb: {  	s30 =	sld [smem:$0x0];
	_ =	sdelay $0x2  }
0xcc: {  	s31 =	sshll.u32 s1, $0xD;
	s1 =	sshrl.u32 s1, $0x2  }
0xcd: {  	s3 =	sand.u32 $0x4000, s31;
	s1 =	sadd.s32 s1, s30  }
0xce: {  	s0 =	sor.u32 s3, s0;
	s1 =	sshll.u32 s1, $0x11  }
0xcf: {  	s0 =	sor.u32 s1, s0  }
0xd0: {  	s0 =	sadd.s32 $0x8F2B, s0  }
0xd1: {  	[sflag:s0] =	ssyncadd.remote.s32 $0x1  }
0xd2: {  	_ =	sfence.sel $0xFFFF  }
0xd3: {  	[dreg:$0x0] =	wrdreg $0xFFFFFFFF;
	(pc) =	sbr.abs _section_cstart, $3  }
0xd4: {  	[dreg:$0x1] =	wrdreg $0xFFFFFFFF  }
0xd5: {  	_ =	task.clear_ibuf [dreg:s17], $0x2FFFF;
	_ =	strace $0x9FFFFFFF  }
0xd6: {  	(tm) =	ssettm $0x7FFFFFFF  }
0xd7: {  	_ =	shalt  }
tec
execute0_lowered:
.L_overlay_start_1:
0x0: {  	(tag) =	ssettag $0x1  }
0x1: {  	s0 =	rddreg [dreg:$0x1]  }
0x2: {  	s1 =	rddreg [dreg:$0x2]  }
0x3: {  	s2 =	rddreg [dreg:$0x3]  }
0x4: {  	s4 =	rddreg [dreg:$0x4]  }
0x5: {  	s5 =	rddreg [dreg:$0x5]  }
0x6: {  	s6 =	rddreg [dreg:$0x6]  }
0x7: {  	s7 =	rddreg [dreg:$0x7]  }
0x8: {  	s8 =	rddreg [dreg:$0x8]  }
0x9: {  	s9 =	rddreg [dreg:$0x9]  }
0xa: {  	s10 =	rddreg [dreg:$0xa];
	s3 =	srdreg.scid  }
0xb: {  	s23 =	stileid.u32;
	s11 =	rddreg [dreg:$0xb]  }
0xc: {  	s12 =	sand.u32 $0x1, s3;
	s13 =	sshll.u32 s23, $0x1;
	s3 =	simm.s32 $0x0  }
0xd: {  	s31 =	sshll.u32 s23, $0x5;
	s13 =	sor.u32 s12, s13;
	[smem:$0x7FF] =	sst s3  }
0xe: {  	s12 =	ssub.s32 $0x2, s12;
	s14 =	sshll.u32 s13, $0x1;
	_ =	strace $0x80000047  }
0xf: {  	s16 =	sshll.u32 s13, $0x2;
	s18 =	sshll.u32 s13, $0x3;
	s20 =	sshll.u32 s13, $0x4  }
0x10: {  	s21 =	sshrl.u32 s12, $0x1;
	s25 =	sshll.u32 s13, $0x5;
	s28 =	sshll.u32 s13, $0x6  }
0x11: {  	s29 =	sshll.u32 s13, $0x7;
	s15 =	sadd.s32 s14, s0;
	s17 =	sadd.s32 s16, s0  }
0x12: {  	s19 =	sadd.s32 s18, s0;
	s22 =	sadd.s32 s20, s0;
	s4 =	sadd.s32 s4, s16  }
0x13: {  	s12 =	ssub.s32 s12, s21;
	s5 =	sadd.s32 s5, s18;
	[dreg:$0x12] =	wrdreg s4  }
0x14: {  	s26 =	sadd.s32 s25, s0;
	s6 =	sadd.s32 s6, s20;
	[dreg:$0x13] =	wrdreg s5  }
0x15: {  	s7 =	sadd.s32 s7, s25;
	s30 =	sadd.s32 s8, s28;
	[dreg:$0x14] =	wrdreg s6  }
0x16: {  	s9 =	sadd.s32 s9, s29;
	s16 =	sshll.u32 s13, $0x8;
	[dreg:$0x15] =	wrdreg s7  }
0x17: {  	s1 =	sadd.s32 s1, s14;
	s8 =	simm.s32 $0x10100;
	[dreg:$0x16] =	wrdreg s30  }
0x18: {  	s5 =	sadd.s32 s28, s0;
	[dreg:$0x17] =	wrdreg s9;
	s7 =	sand.u32 $0x180, s31  }
0x19: {  	s6 =	sadd.s32 s29, s0;
	s0 =	sadd.s32 s16, s0;
	s18 =	sadd.s32 $0x400, s15  }
0x1a: {  	[dreg:$0x19] =	wrdreg s1;
	s20 =	sadd.s32 $0x600, s17;
	s21 =	sadd.s32 $0x800, s19  }
0x1b: {  	s22 =	sadd.s32 $0xA00, s22;
	s23 =	sadd.s32 $0xC00, s26;
	s26 =	sshll.u32 s13, $0xC  }
0x1c: {  	s28 =	sand.u32 $0xE, s14;
	s29 =	sadd.s32 s10, s16;
	s31 =	smax.u32 s12, $0x1  }
0x1d: {  	s10 =	simm.s32 $0x10020;
	s13 =	simm.s32 $0x11000;
	[dreg:$0x18] =	wrdreg s18  }
0x1e: {  	s4 =	simm.s32 $0x10040;
	s14 =	simm.s32 $0x110E0;
	[dreg:$0x1a] =	wrdreg s20  }
0x1f: {  	s15 =	simm.s32 $0x10200;
	s16 =	simm.s32 $0x111E0;
	[dreg:$0x1b] =	wrdreg s21  }
0x20: {  	s17 =	simm.s32 $0x10400;
	s19 =	simm.s32 $0x10800;
	[dreg:$0x1c] =	wrdreg s22  }
0x21: {  	s9 =	simm.s32 $0x8020;
	s12 =	simm.s32 $0x80;
	[dreg:$0x1d] =	wrdreg s23  }
0x22: {  	v4 =	vlaneseq.u32;
	s7 =	sadd.s32 s11, s7;
	s24 =	sadd.s32 $0x1000, s5;
	[smem:$0x7FA] =	sst s29  }
0x23: {  	v0 =	vmul.u32 $0x2, v4;
	s25 =	sadd.s32 $0x1800, s6;
	s0 =	sadd.s32 $0x2800, s0;
	[smem:$0x7FD] =	sst s31  }
0x24: {  	v20 =	vmul.u32 $0x8, v4;
	s5 =	simm.s32 $0x11020;
	s6 =	simm.s32 $0x10080;
	[dreg:$0x1e] =	wrdreg s24  }
0x25: {  	v3 =	vshrl.u32 v4, $0x1;
	[tilespmem:$0x1FFC0] =	vst v0;
	s18 =	simm.s32 $0x113E0;
	s20 =	simm.s32 $0x117E0;
	[dreg:$0x1f] =	wrdreg s25  }
0x26: {  	v2 =	vmul.u32 $0x8, v3;
	v1 =	vor.u32 $0x1, v0;
	[tilespmem:$0x1FFF0] =	vst v20;
	s11 =	simm.s32 $0x10;
	[smem:$0x7F9] =	sst s0;
	s0 =	sadd.s32 s2, s26  }
0x27: {  	[tilespmem:$0x1FFD0] =	vst v1;
	s30 =	sadd.s32 s28, s7;
	s7 =	simm.s32 $0x11060;
	[smem:$0x7FB] =	sst s0  }
0x28: {  	v21 =	vimm.s32 $0x0;
	[tilespmem:$0x1FFE0] =	vst v2;
	s2 =	simm.s32 $0x0;
	s25 =	simm.s32 $0x10200;
	[smem:$0x7FC] =	sst s30  }
.LBB2_1:
0x29: {  	s0 =	rddreg [dreg:$0x18];
	s1 =	simm.s32 $0x8000  }
0x2a: {  	[tilespmem:s1], [sflag:$0x3] =	stream.linear.gather [hbm4b:s0+s3], $0x10, $0x38;
	[tilespmem:$0x15FE0] =	vst v63  }
0x2b: {  	[smem:$0x7F8] =	sst s2;
	s1 =	simm.s32 $0x3  }
0x2c: {  	_ =	swait.ge [sflag:s1], $0x10  }
0x2d: {  	[sflag:s1] =	ssyncset.done $0x0  }
0x2e: {  	s29 =	simm.s32 $0x8010;
	s28 =	rddreg [dreg:$0x19];
	[sflag:s1] =	ssyncadd.s32 $0xFFFFFFF0  }
0x2f: {  	[tilespmem:s29], [sflag:$0x3] =	stream.linear.gather [hbm4b:s28+s3], $0x10, $0x38;
	[tilespmem:$0x15FE0] =	vst v63  }
0x30: {  	_ =	swait.ge [sflag:s1], $0x10  }
0x31: {  	[sflag:s1] =	ssyncset.done $0x0  }
0x32: {  	s30 =	rddreg [dreg:$0x1a];
	[sflag:s1] =	ssyncadd.s32 $0xFFFFFFF0  }
0x33: {  	[tilespmem:s10], [sflag:$0x3] =	stream.linear.gather [hbm4b:s30+s3], $0x20, $0x38;
	[tilespmem:$0x15FE0] =	vst v63  }
0x34: {  	_ =	swait.ge [sflag:s1], $0x20  }
0x35: {  	[sflag:s1] =	ssyncset.done $0x0  }
0x36: {  	s31 =	rddreg [dreg:$0x12];
	[sflag:s1] =	ssyncadd.s32 $0xFFFFFFE0  }
0x37: {  	[tilespmem:s13], [sflag:$0x3] =	stream.linear.gather [hbm4b:s31+s3], $0x20, $0x38;
	[tilespmem:$0x15FE0] =	vst v63  }
0x38: {  	_ =	swait.ge [sflag:s1], $0x20  }
0x39: {  	[sflag:s1] =	ssyncset.done $0x0  }
0x3a: {  	s2 =	rddreg [dreg:$0x1b];
	[sflag:s1] =	ssyncadd.s32 $0xFFFFFFE0  }
0x3b: {  	[tilespmem:s4], [sflag:$0x3] =	stream.linear.gather [hbm4b:s2+s3], $0x40, $0x38;
	[tilespmem:$0x15FE0] =	vst v63  }
0x3c: {  	_ =	swait.ge [sflag:s1], $0x40  }
0x3d: {  	[sflag:s1] =	ssyncset.done $0x0  }
0x3e: {  	s4 =	rddreg [dreg:$0x13];
	[sflag:s1] =	ssyncadd.s32 $0xFFFFFFC0  }
0x3f: {  	[tilespmem:s5], [sflag:$0x3] =	stream.linear.gather [hbm4b:s4+s3], $0x40, $0x38;
	[tilespmem:$0x15FE0] =	vst v63  }
0x40: {  	_ =	swait.ge [sflag:s1], $0x40  }
0x41: {  	[sflag:s1] =	ssyncset.done $0x0  }
0x42: {  	s5 =	rddreg [dreg:$0x1c];
	[sflag:s1] =	ssyncadd.s32 $0xFFFFFFC0  }
0x43: {  	[tilespmem:s6], [sflag:$0x3] =	stream.linear.gather [hbm4b:s5+s3], $0x80, $0x38;
	[tilespmem:$0x15FE0] =	vst v63  }
0x44: {  	_ =	swait.ge [sflag:s1], $0x80  }
0x45: {  	[sflag:s1] =	ssyncset.done $0x0  }
0x46: {  	s10 =	rddreg [dreg:$0x14];
	[sflag:s1] =	ssyncadd.s32 $0xFFFFFF80  }
0x47: {  	[tilespmem:s7], [sflag:$0x3] =	stream.linear.gather [hbm4b:s10+s3], $0x80, $0x38;
	[tilespmem:$0x15FE0] =	vst v63  }
0x48: {  	_ =	swait.ge [sflag:s1], $0x80  }
0x49: {  	[sflag:s1] =	ssyncset.done $0x0  }
0x4a: {  	s13 =	rddreg [dreg:$0x1d];
	[sflag:s1] =	ssyncadd.s32 $0xFFFFFF80  }
0x4b: {  	[tilespmem:s8], [sflag:$0x3] =	stream.linear.gather [hbm4b:s13+s3], $0x100, $0x38;
	[tilespmem:$0x15FE0] =	vst v63  }
0x4c: {  	_ =	swait.ge [sflag:s1], $0x100  }
0x4d: {  	[sflag:s1] =	ssyncset.done $0x0  }
0x4e: {  	s21 =	rddreg [dreg:$0x15];
	[sflag:s1] =	ssyncadd.s32 $0xFFFFFF00  }
0x4f: {  	[tilespmem:s14], [sflag:$0x3] =	stream.linear.gather [hbm4b:s21+s3], $0x100, $0x38;
	[tilespmem:$0x15FE0] =	vst v63  }
0x50: {  	_ =	swait.ge [sflag:s1], $0x100  }
0x51: {  	[sflag:s1] =	ssyncset.done $0x0  }
0x52: {  	s22 =	rddreg [dreg:$0x1e];
	[sflag:s1] =	ssyncadd.s32 $0xFFFFFF00  }
0x53: {  	[tilespmem:s15], [sflag:$0x3] =	stream.linear.gather [hbm4b:s22+s3], $0x200, $0x38;
	[tilespmem:$0x15FE0] =	vst v63  }
0x54: {  	_ =	swait.ge [sflag:s1], $0x200  }
0x55: {  	[sflag:s1] =	ssyncset.done $0x0  }
0x56: {  	s23 =	rddreg [dreg:$0x16];
	[sflag:s1] =	ssyncadd.s32 $0xFFFFFE00  }
0x57: {  	[tilespmem:s16], [sflag:$0x3] =	stream.linear.gather [hbm4b:s23+s3], $0x200, $0x38;
	[tilespmem:$0x15FE0] =	vst v63  }
0x58: {  	_ =	swait.ge [sflag:s1], $0x200  }
0x59: {  	[sflag:s1] =	ssyncset.done $0x0  }
0x5a: {  	s24 =	rddreg [dreg:$0x1f];
	[sflag:s1] =	ssyncadd.s32 $0xFFFFFE00  }
0x5b: {  	[tilespmem:s17], [sflag:$0x3] =	stream.linear.gather [hbm4b:s24+s3], $0x400, $0x38;
	[tilespmem:$0x15FE0] =	vst v63  }
0x5c: {  	_ =	swait.ge [sflag:s1], $0x400  }
0x5d: {  	[sflag:s1] =	ssyncset.done $0x0  }
0x5e: {  	s26 =	rddreg [dreg:$0x17];
	[sflag:s1] =	ssyncadd.s32 $0xFFFFFC00  }
0x5f: {  	[tilespmem:s18], [sflag:$0x3] =	stream.linear.gather [hbm4b:s26+s3], $0x400, $0x38;
	[tilespmem:$0x15FE0] =	vst v63  }
0x60: {  	_ =	swait.ge [sflag:s1], $0x400  }
0x61: {  	s28 =	sld [smem:$0x7F9]  }
0x62: {  	[sflag:s1] =	ssyncset.done $0x0  }
0x63: {  	[sflag:s1] =	ssyncadd.s32 $0xFFFFFC00  }
0x64: {  	[tilespmem:s19], [sflag:$0x3] =	stream.linear.gather [hbm4b:s28+s3], $0x800, $0x38;
	[tilespmem:$0x15FE0] =	vst v63  }
0x65: {  	_ =	swait.ge [sflag:s1], $0x800  }
0x66: {  	s29 =	sld [smem:$0x7FA]  }
0x67: {  	[sflag:s1] =	ssyncset.done $0x0  }
0x68: {  	[sflag:s1] =	ssyncadd.s32 $0xFFFFF800  }
0x69: {  	[tilespmem:s20], [sflag:$0x3] =	stream.linear.gather [hbm4b:s29+s3], $0x800, $0x38;
	[tilespmem:$0x15FE0] =	vst v63  }
0x6a: {  	_ =	swait.ge [sflag:s1], $0x800  }
0x6b: {  	s30 =	sld [smem:$0x7FB]  }
0x6c: {  	[sflag:s1] =	ssyncset.done $0x0  }
0x6d: {  	[sflag:s1] =	ssyncadd.s32 $0xFFFFF800  }
0x6e: {  	[tilespmem:s9], [sflag:$0x3] =	stream.linear.gather [hbm4b:s30+s3], $0x8000, $0x38;
	[tilespmem:$0x15FE0] =	vst v63  }
0x6f: {  	_ =	swait.ge [sflag:s1], $0x8000  }
0x70: {  	[sflag:s1] =	ssyncset.done $0x0  }
0x71: {  	[sflag:s1] =	ssyncadd.s32 $0xFFFF8000  }
0x72: {  	s31 =	rddreg [dreg:$0x0]  }
0x73: {  	[tilespmem:s3], [sflag:$0x1] =	stream.linear.gather [hbm4b:s31+s3], $0x4000, $0x38;
	[tilespmem:$0x15FE0] =	vst v63  }
0x74: {  	v3 =	vld [tilespmem:$0x8000]  }
0x75: {  	v4 =	vld [tilespmem:$0x8010];
	_ =	sdelay $0x3  }
0x76: {  	[tilespmem:$0x1FFA0] =	vst v3  }
0x77: {  	p0 =	por $0x0, $0x0;
	s1 =	simm.s32 $0x0;
	[tilespmem:$0x1FFB0] =	vst v4  }
.LBB2_3:
0x78: {  	s0 =	simm.s32 $0x1  }
0x79: {  	s0 =	simm.s32 @!p0 $0x0  }
0x7a: {  	s4 =	sshll.u32 s0, $0xE  }
0x7b: {  	s5 =	sor.u32 $0xA00, s4;
	[smem:$0x7F5] =	sst s4  }
0x7c: {  	s29 =	smov.u32 s1;
	s2 =	sor.u32 $0x880, s4;
	[smem:$0x7F3] =	sst s5  }
0x7d: {  	s31 =	simm.s32 $0x1;
	s22 =	sor.u32 $0xB00, s4;
	[dreg:$0xd] =	wrdreg s2  }
0x7e: {  	p1 =	seq.s32 s29, $0x3F;
	s28 =	sor.u32 $0xA80, s4;
	[smem:$0x7F4] =	sst s22  }
0x7f: {  	s30 =	sor.u32 $0xB80, s4;
	s10 =	sand.u32 $0x4800, s5;
	[dreg:$0x10] =	wrdreg s28  }
0x80: {  	s24 =	sand.u32 $0x4800, s22;
	[dreg:$0x11] =	wrdreg s30;
	s23 =	sor.u32 $0x100, s10  }
0x81: {  	s10 =	sand.u32 $0x1, s1;
	s1 =	sadd.s32 $0x1, s1;
	[dreg:$0xe] =	wrdreg s23  }
0x82: {  	s13 =	simm.s32 @!p1 $0x0;
	s26 =	sor.u32 $0x180, s24;
	[smem:$0x7F7] =	sst s1  }
0x83: {  	s2 =	sshll.u32 @!p1 s10, $0xE;
	s10 =	sshll.u32 @!p1 s1, $0xB;
	s1 =	rddreg [dreg:$0x0]  }
0x84: {  	[dreg:$0xf] =	wrdreg s26;
	s2 =	sxor.u32 @!p1 $0x4000, s2;
	s10 =	sadd.s32 @!p1 s1, s10  }
0x85: {  	[tilespmem:s2], [sflag:$0x1] =	stream.linear.gather @!p1 [hbm4b:s10+s13], $0x4000, $0x38;
	[tilespmem:$0x15FE0] =	vst v63  }
0x86: {  	s6 =	simm.s32 $0x113E0;
	s7 =	simm.s32 $0x10800;
	_ =	swait.ge [sflag:s31], $0x4000  }
0x87: {  	s0 =	sshll.u32 s0, $0xD;
	p1 =	slt.u32 s29, $0x2;
	[sflag:s31] =	ssyncset.done $0x0  }
0x88: {  	s2 =	simm.s32 @!p1 $0x2;
	[smem:$0x7F6] =	sst s29;
	[sflag:s31] =	ssyncadd.s32 $0xFFFFC000  }
0x89: {  	s8 =	simm.s32 $0x117E0;
	s19 =	sor.u32 $0x11FE0, s0;
	_ =	swait.ge @!p1 [sflag:s2], $0x2000  }
0x8a: {  	s4 =	simm.s32 $0x111E0;
	s22 =	sadd.s32 $0x123E0, s0;
	[sflag:s2] =	ssyncset.done @!p1 $0x0  }
0x8b: {  	s5 =	simm.s32 $0x10400;
	s13 =	simm.s32 $0x0;
	[sflag:s2] =	ssyncadd.s32 @!p1 $0xFFFFE000  }
.LBB2_4:
0x8c: {  	s0 =	sld [smem:$0x7F5]  }
0x8d: {  	s2 =	rddreg [dreg:$0xd]  }
0x8e: {  	s18 =	rddreg [dreg:$0xe]  }
0x8f: {  	s1 =	sld [smem:$0x7F3];
	s15 =	sadd.s32 s13, s0  }
0x90: {  	s26 =	rddreg [dreg:$0xf];
	s2 =	sadd.s32 s13, s2;
	v7 =	vadd.s32 s15, v3  }
0x91: {  	s31 =	sld [smem:$0x7F4];
	s29 =	sadd.s32 s13, s18;
	v16 =	vadd.s32 s2, v3  }
0x92: {  	s28 =	rddreg [dreg:$0x10];
	s18 =	sadd.s32 s13, s1;
	v17 =	vadd.s32 s29, v3  }
0x93: {  	s30 =	sadd.s32 s13, s26;
	s26 =	sadd.s32 s13, s28;
	v19 =	vadd.s32 s18, v3  }
0x94: {  	s31 =	sadd.s32 s13, s31;
	v57 =	vadd.s32 s26, v3  }
0x95: {  	s14 =	sadd.s32 $0x80, s15;
	v58 =	vadd.s32 s31, v3;
	v7 =	vld.idx.msk [tilespmem:v7+s3+$0x0], $0xffff  }
0x96: {  	s21 =	sadd.s32 $0x200, s15;
	v8 =	vadd.s32 s14, v3;
	v24 =	vld.idx.msk [tilespmem:v16+s3+$0x0], $0xffff  }
0x97: {  	s24 =	sadd.s32 $0x180, s15;
	v11 =	vadd.s32 s21, v3;
	v25 =	vld.idx.msk [tilespmem:v17+s3+$0x0], $0xffff  }
0x98: {  	s23 =	rddreg [dreg:$0x11];
	s0 =	sadd.s32 $0x100, s15;
	v10 =	vadd.s32 s24, v3;
	v60 =	vld.idx.msk [tilespmem:v19+s3+$0x0], $0xffff  }
0x99: {  	s28 =	sadd.s32 s13, s23;
	v9 =	vadd.s32 s0, v3;
	v61 =	vld.idx.msk [tilespmem:v57+s3+$0x0], $0xffff  }
0x9a: {  	s10 =	sadd.s32 $0x280, s15;
	v59 =	vadd.s32 s28, v3;
	v26 =	vld.idx.msk [tilespmem:v58+s3+$0x0], $0xffff  }
0x9b: {  	s20 =	sadd.s32 $0x300, s15;
	v12 =	vadd.s32 s10, v3;
	v8 =	vld.idx.msk [tilespmem:v8+s3+$0x0], $0xffff  }
0x9c: {  	s17 =	sadd.s32 $0x380, s15;
	v13 =	vadd.s32 s20, v3;
	v11 =	vld.idx.msk [tilespmem:v11+s3+$0x0], $0xffff  }
0x9d: {  	v14 =	vadd.s32 s17, v3;
	v10 =	vld.idx.msk [tilespmem:v10+s3+$0x0], $0xffff  }
0x9e: {  	s16 =	sadd.s32 $0x800, s15;
	v18 =	vadd.s32 s30, v3;
	v9 =	vld.idx.msk [tilespmem:v9+s3+$0x0], $0xffff  }
0x9f: {  	v15 =	vadd.s32 s16, v3;
	v27 =	vld.idx.msk [tilespmem:v59+s3+$0x0], $0xffff;
	vm0 =	vge.f32 v7, v4  }
0xa0: {  	v12 =	vld.idx.msk [tilespmem:v12+s3+$0x0], $0xffff;
	vm12 =	vge.f32 v24, v4;
	v5 =	vsel vm0, v1, v0  }
0xa1: {  	v13 =	vld.idx.msk [tilespmem:v13+s3+$0x0], $0xffff;
	vm13 =	vge.f32 v25, v4;
	vm7 =	vge.f32 v11, v4;
	v11 =	vsel vm12, v1, v0  }
0xa2: {  	v14 =	vld.idx.msk [tilespmem:v14+s3+$0x0], $0xffff;
	vm4 =	vge.f32 v8, v4;
	vm6 =	vge.f32 v10, v4;
	v10 =	vsel vm13, v1, v0  }
0xa3: {  	v7 =	vld.idx.msk [tilespmem:v18+s3+$0x0], $0xffff;
	vm5 =	vge.f32 v9, v4;
	v18 =	vsel vm4, v1, v0  }
0xa4: {  	s23 =	simm.s32 $0x10020;
	v23 =	vld.idx.msk [tilespmem:v15+s3+$0x0], $0xffff;
	v3 =	vsel vm5, v1, v0  }
0xa5: {  	vm8 =	vge.f32 v12, v4;
	v15 =	vsel vm6, v1, v0;
	v28 =	vld.idx.msk [tilespmem:v5+s23+$0x0], $0xffff  }
0xa6: {  	vm9 =	vge.f32 v13, v4;
	v12 =	vsel vm8, v1, v0;
	v59 =	vld.idx.msk [tilespmem:v11+s23+$0x0], $0xffff  }
0xa7: {  	vm10 =	vge.f32 v14, v4;
	v6 =	vsel vm9, v1, v0;
	v33 =	vld.idx.msk [tilespmem:v10+s23+$0x0], $0xffff  }
0xa8: {  	v63 =	vmov v5;
	v5 =	vsel vm10, v1, v0;
	v29 =	vld.idx.msk [tilespmem:v18+s23+$0x0], $0xffff  }
0xa9: {  	vm11 =	vge.f32 v23, v4;
	v62 =	vsel vm7, v1, v0;
	vm14 =	vge.f32 v7, v4;
	v23 =	vld.idx.msk [tilespmem:v3+s23+$0x0], $0xffff  }
0xaa: {  	v7 =	vsel vm14, v1, v0;
	v55 =	vld.idx.msk [tilespmem:v15+s23+$0x0], $0xffff  }
0xab: {  	vm15 =	vge.f32 v60, v4;
	v54 =	vmov v3;
	v3 =	vsel vm11, v1, v0;
	v30 =	vld.idx.msk [tilespmem:v12+s23+$0x0], $0xffff  }
0xac: {  	vm4 =	vge.f32 v61, v4;
	v13 =	vmovc v12;
	v31 =	vld.idx.msk [tilespmem:v6+s23+$0x0], $0xffff;
	v12 =	vmov v6;
	v6 =	vsel vm15, v1, v0  }
0xad: {  	v9 =	vmov v5;
	v32 =	vld.idx.msk [tilespmem:v5+s23+$0x0], $0xffff;
	v5 =	vsel vm4, v1, v0  }
0xae: {  	v56 =	vld.idx.msk [tilespmem:v62+s23+$0x0], $0xffff;
	v28 =	vadd.s32 s15, v28  }
0xaf: {  	vm5 =	vge.f32 v26, v4;
	vm6 =	vge.f32 v27, v4;
	v34 =	vld.idx.msk [tilespmem:v7+s23+$0x0], $0xffff;
	v27 =	vadd.s32 s2, v59  }
0xb0: {  	v8 =	vmov v3;
	v58 =	vld.idx.msk [tilespmem:v3+s23+$0x0], $0xffff;
	v3 =	vsel vm5, v1, v0  }
0xb1: {  	v0 =	vsel vm6, v1, v0;
	v35 =	vld.idx.msk [tilespmem:v6+s23+$0x0], $0xffff  }
0xb2: {  	v29 =	vadd.s32 s14, v29;
	v36 =	vld.idx.msk [tilespmem:v5+s23+$0x0], $0xffff  }
0xb3: {  	v23 =	vadd.s32 s0, v23;
	v28 =	vld.idx.msk [tilespmem:v28+s3+$0x0], $0xffff  }
0xb4: {  	v24 =	vadd.s32 s24, v55;
	v25 =	vadd.s32 s21, v56;
	v56 =	vld.idx.msk [tilespmem:v27+s3+$0x0], $0xffff  }
0xb5: {  	v37 =	vld.idx.msk [tilespmem:v3+s23+$0x0], $0xffff  }
0xb6: {  	v30 =	vadd.s32 s10, v30;
	v38 =	vld.idx.msk [tilespmem:v0+s23+$0x0], $0xffff  }
0xb7: {  	v31 =	vadd.s32 s20, v31;
	v29 =	vld.idx.msk [tilespmem:v29+s3+$0x0], $0xffff  }
0xb8: {  	v49 =	vld.idx.msk [tilespmem:v23+s3+$0x0], $0xffff  }
0xb9: {  	v50 =	vld.idx.msk [tilespmem:v24+s3+$0x0], $0xffff  }
0xba: {  	v51 =	vld.idx.msk [tilespmem:v25+s3+$0x0], $0xffff  }
0xbb: {  	v30 =	vld.idx.msk [tilespmem:v30+s3+$0x0], $0xffff  }
0xbc: {  	v57 =	vmov v62;
	s23 =	simm.s32 $0x11000;
	v31 =	vld.idx.msk [tilespmem:v31+s3+$0x0], $0xffff  }
0xbd: {  	v39 =	vld.idx.msk [tilespmem:v63+s23+$0x0], $0xffff  }
0xbe: {  	v40 =	vld.idx.msk [tilespmem:v18+s23+$0x0], $0xffff  }
0xbf: {  	v41 =	vld.idx.msk [tilespmem:v54+s23+$0x0], $0xffff  }
0xc0: {  	v42 =	vld.idx.msk [tilespmem:v15+s23+$0x0], $0xffff  }
0xc1: {  	v43 =	vld.idx.msk [tilespmem:v57+s23+$0x0], $0xffff  }
0xc2: {  	v61 =	vshll.u32 v18, $0x1;
	v52 =	vshll.u32 v15, $0x1;
	v44 =	vld.idx.msk [tilespmem:v13+s23+$0x0], $0xffff  }
0xc3: {  	v33 =	vadd.s32 s29, v33;
	v55 =	vshll.u32 v57, $0x1;
	v32 =	vadd.s32 s17, v32;
	v45 =	vld.idx.msk [tilespmem:v12+s23+$0x0], $0xffff  }
0xc4: {  	v34 =	vadd.s32 s30, v34;
	v26 =	vadd.s32 s16, v58;
	v35 =	vadd.s32 s18, v35;
	v48 =	vld.idx.msk [tilespmem:v11+s23+$0x0], $0xffff  }
0xc5: {  	v23 =	vshll.u32 v63, $0x1;
	v58 =	vshll.u32 v13, $0x1;
	v36 =	vadd.s32 s26, v36  }
0xc6: {  	v37 =	vadd.s32 s31, v37;
	v38 =	vadd.s32 s28, v38;
	vm7 =	vge.f32 v28, v39  }
0xc7: {  	vm1 =	vge.f32 v29, v40;
	vm8 =	vge.f32 v49, v41;
	v41 =	vshll.u32 v54, $0x1  }
0xc8: {  	[tilespmem:$0x1FF40] =	vst v10;
	vm9 =	vge.f32 v50, v42;
	vm10 =	vge.f32 v51, v43;
	vm11 =	vge.f32 v30, v44  }
0xc9: {  	[tilespmem:$0x1FEA0] =	vst v63;
	v33 =	vld.idx.msk [tilespmem:v33+s3+$0x0], $0xffff;
	vm12 =	vge.f32 v31, v45;
	v45 =	vshll.u32 v8, $0x1;
	vm15 =	vge.f32 v56, v48  }
0xca: {  	[tilespmem:$0x1FED0] =	vst v15;
	v46 =	vld.idx.msk [tilespmem:v9+s23+$0x0], $0xffff;
	v48 =	vshll.u32 v10, $0x1;
	v51 =	vshll.u32 v7, $0x1;
	v60 =	vsel vm7, $0x1, v21  }
0xcb: {  	[tilespmem:$0x1FEC0] =	vst v54;
	v63 =	vld.idx.msk [tilespmem:v32+s3+$0x0], $0xffff;
	v62 =	vsel vm1, $0x1, v21;
	v49 =	vsel vm8, $0x1, v21;
	v53 =	vsel vm9, $0x1, v21  }
0xcc: {  	[tilespmem:$0x1FEE0] =	vst v57;
	v25 =	vmovc v15;
	v47 =	vld.idx.msk [tilespmem:v8+s23+$0x0], $0xffff;
	v57 =	vsel vm10, $0x1, v21;
	v59 =	vsel vm11, $0x1, v21;
	v17 =	vor.u32 v60, v23  }
0xcd: {  	v34 =	vld.idx.msk [tilespmem:v34+s3+$0x0], $0xffff;
	v1 =	vor.u32 v62, v61;
	v16 =	vor.u32 v49, v41;
	v15 =	vor.u32 v53, v52  }
0xce: {  	[tilespmem:$0x1FEF0] =	vst v13;
	v39 =	vld.idx.msk [tilespmem:v10+s23+$0x0], $0xffff;
	v14 =	vor.u32 v57, v55;
	v13 =	vor.u32 v59, v58;
	v60 =	vshll.u32 v12, $0x1  }
0xcf: {  	[tilespmem:$0x1FF00] =	vst v12;
	v54 =	vld.idx.msk [tilespmem:v26+s3+$0x0], $0xffff;
	v61 =	vsel vm12, $0x1, v21;
	v62 =	vshll.u32 v9, $0x1;
	v53 =	vshll.u32 v6, $0x1  }
0xd0: {  	v50 =	vld.idx.msk [tilespmem:v7+s23+$0x0], $0xffff;
	v26 =	vmovc v12;
	vm13 =	vge.f32 v63, v46;
	v12 =	vor.u32 v61, v60;
	v46 =	vshll.u32 v11, $0x1  }
0xd1: {  	[tilespmem:$0x1FF20] =	vst v8;
	v28 =	vmovc v8;
	v56 =	vand.u32 $0x7, v1;
	v8 =	vand.u32 $0x7, v16;
	v10 =	vand.u32 $0x7, v15  }
0xd2: {  	[tilespmem:$0x1FEB0] =	vst v18;
	v58 =	vand.u32 $0x7, v14;
	v60 =	vand.u32 $0x7, v13;
	v63 =	vsel vm13, $0x1, v21  }
0xd3: {  	[tilespmem:$0x1FF10] =	vst v9;
	v24 =	vld.idx.msk [tilespmem:v35+s3+$0x0], $0xffff;
	v42 =	vor.u32 v2, v8;
	v61 =	vand.u32 $0x7, v12;
	v18 =	vor.u32 v63, v62  }
0xd4: {  	v27 =	vmovc v9;
	v9 =	vld.idx.msk [tilespmem:v6+s23+$0x0], $0xffff;
	vm14 =	vge.f32 v54, v47;
	v47 =	vsel vm15, $0x1, v21;
	vm4 =	vge.f32 v33, v39  }
0xd5: {  	v49 =	vld.idx.msk [tilespmem:v5+s23+$0x0], $0xffff;
	vm5 =	vge.f32 v34, v50;
	v54 =	vand.u32 $0x7, v17;
	v39 =	vor.u32 v2, v10  }
0xd6: {  	v57 =	vld.idx.msk [tilespmem:v3+s23+$0x0], $0xffff;
	v62 =	vshll.u32 v3, $0x1;
	v41 =	vsel vm14, $0x1, v21;
	v50 =	vsel vm4, $0x1, v21  }
0xd7: {  	v36 =	vld.idx.msk [tilespmem:v36+s3+$0x0], $0xffff;
	v52 =	vsel vm5, $0x1, v21;
	v35 =	vor.u32 v47, v46;
	v40 =	vor.u32 v2, v54  }
0xd8: {  	v37 =	vld.idx.msk [tilespmem:v37+s3+$0x0], $0xffff;
	v47 =	vor.u32 v2, v58;
	v63 =	vand.u32 $0x7, v18;
	v22 =	vor.u32 v41, v45  }
0xd9: {  	v38 =	vld.idx.msk [tilespmem:v38+s3+$0x0], $0xffff;
	v19 =	vor.u32 v50, v48;
	v23 =	vor.u32 v52, v51;
	vm6 =	vge.f32 v24, v9  }
0xda: {  	v41 =	vor.u32 v2, v56;
	v9 =	vshll.u32 v5, $0x1;
	v24 =	vld.idx.msk [tilespmem:v0+s23+$0x0], $0xffff;
	s23 =	simm.s32 $0x10040;
	v45 =	vor.u32 v2, v60  }
0xdb: {  	v48 =	vor.u32 v2, v61;
	v51 =	vor.u32 v2, v63;
	v55 =	vsel vm6, $0x1, v21;
	v43 =	vld.idx.msk [tilespmem:v42+s23+$0x0], $0xffff  }
0xdc: {  	v54 =	vand.u32 $0x7, v35;
	v56 =	vshll.u32 v0, $0x1;
	v34 =	vor.u32 v55, v53;
	v55 =	vld.idx.msk [tilespmem:v39+s23+$0x0], $0xffff  }
0xdd: {  	vm7 =	vge.f32 v36, v49;
	v8 =	vand.u32 $0x7, v22;
	v58 =	vand.u32 $0x7, v23;
	v44 =	vld.idx.msk [tilespmem:v40+s23+$0x0], $0xffff  }
0xde: {  	v59 =	vsel vm7, $0x1, v21;
	vm8 =	vge.f32 v37, v57;
	v53 =	vor.u32 v2, v8;
	v49 =	vld.idx.msk [tilespmem:v47+s23+$0x0], $0xffff  }
0xdf: {  	v58 =	vor.u32 v2, v58;
	v36 =	vor.u32 v59, v9;
	v52 =	vsel vm8, $0x1, v21;
	v50 =	vld.idx.msk [tilespmem:v41+s23+$0x0], $0xffff  }
0xe0: {  	v9 =	vand.u32 $0x7, v19;
	v37 =	vor.u32 v52, v62;
	v52 =	vor.u32 v2, v54;
	v57 =	vld.idx.msk [tilespmem:v45+s23+$0x0], $0xffff  }
0xe1: {  	v10 =	vand.u32 $0x7, v34;
	v54 =	vor.u32 v2, v9;
	vm9 =	vge.f32 v38, v24;
	v46 =	vld.idx.msk [tilespmem:v48+s23+$0x0], $0xffff  }
0xe2: {  	v61 =	vor.u32 v2, v10;
	v62 =	vand.u32 $0x7, v36;
	v60 =	vld.idx.msk [tilespmem:v51+s23+$0x0], $0xffff;
	v59 =	vsel vm9, $0x1, v21  }
0xe3: {  	[tilespmem:$0x1FF30] =	vst v11;
	v24 =	vand.u32 $0x7, v37;
	v38 =	vor.u32 v59, v56;
	v56 =	vld.idx.msk [tilespmem:v53+s23+$0x0], $0xffff;
	v59 =	vor.u32 v2, v62  }
0xe4: {  	[tilespmem:$0x1FF80] =	vst v3;
	v30 =	vmov v3;
	v62 =	vor.u32 v2, v24;
	v3 =	vld.idx.msk [tilespmem:v58+s23+$0x0], $0xffff  }
0xe5: {  	[tilespmem:$0x1FF90] =	vst v0;
	v29 =	vmov v0;
	v43 =	vadd.s32 s0, v43;
	v0 =	vand.u32 $0x7, v38;
	v63 =	vld.idx.msk [tilespmem:v52+s23+$0x0], $0xffff  }
0xe6: {  	v11 =	vmov v1;
	[tilespmem:$0x1FE20] =	vst v1;
	v1 =	vld.idx.msk [tilespmem:v54+s23+$0x0], $0xffff;
	v0 =	vor.u32 v2, v0  }
0xe7: {  	v4 =	vld.idx.msk [tilespmem:v61+s23+$0x0], $0xffff;
	v44 =	vadd.s32 s15, v44  }
0xe8: {  	[tilespmem:$0x1FF70] =	vst v5;
	v31 =	vmov v5;
	v5 =	vld.idx.msk [tilespmem:v59+s23+$0x0], $0xffff  }
0xe9: {  	[tilespmem:$0x1FF60] =	vst v6;
	v32 =	vmov v6;
	v6 =	vld.idx.msk [tilespmem:v62+s23+$0x0], $0xffff  }
0xea: {  	v43 =	vld.idx.msk [tilespmem:v43+s3+$0x0], $0xffff  }
0xeb: {  	[tilespmem:$0x1FF50] =	vst v7;
	v33 =	vmov v7;
	v7 =	vld.idx.msk [tilespmem:v0+s23+$0x0], $0xffff  }
0xec: {  	s23 =	simm.s32 $0x11020;
	v44 =	vld.idx.msk [tilespmem:v44+s3+$0x0], $0xffff  }
0xed: {  	v40 =	vld.idx.msk [tilespmem:v40+s23+$0x0], $0xffff  }
0xee: {  	v8 =	vld.idx.msk [tilespmem:v41+s23+$0x0], $0xffff  }
0xef: {  	v42 =	vld.idx.msk [tilespmem:v42+s23+$0x0], $0xffff  }
0xf0: {  	v39 =	vld.idx.msk [tilespmem:v39+s23+$0x0], $0xffff  }
0xf1: {  	v47 =	vld.idx.msk [tilespmem:v47+s23+$0x0], $0xffff  }
0xf2: {  	v45 =	vld.idx.msk [tilespmem:v45+s23+$0x0], $0xffff  }
0xf3: {  	v48 =	vld.idx.msk [tilespmem:v48+s23+$0x0], $0xffff  }
0xf4: {  	v9 =	vld.idx.msk [tilespmem:v51+s23+$0x0], $0xffff  }
0xf5: {  	v10 =	vld.idx.msk [tilespmem:v53+s23+$0x0], $0xffff  }
0xf6: {  	v2 =	vld.idx.msk [tilespmem:v52+s23+$0x0], $0xffff  }
0xf7: {  	v24 =	vld.idx.msk [tilespmem:v54+s23+$0x0], $0xffff  }
0xf8: {  	v50 =	vadd.s32 s14, v50;
	v58 =	vld.idx.msk [tilespmem:v58+s23+$0x0], $0xffff  }
0xf9: {  	v46 =	vadd.s32 s20, v46;
	v53 =	vld.idx.msk [tilespmem:v61+s23+$0x0], $0xffff  }
0xfa: {  	v56 =	vadd.s32 s16, v56;
	v52 =	vld.idx.msk [tilespmem:v59+s23+$0x0], $0xffff  }
0xfb: {  	v3 =	vadd.s32 s30, v3;
	v54 =	vld.idx.msk [tilespmem:v62+s23+$0x0], $0xffff  }
0xfc: {  	v1 =	vadd.s32 s29, v1;
	v41 =	vld.idx.msk [tilespmem:v0+s23+$0x0], $0xffff  }
0xfd: {  	v4 =	vadd.s32 s18, v4;
	v50 =	vld.idx.msk [tilespmem:v50+s3+$0x0], $0xffff  }
0xfe: {  	v59 =	vadd.s32 s24, v55;
	v46 =	vld.idx.msk [tilespmem:v46+s3+$0x0], $0xffff  }
0xff: {  	v0 =	vadd.s32 s21, v49;
	v56 =	vld.idx.msk [tilespmem:v56+s3+$0x0], $0xffff  }
0x100: {  	v61 =	vadd.s32 s17, v60;
	v3 =	vld.idx.msk [tilespmem:v3+s3+$0x0], $0xffff  }
0x101: {  	v62 =	vadd.s32 s2, v63;
	v1 =	vld.idx.msk [tilespmem:v1+s3+$0x0], $0xffff  }
0x102: {  	[tilespmem:$0x1FE10] =	vst v17;
	v49 =	vadd.s32 s10, v57;
	v63 =	vshll.u32 v17, $0x1;
	v17 =	vshll.u32 v11, $0x1;
	v4 =	vld.idx.msk [tilespmem:v4+s3+$0x0], $0xffff  }
0x103: {  	v11 =	vshll.u32 v15, $0x1;
	v5 =	vadd.s32 s26, v5;
	v51 =	vld.idx.msk [tilespmem:v59+s3+$0x0], $0xffff;
	vm10 =	vge.f32 v44, v40  }
0x104: {  	v6 =	vadd.s32 s31, v6;
	v7 =	vadd.s32 s28, v7;
	v0 =	vld.idx.msk [tilespmem:v0+s3+$0x0], $0xffff;
	v44 =	vsel vm10, $0x1, v21  }
0x105: {  	v55 =	vld.idx.msk [tilespmem:v61+s3+$0x0], $0xffff;
	vm11 =	vge.f32 v50, v8;
	vm12 =	vge.f32 v43, v42;
	v40 =	vor.u32 v44, v63  }
0x106: {  	v57 =	vld.idx.msk [tilespmem:v62+s3+$0x0], $0xffff;
	v62 =	vshll.u32 v16, $0x1;
	v60 =	vsel vm11, $0x1, v21;
	v61 =	vand.u32 $0x7, v40  }
0x107: {  	v59 =	vld.idx.msk [tilespmem:v49+s3+$0x0], $0xffff;
	v43 =	vsel vm12, $0x1, v21;
	v44 =	vor.u32 v60, v17;
	v8 =	vor.u32 v20, v61  }
0x108: {  	[tilespmem:$0x1FE30] =	vst v16;
	vm4 =	vge.f32 v46, v48;
	v5 =	vld.idx.msk [tilespmem:v5+s3+$0x0], $0xffff;
	v50 =	vor.u32 v43, v62;
	v63 =	vand.u32 $0x7, v44  }
0x109: {  	[tilespmem:$0x1FE40] =	vst v15;
	v6 =	vld.idx.msk [tilespmem:v6+s3+$0x0], $0xffff;
	v16 =	vand.u32 $0x7, v50;
	vm13 =	vge.f32 v51, v39;
	v39 =	vor.u32 v20, v63  }
0x10a: {  	[tilespmem:$0x1FE70] =	vst v12;
	v7 =	vld.idx.msk [tilespmem:v7+s3+$0x0], $0xffff;
	vm14 =	vge.f32 v0, v47;
	v0 =	vor.u32 v20, v16;
	v15 =	vsel vm13, $0x1, v21  }
0x10b: {  	s1 =	simm.s32 $0x10080;
	[tilespmem:$0x1FE80] =	vst v18;
	v16 =	vshll.u32 v12, $0x1;
	v12 =	vshll.u32 v18, $0x1;
	v18 =	vld [tilespmem:$0x1FFF0];
	v49 =	vor.u32 v15, v11  }
0x10c: {  	s23 =	simm.s32 $0x11060;
	v17 =	vshll.u32 v14, $0x1;
	v51 =	vsel vm14, $0x1, v21;
	v11 =	vand.u32 $0x7, v49;
	v60 =	vld.idx.msk [tilespmem:v8+s1+$0x0], $0xffff  }
0x10d: {  	vm15 =	vge.f32 v59, v45;
	v51 =	vor.u32 v51, v17;
	v42 =	vor.u32 v20, v11;
	v17 =	vld.idx.msk [tilespmem:v8+s23+$0x0], $0xffff  }
0x10e: {  	[tilespmem:$0x1FE50] =	vst v14;
	v14 =	vshll.u32 v13, $0x1;
	v45 =	vsel vm15, $0x1, v21;
	v15 =	vand.u32 $0x7, v51;
	v59 =	vld.idx.msk [tilespmem:v39+s1+$0x0], $0xffff  }
0x10f: {  	vm5 =	vge.f32 v55, v9;
	v48 =	vor.u32 v45, v14;
	v43 =	vor.u32 v20, v15;
	v61 =	vld.idx.msk [tilespmem:v39+s23+$0x0], $0xffff  }
0x110: {  	[tilespmem:$0x1FE60] =	vst v13;
	vm6 =	vge.f32 v56, v10;
	v13 =	vsel vm5, $0x1, v21;
	v11 =	vand.u32 $0x7, v48;
	v62 =	vld.idx.msk [tilespmem:v0+s1+$0x0], $0xffff  }
0x111: {  	v45 =	vor.u32 v13, v12;
	v8 =	vsel vm4, $0x1, v21;
	v9 =	vor.u32 v20, v11;
	v11 =	vld.idx.msk [tilespmem:v0+s23+$0x0], $0xffff  }
0x112: {  	vm8 =	vge.f32 v1, v24;
	v47 =	vor.u32 v8, v16;
	v8 =	vand.u32 $0x7, v45;
	v55 =	vld.idx.msk [tilespmem:v42+s1+$0x0], $0xffff  }
0x113: {  	v1 =	vshll.u32 v19, $0x1;
	vm7 =	vge.f32 v57, v2;
	v46 =	vor.u32 v20, v8;
	v56 =	vld.idx.msk [tilespmem:v42+s23+$0x0], $0xffff  }
0x114: {  	v15 =	vshll.u32 v22, $0x1;
	v16 =	vsel vm6, $0x1, v21;
	v14 =	vand.u32 $0x7, v47;
	v63 =	vld.idx.msk [tilespmem:v43+s1+$0x0], $0xffff  }
0x115: {  	v13 =	vor.u32 v16, v15;
	v15 =	vshll.u32 v35, $0x1;
	v10 =	vor.u32 v20, v14;
	v57 =	vld.idx.msk [tilespmem:v43+s23+$0x0], $0xffff  }
0x116: {  	v16 =	vsel vm7, $0x1, v21;
	v8 =	vsel vm8, $0x1, v21;
	v0 =	vand.u32 $0x7, v13;
	v43 =	vld.idx.msk [tilespmem:v9+s1+$0x0], $0xffff  }
0x117: {  	v39 =	vor.u32 v16, v15;
	v15 =	vor.u32 v8, v1;
	v0 =	vor.u32 v20, v0;
	v9 =	vld.idx.msk [tilespmem:v9+s23+$0x0], $0xffff  }
0x118: {  	[tilespmem:$0x1FE90] =	vst v22;
	vm9 =	vge.f32 v3, v58;
	v2 =	vand.u32 $0x7, v39;
	v22 =	vand.u32 $0x7, v15;
	v58 =	vld.idx.msk [tilespmem:v46+s1+$0x0], $0xffff  }
0x119: {  	v2 =	vor.u32 v20, v2;
	v12 =	vor.u32 v20, v22;
	v22 =	vld.idx.msk [tilespmem:v46+s23+$0x0], $0xffff  }
0x11a: {  	v42 =	vld.idx.msk [tilespmem:v10+s1+$0x0], $0xffff  }
0x11b: {  	v3 =	vshll.u32 v23, $0x1;
	v16 =	vsel vm9, $0x1, v21;
	v10 =	vld.idx.msk [tilespmem:v10+s23+$0x0], $0xffff  }
0x11c: {  	v16 =	vor.u32 v16, v3;
	v46 =	vld.idx.msk [tilespmem:v0+s1+$0x0], $0xffff  }
0x11d: {  	v24 =	vand.u32 $0x7, v16;
	v60 =	vadd.s32 s15, v60;
	v3 =	vld.idx.msk [tilespmem:v0+s23+$0x0], $0xffff  }
0x11e: {  	v14 =	vor.u32 v20, v24;
	v1 =	vld.idx.msk [tilespmem:v2+s1+$0x0], $0xffff  }
0x11f: {  	v8 =	vld.idx.msk [tilespmem:v2+s23+$0x0], $0xffff  }
0x120: {  	v59 =	vadd.s32 s14, v59;
	v2 =	vld.idx.msk [tilespmem:v12+s1+$0x0], $0xffff  }
0x121: {  	vm10 =	vge.f32 v4, v53;
	v4 =	vld.idx.msk [tilespmem:v12+s23+$0x0], $0xffff;
	v12 =	vadd.s32 s0, v62  }
0x122: {  	vm11 =	vge.f32 v5, v52;
	v5 =	vadd.s32 s24, v55;
	v60 =	vld.idx.msk [tilespmem:v60+s3+$0x0], $0xffff  }
0x123: {  	vm2 =	vge.f32 v6, v54;
	v52 =	vadd.s32 s21, v63;
	v6 =	vld.idx.msk [tilespmem:v14+s1+$0x0], $0xffff  }
0x124: {  	v62 =	vshll.u32 v34, $0x1;
	v63 =	vsel vm10, $0x1, v21;
	v14 =	vld.idx.msk [tilespmem:v14+s23+$0x0], $0xffff;
	v43 =	vadd.s32 s10, v43  }
0x125: {  	v53 =	vshll.u32 v36, $0x1;
	v54 =	vor.u32 v63, v62;
	v59 =	vld.idx.msk [tilespmem:v59+s3+$0x0], $0xffff;
	v58 =	vadd.s32 s17, v58  }
0x126: {  	v55 =	vsel vm11, $0x1, v21;
	v24 =	vand.u32 $0x7, v54;
	v42 =	vadd.s32 s20, v42;
	v12 =	vld.idx.msk [tilespmem:v12+s3+$0x0], $0xffff  }
0x127: {  	vm12 =	vge.f32 v7, v41;
	v53 =	vor.u32 v55, v53;
	v7 =	vor.u32 v20, v24;
	v5 =	vld.idx.msk [tilespmem:v5+s3+$0x0], $0xffff  }
0x128: {  	v41 =	vshll.u32 v37, $0x1;
	v55 =	vsel vm2, $0x1, v21;
	v24 =	vand.u32 $0x7, v53;
	v52 =	vld.idx.msk [tilespmem:v52+s3+$0x0], $0xffff  }
0x129: {  	v55 =	vor.u32 v55, v41;
	v62 =	vor.u32 v20, v24;
	v43 =	vld.idx.msk [tilespmem:v43+s3+$0x0], $0xffff  }
0x12a: {  	v0 =	vand.u32 $0x7, v55;
	v58 =	vld.idx.msk [tilespmem:v58+s3+$0x0], $0xffff  }
0x12b: {  	v41 =	vshll.u32 v38, $0x1;
	v24 =	vsel vm12, $0x1, v21;
	v0 =	vor.u32 v20, v0;
	v42 =	vld.idx.msk [tilespmem:v42+s3+$0x0], $0xffff  }
0x12c: {  	v41 =	vor.u32 v24, v41;
	v24 =	vld.idx.msk [tilespmem:v7+s1+$0x0], $0xffff  }
0x12d: {  	v46 =	vadd.s32 s16, v46;
	v7 =	vld.idx.msk [tilespmem:v7+s23+$0x0], $0xffff  }
0x12e: {  	vm13 =	vge.f32 v60, v17;
	v20 =	vand.u32 $0x7, v41;
	v17 =	vld.idx.msk [tilespmem:v62+s1+$0x0], $0xffff  }
0x12f: {  	v20 =	vor.u32 v18, v20;
	v18 =	vld [tilespmem:$0x1FEB0]  }
0x130: {  	v1 =	vadd.s32 s2, v1;
	vm4 =	vge.f32 v5, v56;
	v5 =	vld.idx.msk [tilespmem:v0+s1+$0x0], $0xffff  }
0x131: {  	v2 =	vadd.s32 s29, v2;
	vm3 =	vge.f32 v59, v61;
	v59 =	vshll.u32 v40, $0x1;
	v56 =	vld [tilespmem:$0x1FEA0]  }
0x132: {  	v61 =	vsel vm13, $0x1, v21;
	v6 =	vadd.s32 s30, v6;
	vm5 =	vge.f32 v43, v9;
	v9 =	vld.idx.msk [tilespmem:v46+s3+$0x0], $0xffff  }
0x133: {  	v27 =	vshll.u32 v27, $0x3;
	v13 =	vshll.u32 v13, $0x1;
	v40 =	vor.u32 v61, v59;
	v0 =	vld.idx.msk [tilespmem:v0+s23+$0x0], $0xffff  }
0x134: {  	v61 =	vshll.u32 v51, $0x1;
	vm14 =	vge.f32 v12, v11;
	vm6 =	vge.f32 v52, v57;
	v60 =	vld.idx.msk [tilespmem:v20+s1+$0x0], $0xffff  }
0x135: {  	v52 =	vsel vm3, $0x1, v21;
	v1 =	vld.idx.msk [tilespmem:v1+s3+$0x0], $0xffff;
	vm9 =	vge.f32 v58, v22;
	v22 =	vshll.u32 v44, $0x1  }
0x136: {  	v2 =	vld.idx.msk [tilespmem:v2+s3+$0x0], $0xffff;
	v24 =	vadd.s32 s18, v24;
	v44 =	vor.u32 v52, v22;
	v17 =	vadd.s32 s26, v17  }
0x137: {  	v6 =	vld.idx.msk [tilespmem:v6+s3+$0x0], $0xffff;
	vm10 =	vge.f32 v9, v3;
	v3 =	vand.u32 $0x7, v40;
	v9 =	vshll.u32 v56, $0x3  }
0x138: {  	v57 =	vld.idx.msk [tilespmem:v20+s23+$0x0], $0xffff;
	v22 =	vand.u32 $0x7, v44;
	v59 =	vshll.u32 v18, $0x3;
	v3 =	vor.u32 v9, v3  }
0x139: {  	vm15 =	vge.f32 v42, v10;
	v10 =	vld.idx.msk [tilespmem:v62+s23+$0x0], $0xffff;
	v11 =	vadd.s32 s28, v60;
	v60 =	vor.u32 v59, v22  }
0x13a: {  	v46 =	vshll.u32 v25, $0x3;
	v20 =	vshll.u32 v50, $0x1;
	v58 =	vsel vm14, $0x1, v21;
	v18 =	vld [tilespmem:$0x1FEC0]  }
0x13b: {  	v51 =	vsel vm5, $0x1, v21;
	v52 =	vor.u32 v58, v20;
	v20 =	vshll.u32 v49, $0x1;
	v12 =	vld.idx.msk [tilespmem:v24+s3+$0x0], $0xffff  }
0x13c: {  	s1 =	simm.s32 $0x10100;
	v5 =	vadd.s32 s31, v5;
	vm11 =	vge.f32 v1, v8;
	v1 =	vsel vm4, $0x1, v21;
	v17 =	vld.idx.msk [tilespmem:v17+s3+$0x0], $0xffff  }
0x13d: {  	v58 =	vshll.u32 v47, $0x1;
	vm12 =	vge.f32 v2, v4;
	v49 =	vor.u32 v1, v20;
	v2 =	vld.idx.msk [tilespmem:v3+s1+$0x0], $0xffff  }
0x13e: {  	s23 =	simm.s32 $0x110E0;
	v62 =	vand.u32 $0x7, v52;
	vm13 =	vge.f32 v6, v14;
	v4 =	vand.u32 $0x7, v49;
	v6 =	vld.idx.msk [tilespmem:v60+s1+$0x0], $0xffff  }
0x13f: {  	v20 =	vshll.u32 v48, $0x1;
	v4 =	vor.u32 v46, v4;
	v63 =	vshll.u32 v18, $0x3;
	v18 =	vld.idx.msk [tilespmem:v3+s23+$0x0], $0xffff  }
0x140: {  	v22 =	vsel vm6, $0x1, v21;
	v48 =	vor.u32 v51, v20;
	v20 =	vsel vm15, $0x1, v21;
	v3 =	vld [tilespmem:$0x1FEE0]  }
0x141: {  	v25 =	vsel vm10, $0x1, v21;
	v51 =	vshll.u32 v28, $0x3;
	v5 =	vld.idx.msk [tilespmem:v5+s3+$0x0], $0xffff;
	v24 =	vor.u32 v63, v62  }
0x142: {  	v28 =	vshll.u32 v55, $0x1;
	v50 =	vor.u32 v22, v61;
	v59 =	vand.u32 $0x7, v48;
	v1 =	vld.idx.msk [tilespmem:v11+s3+$0x0], $0xffff  }
0x143: {  	v47 =	vor.u32 v20, v58;
	v20 =	vshll.u32 v45, $0x1;
	v58 =	vshll.u32 v15, $0x1;
	v9 =	vld.idx.msk [tilespmem:v60+s23+$0x0], $0xffff  }
0x144: {  	v56 =	vand.u32 $0x7, v50;
	v62 =	vsel vm9, $0x1, v21;
	v43 =	vld.idx.msk [tilespmem:v4+s1+$0x0], $0xffff;
	v2 =	vadd.s32 s15, v2  }
0x145: {  	v63 =	vand.u32 $0x7, v47;
	v4 =	vld.idx.msk [tilespmem:v4+s23+$0x0], $0xffff;
	v22 =	vshll.u32 v3, $0x3;
	v6 =	vadd.s32 s14, v6  }
0x146: {  	v45 =	vor.u32 v62, v20;
	v62 =	vshll.u32 v16, $0x1;
	v8 =	vld.idx.msk [tilespmem:v24+s23+$0x0], $0xffff;
	v14 =	vor.u32 v22, v56  }
0x147: {  	vm14 =	vge.f32 v12, v7;
	vm15 =	vge.f32 v17, v10;
	v22 =	vld.idx.msk [tilespmem:v24+s1+$0x0], $0xffff;
	v24 =	vshll.u32 v26, $0x3  }
0x148: {  	v3 =	vld [tilespmem:$0x1FEF0];
	v26 =	vand.u32 $0x7, v45;
	v56 =	vor.u32 v25, v13;
	v20 =	vor.u32 v24, v63  }
0x149: {  	v7 =	vor.u32 v27, v26;
	v13 =	vand.u32 $0x7, v56;
	v26 =	vadd.s32 s24, v43;
	v2 =	vld.idx.msk [tilespmem:v2+s3+$0x0], $0xffff  }
0x14a: {  	vm7 =	vge.f32 v5, v0;
	v24 =	vsel vm13, $0x1, v21;
	v0 =	vor.u32 v51, v13;
	v6 =	vld.idx.msk [tilespmem:v6+s3+$0x0], $0xffff  }
0x14b: {  	v25 =	vsel vm14, $0x1, v21;
	v63 =	vshll.u32 v54, $0x1;
	v15 =	vor.u32 v24, v62;
	v46 =	vld.idx.msk [tilespmem:v14+s1+$0x0], $0xffff  }
0x14c: {  	v16 =	vor.u32 v25, v63;
	v25 =	vshll.u32 v33, $0x3;
	v24 =	vand.u32 $0x7, v15;
	v12 =	vld.idx.msk [tilespmem:v14+s23+$0x0], $0xffff  }
0x14d: {  	v5 =	vshll.u32 v39, $0x1;
	v60 =	vshll.u32 v3, $0x3;
	v54 =	vor.u32 v25, v24;
	v14 =	vld.idx.msk [tilespmem:v20+s23+$0x0], $0xffff  }
0x14e: {  	v61 =	vor.u32 v60, v59;
	v59 =	vsel vm11, $0x1, v21;
	v60 =	vsel vm12, $0x1, v21;
	v39 =	vld.idx.msk [tilespmem:v26+s3+$0x0], $0xffff  }
0x14f: {  	v27 =	vshll.u32 v53, $0x1;
	v5 =	vor.u32 v59, v5;
	v13 =	vor.u32 v60, v58;
	v42 =	vld.idx.msk [tilespmem:v0+s1+$0x0], $0xffff  }
0x150: {  	v58 =	vsel vm15, $0x1, v21;
	v59 =	vsel vm7, $0x1, v21;
	v26 =	vand.u32 $0x7, v16;
	v3 =	vld.idx.msk [tilespmem:v0+s23+$0x0], $0xffff  }
0x151: {  	v43 =	vor.u32 v58, v27;
	v55 =	vor.u32 v59, v28;
	v0 =	vld [tilespmem:$0x1FF30];
	v27 =	vshll.u32 v32, $0x3  }
0x152: {  	v33 =	vshll.u32 v30, $0x3;
	v58 =	vor.u32 v27, v26;
	v32 =	vand.u32 $0x7, v55;
	v27 =	vld.idx.msk [tilespmem:v54+s1+$0x0], $0xffff  }
0x153: {  	vm8 =	vge.f32 v1, v57;
	v1 =	vor.u32 v33, v32;
	v32 =	vld.idx.msk [tilespmem:v54+s23+$0x0], $0xffff  }
0x154: {  	v22 =	vadd.s32 s0, v22;
	v10 =	vld.idx.msk [tilespmem:v61+s1+$0x0], $0xffff  }
0x155: {  	v31 =	vshll.u32 v31, $0x3;
	v28 =	vand.u32 $0x7, v43;
	v11 =	vld.idx.msk [tilespmem:v61+s23+$0x0], $0xffff  }
0x156: {  	v59 =	vor.u32 v31, v28;
	v61 =	vld.idx.msk [tilespmem:v20+s1+$0x0], $0xffff  }
0x157: {  	v20 =	vld.idx.msk [tilespmem:v7+s1+$0x0], $0xffff  }
0x158: {  	v7 =	vld.idx.msk [tilespmem:v7+s23+$0x0], $0xffff  }
0x159: {  	v22 =	vld.idx.msk [tilespmem:v22+s3+$0x0], $0xffff  }
0x15a: {  	v46 =	vadd.s32 s21, v46;
	v28 =	vld.idx.msk [tilespmem:v58+s1+$0x0], $0xffff  }
0x15b: {  	vm9 =	vge.f32 v2, v18;
	v2 =	vld.idx.msk [tilespmem:v59+s1+$0x0], $0xffff  }
0x15c: {  	vm12 =	vge.f32 v39, v4;
	v30 =	vadd.s32 s16, v42;
	v4 =	vld.idx.msk [tilespmem:v1+s1+$0x0], $0xffff  }
0x15d: {  	v38 =	vshll.u32 v38, $0x3;
	v1 =	vld.idx.msk [tilespmem:v1+s23+$0x0], $0xffff;
	v10 =	vadd.s32 s10, v10  }
0x15e: {  	v60 =	vand.u32 $0x7, v5;
	v17 =	vadd.s32 s20, v61;
	v61 =	vshll.u32 v0, $0x3;
	v0 =	vld [tilespmem:$0x1FF40]  }
0x15f: {  	v41 =	vshll.u32 v41, $0x1;
	v25 =	vsel vm8, $0x1, v21;
	v46 =	vld.idx.msk [tilespmem:v46+s3+$0x0], $0xffff;
	v51 =	vor.u32 v61, v60  }
0x160: {  	v62 =	vand.u32 $0x7, v13;
	v5 =	vshll.u32 v5, $0x1;
	v20 =	vadd.s32 s17, v20;
	v61 =	vld.idx.msk [tilespmem:v59+s23+$0x0], $0xffff  }
0x161: {  	vm10 =	vge.f32 v6, v9;
	v54 =	vshll.u32 v44, $0x1;
	v60 =	vor.u32 v25, v41;
	v9 =	vld.idx.msk [tilespmem:v30+s3+$0x0], $0xffff  }
0x162: {  	vm11 =	vge.f32 v22, v8;
	v41 =	vand.u32 $0x7, v60;
	v2 =	vadd.s32 s26, v2;
	v10 =	vld.idx.msk [tilespmem:v10+s3+$0x0], $0xffff  }
0x163: {  	v4 =	vadd.s32 s31, v4;
	v63 =	vshll.u32 v0, $0x3;
	v17 =	vld.idx.msk [tilespmem:v17+s3+$0x0], $0xffff;
	v0 =	vshll.u32 v29, $0x3  }
0x164: {  	v18 =	vshll.u32 v52, $0x1;
	v22 =	vsel vm11, $0x1, v21;
	v24 =	vld.idx.msk [tilespmem:v51+s1+$0x0], $0xffff;
	v0 =	vor.u32 v0, v41  }
0x165: {  	v20 =	vld.idx.msk [tilespmem:v20+s3+$0x0], $0xffff;
	vm13 =	vge.f32 v46, v12;
	v53 =	vor.u32 v63, v62;
	v41 =	vor.u32 v22, v18  }
0x166: {  	v6 =	vld.idx.msk [tilespmem:v51+s23+$0x0], $0xffff;
	v62 =	vadd.s32 s30, v27;
	v18 =	vadd.s32 s18, v28;
	v22 =	vshll.u32 v50, $0x1  }
0x167: {  	v63 =	vshll.u32 v48, $0x1;
	v25 =	vsel vm13, $0x1, v21;
	vm8 =	vge.f32 v9, v3;
	v2 =	vld.idx.msk [tilespmem:v2+s3+$0x0], $0xffff  }
0x168: {  	v27 =	vshll.u32 v45, $0x1;
	v3 =	vshll.u32 v56, $0x1;
	v9 =	vsel vm8, $0x1, v21;
	v4 =	vld.idx.msk [tilespmem:v4+s3+$0x0], $0xffff  }
0x169: {  	v48 =	vor.u32 v9, v3;
	vm7 =	vge.f32 v10, v11;
	v31 =	vadd.s32 s2, v24;
	v57 =	vld.idx.msk [tilespmem:v0+s1+$0x0], $0xffff  }
0x16a: {  	vm14 =	vge.f32 v17, v14;
	vm15 =	vge.f32 v20, v7;
	v20 =	vsel vm10, $0x1, v21;
	v26 =	vld.idx.msk [tilespmem:v53+s1+$0x0], $0xffff  }
0x16b: {  	v7 =	vsel vm9, $0x1, v21;
	v8 =	vld.idx.msk [tilespmem:v53+s23+$0x0], $0xffff;
	v53 =	vshll.u32 v40, $0x1;
	v52 =	vor.u32 v20, v54  }
0x16c: {  	v20 =	vshll.u32 v49, $0x1;
	v24 =	vsel vm12, $0x1, v21;
	v54 =	vor.u32 v25, v22;
	v17 =	vld.idx.msk [tilespmem:v62+s3+$0x0], $0xffff  }
0x16d: {  	v22 =	vshll.u32 v47, $0x1;
	v28 =	vsel vm14, $0x1, v21;
	v29 =	vsel vm15, $0x1, v21;
	v18 =	vld.idx.msk [tilespmem:v18+s3+$0x0], $0xffff  }
0x16e: {  	v51 =	vor.u32 v7, v53;
	v53 =	vor.u32 v24, v20;
	v10 =	vld.idx.msk [tilespmem:v31+s3+$0x0], $0xffff;
	v20 =	vadd.s32 s28, v57  }
0x16f: {  	v62 =	vshll.u32 v36, $0x3;
	v7 =	vld.idx.msk [tilespmem:v58+s23+$0x0], $0xffff;
	v45 =	vor.u32 v28, v22;
	v46 =	vor.u32 v29, v27  }
0x170: {  	v58 =	vshll.u32 v35, $0x3;
	v22 =	vshll.u32 v34, $0x3;
	v33 =	vadd.s32 s29, v26  }
0x171: {  	v35 =	vshll.u32 v37, $0x3;
	vm13 =	vge.f32 v2, v61;
	v2 =	vshll.u32 v16, $0x1  }
0x172: {  	v0 =	vld.idx.msk [tilespmem:v0+s23+$0x0], $0xffff;
	vm14 =	vge.f32 v4, v1;
	v1 =	vshll.u32 v55, $0x1;
	v55 =	vand.u32 $0x7, v48  }
0x173: {  	v26 =	vsel vm7, $0x1, v21;
	vm11 =	vge.f32 v17, v32;
	vm9 =	vge.f32 v10, v6;
	v30 =	vld.idx.msk [tilespmem:v20+s3+$0x0], $0xffff  }
0x174: {  	v32 =	vand.u32 $0x7, v46;
	vm12 =	vge.f32 v18, v7;
	v3 =	vsel vm9, $0x1, v21  }
0x175: {  	v12 =	vld.idx.msk [tilespmem:v33+s3+$0x0], $0xffff;
	v49 =	vor.u32 v3, v5;
	v3 =	vshll.u32 v15, $0x1;
	v5 =	vsel vm11, $0x1, v21  }
0x176: {  	v56 =	vld [tilespmem:$0x1FE90];
	v42 =	vor.u32 v26, v63;
	v47 =	vor.u32 v5, v3;
	v3 =	vsel vm12, $0x1, v21  }
0x177: {  	v4 =	vld [tilespmem:$0x1FE40];
	v18 =	vshll.u32 v23, $0x3;
	v5 =	vshll.u32 v43, $0x1;
	v43 =	vor.u32 v3, v2  }
0x178: {  	v31 =	vld [tilespmem:$0x1FE70];
	v2 =	vsel vm14, $0x1, v21;
	v61 =	vand.u32 $0x7, v47;
	vm15 =	vge.f32 v30, v0  }
0x179: {  	v33 =	vld [tilespmem:$0x1FE80];
	v40 =	vor.u32 v2, v1;
	v0 =	vshll.u32 v60, $0x1;
	v1 =	vsel vm15, $0x1, v21  }
0x17a: {  	vm10 =	vge.f32 v12, v8;
	v16 =	vor.u32 v18, v61;
	v39 =	vor.u32 v1, v0;
	v1 =	vld [tilespmem:$0x1FE10]  }
0x17b: {  	v6 =	vshll.u32 v13, $0x1;
	v3 =	vld [tilespmem:$0x1FE30];
	v8 =	vsel vm10, $0x1, v21;
	v34 =	vand.u32 $0x7, v40  }
0x17c: {  	v2 =	vld [tilespmem:$0x1FE20];
	v50 =	vor.u32 v8, v6;
	v6 =	vsel vm13, $0x1, v21;
	v24 =	vor.u32 v35, v34  }
0x17d: {  	v4 =	vshll.u32 v4, $0x3;
	v44 =	vor.u32 v6, v5;
	v5 =	vld [tilespmem:$0x1FE50];
	v37 =	vand.u32 $0x7, v39  }
0x17e: {  	v57 =	vand.u32 $0x7, v49;
	v12 =	vshll.u32 v56, $0x3;
	v6 =	vld [tilespmem:$0x1FE60];
	v26 =	vor.u32 v38, v37  }
0x17f: {  	v60 =	vshll.u32 v19, $0x3;
	v0 =	vand.u32 $0x7, v51;
	v56 =	vld.idx.msk [tilespmem:v16+s25+$0x0], $0xffff;
	v1 =	vshll.u32 v1, $0x3  }
0x180: {  	v18 =	vand.u32 $0x7, v43;
	v59 =	vand.u32 $0x7, v50;
	v16 =	vld.idx.msk [tilespmem:v16+s4+$0x0], $0xffff;
	v0 =	vor.u32 v1, v0  }
0x181: {  	v14 =	vor.u32 v60, v59;
	v2 =	vshll.u32 v2, $0x3;
	v59 =	vld.idx.msk [tilespmem:v24+s25+$0x0], $0xffff;
	v1 =	vand.u32 $0x7, v52  }
0x182: {  	v10 =	vshll.u32 v33, $0x3;
	v18 =	vor.u32 v22, v18;
	v24 =	vld.idx.msk [tilespmem:v24+s4+$0x0], $0xffff;
	v1 =	vor.u32 v2, v1  }
0x183: {  	v3 =	vshll.u32 v3, $0x3;
	v22 =	vand.u32 $0x7, v44;
	v2 =	vand.u32 $0x7, v41;
	v60 =	vld.idx.msk [tilespmem:v26+s25+$0x0], $0xffff  }
0x184: {  	v22 =	vor.u32 v62, v22;
	v26 =	vld.idx.msk [tilespmem:v26+s4+$0x0], $0xffff;
	v2 =	vor.u32 v3, v2;
	v3 =	vand.u32 $0x7, v53  }
0x185: {  	v5 =	vshll.u32 v5, $0x3;
	v3 =	vor.u32 v4, v3;
	v4 =	vand.u32 $0x7, v54;
	v7 =	vld.idx.msk [tilespmem:v0+s25+$0x0], $0xffff  }
0x186: {  	v6 =	vshll.u32 v6, $0x3;
	v4 =	vor.u32 v5, v4;
	v5 =	vand.u32 $0x7, v42;
	v0 =	vld.idx.msk [tilespmem:v0+s4+$0x0], $0xffff  }
0x187: {  	v8 =	vshll.u32 v31, $0x3;
	v5 =	vor.u32 v6, v5;
	v6 =	vand.u32 $0x7, v45;
	v9 =	vld.idx.msk [tilespmem:v1+s25+$0x0], $0xffff  }
0x188: {  	v6 =	vor.u32 v8, v6;
	v8 =	vor.u32 v10, v32;
	v10 =	vor.u32 v12, v55;
	v55 =	vld.idx.msk [tilespmem:v14+s25+$0x0], $0xffff  }
0x189: {  	v12 =	vor.u32 v58, v57;
	v57 =	vld.idx.msk [tilespmem:v18+s25+$0x0], $0xffff  }
0x18a: {  	v58 =	vld.idx.msk [tilespmem:v22+s25+$0x0], $0xffff  }
0x18b: {  	v1 =	vld.idx.msk [tilespmem:v1+s4+$0x0], $0xffff  }
0x18c: {  	v14 =	vld.idx.msk [tilespmem:v14+s4+$0x0], $0xffff  }
0x18d: {  	v18 =	vld.idx.msk [tilespmem:v18+s4+$0x0], $0xffff  }
0x18e: {  	v22 =	vld.idx.msk [tilespmem:v22+s4+$0x0], $0xffff  }
0x18f: {  	v11 =	vld.idx.msk [tilespmem:v2+s25+$0x0], $0xffff  }
0x190: {  	v2 =	vld.idx.msk [tilespmem:v2+s4+$0x0], $0xffff  }
0x191: {  	v13 =	vld.idx.msk [tilespmem:v3+s25+$0x0], $0xffff  }
0x192: {  	v3 =	vld.idx.msk [tilespmem:v3+s4+$0x0], $0xffff  }
0x193: {  	v15 =	vld.idx.msk [tilespmem:v4+s25+$0x0], $0xffff  }
0x194: {  	v4 =	vld.idx.msk [tilespmem:v4+s4+$0x0], $0xffff  }
0x195: {  	v17 =	vld.idx.msk [tilespmem:v5+s25+$0x0], $0xffff  }
0x196: {  	v5 =	vld.idx.msk [tilespmem:v5+s4+$0x0], $0xffff  }
0x197: {  	v20 =	vld.idx.msk [tilespmem:v6+s25+$0x0], $0xffff  }
0x198: {  	v23 =	vld.idx.msk [tilespmem:v8+s25+$0x0], $0xffff  }
0x199: {  	v63 =	vld.idx.msk [tilespmem:v10+s25+$0x0], $0xffff  }
0x19a: {  	v7 =	vadd.s32 s15, v7;
	v36 =	vld.idx.msk [tilespmem:v12+s25+$0x0], $0xffff  }
0x19b: {  	v6 =	vld.idx.msk [tilespmem:v6+s4+$0x0], $0xffff;
	v9 =	vadd.s32 s14, v9  }
0x19c: {  	v28 =	vadd.s32 s30, v56;
	v8 =	vld.idx.msk [tilespmem:v8+s4+$0x0], $0xffff  }
0x19d: {  	v10 =	vld.idx.msk [tilespmem:v10+s4+$0x0], $0xffff;
	v11 =	vadd.s32 s0, v11  }
0x19e: {  	v12 =	vld.idx.msk [tilespmem:v12+s4+$0x0], $0xffff;
	v13 =	vadd.s32 s24, v13  }
0x19f: {  	v15 =	vadd.s32 s21, v15;
	v7 =	vld.idx.msk [tilespmem:v7+s3+$0x0], $0xffff  }
0x1a0: {  	v17 =	vadd.s32 s10, v17;
	v9 =	vld.idx.msk [tilespmem:v9+s3+$0x0], $0xffff  }
0x1a1: {  	v20 =	vadd.s32 s20, v20;
	v27 =	vadd.s32 s2, v36;
	v36 =	vshll.u32 v41, $0x1;
	v41 =	vld.idx.msk [tilespmem:v28+s3+$0x0], $0xffff  }
0x1a2: {  	v23 =	vadd.s32 s17, v23;
	v11 =	vld.idx.msk [tilespmem:v11+s3+$0x0], $0xffff  }
0x1a3: {  	v25 =	vadd.s32 s16, v63;
	v13 =	vld.idx.msk [tilespmem:v13+s3+$0x0], $0xffff  }
0x1a4: {  	v15 =	vld.idx.msk [tilespmem:v15+s3+$0x0], $0xffff  }
0x1a5: {  	v29 =	vadd.s32 s29, v55;
	vm4 =	vge.f32 v7, v0;
	v0 =	vld.idx.msk [tilespmem:v17+s3+$0x0], $0xffff  }
0x1a6: {  	v30 =	vadd.s32 s18, v57;
	vm5 =	vge.f32 v9, v1;
	v1 =	vld.idx.msk [tilespmem:v20+s3+$0x0], $0xffff  }
0x1a7: {  	v32 =	vadd.s32 s31, v59;
	v23 =	vld.idx.msk [tilespmem:v23+s3+$0x0], $0xffff  }
0x1a8: {  	v62 =	vshll.u32 v51, $0x1;
	v7 =	vadd.s32 s28, v60;
	vm6 =	vge.f32 v11, v2;
	v2 =	vld.idx.msk [tilespmem:v25+s3+$0x0], $0xffff  }
0x1a9: {  	v31 =	vadd.s32 s26, v58;
	v61 =	vsel vm4, $0x1, v21;
	vm7 =	vge.f32 v13, v3;
	v3 =	vld.idx.msk [tilespmem:v27+s3+$0x0], $0xffff  }
0x1aa: {  	v9 =	vor.u32 v61, v62;
	vm8 =	vge.f32 v15, v4;
	v4 =	vld.idx.msk [tilespmem:v29+s3+$0x0], $0xffff  }
0x1ab: {  	v20 =	vshll.u32 v52, $0x1;
	v63 =	vsel vm5, $0x1, v21;
	vm9 =	vge.f32 v0, v5;
	v0 =	vld.idx.msk [tilespmem:v30+s3+$0x0], $0xffff  }
0x1ac: {  	v17 =	vor.u32 v63, v20;
	v5 =	vshll.u32 v42, $0x1;
	v42 =	vld.idx.msk [tilespmem:v32+s3+$0x0], $0xffff  }
0x1ad: {  	v20 =	vsel vm6, $0x1, v21;
	v7 =	vld.idx.msk [tilespmem:v7+s3+$0x0], $0xffff  }
0x1ae: {  	v11 =	vor.u32 v20, v36;
	vm10 =	vge.f32 v1, v6;
	v1 =	vld.idx.msk [tilespmem:v31+s3+$0x0], $0xffff  }
0x1af: {  	v37 =	vshll.u32 v53, $0x1;
	v13 =	vsel vm7, $0x1, v21;
	v59 =	vld.idx.msk [tilespmem:v9+s6+$0x0], $0xffff  }
0x1b0: {  	v13 =	vor.u32 v13, v37;
	vm13 =	vge.f32 v3, v12;
	v3 =	vld.idx.msk [tilespmem:v9+s5+$0x0], $0xffff  }
0x1b1: {  	v20 =	vshll.u32 v54, $0x1;
	v38 =	vsel vm8, $0x1, v21;
	v60 =	vld.idx.msk [tilespmem:v17+s6+$0x0], $0xffff  }
0x1b2: {  	v15 =	vor.u32 v38, v20;
	vm14 =	vge.f32 v4, v14;
	v4 =	vld.idx.msk [tilespmem:v17+s5+$0x0], $0xffff  }
0x1b3: {  	v20 =	vsel vm9, $0x1, v21;
	v52 =	vld.idx.msk [tilespmem:v11+s5+$0x0], $0xffff  }
0x1b4: {  	v5 =	vor.u32 v20, v5;
	v61 =	vld.idx.msk [tilespmem:v11+s6+$0x0], $0xffff  }
0x1b5: {  	vm11 =	vge.f32 v23, v8;
	v6 =	vsel vm10, $0x1, v21;
	v20 =	vshll.u32 v45, $0x1;
	v53 =	vld.idx.msk [tilespmem:v13+s5+$0x0], $0xffff  }
0x1b6: {  	v23 =	vshll.u32 v46, $0x1;
	v46 =	vsel vm11, $0x1, v21;
	v6 =	vor.u32 v6, v20;
	v62 =	vld.idx.msk [tilespmem:v13+s6+$0x0], $0xffff  }
0x1b7: {  	v20 =	vor.u32 v46, v23;
	vm4 =	vge.f32 v0, v18;
	v0 =	vld.idx.msk [tilespmem:v15+s5+$0x0], $0xffff  }
0x1b8: {  	vm12 =	vge.f32 v2, v10;
	v63 =	vld.idx.msk [tilespmem:v15+s6+$0x0], $0xffff  }
0x1b9: {  	v2 =	vshll.u32 v48, $0x1;
	v10 =	vsel vm12, $0x1, v21;
	vm5 =	vge.f32 v1, v22;
	v1 =	vld.idx.msk [tilespmem:v5+s5+$0x0], $0xffff  }
0x1ba: {  	v56 =	vshll.u32 v39, $0x1;
	v2 =	vor.u32 v10, v2;
	v39 =	vld.idx.msk [tilespmem:v5+s6+$0x0], $0xffff  }
0x1bb: {  	v49 =	vshll.u32 v49, $0x1;
	v48 =	vsel vm13, $0x1, v21;
	v28 =	vld.idx.msk [tilespmem:v6+s5+$0x0], $0xffff  }
0x1bc: {  	v51 =	vshll.u32 v50, $0x1;
	v10 =	vor.u32 v48, v49;
	v8 =	vld.idx.msk [tilespmem:v20+s5+$0x0], $0xffff  }
0x1bd: {  	vm15 =	vge.f32 v41, v16;
	v54 =	vshll.u32 v47, $0x1;
	v23 =	vsel vm14, $0x1, v21;
	v41 =	vld.idx.msk [tilespmem:v6+s6+$0x0], $0xffff  }
0x1be: {  	vm6 =	vge.f32 v42, v24;
	v12 =	vor.u32 v23, v51;
	v22 =	vshll.u32 v43, $0x1;
	v43 =	vld.idx.msk [tilespmem:v20+s6+$0x0], $0xffff  }
0x1bf: {  	vm7 =	vge.f32 v7, v26;
	v23 =	vsel vm15, $0x1, v21;
	v18 =	vsel vm4, $0x1, v21;
	v7 =	vld.idx.msk [tilespmem:v2+s5+$0x0], $0xffff  }
0x1c0: {  	v24 =	vsel vm6, $0x1, v21;
	v16 =	vor.u32 v23, v54;
	v23 =	vshll.u32 v44, $0x1;
	v44 =	vld.idx.msk [tilespmem:v2+s6+$0x0], $0xffff  }
0x1c1: {  	v26 =	vsel vm7, $0x1, v21;
	v55 =	vsel vm5, $0x1, v21;
	v18 =	vor.u32 v18, v22;
	v27 =	vld.idx.msk [tilespmem:v10+s5+$0x0], $0xffff  }
0x1c2: {  	v32 =	vor.u32 v26, v56;
	v22 =	vor.u32 v55, v23;
	v23 =	vshll.u32 v40, $0x1;
	v45 =	vld.idx.msk [tilespmem:v10+s6+$0x0], $0xffff  }
0x1c3: {  	v23 =	vor.u32 v24, v23;
	v24 =	vld.idx.msk [tilespmem:v12+s5+$0x0], $0xffff  }
0x1c4: {  	v46 =	vld.idx.msk [tilespmem:v12+s6+$0x0], $0xffff  }
0x1c5: {  	v26 =	vld.idx.msk [tilespmem:v16+s5+$0x0], $0xffff  }
0x1c6: {  	v29 =	vld.idx.msk [tilespmem:v18+s5+$0x0], $0xffff  }
0x1c7: {  	v58 =	vld.idx.msk [tilespmem:v32+s5+$0x0], $0xffff  }
0x1c8: {  	v3 =	vadd.s32 s15, v3;
	v47 =	vld.idx.msk [tilespmem:v16+s6+$0x0], $0xffff  }
0x1c9: {  	v54 =	vld.idx.msk [tilespmem:v18+s6+$0x0], $0xffff  }
0x1ca: {  	v56 =	vld.idx.msk [tilespmem:v32+s6+$0x0], $0xffff  }
0x1cb: {  	v4 =	vadd.s32 s14, v4;
	v30 =	vld.idx.msk [tilespmem:v22+s5+$0x0], $0xffff  }
0x1cc: {  	v25 =	vadd.s32 s0, v52;
	v55 =	vld.idx.msk [tilespmem:v22+s6+$0x0], $0xffff  }
0x1cd: {  	v14 =	vadd.s32 s24, v53;
	v3 =	vld.idx.msk [tilespmem:v3+s3+$0x0], $0xffff  }
0x1ce: {  	v0 =	vadd.s32 s21, v0;
	v57 =	vld.idx.msk [tilespmem:v23+s5+$0x0], $0xffff  }
0x1cf: {  	v1 =	vadd.s32 s10, v1;
	v50 =	vld.idx.msk [tilespmem:v23+s6+$0x0], $0xffff  }
0x1d0: {  	v8 =	vadd.s32 s17, v8;
	v4 =	vld.idx.msk [tilespmem:v4+s3+$0x0], $0xffff  }
0x1d1: {  	v28 =	vadd.s32 s20, v28;
	v25 =	vld.idx.msk [tilespmem:v25+s3+$0x0], $0xffff  }
0x1d2: {  	v7 =	vadd.s32 s16, v7;
	v14 =	vld.idx.msk [tilespmem:v14+s3+$0x0], $0xffff  }
0x1d3: {  	v27 =	vadd.s32 s2, v27;
	v0 =	vld.idx.msk [tilespmem:v0+s3+$0x0], $0xffff  }
0x1d4: {  	v24 =	vadd.s32 s29, v24;
	v1 =	vld.idx.msk [tilespmem:v1+s3+$0x0], $0xffff  }
0x1d5: {  	v26 =	vadd.s32 s30, v26;
	v8 =	vld.idx.msk [tilespmem:v8+s3+$0x0], $0xffff  }
0x1d6: {  	v9 =	vshll.u32 v9, $0x1;
	v29 =	vadd.s32 s18, v29;
	vm9 =	vge.f32 v4, v60;
	v4 =	vld.idx.msk [tilespmem:v28+s3+$0x0], $0xffff  }
0x1d7: {  	v17 =	vshll.u32 v17, $0x1;
	vm8 =	vge.f32 v3, v59;
	v3 =	vadd.s32 s28, v58;
	v7 =	vld.idx.msk [tilespmem:v7+s3+$0x0], $0xffff  }
0x1d8: {  	v11 =	vshll.u32 v11, $0x1;
	v13 =	vshll.u32 v13, $0x1;
	v30 =	vadd.s32 s26, v30;
	v60 =	vld.idx.msk [tilespmem:v27+s3+$0x0], $0xffff  }
0x1d9: {  	v31 =	vadd.s32 s31, v57;
	v57 =	vsel vm8, $0x1, v21;
	vm12 =	vge.f32 v0, v63;
	v0 =	vld.idx.msk [tilespmem:v24+s3+$0x0], $0xffff  }
0x1da: {  	vm10 =	vge.f32 v25, v61;
	v58 =	vsel vm9, $0x1, v21;
	v9 =	vor.u32 v57, v9;
	v63 =	vld.idx.msk [tilespmem:v26+s3+$0x0], $0xffff  }
0x1db: {  	v59 =	vsel vm10, $0x1, v21;
	v42 =	vor.u32 v58, v17;
	vm13 =	vge.f32 v1, v39;
	v1 =	vld.idx.msk [tilespmem:v29+s3+$0x0], $0xffff  }
0x1dc: {  	v5 =	vshll.u32 v5, $0x1;
	v6 =	vshll.u32 v6, $0x1;
	v40 =	vor.u32 v59, v11;
	v3 =	vld.idx.msk [tilespmem:v3+s3+$0x0], $0xffff  }
0x1dd: {  	vm11 =	vge.f32 v14, v62;
	v37 =	vsel vm13, $0x1, v21;
	vm14 =	vge.f32 v4, v41;
	v4 =	vld.idx.msk [tilespmem:v30+s3+$0x0], $0xffff  }
0x1de: {  	v61 =	vsel vm11, $0x1, v21;
	v35 =	vor.u32 v37, v5;
	v39 =	vld.idx.msk [tilespmem:v31+s3+$0x0], $0xffff;
	v5 =	vsel vm14, $0x1, v21  }
0x1df: {  	v38 =	vor.u32 v61, v13;
	v34 =	vor.u32 v5, v6;
	v6 =	vld.idx.msk [tilespmem:v9+s7+$0x0], $0xffff  }
0x1e0: {  	v15 =	vshll.u32 v15, $0x1;
	v62 =	vsel vm12, $0x1, v21;
	vm6 =	vge.f32 v0, v46;
	v0 =	vld.idx.msk [tilespmem:v42+s7+$0x0], $0xffff  }
0x1e1: {  	v2 =	vshll.u32 v2, $0x1;
	v53 =	vshll.u32 v22, $0x1;
	v36 =	vor.u32 v62, v15;
	v52 =	vld.idx.msk [tilespmem:v40+s7+$0x0], $0xffff  }
0x1e2: {  	vm15 =	vge.f32 v8, v43;
	v41 =	vshll.u32 v20, $0x1;
	vm4 =	vge.f32 v7, v44;
	v20 =	vld.idx.msk [tilespmem:v40+s8+$0x0], $0xffff  }
0x1e3: {  	vm5 =	vge.f32 v60, v45;
	v5 =	vsel vm4, $0x1, v21;
	vm7 =	vge.f32 v63, v47;
	v63 =	vld.idx.msk [tilespmem:v9+s8+$0x0], $0xffff  }
0x1e4: {  	v30 =	vor.u32 v5, v2;
	v2 =	vsel vm5, $0x1, v21;
	v5 =	vshll.u32 v10, $0x1;
	v22 =	vld.idx.msk [tilespmem:v38+s8+$0x0], $0xffff  }
0x1e5: {  	v43 =	vsel vm15, $0x1, v21;
	v7 =	vshll.u32 v12, $0x1;
	v29 =	vor.u32 v2, v5;
	v2 =	vld.idx.msk [tilespmem:v38+s7+$0x0], $0xffff  }
0x1e6: {  	v31 =	vor.u32 v43, v41;
	v46 =	vsel vm6, $0x1, v21;
	vm8 =	vge.f32 v1, v54;
	v1 =	vld.idx.msk [tilespmem:v36+s7+$0x0], $0xffff  }
0x1e7: {  	v28 =	vor.u32 v46, v7;
	v43 =	vld.idx.msk [tilespmem:v36+s8+$0x0], $0xffff  }
0x1e8: {  	v5 =	vshll.u32 v16, $0x1;
	v7 =	vsel vm7, $0x1, v21;
	vm9 =	vge.f32 v4, v55;
	v4 =	vld.idx.msk [tilespmem:v35+s7+$0x0], $0xffff  }
0x1e9: {  	v27 =	vor.u32 v7, v5;
	v7 =	vshll.u32 v18, $0x1;
	v18 =	vld.idx.msk [tilespmem:v42+s8+$0x0], $0xffff  }
0x1ea: {  	v5 =	vsel vm8, $0x1, v21;
	v44 =	vld.idx.msk [tilespmem:v35+s8+$0x0], $0xffff  }
0x1eb: {  	v26 =	vor.u32 v5, v7;
	v5 =	vld.idx.msk [tilespmem:v31+s7+$0x0], $0xffff  }
0x1ec: {  	v46 =	vld.idx.msk [tilespmem:v31+s8+$0x0], $0xffff  }
0x1ed: {  	v55 =	vld.idx.msk [tilespmem:v34+s7+$0x0], $0xffff  }
0x1ee: {  	v54 =	vsel vm9, $0x1, v21;
	v45 =	vld.idx.msk [tilespmem:v34+s8+$0x0], $0xffff  }
0x1ef: {  	v25 =	vor.u32 v54, v53;
	v53 =	vld [tilespmem:$0x1FEA0]  }
0x1f0: {  	vm11 =	vge.f32 v3, v56;
	vm10 =	vge.f32 v39, v50;
	v3 =	vld.idx.msk [tilespmem:v30+s7+$0x0], $0xffff  }
0x1f1: {  	v7 =	vshll.u32 v23, $0x1;
	v8 =	vsel vm10, $0x1, v21;
	v47 =	vld.idx.msk [tilespmem:v30+s8+$0x0], $0xffff  }
0x1f2: {  	v56 =	vsel vm11, $0x1, v21;
	v24 =	vor.u32 v8, v7;
	v7 =	vshll.u32 v32, $0x1;
	v57 =	vld.idx.msk [tilespmem:v29+s7+$0x0], $0xffff  }
0x1f3: {  	v23 =	vor.u32 v56, v7;
	v7 =	vld.idx.msk [tilespmem:v28+s7+$0x0], $0xffff  }
0x1f4: {  	v48 =	vld.idx.msk [tilespmem:v29+s8+$0x0], $0xffff  }
0x1f5: {  	v49 =	vld.idx.msk [tilespmem:v28+s8+$0x0], $0xffff  }
0x1f6: {  	v58 =	vld.idx.msk [tilespmem:v27+s7+$0x0], $0xffff  }
0x1f7: {  	v41 =	vld.idx.msk [tilespmem:v27+s8+$0x0], $0xffff  }
0x1f8: {  	v59 =	vld.idx.msk [tilespmem:v26+s7+$0x0], $0xffff  }
0x1f9: {  	v6 =	vadd.s32 s15, v6;
	v39 =	vld.idx.msk [tilespmem:v26+s8+$0x0], $0xffff  }
0x1fa: {  	v0 =	vadd.s32 s14, v0;
	v60 =	vld.idx.msk [tilespmem:v25+s7+$0x0], $0xffff  }
0x1fb: {  	v11 =	vadd.s32 s0, v52;
	v61 =	vld.idx.msk [tilespmem:v24+s7+$0x0], $0xffff  }
0x1fc: {  	v37 =	vld.idx.msk [tilespmem:v25+s8+$0x0], $0xffff  }
0x1fd: {  	v33 =	vld.idx.msk [tilespmem:v24+s8+$0x0], $0xffff  }
0x1fe: {  	v2 =	vadd.s32 s24, v2;
	v6 =	vld.idx.msk [tilespmem:v6+s3+$0x0], $0xffff  }
0x1ff: {  	v4 =	vadd.s32 s10, v4;
	v52 =	vld.idx.msk [tilespmem:v0+s3+$0x0], $0xffff  }
0x200: {  	v5 =	vadd.s32 s17, v5;
	v11 =	vld.idx.msk [tilespmem:v11+s3+$0x0], $0xffff  }
0x201: {  	v1 =	vadd.s32 s21, v1;
	v62 =	vld.idx.msk [tilespmem:v23+s7+$0x0], $0xffff  }
0x202: {  	v32 =	vld.idx.msk [tilespmem:v23+s8+$0x0], $0xffff  }
0x203: {  	v2 =	vld.idx.msk [tilespmem:v2+s3+$0x0], $0xffff  }
0x204: {  	v13 =	vadd.s32 s20, v55;
	v3 =	vadd.s32 s16, v3;
	v4 =	vld.idx.msk [tilespmem:v4+s3+$0x0], $0xffff  }
0x205: {  	v0 =	vshll.u32 v9, $0x1;
	v9 =	vshll.u32 v53, $0xA;
	v5 =	vld.idx.msk [tilespmem:v5+s3+$0x0], $0xffff;
	vm12 =	vge.f32 v6, v63  }
0x206: {  	v0 =	vand.u32 $0x7E, v0;
	v6 =	vld.idx.msk [tilespmem:v1+s3+$0x0], $0xffff;
	v1 =	vadd.s32 s29, v7;
	v7 =	vsel vm12, $0x1, v21  }
0x207: {  	v10 =	vadd.s32 s2, v57;
	v54 =	vadd.s32 s18, v59;
	v59 =	vld [tilespmem:$0x1FEB0];
	v0 =	vor.u32 v7, v0  }
0x208: {  	v63 =	vld [tilespmem:$0x1FEC0];
	v0 =	vor.u32 v9, v0  }
0x209: {  	v8 =	vadd.s32 s30, v58;
	v3 =	vld.idx.msk [tilespmem:v3+s3+$0x0], $0xffff  }
0x20a: {  	v7 =	vld.idx.msk [tilespmem:v13+s3+$0x0], $0xffff  }
0x20b: {  	v55 =	vadd.s32 s26, v60;
	vm13 =	vge.f32 v52, v18;
	v50 =	vld.idx.msk [tilespmem:v1+s3+$0x0], $0xffff;
	v1 =	vshll.u32 v42, $0x1  }
0x20c: {  	v56 =	vadd.s32 s31, v61;
	v58 =	vsel vm13, $0x1, v21;
	v10 =	vld.idx.msk [tilespmem:v10+s3+$0x0], $0xffff;
	v1 =	vand.u32 $0x7E, v1  }
0x20d: {  	v57 =	vadd.s32 s28, v62;
	v16 =	vshll.u32 v59, $0xA;
	v1 =	vor.u32 v58, v1;
	v60 =	vld.idx.msk [tilespmem:v0+s9+$0x0], $0xffff  }
0x20e: {  	v8 =	vld.idx.msk [tilespmem:v8+s3+$0x0], $0xffff;
	v1 =	vor.u32 v16, v1  }
0x20f: {  	v9 =	vld.idx.msk [tilespmem:v54+s3+$0x0], $0xffff  }
0x210: {  	v42 =	vld.idx.msk [tilespmem:v55+s3+$0x0], $0xffff  }
0x211: {  	vm14 =	vge.f32 v11, v20;
	v61 =	vshll.u32 v40, $0x1;
	v51 =	vld.idx.msk [tilespmem:v56+s3+$0x0], $0xffff  }
0x212: {  	v62 =	vsel vm14, $0x1, v21;
	v11 =	vand.u32 $0x7E, v61;
	v52 =	vld.idx.msk [tilespmem:v57+s3+$0x0], $0xffff;
	[tilespmem:s22+$0xFFFFFC00] =	vst v60  }
0x213: {  	v11 =	vor.u32 v62, v11;
	v13 =	vshll.u32 v63, $0xA;
	v16 =	vld.idx.msk [tilespmem:v1+s9+$0x0], $0xffff  }
0x214: {  	vm15 =	vge.f32 v2, v22;
	v2 =	vshll.u32 v38, $0x1;
	v38 =	vld [tilespmem:$0x1FED0];
	v20 =	vor.u32 v13, v11;
	_ =	sdelay $0x3  }
0x215: {  	v17 =	vsel vm15, $0x1, v21;
	v2 =	vand.u32 $0x7E, v2;
	[tilespmem:s22+$0xFFFFFC80] =	vst v16  }
0x216: {  	v2 =	vor.u32 v17, v2;
	v12 =	vshll.u32 v38, $0xA;
	v40 =	vld.idx.msk [tilespmem:v20+s9+$0x0], $0xffff  }
0x217: {  	v19 =	vor.u32 v12, v2;
	_ =	sdelay $0x2  }
0x218: {  	vm4 =	vge.f32 v6, v43;
	v2 =	vshll.u32 v36, $0x1  }
0x219: {  	v53 =	vld [tilespmem:$0x1FEE0];
	v6 =	vsel vm4, $0x1, v21;
	v2 =	vand.u32 $0x7E, v2;
	[tilespmem:s22+$0xFFFFFD00] =	vst v40  }
0x21a: {  	v2 =	vor.u32 v6, v2;
	v6 =	vld.idx.msk [tilespmem:v19+s9+$0x0], $0xffff;
	_ =	sdelay $0x3  }
0x21b: {  	v11 =	vshll.u32 v53, $0xA  }
0x21c: {  	v18 =	vor.u32 v11, v2;
	[tilespmem:s22+$0xFFFFFD80] =	vst v6;
	v6 =	vld [tilespmem:$0x1FEF0];
	_ =	sdelay $0x2  }
0x21d: {  	vm5 =	vge.f32 v4, v44;
	v2 =	vshll.u32 v35, $0x1  }
0x21e: {  	v4 =	vsel vm5, $0x1, v21;
	v2 =	vand.u32 $0x7E, v2  }
0x21f: {  	v2 =	vor.u32 v4, v2;
	v4 =	vld.idx.msk [tilespmem:v18+s9+$0x0], $0xffff;
	v6 =	vshll.u32 v6, $0xA  }
0x220: {  	v54 =	vor.u32 v6, v2;
	v6 =	vld [tilespmem:$0x1FF00];
	_ =	sdelay $0x2  }
0x221: {  	vm6 =	vge.f32 v7, v45;
	v2 =	vshll.u32 v34, $0x1  }
0x222: {  	[tilespmem:s22+$0xFFFFFE00] =	vst v4;
	v4 =	vsel vm6, $0x1, v21;
	v2 =	vand.u32 $0x7E, v2  }
0x223: {  	v2 =	vor.u32 v4, v2;
	v6 =	vshll.u32 v6, $0xA;
	v4 =	vld.idx.msk [tilespmem:v54+s9+$0x0], $0xffff  }
0x224: {  	v55 =	vor.u32 v6, v2;
	_ =	sdelay $0x2  }
0x225: {  	vm7 =	vge.f32 v5, v46;
	v2 =	vshll.u32 v31, $0x1  }
0x226: {  	v5 =	vld [tilespmem:$0x1FF10];
	v2 =	vand.u32 $0x7E, v2;
	[tilespmem:s22+$0xFFFFFE80] =	vst v4;
	v4 =	vsel vm7, $0x1, v21  }
0x227: {  	v2 =	vor.u32 v4, v2;
	v4 =	vld.idx.msk [tilespmem:v55+s9+$0x0], $0xffff;
	_ =	sdelay $0x3  }
0x228: {  	v5 =	vshll.u32 v5, $0xA  }
0x229: {  	v56 =	vor.u32 v5, v2;
	[tilespmem:s22+$0xFFFFFF00] =	vst v4;
	v4 =	vld [tilespmem:$0x1FF20];
	_ =	sdelay $0x2  }
0x22a: {  	vm8 =	vge.f32 v3, v47;
	v2 =	vshll.u32 v30, $0x1  }
0x22b: {  	v3 =	vsel vm8, $0x1, v21;
	v2 =	vand.u32 $0x7E, v2  }
0x22c: {  	v2 =	vor.u32 v3, v2;
	v3 =	vld.idx.msk [tilespmem:v56+s9+$0x0], $0xffff;
	v4 =	vshll.u32 v4, $0xA  }
0x22d: {  	v57 =	vor.u32 v4, v2;
	v4 =	vld [tilespmem:$0x1FF30];
	_ =	sdelay $0x2  }
0x22e: {  	vm9 =	vge.f32 v10, v48;
	v2 =	vshll.u32 v29, $0x1  }
0x22f: {  	[tilespmem:s22+$0xFFFFFF80] =	vst v3;
	v3 =	vsel vm9, $0x1, v21;
	v2 =	vand.u32 $0x7E, v2  }
0x230: {  	v2 =	vor.u32 v3, v2;
	v4 =	vshll.u32 v4, $0xA;
	v3 =	vld.idx.msk [tilespmem:v57+s9+$0x0], $0xffff  }
0x231: {  	v58 =	vor.u32 v4, v2;
	v4 =	vld [tilespmem:$0x1FF40];
	_ =	sdelay $0x2  }
0x232: {  	vm10 =	vge.f32 v50, v49;
	v2 =	vshll.u32 v28, $0x1  }
0x233: {  	v2 =	vand.u32 $0x7E, v2;
	[tilespmem:s22+$0x0] =	vst v3;
	v3 =	vsel vm10, $0x1, v21  }
0x234: {  	v4 =	vshll.u32 v4, $0xA;
	v2 =	vor.u32 v3, v2;
	v3 =	vld.idx.msk [tilespmem:v58+s9+$0x0], $0xffff  }
0x235: {  	v59 =	vor.u32 v4, v2;
	v4 =	vld [tilespmem:$0x1FF50];
	_ =	sdelay $0x2  }
0x236: {  	vm11 =	vge.f32 v8, v41;
	v2 =	vshll.u32 v27, $0x1  }
0x237: {  	v2 =	vand.u32 $0x7E, v2;
	[tilespmem:s22+$0x80] =	vst v3;
	v3 =	vsel vm11, $0x1, v21  }
0x238: {  	v4 =	vshll.u32 v4, $0xA;
	v2 =	vor.u32 v3, v2;
	v3 =	vld.idx.msk [tilespmem:v59+s9+$0x0], $0xffff  }
0x239: {  	v60 =	vor.u32 v4, v2;
	v4 =	vld [tilespmem:$0x1FF60];
	_ =	sdelay $0x2  }
0x23a: {  	vm12 =	vge.f32 v9, v39;
	v2 =	vshll.u32 v26, $0x1  }
0x23b: {  	v2 =	vand.u32 $0x7E, v2;
	[tilespmem:s22+$0x100] =	vst v3;
	v3 =	vsel vm12, $0x1, v21  }
0x23c: {  	v4 =	vshll.u32 v4, $0xA;
	v2 =	vor.u32 v3, v2;
	v3 =	vld.idx.msk [tilespmem:v60+s9+$0x0], $0xffff  }
0x23d: {  	v61 =	vor.u32 v4, v2;
	v4 =	vld [tilespmem:$0x1FF70];
	_ =	sdelay $0x2  }
0x23e: {  	vm13 =	vge.f32 v42, v37;
	v2 =	vshll.u32 v25, $0x1  }
0x23f: {  	v2 =	vand.u32 $0x7E, v2;
	[tilespmem:s22+$0x180] =	vst v3;
	v3 =	vsel vm13, $0x1, v21  }
0x240: {  	v4 =	vshll.u32 v4, $0xA;
	v2 =	vor.u32 v3, v2;
	v3 =	vld.idx.msk [tilespmem:v61+s9+$0x0], $0xffff  }
0x241: {  	v62 =	vor.u32 v4, v2;
	v4 =	vld [tilespmem:$0x1FF80];
	_ =	sdelay $0x2  }
0x242: {  	vm14 =	vge.f32 v51, v33;
	v2 =	vshll.u32 v24, $0x1  }
0x243: {  	v2 =	vand.u32 $0x7E, v2;
	[tilespmem:s22+$0x200] =	vst v3;
	v3 =	vsel vm14, $0x1, v21  }
0x244: {  	v4 =	vshll.u32 v4, $0xA;
	v2 =	vor.u32 v3, v2;
	v3 =	vld.idx.msk [tilespmem:v62+s9+$0x0], $0xffff  }
0x245: {  	v63 =	vor.u32 v4, v2;
	v4 =	vld [tilespmem:$0x1FF90];
	_ =	sdelay $0x2  }
0x246: {  	vm15 =	vge.f32 v52, v32;
	v2 =	vshll.u32 v23, $0x1  }
0x247: {  	v2 =	vand.u32 $0x7E, v2;
	[tilespmem:s22+$0x280] =	vst v3;
	v3 =	vsel vm15, $0x1, v21  }
0x248: {  	v4 =	vshll.u32 v4, $0xA;
	v2 =	vor.u32 v3, v2;
	v3 =	vld.idx.msk [tilespmem:v63+s9+$0x0], $0xffff  }
0x249: {  	v7 =	vor.u32 v4, v2;
	_ =	sdelay $0x3  }
0x24a: {  	[tilespmem:s22+$0x300] =	vst v3  }
0x24b: {  	v2 =	vld.idx.msk [tilespmem:v7+s9+$0x0], $0xffff  }
0x24c: {  	v3 =	vor.u32 $0x80, v0;
	_ =	sdelay $0x3  }
0x24d: {  	[tilespmem:s22+$0x380] =	vst v2  }
0x24e: {  	v2 =	vld.idx.msk [tilespmem:v3+s9+$0x0], $0xffff  }
0x24f: {  	v3 =	vor.u32 $0x80, v1;
	_ =	sdelay $0x3  }
0x250: {  	[tilespmem:s22+$0xFFFFFC10] =	vst v2  }
0x251: {  	v2 =	vld.idx.msk [tilespmem:v3+s9+$0x0], $0xffff  }
0x252: {  	v3 =	vor.u32 $0x80, v20;
	_ =	sdelay $0x3  }
0x253: {  	[tilespmem:s22+$0xFFFFFC90] =	vst v2  }
0x254: {  	v2 =	vld.idx.msk [tilespmem:v3+s9+$0x0], $0xffff  }
0x255: {  	v3 =	vor.u32 $0x80, v19;
	_ =	sdelay $0x3  }
0x256: {  	[tilespmem:s22+$0xFFFFFD10] =	vst v2  }
0x257: {  	v2 =	vld.idx.msk [tilespmem:v3+s9+$0x0], $0xffff  }
0x258: {  	v3 =	vor.u32 $0x80, v18;
	_ =	sdelay $0x3  }
0x259: {  	[tilespmem:s22+$0xFFFFFD90] =	vst v2  }
0x25a: {  	v2 =	vld.idx.msk [tilespmem:v3+s9+$0x0], $0xffff  }
0x25b: {  	v3 =	vor.u32 $0x80, v54;
	_ =	sdelay $0x3  }
0x25c: {  	[tilespmem:s22+$0xFFFFFE10] =	vst v2  }
0x25d: {  	v2 =	vld.idx.msk [tilespmem:v3+s9+$0x0], $0xffff  }
0x25e: {  	v3 =	vor.u32 $0x80, v55;
	_ =	sdelay $0x3  }
0x25f: {  	[tilespmem:s22+$0xFFFFFE90] =	vst v2  }
0x260: {  	v2 =	vld.idx.msk [tilespmem:v3+s9+$0x0], $0xffff  }
0x261: {  	v3 =	vor.u32 $0x80, v56;
	_ =	sdelay $0x3  }
0x262: {  	[tilespmem:s22+$0xFFFFFF10] =	vst v2  }
0x263: {  	v2 =	vld.idx.msk [tilespmem:v3+s9+$0x0], $0xffff  }
0x264: {  	v3 =	vor.u32 $0x80, v57;
	_ =	sdelay $0x3  }
0x265: {  	[tilespmem:s22+$0xFFFFFF90] =	vst v2  }
0x266: {  	v2 =	vld.idx.msk [tilespmem:v3+s9+$0x0], $0xffff  }
0x267: {  	v3 =	vor.u32 $0x80, v58;
	_ =	sdelay $0x3  }
0x268: {  	[tilespmem:s22+$0x10] =	vst v2  }
0x269: {  	v2 =	vld.idx.msk [tilespmem:v3+s9+$0x0], $0xffff  }
0x26a: {  	v3 =	vor.u32 $0x80, v59;
	_ =	sdelay $0x3  }
0x26b: {  	[tilespmem:s22+$0x90] =	vst v2  }
0x26c: {  	v2 =	vld.idx.msk [tilespmem:v3+s9+$0x0], $0xffff  }
0x26d: {  	v3 =	vor.u32 $0x80, v60;
	_ =	sdelay $0x3  }
0x26e: {  	[tilespmem:s22+$0x110] =	vst v2  }
0x26f: {  	v2 =	vld.idx.msk [tilespmem:v3+s9+$0x0], $0xffff  }
0x270: {  	v3 =	vor.u32 $0x80, v61;
	_ =	sdelay $0x3  }
0x271: {  	[tilespmem:s22+$0x190] =	vst v2  }
0x272: {  	v2 =	vld.idx.msk [tilespmem:v3+s9+$0x0], $0xffff  }
0x273: {  	v3 =	vor.u32 $0x80, v62;
	_ =	sdelay $0x3  }
0x274: {  	[tilespmem:s22+$0x210] =	vst v2  }
0x275: {  	v2 =	vld.idx.msk [tilespmem:v3+s9+$0x0], $0xffff  }
0x276: {  	v3 =	vor.u32 $0x80, v63;
	_ =	sdelay $0x3  }
0x277: {  	[tilespmem:s22+$0x290] =	vst v2  }
0x278: {  	v2 =	vld.idx.msk [tilespmem:v3+s9+$0x0], $0xffff  }
0x279: {  	v3 =	vor.u32 $0x80, v7;
	_ =	sdelay $0x3  }
0x27a: {  	[tilespmem:s22+$0x310] =	vst v2  }
0x27b: {  	v2 =	vld.idx.msk [tilespmem:v3+s9+$0x0], $0xffff  }
0x27c: {  	v3 =	vor.u32 $0x100, v0;
	_ =	sdelay $0x3  }
0x27d: {  	[tilespmem:s22+$0x390] =	vst v2  }
0x27e: {  	v2 =	vld.idx.msk [tilespmem:v3+s9+$0x0], $0xffff  }
0x27f: {  	v3 =	vor.u32 $0x100, v1;
	_ =	sdelay $0x3  }
0x280: {  	[tilespmem:s22+$0xFFFFFC20] =	vst v2  }
0x281: {  	v2 =	vld.idx.msk [tilespmem:v3+s9+$0x0], $0xffff  }
0x282: {  	v3 =	vor.u32 $0x100, v20;
	_ =	sdelay $0x3  }
0x283: {  	[tilespmem:s22+$0xFFFFFCA0] =	vst v2  }
0x284: {  	v2 =	vld.idx.msk [tilespmem:v3+s9+$0x0], $0xffff  }
0x285: {  	v3 =	vor.u32 $0x100, v19;
	_ =	sdelay $0x3  }
0x286: {  	[tilespmem:s22+$0xFFFFFD20] =	vst v2  }
0x287: {  	v2 =	vld.idx.msk [tilespmem:v3+s9+$0x0], $0xffff  }
0x288: {  	v3 =	vor.u32 $0x100, v18;
	_ =	sdelay $0x3  }
0x289: {  	[tilespmem:s22+$0xFFFFFDA0] =	vst v2  }
0x28a: {  	v2 =	vld.idx.msk [tilespmem:v3+s9+$0x0], $0xffff  }
0x28b: {  	v3 =	vor.u32 $0x100, v54;
	_ =	sdelay $0x3  }
0x28c: {  	[tilespmem:s22+$0xFFFFFE20] =	vst v2  }
0x28d: {  	v2 =	vld.idx.msk [tilespmem:v3+s9+$0x0], $0xffff  }
0x28e: {  	v3 =	vor.u32 $0x100, v55;
	_ =	sdelay $0x3  }
0x28f: {  	[tilespmem:s22+$0xFFFFFEA0] =	vst v2  }
0x290: {  	v2 =	vld.idx.msk [tilespmem:v3+s9+$0x0], $0xffff  }
0x291: {  	v3 =	vor.u32 $0x100, v56;
	_ =	sdelay $0x3  }
0x292: {  	[tilespmem:s22+$0xFFFFFF20] =	vst v2  }
0x293: {  	v2 =	vld.idx.msk [tilespmem:v3+s9+$0x0], $0xffff  }
0x294: {  	v3 =	vor.u32 $0x100, v57;
	_ =	sdelay $0x3  }
0x295: {  	[tilespmem:s22+$0xFFFFFFA0] =	vst v2  }
0x296: {  	v2 =	vld.idx.msk [tilespmem:v3+s9+$0x0], $0xffff  }
0x297: {  	v3 =	vor.u32 $0x100, v58;
	_ =	sdelay $0x3  }
0x298: {  	[tilespmem:s22+$0x20] =	vst v2  }
0x299: {  	v2 =	vld.idx.msk [tilespmem:v3+s9+$0x0], $0xffff  }
0x29a: {  	v3 =	vor.u32 $0x100, v59;
	_ =	sdelay $0x3  }
0x29b: {  	[tilespmem:s22+$0xA0] =	vst v2  }
0x29c: {  	v2 =	vld.idx.msk [tilespmem:v3+s9+$0x0], $0xffff  }
0x29d: {  	v3 =	vor.u32 $0x100, v60;
	_ =	sdelay $0x3  }
0x29e: {  	[tilespmem:s22+$0x120] =	vst v2  }
0x29f: {  	v2 =	vld.idx.msk [tilespmem:v3+s9+$0x0], $0xffff  }
0x2a0: {  	v3 =	vor.u32 $0x100, v61;
	_ =	sdelay $0x3  }
0x2a1: {  	[tilespmem:s22+$0x1A0] =	vst v2  }
0x2a2: {  	v2 =	vld.idx.msk [tilespmem:v3+s9+$0x0], $0xffff  }
0x2a3: {  	v3 =	vor.u32 $0x100, v62;
	_ =	sdelay $0x3  }
0x2a4: {  	[tilespmem:s22+$0x220] =	vst v2  }
0x2a5: {  	v2 =	vld.idx.msk [tilespmem:v3+s9+$0x0], $0xffff  }
0x2a6: {  	v3 =	vor.u32 $0x100, v63;
	_ =	sdelay $0x3  }
0x2a7: {  	[tilespmem:s22+$0x2A0] =	vst v2  }
0x2a8: {  	v2 =	vld.idx.msk [tilespmem:v3+s9+$0x0], $0xffff  }
0x2a9: {  	v3 =	vor.u32 $0x100, v7;
	_ =	sdelay $0x3  }
0x2aa: {  	[tilespmem:s22+$0x320] =	vst v2  }
0x2ab: {  	v2 =	vld.idx.msk [tilespmem:v3+s9+$0x0], $0xffff  }
0x2ac: {  	v3 =	vor.u32 $0x180, v0;
	_ =	sdelay $0x3  }
0x2ad: {  	[tilespmem:s22+$0x3A0] =	vst v2  }
0x2ae: {  	v2 =	vld.idx.msk [tilespmem:v3+s9+$0x0], $0xffff  }
0x2af: {  	v3 =	vor.u32 $0x180, v1;
	_ =	sdelay $0x3  }
0x2b0: {  	[tilespmem:s22+$0xFFFFFC30] =	vst v2  }
0x2b1: {  	v2 =	vld.idx.msk [tilespmem:v3+s9+$0x0], $0xffff  }
0x2b2: {  	v3 =	vor.u32 $0x180, v20;
	_ =	sdelay $0x3  }
0x2b3: {  	[tilespmem:s22+$0xFFFFFCB0] =	vst v2  }
0x2b4: {  	v2 =	vld.idx.msk [tilespmem:v3+s9+$0x0], $0xffff  }
0x2b5: {  	v3 =	vor.u32 $0x180, v19;
	_ =	sdelay $0x3  }
0x2b6: {  	[tilespmem:s22+$0xFFFFFD30] =	vst v2  }
0x2b7: {  	v2 =	vld.idx.msk [tilespmem:v3+s9+$0x0], $0xffff  }
0x2b8: {  	v3 =	vor.u32 $0x180, v18;
	_ =	sdelay $0x3  }
0x2b9: {  	[tilespmem:s22+$0xFFFFFDB0] =	vst v2  }
0x2ba: {  	v2 =	vld.idx.msk [tilespmem:v3+s9+$0x0], $0xffff  }
0x2bb: {  	v3 =	vor.u32 $0x180, v54;
	_ =	sdelay $0x3  }
0x2bc: {  	[tilespmem:s22+$0xFFFFFE30] =	vst v2  }
0x2bd: {  	v2 =	vld.idx.msk [tilespmem:v3+s9+$0x0], $0xffff  }
0x2be: {  	v3 =	vor.u32 $0x180, v55;
	_ =	sdelay $0x3  }
0x2bf: {  	[tilespmem:s22+$0xFFFFFEB0] =	vst v2  }
0x2c0: {  	v2 =	vld.idx.msk [tilespmem:v3+s9+$0x0], $0xffff  }
0x2c1: {  	v3 =	vor.u32 $0x180, v56;
	_ =	sdelay $0x3  }
0x2c2: {  	[tilespmem:s22+$0xFFFFFF30] =	vst v2  }
0x2c3: {  	v2 =	vld.idx.msk [tilespmem:v3+s9+$0x0], $0xffff  }
0x2c4: {  	v3 =	vor.u32 $0x180, v57;
	_ =	sdelay $0x3  }
0x2c5: {  	[tilespmem:s22+$0xFFFFFFB0] =	vst v2  }
0x2c6: {  	v2 =	vld.idx.msk [tilespmem:v3+s9+$0x0], $0xffff  }
0x2c7: {  	v3 =	vor.u32 $0x180, v58;
	_ =	sdelay $0x3  }
0x2c8: {  	[tilespmem:s22+$0x30] =	vst v2  }
0x2c9: {  	v2 =	vld.idx.msk [tilespmem:v3+s9+$0x0], $0xffff  }
0x2ca: {  	v3 =	vor.u32 $0x180, v59;
	_ =	sdelay $0x3  }
0x2cb: {  	[tilespmem:s22+$0xB0] =	vst v2  }
0x2cc: {  	v2 =	vld.idx.msk [tilespmem:v3+s9+$0x0], $0xffff  }
0x2cd: {  	v3 =	vor.u32 $0x180, v60;
	_ =	sdelay $0x3  }
0x2ce: {  	[tilespmem:s22+$0x130] =	vst v2  }
0x2cf: {  	v2 =	vld.idx.msk [tilespmem:v3+s9+$0x0], $0xffff  }
0x2d0: {  	v3 =	vor.u32 $0x180, v61;
	_ =	sdelay $0x3  }
0x2d1: {  	[tilespmem:s22+$0x1B0] =	vst v2  }
0x2d2: {  	v2 =	vld.idx.msk [tilespmem:v3+s9+$0x0], $0xffff  }
0x2d3: {  	v3 =	vor.u32 $0x180, v62;
	_ =	sdelay $0x3  }
0x2d4: {  	[tilespmem:s22+$0x230] =	vst v2  }
0x2d5: {  	v2 =	vld.idx.msk [tilespmem:v3+s9+$0x0], $0xffff  }
0x2d6: {  	v3 =	vor.u32 $0x180, v63;
	_ =	sdelay $0x3  }
0x2d7: {  	[tilespmem:s22+$0x2B0] =	vst v2  }
0x2d8: {  	v2 =	vld.idx.msk [tilespmem:v3+s9+$0x0], $0xffff  }
0x2d9: {  	v3 =	vor.u32 $0x180, v7;
	_ =	sdelay $0x3  }
0x2da: {  	[tilespmem:s22+$0x330] =	vst v2  }
0x2db: {  	v2 =	vld.idx.msk [tilespmem:v3+s9+$0x0], $0xffff  }
0x2dc: {  	v3 =	vor.u32 $0x200, v0;
	_ =	sdelay $0x3  }
0x2dd: {  	[tilespmem:s22+$0x3B0] =	vst v2  }
0x2de: {  	v2 =	vld.idx.msk [tilespmem:v3+s9+$0x0], $0xffff  }
0x2df: {  	v3 =	vor.u32 $0x200, v1;
	_ =	sdelay $0x3  }
0x2e0: {  	[tilespmem:s22+$0xFFFFFC40] =	vst v2  }
0x2e1: {  	v2 =	vld.idx.msk [tilespmem:v3+s9+$0x0], $0xffff  }
0x2e2: {  	v3 =	vor.u32 $0x200, v20;
	_ =	sdelay $0x3  }
0x2e3: {  	[tilespmem:s22+$0xFFFFFCC0] =	vst v2  }
0x2e4: {  	v2 =	vld.idx.msk [tilespmem:v3+s9+$0x0], $0xffff  }
0x2e5: {  	v3 =	vor.u32 $0x200, v19;
	_ =	sdelay $0x3  }
0x2e6: {  	[tilespmem:s22+$0xFFFFFD40] =	vst v2  }
0x2e7: {  	v2 =	vld.idx.msk [tilespmem:v3+s9+$0x0], $0xffff  }
0x2e8: {  	v3 =	vor.u32 $0x200, v18;
	_ =	sdelay $0x3  }
0x2e9: {  	[tilespmem:s22+$0xFFFFFDC0] =	vst v2  }
0x2ea: {  	v2 =	vld.idx.msk [tilespmem:v3+s9+$0x0], $0xffff  }
0x2eb: {  	v3 =	vor.u32 $0x200, v54;
	_ =	sdelay $0x3  }
0x2ec: {  	[tilespmem:s22+$0xFFFFFE40] =	vst v2  }
0x2ed: {  	v2 =	vld.idx.msk [tilespmem:v3+s9+$0x0], $0xffff  }
0x2ee: {  	v3 =	vor.u32 $0x200, v55;
	_ =	sdelay $0x3  }
0x2ef: {  	[tilespmem:s22+$0xFFFFFEC0] =	vst v2  }
0x2f0: {  	v2 =	vld.idx.msk [tilespmem:v3+s9+$0x0], $0xffff  }
0x2f1: {  	v3 =	vor.u32 $0x200, v56;
	_ =	sdelay $0x3  }
0x2f2: {  	[tilespmem:s22+$0xFFFFFF40] =	vst v2  }
0x2f3: {  	v2 =	vld.idx.msk [tilespmem:v3+s9+$0x0], $0xffff  }
0x2f4: {  	v3 =	vor.u32 $0x200, v57;
	_ =	sdelay $0x3  }
0x2f5: {  	[tilespmem:s22+$0xFFFFFFC0] =	vst v2  }
0x2f6: {  	v2 =	vld.idx.msk [tilespmem:v3+s9+$0x0], $0xffff  }
0x2f7: {  	v3 =	vor.u32 $0x200, v58;
	_ =	sdelay $0x3  }
0x2f8: {  	[tilespmem:s22+$0x40] =	vst v2  }
0x2f9: {  	v2 =	vld.idx.msk [tilespmem:v3+s9+$0x0], $0xffff  }
0x2fa: {  	v3 =	vor.u32 $0x200, v59;
	_ =	sdelay $0x3  }
0x2fb: {  	[tilespmem:s22+$0xC0] =	vst v2  }
0x2fc: {  	v2 =	vld.idx.msk [tilespmem:v3+s9+$0x0], $0xffff  }
0x2fd: {  	v3 =	vor.u32 $0x200, v60;
	_ =	sdelay $0x3  }
0x2fe: {  	[tilespmem:s22+$0x140] =	vst v2  }
0x2ff: {  	v2 =	vld.idx.msk [tilespmem:v3+s9+$0x0], $0xffff  }
0x300: {  	v3 =	vor.u32 $0x200, v61;
	_ =	sdelay $0x3  }
0x301: {  	[tilespmem:s22+$0x1C0] =	vst v2  }
0x302: {  	v2 =	vld.idx.msk [tilespmem:v3+s9+$0x0], $0xffff  }
0x303: {  	v3 =	vor.u32 $0x200, v62;
	_ =	sdelay $0x3  }
0x304: {  	[tilespmem:s22+$0x240] =	vst v2  }
0x305: {  	v2 =	vld.idx.msk [tilespmem:v3+s9+$0x0], $0xffff  }
0x306: {  	v3 =	vor.u32 $0x200, v63;
	_ =	sdelay $0x3  }
0x307: {  	[tilespmem:s22+$0x2C0] =	vst v2  }
0x308: {  	v2 =	vld.idx.msk [tilespmem:v3+s9+$0x0], $0xffff  }
0x309: {  	v3 =	vor.u32 $0x200, v7;
	_ =	sdelay $0x3  }
0x30a: {  	[tilespmem:s22+$0x340] =	vst v2  }
0x30b: {  	v2 =	vld.idx.msk [tilespmem:v3+s9+$0x0], $0xffff  }
0x30c: {  	v3 =	vor.u32 $0x280, v0;
	_ =	sdelay $0x3  }
0x30d: {  	[tilespmem:s22+$0x3C0] =	vst v2  }
0x30e: {  	v2 =	vld.idx.msk [tilespmem:v3+s9+$0x0], $0xffff  }
0x30f: {  	v3 =	vor.u32 $0x280, v1;
	_ =	sdelay $0x3  }
0x310: {  	[tilespmem:s22+$0xFFFFFC50] =	vst v2  }
0x311: {  	v2 =	vld.idx.msk [tilespmem:v3+s9+$0x0], $0xffff  }
0x312: {  	v3 =	vor.u32 $0x280, v20;
	_ =	sdelay $0x3  }
0x313: {  	[tilespmem:s22+$0xFFFFFCD0] =	vst v2  }
0x314: {  	v2 =	vld.idx.msk [tilespmem:v3+s9+$0x0], $0xffff  }
0x315: {  	v3 =	vor.u32 $0x280, v19;
	_ =	sdelay $0x3  }
0x316: {  	[tilespmem:s22+$0xFFFFFD50] =	vst v2  }
0x317: {  	v2 =	vld.idx.msk [tilespmem:v3+s9+$0x0], $0xffff  }
0x318: {  	v3 =	vor.u32 $0x280, v18;
	_ =	sdelay $0x3  }
0x319: {  	[tilespmem:s22+$0xFFFFFDD0] =	vst v2  }
0x31a: {  	v2 =	vld.idx.msk [tilespmem:v3+s9+$0x0], $0xffff  }
0x31b: {  	v3 =	vor.u32 $0x280, v54;
	_ =	sdelay $0x3  }
0x31c: {  	[tilespmem:s22+$0xFFFFFE50] =	vst v2  }
0x31d: {  	v2 =	vld.idx.msk [tilespmem:v3+s9+$0x0], $0xffff  }
0x31e: {  	v3 =	vor.u32 $0x280, v55;
	_ =	sdelay $0x3  }
0x31f: {  	[tilespmem:s22+$0xFFFFFED0] =	vst v2  }
0x320: {  	v2 =	vld.idx.msk [tilespmem:v3+s9+$0x0], $0xffff  }
0x321: {  	v3 =	vor.u32 $0x280, v56;
	_ =	sdelay $0x3  }
0x322: {  	[tilespmem:s22+$0xFFFFFF50] =	vst v2  }
0x323: {  	v2 =	vld.idx.msk [tilespmem:v3+s9+$0x0], $0xffff  }
0x324: {  	v3 =	vor.u32 $0x280, v57;
	_ =	sdelay $0x3  }
0x325: {  	[tilespmem:s22+$0xFFFFFFD0] =	vst v2  }
0x326: {  	v2 =	vld.idx.msk [tilespmem:v3+s9+$0x0], $0xffff  }
0x327: {  	v3 =	vor.u32 $0x280, v58;
	_ =	sdelay $0x3  }
0x328: {  	[tilespmem:s22+$0x50] =	vst v2  }
0x329: {  	v2 =	vld.idx.msk [tilespmem:v3+s9+$0x0], $0xffff  }
0x32a: {  	v3 =	vor.u32 $0x280, v59;
	_ =	sdelay $0x3  }
0x32b: {  	[tilespmem:s22+$0xD0] =	vst v2  }
0x32c: {  	v2 =	vld.idx.msk [tilespmem:v3+s9+$0x0], $0xffff  }
0x32d: {  	v3 =	vor.u32 $0x280, v60;
	_ =	sdelay $0x3  }
0x32e: {  	[tilespmem:s22+$0x150] =	vst v2  }
0x32f: {  	v2 =	vld.idx.msk [tilespmem:v3+s9+$0x0], $0xffff  }
0x330: {  	v3 =	vor.u32 $0x280, v61;
	_ =	sdelay $0x3  }
0x331: {  	[tilespmem:s22+$0x1D0] =	vst v2  }
0x332: {  	v2 =	vld.idx.msk [tilespmem:v3+s9+$0x0], $0xffff  }
0x333: {  	v3 =	vor.u32 $0x280, v62;
	_ =	sdelay $0x3  }
0x334: {  	[tilespmem:s22+$0x250] =	vst v2  }
0x335: {  	v2 =	vld.idx.msk [tilespmem:v3+s9+$0x0], $0xffff  }
0x336: {  	v3 =	vor.u32 $0x280, v63;
	_ =	sdelay $0x3  }
0x337: {  	[tilespmem:s22+$0x2D0] =	vst v2  }
0x338: {  	v2 =	vld.idx.msk [tilespmem:v3+s9+$0x0], $0xffff  }
0x339: {  	v3 =	vor.u32 $0x280, v7;
	_ =	sdelay $0x3  }
0x33a: {  	[tilespmem:s22+$0x350] =	vst v2  }
0x33b: {  	v2 =	vld.idx.msk [tilespmem:v3+s9+$0x0], $0xffff  }
0x33c: {  	v3 =	vor.u32 $0x300, v0;
	_ =	sdelay $0x3  }
0x33d: {  	[tilespmem:s22+$0x3D0] =	vst v2  }
0x33e: {  	v2 =	vld.idx.msk [tilespmem:v3+s9+$0x0], $0xffff  }
0x33f: {  	v3 =	vor.u32 $0x300, v1;
	_ =	sdelay $0x3  }
0x340: {  	[tilespmem:s22+$0xFFFFFC60] =	vst v2  }
0x341: {  	v2 =	vld.idx.msk [tilespmem:v3+s9+$0x0], $0xffff  }
0x342: {  	v3 =	vor.u32 $0x300, v20;
	_ =	sdelay $0x3  }
0x343: {  	[tilespmem:s22+$0xFFFFFCE0] =	vst v2  }
0x344: {  	v2 =	vld.idx.msk [tilespmem:v3+s9+$0x0], $0xffff  }
0x345: {  	v3 =	vor.u32 $0x300, v19;
	_ =	sdelay $0x3  }
0x346: {  	[tilespmem:s22+$0xFFFFFD60] =	vst v2  }
0x347: {  	v2 =	vld.idx.msk [tilespmem:v3+s9+$0x0], $0xffff  }
0x348: {  	v3 =	vor.u32 $0x300, v18;
	_ =	sdelay $0x3  }
0x349: {  	[tilespmem:s22+$0xFFFFFDE0] =	vst v2  }
0x34a: {  	v2 =	vld.idx.msk [tilespmem:v3+s9+$0x0], $0xffff  }
0x34b: {  	v3 =	vor.u32 $0x300, v54;
	_ =	sdelay $0x3  }
0x34c: {  	[tilespmem:s22+$0xFFFFFE60] =	vst v2  }
0x34d: {  	v2 =	vld.idx.msk [tilespmem:v3+s9+$0x0], $0xffff  }
0x34e: {  	v3 =	vor.u32 $0x300, v55;
	_ =	sdelay $0x3  }
0x34f: {  	[tilespmem:s22+$0xFFFFFEE0] =	vst v2  }
0x350: {  	v2 =	vld.idx.msk [tilespmem:v3+s9+$0x0], $0xffff  }
0x351: {  	v3 =	vor.u32 $0x300, v56;
	_ =	sdelay $0x3  }
0x352: {  	[tilespmem:s22+$0xFFFFFF60] =	vst v2  }
0x353: {  	v2 =	vld.idx.msk [tilespmem:v3+s9+$0x0], $0xffff  }
0x354: {  	v3 =	vor.u32 $0x300, v57;
	_ =	sdelay $0x3  }
0x355: {  	[tilespmem:s22+$0xFFFFFFE0] =	vst v2  }
0x356: {  	v2 =	vld.idx.msk [tilespmem:v3+s9+$0x0], $0xffff  }
0x357: {  	v3 =	vor.u32 $0x300, v58;
	_ =	sdelay $0x3  }
0x358: {  	[tilespmem:s22+$0x60] =	vst v2  }
0x359: {  	v2 =	vld.idx.msk [tilespmem:v3+s9+$0x0], $0xffff  }
0x35a: {  	v3 =	vor.u32 $0x300, v59;
	_ =	sdelay $0x3  }
0x35b: {  	[tilespmem:s22+$0xE0] =	vst v2  }
0x35c: {  	v2 =	vld.idx.msk [tilespmem:v3+s9+$0x0], $0xffff  }
0x35d: {  	v3 =	vor.u32 $0x300, v60;
	_ =	sdelay $0x3  }
0x35e: {  	[tilespmem:s22+$0x160] =	vst v2  }
0x35f: {  	v2 =	vld.idx.msk [tilespmem:v3+s9+$0x0], $0xffff  }
0x360: {  	v3 =	vor.u32 $0x300, v61;
	_ =	sdelay $0x3  }
0x361: {  	[tilespmem:s22+$0x1E0] =	vst v2  }
0x362: {  	v2 =	vld.idx.msk [tilespmem:v3+s9+$0x0], $0xffff  }
0x363: {  	v3 =	vor.u32 $0x300, v62;
	_ =	sdelay $0x3  }
0x364: {  	[tilespmem:s22+$0x260] =	vst v2  }
0x365: {  	v2 =	vld.idx.msk [tilespmem:v3+s9+$0x0], $0xffff  }
0x366: {  	v3 =	vor.u32 $0x300, v63;
	_ =	sdelay $0x3  }
0x367: {  	[tilespmem:s22+$0x2E0] =	vst v2  }
0x368: {  	v2 =	vld.idx.msk [tilespmem:v3+s9+$0x0], $0xffff  }
0x369: {  	v3 =	vor.u32 $0x300, v7;
	_ =	sdelay $0x3  }
0x36a: {  	[tilespmem:s22+$0x360] =	vst v2  }
0x36b: {  	v2 =	vld.idx.msk [tilespmem:v3+s9+$0x0], $0xffff  }
0x36c: {  	v0 =	vor.u32 $0x380, v0;
	_ =	sdelay $0x3  }
0x36d: {  	[tilespmem:s22+$0x3E0] =	vst v2  }
0x36e: {  	v0 =	vld.idx.msk [tilespmem:v0+s9+$0x0], $0xffff  }
0x36f: {  	v1 =	vor.u32 $0x380, v1;
	_ =	sdelay $0x3  }
0x370: {  	[tilespmem:s22+$0xFFFFFC70] =	vst v0  }
0x371: {  	v0 =	vld.idx.msk [tilespmem:v1+s9+$0x0], $0xffff  }
0x372: {  	v1 =	vor.u32 $0x380, v20;
	_ =	sdelay $0x3  }
0x373: {  	[tilespmem:s22+$0xFFFFFCF0] =	vst v0  }
0x374: {  	v0 =	vld.idx.msk [tilespmem:v1+s9+$0x0], $0xffff  }
0x375: {  	v1 =	vor.u32 $0x380, v19;
	_ =	sdelay $0x3  }
0x376: {  	[tilespmem:s22+$0xFFFFFD70] =	vst v0  }
0x377: {  	v0 =	vld.idx.msk [tilespmem:v1+s9+$0x0], $0xffff  }
0x378: {  	v1 =	vor.u32 $0x380, v18;
	_ =	sdelay $0x3  }
0x379: {  	[tilespmem:s22+$0xFFFFFDF0] =	vst v0  }
0x37a: {  	v0 =	vld.idx.msk [tilespmem:v1+s9+$0x0], $0xffff  }
0x37b: {  	v1 =	vor.u32 $0x380, v54;
	_ =	sdelay $0x3  }
0x37c: {  	[tilespmem:s22+$0xFFFFFE70] =	vst v0  }
0x37d: {  	v0 =	vld.idx.msk [tilespmem:v1+s9+$0x0], $0xffff  }
0x37e: {  	v1 =	vor.u32 $0x380, v55;
	_ =	sdelay $0x3  }
0x37f: {  	[tilespmem:s22+$0xFFFFFEF0] =	vst v0  }
0x380: {  	v0 =	vld.idx.msk [tilespmem:v1+s9+$0x0], $0xffff  }
0x381: {  	v1 =	vor.u32 $0x380, v56;
	_ =	sdelay $0x3  }
0x382: {  	[tilespmem:s22+$0xFFFFFF70] =	vst v0  }
0x383: {  	v0 =	vld.idx.msk [tilespmem:v1+s9+$0x0], $0xffff  }
0x384: {  	v1 =	vor.u32 $0x380, v57;
	_ =	sdelay $0x3  }
0x385: {  	[tilespmem:s22+$0xFFFFFFF0] =	vst v0  }
0x386: {  	v0 =	vld.idx.msk [tilespmem:v1+s9+$0x0], $0xffff  }
0x387: {  	v1 =	vor.u32 $0x380, v58;
	_ =	sdelay $0x3  }
0x388: {  	[tilespmem:s22+$0x70] =	vst v0  }
0x389: {  	v0 =	vld.idx.msk [tilespmem:v1+s9+$0x0], $0xffff  }
0x38a: {  	v1 =	vor.u32 $0x380, v59;
	_ =	sdelay $0x3  }
0x38b: {  	[tilespmem:s22+$0xF0] =	vst v0  }
0x38c: {  	v0 =	vld.idx.msk [tilespmem:v1+s9+$0x0], $0xffff  }
0x38d: {  	v1 =	vor.u32 $0x380, v60;
	_ =	sdelay $0x3  }
0x38e: {  	[tilespmem:s22+$0x170] =	vst v0  }
0x38f: {  	v0 =	vld.idx.msk [tilespmem:v1+s9+$0x0], $0xffff  }
0x390: {  	v1 =	vor.u32 $0x380, v61;
	_ =	sdelay $0x3  }
0x391: {  	[tilespmem:s22+$0x1F0] =	vst v0  }
0x392: {  	v0 =	vld.idx.msk [tilespmem:v1+s9+$0x0], $0xffff  }
0x393: {  	v1 =	vor.u32 $0x380, v62;
	_ =	sdelay $0x3  }
0x394: {  	[tilespmem:s22+$0x270] =	vst v0  }
0x395: {  	v0 =	vld.idx.msk [tilespmem:v1+s9+$0x0], $0xffff  }
0x396: {  	v1 =	vor.u32 $0x380, v63;
	_ =	sdelay $0x3  }
0x397: {  	[tilespmem:s22+$0x2F0] =	vst v0  }
0x398: {  	v0 =	vld.idx.msk [tilespmem:v1+s9+$0x0], $0xffff  }
0x399: {  	v1 =	vor.u32 $0x380, v7;
	_ =	sdelay $0x3  }
0x39a: {  	v4 =	vld [tilespmem:$0x1FFB0];
	[tilespmem:s22+$0x370] =	vst v0  }
0x39b: {  	p1 =	sne.s32 s13, $0x3000;
	v0 =	vld.idx.msk [tilespmem:v1+s9+$0x0], $0xffff  }
.Ltmp0:
0x39c: {  	v3 =	vld [tilespmem:$0x1FFA0];
	(pc) =	sbr.rel @p1 .LBB2_4-.Ltmp0, $4  }
0x39d: {  	v2 =	vld [tilespmem:$0x1FFE0]  }
0x39e: {  	v20 =	vld [tilespmem:$0x1FFF0]  }
0x39f: {  	v1 =	vld [tilespmem:$0x1FFD0]  }
0x3a0: {  	s13 =	sadd.s32 $0x1000, s13;
	[tilespmem:s22+$0x3F0] =	vst v0;
	v0 =	vld [tilespmem:$0x1FFC0];
	s22 =	sadd.s32 $0x800, s22  }
0x3a1: {  	s0 =	sld [smem:$0x7F6]  }
0x3a2: {  	s1 =	sld [smem:$0x7FC];
	_ =	sdelay $0x1  }
0x3a3: {  	s0 =	sshll.u32 s0, $0xF  }
0x3a4: {  	s0 =	sadd.s32 s0, s1  }
0x3a5: {  	s2 =	simm.s32 $0x200;
	s10 =	sadd.s32 $0x0, s19;
	s13 =	sadd.s32 $0x0, s0  }
.LBB2_6:
0x3a6: {  	[hbm4b:s13+s11] =	stream.strided.scatter [tilespmem:s10], [sflag:$0x2], $0x80, s12, s11, $0x38;
	[tilespmem:$0x15FE0] =	vst v63  }
0x3a7: {  	s1 =	smov.u32 s2;
	p1 =	seq.s32 s2, $0x7E00  }
.Ltmp1:
0x3a8: {  	s2 =	sadd.s32 $0x200, s2;
	(pc) =	sbr.rel @!p1 .LBB2_6-.Ltmp1, $3  }
0x3a9: {  	_ =	sdelay $0x1  }
0x3aa: {  	s10 =	sshra.s32 s1, $0x2  }
0x3ab: {  	s13 =	sadd.s32 s1, s0;
	s10 =	sadd.s32 s10, s19  }
0x3ac: {  	[hbm4b:s13+s11] =	stream.strided.scatter [tilespmem:s10], [sflag:$0x2], $0x80, s12, s11, $0x38;
	[tilespmem:$0x15FE0] =	vst v63  }
0x3ad: {  	s20 =	simm.s32 $0x117E0  }
0x3ae: {  	s1 =	sld [smem:$0x7F7];
	_ =	sdelay $0x2  }
0x3af: {  	p1 =	seq.s32 s1, $0x40  }
.Ltmp2:
0x3b0: {  	_ = 	snop;
	(pc) =	sbr.rel @!p1 .LBB2_3-.Ltmp2, $2  }
0x3b1: {  	_ =	sdelay $0x2  }
0x3b2: {  	p0 =	por !p0, !p0  }
0x3b3: {  	s1 =	simm.s32 $0x2  }
0x3b4: {  	_ =	swait.ge [sflag:s1], $0x2000  }
0x3b5: {  	[sflag:s1] =	ssyncset.done $0x0  }
0x3b6: {  	[sflag:s1] =	ssyncadd.s32 $0xFFFFE000  }
0x3b7: {  	_ =	swait.ge [sflag:s1], $0x2000  }
0x3b8: {  	s2 =	sld [smem:$0x7F8]  }
0x3b9: {  	s0 =	sld [smem:$0x7FD];
	_ =	sdelay $0x1  }
0x3ba: {  	s2 =	sadd.s32 $0x1, s2  }
0x3bb: {  	s10 =	simm.s32 $0x10020;
	p0 =	sne.s32 s2, s0  }
.Ltmp3:
0x3bc: {  	s13 =	simm.s32 $0x11000;
	s4 =	simm.s32 $0x10040;
	(pc) =	sbr.rel @p0 .LBB2_1-.Ltmp3, $4  }
0x3bd: {  	s5 =	simm.s32 $0x11020;
	s6 =	simm.s32 $0x10080;
	s7 =	simm.s32 $0x11060  }
0x3be: {  	s8 =	simm.s32 $0x10100;
	s14 =	simm.s32 $0x110E0;
	s15 =	simm.s32 $0x10200  }
0x3bf: {  	s16 =	simm.s32 $0x111E0;
	s17 =	simm.s32 $0x10400;
	[sflag:s1] =	ssyncset.done $0x0  }
0x3c0: {  	s18 =	simm.s32 $0x113E0;
	s19 =	simm.s32 $0x10800;
	[sflag:s1] =	ssyncadd.s32 $0xFFFFE000  }
0x3c1: {  	_ =	sfence.sel $0x180000  }
0x3c2: {  	[bflag:$0x0] =	sbarrier.arrive $0xFFFF  }
0x3c3: {  	_ =	strace $0x90000047  }
0x3c4: {  	s0 =	stileid.u32;
	[bflag:$0x2] =	sbarrier.arrive $0xFFFF  }
0x3c5: {  	p0 =	sne.s32 s0, $0x0;
	s0 =	rddreg [dreg:$0xc]  }
0x3c6: {  	s0 =	sadd.s32 @!p0 $0x100000, s0  }
0x3c7: {  	[sflag:s0] =	ssyncadd.tile.s32 @!p0 $0x1;
	_ =	shalt  }
.Lfunc_end2:
_tile_overlayer_lowered:
.L_overlay_start_2:
0x3c8: {  	(tag) =	ssettag $0x2  }
0x3c9: {  	s0 =	rddreg [dreg:$0x0];
	s2 =	stileid.u32  }
0x3ca: {  	s1 =	rddreg [dreg:$0x1];
	p0 =	sne.s32 s2, $0x0  }
0x3cb: {  	s3 =	rddreg [dreg:$0x2];
	[bflag:$0x3] =	sbarrier.arrive $0xFFFF;
	s2 =	simm.s32 @!p0 $0x1C03  }
0x3cc: {  	[timem:s3], [sflag:s2] =	dma.local @!p0 [hbm:s0], s1  }
0x3cd: {  	s0 =	simm.s32 @!p0 $0x3  }
0x3ce: {  	_ =	swait.ge @!p0 [sflag:s0], s1  }
0x3cf: {  	s1 =	ssub.s32 @!p0 $0x0, s1;
	[sflag:s0] =	ssyncset.done @!p0 $0x0  }
0x3d0: {  	[sflag:s0] =	ssyncadd.s32 @!p0 s1  }
0x3d1: {  	[bflag:$0x3] =	sbarrier.arrive $0xFFFF  }
0x3d2: {  	_ =	shalt  }

</sc_bundles>
